<compile_context>
chip_gen: v7x
topology: tpu7x:2x2x1
jax: 0.10.2.dev20260603
libtpu: 0.0.44.dev20260713+nightly
codegen_flags: <defaults>
</compile_context>

<pallas_src>
import functools

import jax
import jax.numpy as jnp
from jax import lax
from jax.experimental import pallas as pl
from jax.experimental.pallas import tpu as pltpu
from jax.experimental.pallas import tpu_sc as plsc

NUM_GRAPHS = 256
D = 128
CH = 128
L = 16
NV = D // L
NBUF = 3

_info = plsc.get_sparse_core_info()
NC = _info.num_cores
NS = _info.num_subcores
NW = NC * NS

N_CELLS = 320000
N_TRACKS = 160000
CELL_CHUNKS = N_CELLS // CH
TRACK_CHUNKS = N_TRACKS // CH
NKMAX_C = 80
NKMAX_T = 40


def _sc_partials(cells_feat, cells_ids, tracks_feat, tracks_ids):
    mesh = plsc.VectorSubcoreMesh(core_axis_name="c", subcore_axis_name="s")
    f32 = jnp.float32
    i32 = jnp.int32

    @functools.partial(
        pl.kernel,
        mesh=mesh,
        compiler_params=pltpu.CompilerParams(needs_layout_passes=False),
        out_type=[
            jax.ShapeDtypeStruct((NW, NUM_GRAPHS, D), f32),
            jax.ShapeDtypeStruct((NW, NUM_GRAPHS, D), f32),
            jax.ShapeDtypeStruct((NC, NUM_GRAPHS, D), f32),
            jax.ShapeDtypeStruct((NC, NUM_GRAPHS, D), f32),
            jax.ShapeDtypeStruct((NW, NUM_GRAPHS, L), i32),
            jax.ShapeDtypeStruct((NW, NUM_GRAPHS, L), i32),
        ],
        scratch_types=[
            pltpu.VMEM((CH, D), f32),
            pltpu.VMEM((CH, D), f32),
            pltpu.VMEM((CH, D), f32),
            pltpu.VMEM((NKMAX_C, CH), i32),
            pltpu.VMEM((NUM_GRAPHS, D), f32),
            pltpu.VMEM((NUM_GRAPHS, L), i32),
            pltpu.VMEM_SHARED((NUM_GRAPHS, D), f32),
            pltpu.SemaphoreType.DMA,
            pltpu.SemaphoreType.DMA,
            pltpu.SemaphoreType.DMA,
            pltpu.SemaphoreType.DMA,
        ],
    )
    def k(cells_hbm, cids_hbm, tracks_hbm, tids_hbm,
          out_cs, out_ts, out_cs2, out_ts2, out_pc, out_pt,
          rows0_v, rows1_v, rows2_v, ids_v, acc_l, pos_l, acc_s,
          sem_r0, sem_r1, sem_r2, sem_i):
        c = lax.axis_index("c")
        s = lax.axis_index("s")
        w = s * NC + c

        zero16 = jnp.zeros((L,), f32)
        izero16 = jnp.zeros((L,), i32)

        def zero_acc():
            def zb(i, _):
                for jj in range(NV):
                    acc_l[i, pl.ds(jj * L, L)] = zero16
                pos_l[i, pl.ds(0, L)] = izero16
                return 0
            lax.fori_loop(0, NUM_GRAPHS, zb, 0)

        zero_acc()

        lane = lax.iota(i32, L)
        zoff = w * 0
        lanes_j = [lane + (zoff + jj * L) for jj in range(NV)]
        zeros_idx = jnp.zeros((L,), i32) + zoff
        _dn = lax.GatherDimensionNumbers(
            offset_dims=(), collapsed_slice_dims=(0,), start_index_map=(0,))

        def take16(vec, idx):
            return lax.gather(vec, idx[:, None], _dn, (1,),
                              mode=lax.GatherScatterMode.PROMISE_IN_BOUNDS)

        rbufs = ((rows0_v, sem_r0), (rows1_v, sem_r1), (rows2_v, sem_r2))
        sl = pl.ds(s * (NUM_GRAPHS // NS), NUM_GRAPHS // NS)

        def run_array(feat_hbm, ids_2d, nk, st, nk_max):
            pltpu.sync_copy(ids_2d.at[pl.ds(st, nk_max)],
                            ids_v.at[pl.ds(0, nk_max)], )

            def start_load(gg, rows_b, sr):
                base = pl.multiple_of(gg * CH, CH)
                pltpu.async_copy(feat_hbm.at[pl.ds(base, CH)], rows_b, sr)

            def wait_load(rows_b, sr):
                pltpu.make_async_copy(feat_hbm.at[pl.ds(0, CH)], rows_b,
                                      sr).wait()

            def issue_stream(g, rows_b):
                pltpu.async_copy(rows_b, acc_s.at[ids_v.at[g]], sem_i,
                                 add=True)

            def drain_stream(g, rows_b):
                pltpu.make_async_copy(rows_b, acc_s.at[ids_v.at[g]],
                                      sem_i).wait()

            def pos_scatter(g, gg):
                rowbase = gg * CH + 1

                def pbody(v, carry):
                    idv = ids_v[g, pl.ds(v * L, L)]
                    posv = (rowbase + v * L) + lane
                    plsc.store_scatter(pos_l, [idv, lane], posv)
                    return carry
                lax.fori_loop(0, CH // L, pbody, 0)

            def process(g, rows_b):
                def gbody(v, carry):
                    idv = ids_v[g, pl.ds(v * L, L)]
                    gfirst = take16(idv, zeros_idx)
                    uni = jnp.min(jnp.where(idv == gfirst, 1, 0))
                    base_r = v * L

                    @pl.when(uni == 1)
                    def _():
                        accs = [rows_b[base_r, pl.ds(jj * L, L)]
                                for jj in range(NV)]
                        for r in range(1, L):
                            for jj in range(NV):
                                accs[jj] = accs[jj] + rows_b[
                                    base_r + r, pl.ds(jj * L, L)]
                        for jj in range(NV):
                            plsc.addupdate_scatter(
                                acc_l, [gfirst, lanes_j[jj]], accs[jj])

                    @pl.when(uni == 0)
                    def _():
                        def rbody(r, c2):
                            gid = take16(idv, zeros_idx + r)
                            for jj in range(NV):
                                plsc.addupdate_scatter(
                                    acc_l, [gid, lanes_j[jj]],
                                    rows_b[base_r + r, pl.ds(jj * L, L)])
                            return c2
                        lax.fori_loop(0, L, rbody, 0)
                    return carry

                lax.fori_loop(0, CH // L, gbody, 0)

            start_load(st, *rbufs[0])

            @pl.when(nk > 1)
            def _():
                start_load(st + 1, *rbufs[1])

            def body(g, start):
                gg = start + g
                for r in range(NBUF):
                    @pl.when(g % NBUF == r)
                    def _():
                        if r in (1, 2):
                            drain_stream(g - 1, rbufs[r - 1][0])

                        @pl.when(g + 2 < nk)
                        def _():
                            start_load(gg + 2, *rbufs[(r + 2) % NBUF])
                        wait_load(*rbufs[r])
                        pos_scatter(g, gg)
                        if r in (0, 1):
                            issue_stream(g, rbufs[r][0])
                        else:
                            process(g, rbufs[r][0])
                return start

            lax.fori_loop(0, nk, body, st)

            for r in (0, 1):
                @pl.when((nk - 1) % NBUF == r)
                def _():
                    drain_stream(nk - 1, rbufs[r][0])

        def phase(feat_hbm, ids_2d, nk, st, nk_max, out_tec, out_stream,
                  out_pos):
            pltpu.sync_copy(acc_l.at[sl], acc_s.at[sl])
            plsc.subcore_barrier()
            run_array(feat_hbm, ids_2d, nk, st, nk_max)
            plsc.subcore_barrier()
            pltpu.sync_copy(acc_l, out_tec.at[w])
            pltpu.sync_copy(pos_l, out_pos.at[w])
            pltpu.sync_copy(acc_s.at[sl], out_stream.at[c, sl])
            plsc.subcore_barrier()
            zero_acc()

        nk_c = jnp.where(w < 24, 80, jnp.where(w < 31, 72, 76))
        st_c = jnp.where(w < 24, 80 * w, 1920 + 72 * (w - 24))
        phase(cells_hbm, cids_hbm, nk_c, st_c, NKMAX_C, out_cs, out_cs2,
              out_pc)

        nk_t = jnp.where(w < 28, 40, jnp.where(w < 31, 32, 34))
        st_t = jnp.where(w < 28, 40 * w, 1120 + 32 * (w - 28))
        phase(tracks_hbm, tids_hbm, nk_t, st_t, NKMAX_T, out_ts, out_ts2,
              out_pt)

    cids2 = jnp.pad(cells_ids.reshape(-1, CH), ((0, 8), (0, 0)))
    tids2 = jnp.pad(tracks_ids.reshape(-1, CH), ((0, 8), (0, 0)))
    return k(cells_feat, cids2, tracks_feat, tids2)


def _counts_from_endpos(p_ref):
    e = jnp.max(p_ref[...], axis=(0, 2))[:, None]
    m = e
    sh = 1
    while sh < NUM_GRAPHS:
        z = jnp.zeros((sh, 1), m.dtype)
        m = jnp.maximum(m, jnp.concatenate([z, m[:-sh]], axis=0))
        sh *= 2
    prev = jnp.concatenate([jnp.zeros((1, 1), m.dtype), m[:-1]], axis=0)
    return (m - prev).astype(jnp.float32)


def _tc_head_body(cs_ref, ts_ref, cs2_ref, ts2_ref, pc_ref, pt_ref,
                  w_ref, b_ref, o_ref):
    cs = jnp.sum(cs_ref[...], axis=0) + cs2_ref[0] + cs2_ref[1]
    ts = jnp.sum(ts_ref[...], axis=0) + ts2_ref[0] + ts2_ref[1]
    cc = _counts_from_endpos(pc_ref)
    tc = _counts_from_endpos(pt_ref)
    mc = cs / jnp.maximum(cc, 1.0)
    mt = ts / jnp.maximum(tc, 1.0)
    ag = jnp.concatenate([mc, mt], axis=1)
    o_ref[...] = (
        jnp.dot(ag, w_ref[...], preferred_element_type=jnp.float32) + b_ref[...]
    )


def _tc_head(cs, ts, cs2, ts2, pc, pt, W, b):
    return pl.pallas_call(
        _tc_head_body,
        out_shape=jax.ShapeDtypeStruct((NUM_GRAPHS, 2), jnp.float32),
    )(cs, ts, cs2, ts2, pc, pt, W, b.reshape(1, 2))


def kernel(cells_feat, tracks_feat, W, b, cells_segment_ids, tracks_segment_ids):
    cids = cells_segment_ids.astype(jnp.int32)
    tids = tracks_segment_ids.astype(jnp.int32)
    cs, ts, cs2, ts2, pc, pt = _sc_partials(cells_feat, cids,
                                            tracks_feat, tids)
    return _tc_head(cs, ts, cs2, ts2, pc, pt, W, b)

# --- scband reference (transcript-rebuilt; emitter-appended) ---
"""Pipeline reference for scband-set-size-encoder-45122926412113 (READ-ONLY COPY).

The authoritative reference and input builder live on the scoring server;
editing this copy changes nothing except your own understanding.
"""

import jax, jax.numpy as jnp
import numpy as np

NUM_GRAPHS = 256
D_FEAT = 128
OUT_DIM = 2


def segment_mean(data, ids, num_segments):
    sums = jax.ops.segment_sum(data, ids, num_segments=num_segments)
    counts = jax.ops.segment_sum(jnp.ones((data.shape[0],), data.dtype), ids, num_segments=num_segments)
    return sums / jnp.clip(counts, 1.0)[:, None]


def setup_inputs(seed: int = 0) -> dict:
    key = jax.random.key(seed)
    k1, k2, k3, k4, k5 = jax.random.split(key, 5)
    cells_feat = jax.random.normal(k1, (320000, D_FEAT), dtype=jnp.float32)
    tracks_feat = jax.random.normal(k2, (160000, D_FEAT), dtype=jnp.float32)
    cells_segment_ids = jnp.sort(jax.random.randint(k3, (320000,), 0, NUM_GRAPHS))
    tracks_segment_ids = jnp.sort(jax.random.randint(k4, (160000,), 0, NUM_GRAPHS))
    # predictor (nn.Linear(2*D_FEAT, OUT_DIM)) parameters
    W = jax.random.normal(k5, (2 * D_FEAT, OUT_DIM), dtype=jnp.float32) * (1.0 / np.sqrt(2 * D_FEAT))
    b = jnp.zeros((OUT_DIM,), dtype=jnp.float32)
    return {
        "cells_feat": cells_feat,
        "tracks_feat": tracks_feat,
        "W": W,
        "b": b,
        "cells_segment_ids": cells_segment_ids,
        "tracks_segment_ids": tracks_segment_ids,
    }


def reference(cells_feat, tracks_feat, W, b, cells_segment_ids, tracks_segment_ids):
    # dgl.mean_nodes(g, 'global rep 0', ntype='cells') == per-graph segment mean over cell nodes
    cells_global = segment_mean(cells_feat, cells_segment_ids, NUM_GRAPHS)
    # dgl.mean_nodes(g, 'global rep 0', ntype='tracks')
    tracks_global = segment_mean(tracks_feat, tracks_segment_ids, NUM_GRAPHS)
    all_global = jnp.concatenate([cells_global, tracks_global], axis=1)
    # self.predictor(all_global): linear head producing the set-size prediction
    predicted_setsizes = all_global @ W + b
    return predicted_setsizes

if __name__ == "__main__":
    import jax
    _d = setup_inputs()
    print(jax.jit(kernel)(*tuple(_d.values())))

</pallas_src>

<mosaic_0001>
#map = affine_map<(d0, d1) -> (0, 0)>
#map1 = affine_map<(d0, d1) -> (0, 0, 0)>
module attributes {stable_mosaic.version = 14 : i64} {
  func.func @k(%arg0: i32, %arg1: i32, %arg2: memref<320000x128xf32, #tpu.memory_space<hbm>>, %arg3: memref<2508x128xi32, #tpu.memory_space<hbm>>, %arg4: memref<160000x128xf32, #tpu.memory_space<hbm>>, %arg5: memref<1258x128xi32, #tpu.memory_space<hbm>>, %arg6: memref<32x256x128xf32, #tpu.memory_space<hbm>>, %arg7: memref<32x256x128xf32, #tpu.memory_space<hbm>>, %arg8: memref<2x256x128xf32, #tpu.memory_space<hbm>>, %arg9: memref<2x256x128xf32, #tpu.memory_space<hbm>>, %arg10: memref<32x256x16xi32, #tpu.memory_space<hbm>>, %arg11: memref<32x256x16xi32, #tpu.memory_space<hbm>>, %arg12: memref<128x128xf32, #tpu.memory_space<vmem>>, %arg13: memref<128x128xf32, #tpu.memory_space<vmem>>, %arg14: memref<128x128xf32, #tpu.memory_space<vmem>>, %arg15: memref<80x128xi32, #tpu.memory_space<vmem>>, %arg16: memref<256x128xf32, #tpu.memory_space<vmem>>, %arg17: memref<256x16xi32, #tpu.memory_space<vmem>>, %arg18: memref<256x128xf32, #tpu.memory_space<vmem_shared>>, %arg19: memref<!tpu.dma_semaphore, #tpu.memory_space<semaphore_mem>>, %arg20: memref<!tpu.dma_semaphore, #tpu.memory_space<semaphore_mem>>, %arg21: memref<!tpu.dma_semaphore, #tpu.memory_space<semaphore_mem>>, %arg22: memref<!tpu.dma_semaphore, #tpu.memory_space<semaphore_mem>>) attributes {dimension_semantics = [#tpu.dimension_semantics<core_parallel>, #tpu.dimension_semantics<subcore_parallel>], iteration_bounds = array<i64: 2, 16>, scalar_prefetch = 0 : i64, scratch_operands = 11 : i64, tpu.core_type = #tpu.core_type<sc_vector_subcore>, window_params = [{transform_indices = #map}, {transform_indices = #map}, {transform_indices = #map}, {transform_indices = #map}, {transform_indices = #map1}, {transform_indices = #map1}, {transform_indices = #map1}, {transform_indices = #map1}, {transform_indices = #map1}, {transform_indices = #map1}]} {
    %mul3A = arith.constant 2 : i32
    %mul3A_0 = arith.muli %arg1, %mul3A : i32
    %add3A = arith.addi %mul3A_0, %arg0 : i32
    %broadcast_in_dim3A = arith.constant 0.000000e+00 : f32
    %broadcast_in_dim3A_1 = vector.broadcast %broadcast_in_dim3A : f32 to vector<16xf32>
    %broadcast_in_dim3A_2 = arith.constant 0 : i32
    %broadcast_in_dim3A_3 = vector.broadcast %broadcast_in_dim3A_2 : i32 to vector<16xi32>
    %scan3A = arith.constant 0 : i32
    %scan3A_4 = arith.constant 0 : i32
    %scan3A_5 = arith.constant 256 : i32
    %scan3A_6 = arith.addi %scan3A_4, %scan3A_5 : i32
    %scan3A_7 = arith.constant 1 : i32
    %scan3A_8 = scf.for %scan3A_229 = %scan3A_4 to %scan3A_6 step %scan3A_7 iter_args(%scan3A_230 = %scan3A) -> (i32)  : i32 {
      %swap3A = arith.index_cast %scan3A_229 : i32 to index
      %swap3A_231 = arith.constant 0 : index
      %swap3A_232 = tpu.vector_load %arg16[%swap3A, %swap3A_231] {strides = array<i32>} : memref<256x128xf32, #tpu.memory_space<vmem>>, vector<16xf32>,
      tpu.vector_store %arg16[%swap3A, %swap3A_231], %broadcast_in_dim3A_1 {strides = array<i32>} : memref<256x128xf32, #tpu.memory_space<vmem>>, vector<16xf32>,
      %swap3A_233 = arith.index_cast %scan3A_229 : i32 to index
      %swap3A_234 = arith.constant 16 : index
      %swap3A_235 = tpu.vector_load %arg16[%swap3A_233, %swap3A_234] {strides = array<i32>} : memref<256x128xf32, #tpu.memory_space<vmem>>, vector<16xf32>,
      tpu.vector_store %arg16[%swap3A_233, %swap3A_234], %broadcast_in_dim3A_1 {strides = array<i32>} : memref<256x128xf32, #tpu.memory_space<vmem>>, vector<16xf32>,
      %swap3A_236 = arith.index_cast %scan3A_229 : i32 to index
      %swap3A_237 = arith.constant 32 : index
      %swap3A_238 = tpu.vector_load %arg16[%swap3A_236, %swap3A_237] {strides = array<i32>} : memref<256x128xf32, #tpu.memory_space<vmem>>, vector<16xf32>,
      tpu.vector_store %arg16[%swap3A_236, %swap3A_237], %broadcast_in_dim3A_1 {strides = array<i32>} : memref<256x128xf32, #tpu.memory_space<vmem>>, vector<16xf32>,
      %swap3A_239 = arith.index_cast %scan3A_229 : i32 to index
      %swap3A_240 = arith.constant 48 : index
      %swap3A_241 = tpu.vector_load %arg16[%swap3A_239, %swap3A_240] {strides = array<i32>} : memref<256x128xf32, #tpu.memory_space<vmem>>, vector<16xf32>,
      tpu.vector_store %arg16[%swap3A_239, %swap3A_240], %broadcast_in_dim3A_1 {strides = array<i32>} : memref<256x128xf32, #tpu.memory_space<vmem>>, vector<16xf32>,
      %swap3A_242 = arith.index_cast %scan3A_229 : i32 to index
      %swap3A_243 = arith.constant 64 : index
      %swap3A_244 = tpu.vector_load %arg16[%swap3A_242, %swap3A_243] {strides = array<i32>} : memref<256x128xf32, #tpu.memory_space<vmem>>, vector<16xf32>,
      tpu.vector_store %arg16[%swap3A_242, %swap3A_243], %broadcast_in_dim3A_1 {strides = array<i32>} : memref<256x128xf32, #tpu.memory_space<vmem>>, vector<16xf32>,
      %swap3A_245 = arith.index_cast %scan3A_229 : i32 to index
      %swap3A_246 = arith.constant 80 : index
      %swap3A_247 = tpu.vector_load %arg16[%swap3A_245, %swap3A_246] {strides = array<i32>} : memref<256x128xf32, #tpu.memory_space<vmem>>, vector<16xf32>,
      tpu.vector_store %arg16[%swap3A_245, %swap3A_246], %broadcast_in_dim3A_1 {strides = array<i32>} : memref<256x128xf32, #tpu.memory_space<vmem>>, vector<16xf32>,
      %swap3A_248 = arith.index_cast %scan3A_229 : i32 to index
      %swap3A_249 = arith.constant 96 : index
      %swap3A_250 = tpu.vector_load %arg16[%swap3A_248, %swap3A_249] {strides = array<i32>} : memref<256x128xf32, #tpu.memory_space<vmem>>, vector<16xf32>,
      tpu.vector_store %arg16[%swap3A_248, %swap3A_249], %broadcast_in_dim3A_1 {strides = array<i32>} : memref<256x128xf32, #tpu.memory_space<vmem>>, vector<16xf32>,
      %swap3A_251 = arith.index_cast %scan3A_229 : i32 to index
      %swap3A_252 = arith.constant 112 : index
      %swap3A_253 = tpu.vector_load %arg16[%swap3A_251, %swap3A_252] {strides = array<i32>} : memref<256x128xf32, #tpu.memory_space<vmem>>, vector<16xf32>,
      tpu.vector_store %arg16[%swap3A_251, %swap3A_252], %broadcast_in_dim3A_1 {strides = array<i32>} : memref<256x128xf32, #tpu.memory_space<vmem>>, vector<16xf32>,
      %swap3A_254 = arith.index_cast %scan3A_229 : i32 to index
      %swap3A_255 = arith.constant 0 : index
      %swap3A_256 = tpu.vector_load %arg17[%swap3A_254, %swap3A_255] {strides = array<i32>} : memref<256x16xi32, #tpu.memory_space<vmem>>, vector<16xi32>,
      tpu.vector_store %arg17[%swap3A_254, %swap3A_255], %broadcast_in_dim3A_3 {strides = array<i32>} : memref<256x16xi32, #tpu.memory_space<vmem>>, vector<16xi32>,
      %scan3A_257 = arith.constant 0 : i32
      scf.yield %scan3A_257 : i32
    }
    %scan3A_9 = arith.constant 256 : i32
    %iota3A = tpu.iota {dimensions = array<i32: 0>} : vector<16xi32>
    %mul3A_10 = arith.constant 0 : i32
    %mul3A_11 = arith.muli %add3A, %mul3A_10 : i32
    %add3A_12 = arith.constant 0 : i32
    %add3A_13 = arith.addi %mul3A_11, %add3A_12 : i32
    %add3A_14 = vector.broadcast %add3A_13 : i32 to vector<16xi32>
    %add3A_15 = arith.addi %iota3A, %add3A_14 : vector<16xi32>
    %add3A_16 = arith.constant 16 : i32
    %add3A_17 = arith.addi %mul3A_11, %add3A_16 : i32
    %add3A_18 = vector.broadcast %add3A_17 : i32 to vector<16xi32>
    %add3A_19 = arith.addi %iota3A, %add3A_18 : vector<16xi32>
    %add3A_20 = arith.constant 32 : i32
    %add3A_21 = arith.addi %mul3A_11, %add3A_20 : i32
    %add3A_22 = vector.broadcast %add3A_21 : i32 to vector<16xi32>
    %add3A_23 = arith.addi %iota3A, %add3A_22 : vector<16xi32>
    %add3A_24 = arith.constant 48 : i32
    %add3A_25 = arith.addi %mul3A_11, %add3A_24 : i32
    %add3A_26 = vector.broadcast %add3A_25 : i32 to vector<16xi32>
    %add3A_27 = arith.addi %iota3A, %add3A_26 : vector<16xi32>
    %add3A_28 = arith.constant 64 : i32
    %add3A_29 = arith.addi %mul3A_11, %add3A_28 : i32
    %add3A_30 = vector.broadcast %add3A_29 : i32 to vector<16xi32>
    %add3A_31 = arith.addi %iota3A, %add3A_30 : vector<16xi32>
    %add3A_32 = arith.constant 80 : i32
    %add3A_33 = arith.addi %mul3A_11, %add3A_32 : i32
    %add3A_34 = vector.broadcast %add3A_33 : i32 to vector<16xi32>
    %add3A_35 = arith.addi %iota3A, %add3A_34 : vector<16xi32>
    %add3A_36 = arith.constant 96 : i32
    %add3A_37 = arith.addi %mul3A_11, %add3A_36 : i32
    %add3A_38 = vector.broadcast %add3A_37 : i32 to vector<16xi32>
    %add3A_39 = arith.addi %iota3A, %add3A_38 : vector<16xi32>
    %add3A_40 = arith.constant 112 : i32
    %add3A_41 = arith.addi %mul3A_11, %add3A_40 : i32
    %add3A_42 = vector.broadcast %add3A_41 : i32 to vector<16xi32>
    %add3A_43 = arith.addi %iota3A, %add3A_42 : vector<16xi32>
    %broadcast_in_dim3A_44 = arith.constant 0 : i32
    %broadcast_in_dim3A_45 = vector.broadcast %broadcast_in_dim3A_44 : i32 to vector<16xi32>
    %add3A_46 = vector.broadcast %mul3A_11 : i32 to vector<16xi32>
    %add3A_47 = arith.addi %broadcast_in_dim3A_45, %add3A_46 : vector<16xi32>
    %mul3A_48 = arith.constant 16 : i32
    %mul3A_49 = arith.muli %arg1, %mul3A_48 : i32
    %lt3A = arith.constant 24 : i32
    %lt3A_50 = arith.cmpi slt, %add3A, %lt3A : i32
    %lt3A_51 = arith.constant 31 : i32
    %lt3A_52 = arith.cmpi slt, %add3A, %lt3A_51 : i32
    %jit3A = arith.constant 72 : i32
    %jit3A_53 = arith.constant 76 : i32
    %select_n3A = arith.select %lt3A_52, %jit3A, %jit3A_53 : i32
    %jit3A_54 = arith.constant 80 : i32
    %select_n3A_55 = arith.select %lt3A_50, %jit3A_54, %select_n3A : i32
    %lt3A_56 = arith.constant 24 : i32
    %lt3A_57 = arith.cmpi slt, %add3A, %lt3A_56 : i32
    %mul3A_58 = arith.constant 80 : i32
    %mul3A_59 = arith.muli %mul3A_58, %add3A : i32
    %sub3A = arith.constant 24 : i32
    %sub3A_60 = arith.subi %add3A, %sub3A : i32
    %mul3A_61 = arith.constant 72 : i32
    %mul3A_62 = arith.muli %mul3A_61, %sub3A_60 : i32
    %add3A_63 = arith.constant 1920 : i32
    %add3A_64 = arith.addi %add3A_63, %mul3A_62 : i32
    %select_n3A_65 = arith.select %lt3A_57, %mul3A_59, %add3A_64 : i32
    "tpu.region"() ({
      %run_scoped3A = tpu.sem_alloc : memref<!tpu.dma_semaphore, #tpu.memory_space<semaphore_mem>>
      %dma_start3A_229 = arith.constant 0 : i32
      %dma_start3A_230 = tpu.memref_slice %arg16[%mul3A_49, %dma_start3A_229] : memref<256x128xf32, #tpu.memory_space<vmem>> -> memref<16x128xf32, #tpu.memory_space<vmem>>
      %dma_start3A_231 = arith.constant 0 : i32
      %dma_start3A_232 = tpu.memref_slice %arg18[%mul3A_49, %dma_start3A_231] : memref<256x128xf32, #tpu.memory_space<vmem_shared>> -> memref<16x128xf32, #tpu.memory_space<vmem_shared>>
      %dma_start3A_233 = arith.constant 0 : i32
      %dma_start3A_234 = tpu.memref_slice %arg18[%mul3A_49, %dma_start3A_233] : memref<256x128xf32, #tpu.memory_space<vmem_shared>> -> memref<16x128xf32, #tpu.memory_space<vmem_shared>>
      %dma_start3A_235 = arith.constant 0 : i32
      %dma_start3A_236 = tpu.memref_slice %arg16[%mul3A_49, %dma_start3A_235] : memref<256x128xf32, #tpu.memory_space<vmem>> -> memref<16x128xf32, #tpu.memory_space<vmem>>
      tpu.enqueue_dma source(%dma_start3A_236 : memref<16x128xf32, #tpu.memory_space<vmem>>) target(%dma_start3A_234 : memref<16x128xf32, #tpu.memory_space<vmem_shared>>) target_semaphore(%run_scoped3A : memref<!tpu.dma_semaphore, #tpu.memory_space<semaphore_mem>>)
      %dma_wait3A = arith.constant 0 : i32
      %dma_wait3A_237 = tpu.memref_slice %arg16[%mul3A_49, %dma_wait3A] : memref<256x128xf32, #tpu.memory_space<vmem>> -> memref<16x128xf32, #tpu.memory_space<vmem>>
      %dma_wait3A_238 = arith.constant 0 : i32
      %dma_wait3A_239 = tpu.memref_slice %arg18[%mul3A_49, %dma_wait3A_238] : memref<256x128xf32, #tpu.memory_space<vmem_shared>> -> memref<16x128xf32, #tpu.memory_space<vmem_shared>>
      %dma_wait3A_240 = arith.constant 0 : i32
      %dma_wait3A_241 = tpu.memref_slice %arg18[%mul3A_49, %dma_wait3A_240] : memref<256x128xf32, #tpu.memory_space<vmem_shared>> -> memref<16x128xf32, #tpu.memory_space<vmem_shared>>
      %dma_wait3A_242 = arith.constant 0 : i32
      %dma_wait3A_243 = tpu.memref_slice %arg16[%mul3A_49, %dma_wait3A_242] : memref<256x128xf32, #tpu.memory_space<vmem>> -> memref<16x128xf32, #tpu.memory_space<vmem>>
      tpu.wait_dma2 semaphore(%run_scoped3A : memref<!tpu.dma_semaphore, #tpu.memory_space<semaphore_mem>>) src(%dma_wait3A_243 : memref<16x128xf32, #tpu.memory_space<vmem>>) dst(%dma_wait3A_241 : memref<16x128xf32, #tpu.memory_space<vmem_shared>>)
      tpu.yield
    }) : () -> ()
    %barrier3A = arith.constant 0 : index
    tpu.barrier barrier_id(%barrier3A)
    "tpu.region"() ({
      %run_scoped3A = tpu.sem_alloc : memref<!tpu.dma_semaphore, #tpu.memory_space<semaphore_mem>>
      %dma_start3A_229 = arith.constant 0 : i32
      %dma_start3A_230 = arith.constant 0 : i32
      %dma_start3A_231 = tpu.memref_slice %arg15[%dma_start3A_229, %dma_start3A_230] : memref<80x128xi32, #tpu.memory_space<vmem>> -> memref<80x128xi32, #tpu.memory_space<vmem>>
      %dma_start3A_232 = arith.constant 0 : i32
      %dma_start3A_233 = tpu.memref_slice %arg3[%select_n3A_65, %dma_start3A_232] : memref<2508x128xi32, #tpu.memory_space<hbm>> -> memref<80x128xi32, #tpu.memory_space<hbm>>
      %dma_start3A_234 = arith.constant 0 : i32
      %dma_start3A_235 = arith.constant 0 : i32
      %dma_start3A_236 = tpu.memref_slice %arg15[%dma_start3A_234, %dma_start3A_235] : memref<80x128xi32, #tpu.memory_space<vmem>> -> memref<80x128xi32, #tpu.memory_space<vmem>>
      %dma_start3A_237 = arith.constant 0 : i32
      %dma_start3A_238 = tpu.memref_slice %arg3[%select_n3A_65, %dma_start3A_237] : memref<2508x128xi32, #tpu.memory_space<hbm>> -> memref<80x128xi32, #tpu.memory_space<hbm>>
      tpu.enqueue_dma source(%dma_start3A_238 : memref<80x128xi32, #tpu.memory_space<hbm>>) target(%dma_start3A_236 : memref<80x128xi32, #tpu.memory_space<vmem>>) target_semaphore(%run_scoped3A : memref<!tpu.dma_semaphore, #tpu.memory_space<semaphore_mem>>)
      %dma_wait3A = arith.constant 0 : i32
      %dma_wait3A_239 = arith.constant 0 : i32
      %dma_wait3A_240 = tpu.memref_slice %arg15[%dma_wait3A, %dma_wait3A_239] : memref<80x128xi32, #tpu.memory_space<vmem>> -> memref<80x128xi32, #tpu.memory_space<vmem>>
      %dma_wait3A_241 = arith.constant 0 : i32
      %dma_wait3A_242 = tpu.memref_slice %arg3[%select_n3A_65, %dma_wait3A_241] : memref<2508x128xi32, #tpu.memory_space<hbm>> -> memref<80x128xi32, #tpu.memory_space<hbm>>
      %dma_wait3A_243 = arith.constant 0 : i32
      %dma_wait3A_244 = arith.constant 0 : i32
      %dma_wait3A_245 = tpu.memref_slice %arg15[%dma_wait3A_243, %dma_wait3A_244] : memref<80x128xi32, #tpu.memory_space<vmem>> -> memref<80x128xi32, #tpu.memory_space<vmem>>
      %dma_wait3A_246 = arith.constant 0 : i32
      %dma_wait3A_247 = tpu.memref_slice %arg3[%select_n3A_65, %dma_wait3A_246] : memref<2508x128xi32, #tpu.memory_space<hbm>> -> memref<80x128xi32, #tpu.memory_space<hbm>>
      tpu.wait_dma2 semaphore(%run_scoped3A : memref<!tpu.dma_semaphore, #tpu.memory_space<semaphore_mem>>) src(%dma_wait3A_247 : memref<80x128xi32, #tpu.memory_space<hbm>>) dst(%dma_wait3A_245 : memref<80x128xi32, #tpu.memory_space<vmem>>)
      tpu.yield
    }) : () -> ()
    %mul3A_66 = arith.constant 128 : i32
    %mul3A_67 = arith.muli %select_n3A_65, %mul3A_66 : i32
    %multiple_of3A = tpu.assume_multiple %mul3A_67, 128 : i32
    %dma_start3A = arith.constant 0 : i32
    %dma_start3A_68 = tpu.memref_slice %arg2[%multiple_of3A, %dma_start3A] : memref<320000x128xf32, #tpu.memory_space<hbm>> -> memref<128x128xf32, #tpu.memory_space<hbm>>
    %dma_start3A_69 = arith.constant 0 : i32
    %dma_start3A_70 = tpu.memref_slice %arg2[%multiple_of3A, %dma_start3A_69] : memref<320000x128xf32, #tpu.memory_space<hbm>> -> memref<128x128xf32, #tpu.memory_space<hbm>>
    tpu.enqueue_dma source(%dma_start3A_70 : memref<128x128xf32, #tpu.memory_space<hbm>>) target(%arg12 : memref<128x128xf32, #tpu.memory_space<vmem>>) target_semaphore(%arg19 : memref<!tpu.dma_semaphore, #tpu.memory_space<semaphore_mem>>)
    %gt3A = arith.constant 1 : i32
    %gt3A_71 = arith.cmpi sgt, %select_n3A_55, %gt3A : i32
    %convert_element_type3A = arith.extui %gt3A_71 : i1 to i32
    %cond3A = arith.constant 0 : i32
    %cond3A_72 = arith.cmpi ne, %convert_element_type3A, %cond3A : i32
    scf.if %cond3A_72 {
      %add3A_229 = arith.constant 1 : i32
      %add3A_230 = arith.addi %select_n3A_65, %add3A_229 : i32
      %mul3A_231 = arith.constant 128 : i32
      %mul3A_232 = arith.muli %add3A_230, %mul3A_231 : i32
      %multiple_of3A_233 = tpu.assume_multiple %mul3A_232, 128 : i32
      %dma_start3A_234 = arith.constant 0 : i32
      %dma_start3A_235 = tpu.memref_slice %arg2[%multiple_of3A_233, %dma_start3A_234] : memref<320000x128xf32, #tpu.memory_space<hbm>> -> memref<128x128xf32, #tpu.memory_space<hbm>>
      %dma_start3A_236 = arith.constant 0 : i32
      %dma_start3A_237 = tpu.memref_slice %arg2[%multiple_of3A_233, %dma_start3A_236] : memref<320000x128xf32, #tpu.memory_space<hbm>> -> memref<128x128xf32, #tpu.memory_space<hbm>>
      tpu.enqueue_dma source(%dma_start3A_237 : memref<128x128xf32, #tpu.memory_space<hbm>>) target(%arg13 : memref<128x128xf32, #tpu.memory_space<vmem>>) target_semaphore(%arg20 : memref<!tpu.dma_semaphore, #tpu.memory_space<semaphore_mem>>)
    } else {
    }
    %while3A = arith.constant 0 : i32
    %while3A_73 = arith.subi %select_n3A_55, %while3A : i32
    %while3A_74 = arith.addi %while3A, %while3A_73 : i32
    %while3A_75 = arith.constant 1 : i32
    %while3A_76 = arith.divsi %while3A_73, %while3A_75 : i32
    %while3A_77 = arith.muli %while3A_76, %while3A_75 : i32
    %while3A_78 = arith.addi %while3A, %while3A_77 : i32
    %while3A_79 = arith.constant 1 : i32
    scf.for %while3A_229 = %while3A to %while3A_78 step %while3A_79  : i32 {
      %add3A_230 = arith.addi %select_n3A_65, %while3A_229 : i32
      %jit3A_231 = arith.constant 3 : i32
      %eq3A_232 = arith.constant 0 : i32
      %eq3A_233 = arith.cmpi eq, %jit3A_231, %eq3A_232 : i32
      %jit3A_234 = arith.constant 1 : i32
      %select_n3A_235 = arith.select %eq3A_233, %jit3A_234, %jit3A_231 : i32
      %rem3A_236 = arith.remsi %while3A_229, %select_n3A_235 : i32
      %ne3A_237 = arith.constant 0 : i32
      %ne3A_238 = arith.cmpi ne, %rem3A_236, %ne3A_237 : i32
      %lt3A_239 = arith.constant 0 : i32
      %lt3A_240 = arith.cmpi slt, %rem3A_236, %lt3A_239 : i32
      %lt3A_241 = arith.constant 0 : i32
      %lt3A_242 = arith.cmpi slt, %select_n3A_235, %lt3A_241 : i32
      %ne3A_243 = arith.xori %lt3A_240, %lt3A_242 : i1
      %and3A_244 = arith.andi %ne3A_243, %ne3A_238 : i1
      %add3A_245 = arith.addi %rem3A_236, %select_n3A_235 : i32
      %select_n3A_246 = arith.select %and3A_244, %add3A_245, %rem3A_236 : i32
      %eq3A_247 = arith.constant 0 : i32
      %eq3A_248 = arith.cmpi eq, %select_n3A_246, %eq3A_247 : i32
      %convert_element_type3A_249 = arith.extui %eq3A_248 : i1 to i32
      %cond3A_250 = arith.constant 0 : i32
      %cond3A_251 = arith.cmpi ne, %convert_element_type3A_249, %cond3A_250 : i32
      scf.if %cond3A_251 {
        %add3A_294 = arith.constant 2 : i32
        %add3A_295 = arith.addi %while3A_229, %add3A_294 : i32
        %lt3A_296 = arith.cmpi slt, %add3A_295, %select_n3A_55 : i32
        %convert_element_type3A_297 = arith.extui %lt3A_296 : i1 to i32
        %cond3A_298 = arith.constant 0 : i32
        %cond3A_299 = arith.cmpi ne, %convert_element_type3A_297, %cond3A_298 : i32
        scf.if %cond3A_299 {
          %add3A_321 = arith.constant 2 : i32
          %add3A_322 = arith.addi %add3A_230, %add3A_321 : i32
          %mul3A_323 = arith.constant 128 : i32
          %mul3A_324 = arith.muli %add3A_322, %mul3A_323 : i32
          %multiple_of3A_325 = tpu.assume_multiple %mul3A_324, 128 : i32
          %dma_start3A_326 = arith.constant 0 : i32
          %dma_start3A_327 = tpu.memref_slice %arg2[%multiple_of3A_325, %dma_start3A_326] : memref<320000x128xf32, #tpu.memory_space<hbm>> -> memref<128x128xf32, #tpu.memory_space<hbm>>
          %dma_start3A_328 = arith.constant 0 : i32
          %dma_start3A_329 = tpu.memref_slice %arg2[%multiple_of3A_325, %dma_start3A_328] : memref<320000x128xf32, #tpu.memory_space<hbm>> -> memref<128x128xf32, #tpu.memory_space<hbm>>
          tpu.enqueue_dma source(%dma_start3A_329 : memref<128x128xf32, #tpu.memory_space<hbm>>) target(%arg14 : memref<128x128xf32, #tpu.memory_space<vmem>>) target_semaphore(%arg21 : memref<!tpu.dma_semaphore, #tpu.memory_space<semaphore_mem>>)
        } else {
        }
        %dma_wait3A = arith.constant 0 : i32
        %dma_wait3A_300 = arith.constant 0 : i32
        %dma_wait3A_301 = tpu.memref_slice %arg2[%dma_wait3A, %dma_wait3A_300] : memref<320000x128xf32, #tpu.memory_space<hbm>> -> memref<128x128xf32, #tpu.memory_space<hbm>>
        %dma_wait3A_302 = arith.constant 0 : i32
        %dma_wait3A_303 = arith.constant 0 : i32
        %dma_wait3A_304 = tpu.memref_slice %arg2[%dma_wait3A_302, %dma_wait3A_303] : memref<320000x128xf32, #tpu.memory_space<hbm>> -> memref<128x128xf32, #tpu.memory_space<hbm>>
        tpu.wait_dma2 semaphore(%arg19 : memref<!tpu.dma_semaphore, #tpu.memory_space<semaphore_mem>>) src(%dma_wait3A_304 : memref<128x128xf32, #tpu.memory_space<hbm>>) dst(%arg12 : memref<128x128xf32, #tpu.memory_space<vmem>>)
        %mul3A_305 = arith.constant 128 : i32
        %mul3A_306 = arith.muli %add3A_230, %mul3A_305 : i32
        %add3A_307 = arith.constant 1 : i32
        %add3A_308 = arith.addi %mul3A_306, %add3A_307 : i32
        %scan3A_309 = arith.constant 0 : i32
        %scan3A_310 = arith.constant 0 : i32
        %scan3A_311 = arith.constant 8 : i32
        %scan3A_312 = arith.addi %scan3A_310, %scan3A_311 : i32
        %scan3A_313 = arith.constant 1 : i32
        scf.for %scan3A_321 = %scan3A_310 to %scan3A_312 step %scan3A_313  : i32 {
          %mul3A_322 = arith.constant 16 : i32
          %mul3A_323 = arith.muli %scan3A_321, %mul3A_322 : i32
          %get3A = arith.index_cast %while3A_229 : i32 to index
          %get3A_324 = arith.index_cast %mul3A_323 : i32 to index
          %get3A_325 = tpu.vector_load %arg15[%get3A, %get3A_324] {strides = array<i32>} : memref<80x128xi32, #tpu.memory_space<vmem>>, vector<16xi32>,
          %mul3A_326 = arith.constant 16 : i32
          %mul3A_327 = arith.muli %scan3A_321, %mul3A_326 : i32
          %add3A_328 = arith.addi %add3A_308, %mul3A_327 : i32
          %add3A_329 = vector.broadcast %add3A_328 : i32 to vector<16xi32>
          %add3A_330 = arith.addi %add3A_329, %iota3A : vector<16xi32>
          tpu.vector_store_idx %arg17[%get3A_325, %iota3A], %add3A_330 : memref<256x16xi32, #tpu.memory_space<vmem>>[vector<16xi32>, vector<16xi32>], vector<16xi32>,
        }
        %scan3A_314 = arith.constant 8 : i32
        %dma_start3A_315 = arith.constant 0 : i32
        %dma_start3A_316 = tpu.memref_slice %arg15[%while3A_229, %dma_start3A_315] : memref<80x128xi32, #tpu.memory_space<vmem>> -> memref<1x128xi32, #tpu.memory_space<vmem>>
        %dma_start3A_317 = tpu.memref_squeeze %dma_start3A_316 : memref<1x128xi32, #tpu.memory_space<vmem>> -> memref<128xi32, #tpu.memory_space<vmem>>
        %dma_start3A_318 = arith.constant 0 : i32
        %dma_start3A_319 = arith.constant 0 : i32
        %dma_start3A_320 = tpu.memref_slice %arg18[%dma_start3A_318, %dma_start3A_319] : memref<256x128xf32, #tpu.memory_space<vmem_shared>> -> memref<256x128xf32, #tpu.memory_space<vmem_shared>>
        tpu.enqueue_indirect_dma source(%arg12 : memref<128x128xf32, #tpu.memory_space<vmem>>) target(%dma_start3A_320 : memref<256x128xf32, #tpu.memory_space<vmem_shared>>) offsets(%dma_start3A_317 : memref<128xi32, #tpu.memory_space<vmem>>) semaphore(%arg22 : memref<!tpu.dma_semaphore, #tpu.memory_space<semaphore_mem>>) {add = true}
      } else {
      }
      %jit3A_252 = arith.constant 3 : i32
      %eq3A_253 = arith.constant 0 : i32
      %eq3A_254 = arith.cmpi eq, %jit3A_252, %eq3A_253 : i32
      %jit3A_255 = arith.constant 1 : i32
      %select_n3A_256 = arith.select %eq3A_254, %jit3A_255, %jit3A_252 : i32
      %rem3A_257 = arith.remsi %while3A_229, %select_n3A_256 : i32
      %ne3A_258 = arith.constant 0 : i32
      %ne3A_259 = arith.cmpi ne, %rem3A_257, %ne3A_258 : i32
      %lt3A_260 = arith.constant 0 : i32
      %lt3A_261 = arith.cmpi slt, %rem3A_257, %lt3A_260 : i32
      %lt3A_262 = arith.constant 0 : i32
      %lt3A_263 = arith.cmpi slt, %select_n3A_256, %lt3A_262 : i32
      %ne3A_264 = arith.xori %lt3A_261, %lt3A_263 : i1
      %and3A_265 = arith.andi %ne3A_264, %ne3A_259 : i1
      %add3A_266 = arith.addi %rem3A_257, %select_n3A_256 : i32
      %select_n3A_267 = arith.select %and3A_265, %add3A_266, %rem3A_257 : i32
      %eq3A_268 = arith.constant 1 : i32
      %eq3A_269 = arith.cmpi eq, %select_n3A_267, %eq3A_268 : i32
      %convert_element_type3A_270 = arith.extui %eq3A_269 : i1 to i32
      %cond3A_271 = arith.constant 0 : i32
      %cond3A_272 = arith.cmpi ne, %convert_element_type3A_270, %cond3A_271 : i32
      scf.if %cond3A_272 {
        %sub3A_294 = arith.constant 1 : i32
        %sub3A_295 = arith.subi %while3A_229, %sub3A_294 : i32
        %dma_wait3A = arith.constant 0 : i32
        %dma_wait3A_296 = tpu.memref_slice %arg15[%sub3A_295, %dma_wait3A] : memref<80x128xi32, #tpu.memory_space<vmem>> -> memref<1x128xi32, #tpu.memory_space<vmem>>
        %dma_wait3A_297 = tpu.memref_squeeze %dma_wait3A_296 : memref<1x128xi32, #tpu.memory_space<vmem>> -> memref<128xi32, #tpu.memory_space<vmem>>
        %dma_wait3A_298 = arith.constant 0 : i32
        %dma_wait3A_299 = arith.constant 0 : i32
        %dma_wait3A_300 = tpu.memref_slice %arg18[%dma_wait3A_298, %dma_wait3A_299] : memref<256x128xf32, #tpu.memory_space<vmem_shared>> -> memref<256x128xf32, #tpu.memory_space<vmem_shared>>
        tpu.wait_indirect_dma semaphore(%arg22 : memref<!tpu.dma_semaphore, #tpu.memory_space<semaphore_mem>>) src(%arg12 : memref<128x128xf32, #tpu.memory_space<vmem>>) dst(%dma_wait3A_300 : memref<256x128xf32, #tpu.memory_space<vmem_shared>>)
        %add3A_301 = arith.constant 2 : i32
        %add3A_302 = arith.addi %while3A_229, %add3A_301 : i32
        %lt3A_303 = arith.cmpi slt, %add3A_302, %select_n3A_55 : i32
        %convert_element_type3A_304 = arith.extui %lt3A_303 : i1 to i32
        %cond3A_305 = arith.constant 0 : i32
        %cond3A_306 = arith.cmpi ne, %convert_element_type3A_304, %cond3A_305 : i32
        scf.if %cond3A_306 {
          %add3A_329 = arith.constant 2 : i32
          %add3A_330 = arith.addi %add3A_230, %add3A_329 : i32
          %mul3A_331 = arith.constant 128 : i32
          %mul3A_332 = arith.muli %add3A_330, %mul3A_331 : i32
          %multiple_of3A_333 = tpu.assume_multiple %mul3A_332, 128 : i32
          %dma_start3A_334 = arith.constant 0 : i32
          %dma_start3A_335 = tpu.memref_slice %arg2[%multiple_of3A_333, %dma_start3A_334] : memref<320000x128xf32, #tpu.memory_space<hbm>> -> memref<128x128xf32, #tpu.memory_space<hbm>>
          %dma_start3A_336 = arith.constant 0 : i32
          %dma_start3A_337 = tpu.memref_slice %arg2[%multiple_of3A_333, %dma_start3A_336] : memref<320000x128xf32, #tpu.memory_space<hbm>> -> memref<128x128xf32, #tpu.memory_space<hbm>>
          tpu.enqueue_dma source(%dma_start3A_337 : memref<128x128xf32, #tpu.memory_space<hbm>>) target(%arg12 : memref<128x128xf32, #tpu.memory_space<vmem>>) target_semaphore(%arg19 : memref<!tpu.dma_semaphore, #tpu.memory_space<semaphore_mem>>)
        } else {
        }
        %dma_wait3A_307 = arith.constant 0 : i32
        %dma_wait3A_308 = arith.constant 0 : i32
        %dma_wait3A_309 = tpu.memref_slice %arg2[%dma_wait3A_307, %dma_wait3A_308] : memref<320000x128xf32, #tpu.memory_space<hbm>> -> memref<128x128xf32, #tpu.memory_space<hbm>>
        %dma_wait3A_310 = arith.constant 0 : i32
        %dma_wait3A_311 = arith.constant 0 : i32
        %dma_wait3A_312 = tpu.memref_slice %arg2[%dma_wait3A_310, %dma_wait3A_311] : memref<320000x128xf32, #tpu.memory_space<hbm>> -> memref<128x128xf32, #tpu.memory_space<hbm>>
        tpu.wait_dma2 semaphore(%arg20 : memref<!tpu.dma_semaphore, #tpu.memory_space<semaphore_mem>>) src(%dma_wait3A_312 : memref<128x128xf32, #tpu.memory_space<hbm>>) dst(%arg13 : memref<128x128xf32, #tpu.memory_space<vmem>>)
        %mul3A_313 = arith.constant 128 : i32
        %mul3A_314 = arith.muli %add3A_230, %mul3A_313 : i32
        %add3A_315 = arith.constant 1 : i32
        %add3A_316 = arith.addi %mul3A_314, %add3A_315 : i32
        %scan3A_317 = arith.constant 0 : i32
        %scan3A_318 = arith.constant 0 : i32
        %scan3A_319 = arith.constant 8 : i32
        %scan3A_320 = arith.addi %scan3A_318, %scan3A_319 : i32
        %scan3A_321 = arith.constant 1 : i32
        scf.for %scan3A_329 = %scan3A_318 to %scan3A_320 step %scan3A_321  : i32 {
          %mul3A_330 = arith.constant 16 : i32
          %mul3A_331 = arith.muli %scan3A_329, %mul3A_330 : i32
          %get3A = arith.index_cast %while3A_229 : i32 to index
          %get3A_332 = arith.index_cast %mul3A_331 : i32 to index
          %get3A_333 = tpu.vector_load %arg15[%get3A, %get3A_332] {strides = array<i32>} : memref<80x128xi32, #tpu.memory_space<vmem>>, vector<16xi32>,
          %mul3A_334 = arith.constant 16 : i32
          %mul3A_335 = arith.muli %scan3A_329, %mul3A_334 : i32
          %add3A_336 = arith.addi %add3A_316, %mul3A_335 : i32
          %add3A_337 = vector.broadcast %add3A_336 : i32 to vector<16xi32>
          %add3A_338 = arith.addi %add3A_337, %iota3A : vector<16xi32>
          tpu.vector_store_idx %arg17[%get3A_333, %iota3A], %add3A_338 : memref<256x16xi32, #tpu.memory_space<vmem>>[vector<16xi32>, vector<16xi32>], vector<16xi32>,
        }
        %scan3A_322 = arith.constant 8 : i32
        %dma_start3A_323 = arith.constant 0 : i32
        %dma_start3A_324 = tpu.memref_slice %arg15[%while3A_229, %dma_start3A_323] : memref<80x128xi32, #tpu.memory_space<vmem>> -> memref<1x128xi32, #tpu.memory_space<vmem>>
        %dma_start3A_325 = tpu.memref_squeeze %dma_start3A_324 : memref<1x128xi32, #tpu.memory_space<vmem>> -> memref<128xi32, #tpu.memory_space<vmem>>
        %dma_start3A_326 = arith.constant 0 : i32
        %dma_start3A_327 = arith.constant 0 : i32
        %dma_start3A_328 = tpu.memref_slice %arg18[%dma_start3A_326, %dma_start3A_327] : memref<256x128xf32, #tpu.memory_space<vmem_shared>> -> memref<256x128xf32, #tpu.memory_space<vmem_shared>>
        tpu.enqueue_indirect_dma source(%arg13 : memref<128x128xf32, #tpu.memory_space<vmem>>) target(%dma_start3A_328 : memref<256x128xf32, #tpu.memory_space<vmem_shared>>) offsets(%dma_start3A_325 : memref<128xi32, #tpu.memory_space<vmem>>) semaphore(%arg22 : memref<!tpu.dma_semaphore, #tpu.memory_space<semaphore_mem>>) {add = true}
      } else {
      }
      %jit3A_273 = arith.constant 3 : i32
      %eq3A_274 = arith.constant 0 : i32
      %eq3A_275 = arith.cmpi eq, %jit3A_273, %eq3A_274 : i32
      %jit3A_276 = arith.constant 1 : i32
      %select_n3A_277 = arith.select %eq3A_275, %jit3A_276, %jit3A_273 : i32
      %rem3A_278 = arith.remsi %while3A_229, %select_n3A_277 : i32
      %ne3A_279 = arith.constant 0 : i32
      %ne3A_280 = arith.cmpi ne, %rem3A_278, %ne3A_279 : i32
      %lt3A_281 = arith.constant 0 : i32
      %lt3A_282 = arith.cmpi slt, %rem3A_278, %lt3A_281 : i32
      %lt3A_283 = arith.constant 0 : i32
      %lt3A_284 = arith.cmpi slt, %select_n3A_277, %lt3A_283 : i32
      %ne3A_285 = arith.xori %lt3A_282, %lt3A_284 : i1
      %and3A_286 = arith.andi %ne3A_285, %ne3A_280 : i1
      %add3A_287 = arith.addi %rem3A_278, %select_n3A_277 : i32
      %select_n3A_288 = arith.select %and3A_286, %add3A_287, %rem3A_278 : i32
      %eq3A_289 = arith.constant 2 : i32
      %eq3A_290 = arith.cmpi eq, %select_n3A_288, %eq3A_289 : i32
      %convert_element_type3A_291 = arith.extui %eq3A_290 : i1 to i32
      %cond3A_292 = arith.constant 0 : i32
      %cond3A_293 = arith.cmpi ne, %convert_element_type3A_291, %cond3A_292 : i32
      scf.if %cond3A_293 {
        %sub3A_294 = arith.constant 1 : i32
        %sub3A_295 = arith.subi %while3A_229, %sub3A_294 : i32
        %dma_wait3A = arith.constant 0 : i32
        %dma_wait3A_296 = tpu.memref_slice %arg15[%sub3A_295, %dma_wait3A] : memref<80x128xi32, #tpu.memory_space<vmem>> -> memref<1x128xi32, #tpu.memory_space<vmem>>
        %dma_wait3A_297 = tpu.memref_squeeze %dma_wait3A_296 : memref<1x128xi32, #tpu.memory_space<vmem>> -> memref<128xi32, #tpu.memory_space<vmem>>
        %dma_wait3A_298 = arith.constant 0 : i32
        %dma_wait3A_299 = arith.constant 0 : i32
        %dma_wait3A_300 = tpu.memref_slice %arg18[%dma_wait3A_298, %dma_wait3A_299] : memref<256x128xf32, #tpu.memory_space<vmem_shared>> -> memref<256x128xf32, #tpu.memory_space<vmem_shared>>
        tpu.wait_indirect_dma semaphore(%arg22 : memref<!tpu.dma_semaphore, #tpu.memory_space<semaphore_mem>>) src(%arg13 : memref<128x128xf32, #tpu.memory_space<vmem>>) dst(%dma_wait3A_300 : memref<256x128xf32, #tpu.memory_space<vmem_shared>>)
        %add3A_301 = arith.constant 2 : i32
        %add3A_302 = arith.addi %while3A_229, %add3A_301 : i32
        %lt3A_303 = arith.cmpi slt, %add3A_302, %select_n3A_55 : i32
        %convert_element_type3A_304 = arith.extui %lt3A_303 : i1 to i32
        %cond3A_305 = arith.constant 0 : i32
        %cond3A_306 = arith.cmpi ne, %convert_element_type3A_304, %cond3A_305 : i32
        scf.if %cond3A_306 {
          %add3A_329 = arith.constant 2 : i32
          %add3A_330 = arith.addi %add3A_230, %add3A_329 : i32
          %mul3A_331 = arith.constant 128 : i32
          %mul3A_332 = arith.muli %add3A_330, %mul3A_331 : i32
          %multiple_of3A_333 = tpu.assume_multiple %mul3A_332, 128 : i32
          %dma_start3A_334 = arith.constant 0 : i32
          %dma_start3A_335 = tpu.memref_slice %arg2[%multiple_of3A_333, %dma_start3A_334] : memref<320000x128xf32, #tpu.memory_space<hbm>> -> memref<128x128xf32, #tpu.memory_space<hbm>>
          %dma_start3A_336 = arith.constant 0 : i32
          %dma_start3A_337 = tpu.memref_slice %arg2[%multiple_of3A_333, %dma_start3A_336] : memref<320000x128xf32, #tpu.memory_space<hbm>> -> memref<128x128xf32, #tpu.memory_space<hbm>>
          tpu.enqueue_dma source(%dma_start3A_337 : memref<128x128xf32, #tpu.memory_space<hbm>>) target(%arg13 : memref<128x128xf32, #tpu.memory_space<vmem>>) target_semaphore(%arg20 : memref<!tpu.dma_semaphore, #tpu.memory_space<semaphore_mem>>)
        } else {
        }
        %dma_wait3A_307 = arith.constant 0 : i32
        %dma_wait3A_308 = arith.constant 0 : i32
        %dma_wait3A_309 = tpu.memref_slice %arg2[%dma_wait3A_307, %dma_wait3A_308] : memref<320000x128xf32, #tpu.memory_space<hbm>> -> memref<128x128xf32, #tpu.memory_space<hbm>>
        %dma_wait3A_310 = arith.constant 0 : i32
        %dma_wait3A_311 = arith.constant 0 : i32
        %dma_wait3A_312 = tpu.memref_slice %arg2[%dma_wait3A_310, %dma_wait3A_311] : memref<320000x128xf32, #tpu.memory_space<hbm>> -> memref<128x128xf32, #tpu.memory_space<hbm>>
        tpu.wait_dma2 semaphore(%arg21 : memref<!tpu.dma_semaphore, #tpu.memory_space<semaphore_mem>>) src(%dma_wait3A_312 : memref<128x128xf32, #tpu.memory_space<hbm>>) dst(%arg14 : memref<128x128xf32, #tpu.memory_space<vmem>>)
        %mul3A_313 = arith.constant 128 : i32
        %mul3A_314 = arith.muli %add3A_230, %mul3A_313 : i32
        %add3A_315 = arith.constant 1 : i32
        %add3A_316 = arith.addi %mul3A_314, %add3A_315 : i32
        %scan3A_317 = arith.constant 0 : i32
        %scan3A_318 = arith.constant 0 : i32
        %scan3A_319 = arith.constant 8 : i32
        %scan3A_320 = arith.addi %scan3A_318, %scan3A_319 : i32
        %scan3A_321 = arith.constant 1 : i32
        scf.for %scan3A_329 = %scan3A_318 to %scan3A_320 step %scan3A_321  : i32 {
          %mul3A_330 = arith.constant 16 : i32
          %mul3A_331 = arith.muli %scan3A_329, %mul3A_330 : i32
          %get3A = arith.index_cast %while3A_229 : i32 to index
          %get3A_332 = arith.index_cast %mul3A_331 : i32 to index
          %get3A_333 = tpu.vector_load %arg15[%get3A, %get3A_332] {strides = array<i32>} : memref<80x128xi32, #tpu.memory_space<vmem>>, vector<16xi32>,
          %mul3A_334 = arith.constant 16 : i32
          %mul3A_335 = arith.muli %scan3A_329, %mul3A_334 : i32
          %add3A_336 = arith.addi %add3A_316, %mul3A_335 : i32
          %add3A_337 = vector.broadcast %add3A_336 : i32 to vector<16xi32>
          %add3A_338 = arith.addi %add3A_337, %iota3A : vector<16xi32>
          tpu.vector_store_idx %arg17[%get3A_333, %iota3A], %add3A_338 : memref<256x16xi32, #tpu.memory_space<vmem>>[vector<16xi32>, vector<16xi32>], vector<16xi32>,
        }
        %scan3A_322 = arith.constant 8 : i32
        %scan3A_323 = arith.constant 0 : i32
        %scan3A_324 = arith.constant 0 : i32
        %scan3A_325 = arith.constant 8 : i32
        %scan3A_326 = arith.addi %scan3A_324, %scan3A_325 : i32
        %scan3A_327 = arith.constant 1 : i32
        scf.for %scan3A_329 = %scan3A_324 to %scan3A_326 step %scan3A_327  : i32 {
          %mul3A_330 = arith.constant 16 : i32
          %mul3A_331 = arith.muli %scan3A_329, %mul3A_330 : i32
          %get3A = arith.index_cast %while3A_229 : i32 to index
          %get3A_332 = arith.index_cast %mul3A_331 : i32 to index
          %get3A_333 = tpu.vector_load %arg15[%get3A, %get3A_332] {strides = array<i32>} : memref<80x128xi32, #tpu.memory_space<vmem>>, vector<16xi32>,
          %broadcast_in_dim3A_334 = vector.shape_cast %add3A_47 : vector<16xi32> to vector<16x1xi32>
          %gather3A = vector.shape_cast %broadcast_in_dim3A_334 : vector<16x1xi32> to vector<16xi32>
          %gather3A_335 = tpu.dynamic_gather %get3A_333[%gather3A] in [0] : vector<16xi32>, vector<16xi32> -> vector<16xi32>
          %eq3A_336 = arith.cmpi eq, %get3A_333, %gather3A_335 : vector<16xi32>
          %jit3A_337 = arith.constant 1 : i32
          %jit3A_338 = arith.constant 0 : i32
          %broadcast_in_dim3A_339 = vector.broadcast %jit3A_337 : i32 to vector<16xi32>
          %broadcast_in_dim3A_340 = vector.broadcast %jit3A_338 : i32 to vector<16xi32>
          %select_n3A_341 = arith.select %eq3A_336, %broadcast_in_dim3A_339, %broadcast_in_dim3A_340 : vector<16xi1>, vector<16xi32>
          %reduce_min3A = arith.constant true
          %reduce_min3A_342 = vector.broadcast %reduce_min3A : i1 to vector<16xi1>
          %reduce_min3A_343 = arith.constant -2147483648 : i32
          %reduce_min3A_344 = vector.broadcast %reduce_min3A_343 : i32 to vector<16xi32>
          %reduce_min3A_345 = arith.xori %select_n3A_341, %reduce_min3A_344 : vector<16xi32>
          %reduce_min3A_346 = tpu.scan <min>, %reduce_min3A_345 masked %reduce_min3A_342 : vector<16xi32>, vector<16xi1> -> vector<16xi32>
          %reduce_min3A_347 = arith.xori %reduce_min3A_346, %reduce_min3A_344 : vector<16xi32>
          %reduce_min3A_348 = vector.extract %reduce_min3A_347[15] : i32 from vector<16xi32>
          %mul3A_349 = arith.constant 16 : i32
          %mul3A_350 = arith.muli %scan3A_329, %mul3A_349 : i32
          %eq3A_351 = arith.constant 1 : i32
          %eq3A_352 = arith.cmpi eq, %reduce_min3A_348, %eq3A_351 : i32
          %convert_element_type3A_353 = arith.extui %eq3A_352 : i1 to i32
          %cond3A_354 = arith.constant 0 : i32
          %cond3A_355 = arith.cmpi ne, %convert_element_type3A_353, %cond3A_354 : i32
          scf.if %cond3A_355 {
            %get3A_361 = arith.index_cast %mul3A_350 : i32 to index
            %get3A_362 = arith.constant 0 : index
            %get3A_363 = tpu.vector_load %arg14[%get3A_361, %get3A_362] {strides = array<i32>} : memref<128x128xf32, #tpu.memory_space<vmem>>, vector<16xf32>,
            %get3A_364 = arith.index_cast %mul3A_350 : i32 to index
            %get3A_365 = arith.constant 16 : index
            %get3A_366 = tpu.vector_load %arg14[%get3A_364, %get3A_365] {strides = array<i32>} : memref<128x128xf32, #tpu.memory_space<vmem>>, vector<16xf32>,
            %get3A_367 = arith.index_cast %mul3A_350 : i32 to index
            %get3A_368 = arith.constant 32 : index
            %get3A_369 = tpu.vector_load %arg14[%get3A_367, %get3A_368] {strides = array<i32>} : memref<128x128xf32, #tpu.memory_space<vmem>>, vector<16xf32>,
            %get3A_370 = arith.index_cast %mul3A_350 : i32 to index
            %get3A_371 = arith.constant 48 : index
            %get3A_372 = tpu.vector_load %arg14[%get3A_370, %get3A_371] {strides = array<i32>} : memref<128x128xf32, #tpu.memory_space<vmem>>, vector<16xf32>,
            %get3A_373 = arith.index_cast %mul3A_350 : i32 to index
            %get3A_374 = arith.constant 64 : index
            %get3A_375 = tpu.vector_load %arg14[%get3A_373, %get3A_374] {strides = array<i32>} : memref<128x128xf32, #tpu.memory_space<vmem>>, vector<16xf32>,
            %get3A_376 = arith.index_cast %mul3A_350 : i32 to index
            %get3A_377 = arith.constant 80 : index
            %get3A_378 = tpu.vector_load %arg14[%get3A_376, %get3A_377] {strides = array<i32>} : memref<128x128xf32, #tpu.memory_space<vmem>>, vector<16xf32>,
            %get3A_379 = arith.index_cast %mul3A_350 : i32 to index
            %get3A_380 = arith.constant 96 : index
            %get3A_381 = tpu.vector_load %arg14[%get3A_379, %get3A_380] {strides = array<i32>} : memref<128x128xf32, #tpu.memory_space<vmem>>, vector<16xf32>,
            %get3A_382 = arith.index_cast %mul3A_350 : i32 to index
            %get3A_383 = arith.constant 112 : index
            %get3A_384 = tpu.vector_load %arg14[%get3A_382, %get3A_383] {strides = array<i32>} : memref<128x128xf32, #tpu.memory_space<vmem>>, vector<16xf32>,
            %add3A_385 = arith.constant 1 : i32
            %add3A_386 = arith.addi %mul3A_350, %add3A_385 : i32
            %get3A_387 = arith.index_cast %add3A_386 : i32 to index
            %get3A_388 = arith.constant 0 : index
            %get3A_389 = tpu.vector_load %arg14[%get3A_387, %get3A_388] {strides = array<i32>} : memref<128x128xf32, #tpu.memory_space<vmem>>, vector<16xf32>,
            %add3A_390 = arith.addf %get3A_363, %get3A_389 : vector<16xf32>
            %add3A_391 = arith.constant 1 : i32
            %add3A_392 = arith.addi %mul3A_350, %add3A_391 : i32
            %get3A_393 = arith.index_cast %add3A_392 : i32 to index
            %get3A_394 = arith.constant 16 : index
            %get3A_395 = tpu.vector_load %arg14[%get3A_393, %get3A_394] {strides = array<i32>} : memref<128x128xf32, #tpu.memory_space<vmem>>, vector<16xf32>,
            %add3A_396 = arith.addf %get3A_366, %get3A_395 : vector<16xf32>
            %add3A_397 = arith.constant 1 : i32
            %add3A_398 = arith.addi %mul3A_350, %add3A_397 : i32
            %get3A_399 = arith.index_cast %add3A_398 : i32 to index
            %get3A_400 = arith.constant 32 : index
            %get3A_401 = tpu.vector_load %arg14[%get3A_399, %get3A_400] {strides = array<i32>} : memref<128x128xf32, #tpu.memory_space<vmem>>, vector<16xf32>,
            %add3A_402 = arith.addf %get3A_369, %get3A_401 : vector<16xf32>
            %add3A_403 = arith.constant 1 : i32
            %add3A_404 = arith.addi %mul3A_350, %add3A_403 : i32
            %get3A_405 = arith.index_cast %add3A_404 : i32 to index
            %get3A_406 = arith.constant 48 : index
            %get3A_407 = tpu.vector_load %arg14[%get3A_405, %get3A_406] {strides = array<i32>} : memref<128x128xf32, #tpu.memory_space<vmem>>, vector<16xf32>,
            %add3A_408 = arith.addf %get3A_372, %get3A_407 : vector<16xf32>
            %add3A_409 = arith.constant 1 : i32
            %add3A_410 = arith.addi %mul3A_350, %add3A_409 : i32
            %get3A_411 = arith.index_cast %add3A_410 : i32 to index
            %get3A_412 = arith.constant 64 : index
            %get3A_413 = tpu.vector_load %arg14[%get3A_411, %get3A_412] {strides = array<i32>} : memref<128x128xf32, #tpu.memory_space<vmem>>, vector<16xf32>,
            %add3A_414 = arith.addf %get3A_375, %get3A_413 : vector<16xf32>
            %add3A_415 = arith.constant 1 : i32
            %add3A_416 = arith.addi %mul3A_350, %add3A_415 : i32
            %get3A_417 = arith.index_cast %add3A_416 : i32 to index
            %get3A_418 = arith.constant 80 : index
            %get3A_419 = tpu.vector_load %arg14[%get3A_417, %get3A_418] {strides = array<i32>} : memref<128x128xf32, #tpu.memory_space<vmem>>, vector<16xf32>,
            %add3A_420 = arith.addf %get3A_378, %get3A_419 : vector<16xf32>
            %add3A_421 = arith.constant 1 : i32
            %add3A_422 = arith.addi %mul3A_350, %add3A_421 : i32
            %get3A_423 = arith.index_cast %add3A_422 : i32 to index
            %get3A_424 = arith.constant 96 : index
            %get3A_425 = tpu.vector_load %arg14[%get3A_423, %get3A_424] {strides = array<i32>} : memref<128x128xf32, #tpu.memory_space<vmem>>, vector<16xf32>,
            %add3A_426 = arith.addf %get3A_381, %get3A_425 : vector<16xf32>
            %add3A_427 = arith.constant 1 : i32
            %add3A_428 = arith.addi %mul3A_350, %add3A_427 : i32
            %get3A_429 = arith.index_cast %add3A_428 : i32 to index
            %get3A_430 = arith.constant 112 : index
            %get3A_431 = tpu.vector_load %arg14[%get3A_429, %get3A_430] {strides = array<i32>} : memref<128x128xf32, #tpu.memory_space<vmem>>, vector<16xf32>,
            %add3A_432 = arith.addf %get3A_384, %get3A_431 : vector<16xf32>
            %add3A_433 = arith.constant 2 : i32
            %add3A_434 = arith.addi %mul3A_350, %add3A_433 : i32
            %get3A_435 = arith.index_cast %add3A_434 : i32 to index
            %get3A_436 = arith.constant 0 : index
            %get3A_437 = tpu.vector_load %arg14[%get3A_435, %get3A_436] {strides = array<i32>} : memref<128x128xf32, #tpu.memory_space<vmem>>, vector<16xf32>,
            %add3A_438 = arith.addf %add3A_390, %get3A_437 : vector<16xf32>
            %add3A_439 = arith.constant 2 : i32
            %add3A_440 = arith.addi %mul3A_350, %add3A_439 : i32
            %get3A_441 = arith.index_cast %add3A_440 : i32 to index
            %get3A_442 = arith.constant 16 : index
            %get3A_443 = tpu.vector_load %arg14[%get3A_441, %get3A_442] {strides = array<i32>} : memref<128x128xf32, #tpu.memory_space<vmem>>, vector<16xf32>,
            %add3A_444 = arith.addf %add3A_396, %get3A_443 : vector<16xf32>
            %add3A_445 = arith.constant 2 : i32
            %add3A_446 = arith.addi %mul3A_350, %add3A_445 : i32
            %get3A_447 = arith.index_cast %add3A_446 : i32 to index
            %get3A_448 = arith.constant 32 : index
            %get3A_449 = tpu.vector_load %arg14[%get3A_447, %get3A_448] {strides = array<i32>} : memref<128x128xf32, #tpu.memory_space<vmem>>, vector<16xf32>,
            %add3A_450 = arith.addf %add3A_402, %get3A_449 : vector<16xf32>
            %add3A_451 = arith.constant 2 : i32
            %add3A_452 = arith.addi %mul3A_350, %add3A_451 : i32
            %get3A_453 = arith.index_cast %add3A_452 : i32 to index
            %get3A_454 = arith.constant 48 : index
            %get3A_455 = tpu.vector_load %arg14[%get3A_453, %get3A_454] {strides = array<i32>} : memref<128x128xf32, #tpu.memory_space<vmem>>, vector<16xf32>,
            %add3A_456 = arith.addf %add3A_408, %get3A_455 : vector<16xf32>
            %add3A_457 = arith.constant 2 : i32
            %add3A_458 = arith.addi %mul3A_350, %add3A_457 : i32
            %get3A_459 = arith.index_cast %add3A_458 : i32 to index
            %get3A_460 = arith.constant 64 : index
            %get3A_461 = tpu.vector_load %arg14[%get3A_459, %get3A_460] {strides = array<i32>} : memref<128x128xf32, #tpu.memory_space<vmem>>, vector<16xf32>,
            %add3A_462 = arith.addf %add3A_414, %get3A_461 : vector<16xf32>
            %add3A_463 = arith.constant 2 : i32
            %add3A_464 = arith.addi %mul3A_350, %add3A_463 : i32
            %get3A_465 = arith.index_cast %add3A_464 : i32 to index
            %get3A_466 = arith.constant 80 : index
            %get3A_467 = tpu.vector_load %arg14[%get3A_465, %get3A_466] {strides = array<i32>} : memref<128x128xf32, #tpu.memory_space<vmem>>, vector<16xf32>,
            %add3A_468 = arith.addf %add3A_420, %get3A_467 : vector<16xf32>
            %add3A_469 = arith.constant 2 : i32
            %add3A_470 = arith.addi %mul3A_350, %add3A_469 : i32
            %get3A_471 = arith.index_cast %add3A_470 : i32 to index
            %get3A_472 = arith.constant 96 : index
            %get3A_473 = tpu.vector_load %arg14[%get3A_471, %get3A_472] {strides = array<i32>} : memref<128x128xf32, #tpu.memory_space<vmem>>, vector<16xf32>,
            %add3A_474 = arith.addf %add3A_426, %get3A_473 : vector<16xf32>
            %add3A_475 = arith.constant 2 : i32
            %add3A_476 = arith.addi %mul3A_350, %add3A_475 : i32
            %get3A_477 = arith.index_cast %add3A_476 : i32 to index
            %get3A_478 = arith.constant 112 : index
            %get3A_479 = tpu.vector_load %arg14[%get3A_477, %get3A_478] {strides = array<i32>} : memref<128x128xf32, #tpu.memory_space<vmem>>, vector<16xf32>,
            %add3A_480 = arith.addf %add3A_432, %get3A_479 : vector<16xf32>
            %add3A_481 = arith.constant 3 : i32
            %add3A_482 = arith.addi %mul3A_350, %add3A_481 : i32
            %get3A_483 = arith.index_cast %add3A_482 : i32 to index
            %get3A_484 = arith.constant 0 : index
            %get3A_485 = tpu.vector_load %arg14[%get3A_483, %get3A_484] {strides = array<i32>} : memref<128x128xf32, #tpu.memory_space<vmem>>, vector<16xf32>,
            %add3A_486 = arith.addf %add3A_438, %get3A_485 : vector<16xf32>
            %add3A_487 = arith.constant 3 : i32
            %add3A_488 = arith.addi %mul3A_350, %add3A_487 : i32
            %get3A_489 = arith.index_cast %add3A_488 : i32 to index
            %get3A_490 = arith.constant 16 : index
            %get3A_491 = tpu.vector_load %arg14[%get3A_489, %get3A_490] {strides = array<i32>} : memref<128x128xf32, #tpu.memory_space<vmem>>, vector<16xf32>,
            %add3A_492 = arith.addf %add3A_444, %get3A_491 : vector<16xf32>
            %add3A_493 = arith.constant 3 : i32
            %add3A_494 = arith.addi %mul3A_350, %add3A_493 : i32
            %get3A_495 = arith.index_cast %add3A_494 : i32 to index
            %get3A_496 = arith.constant 32 : index
            %get3A_497 = tpu.vector_load %arg14[%get3A_495, %get3A_496] {strides = array<i32>} : memref<128x128xf32, #tpu.memory_space<vmem>>, vector<16xf32>,
            %add3A_498 = arith.addf %add3A_450, %get3A_497 : vector<16xf32>
            %add3A_499 = arith.constant 3 : i32
            %add3A_500 = arith.addi %mul3A_350, %add3A_499 : i32
            %get3A_501 = arith.index_cast %add3A_500 : i32 to index
            %get3A_502 = arith.constant 48 : index
            %get3A_503 = tpu.vector_load %arg14[%get3A_501, %get3A_502] {strides = array<i32>} : memref<128x128xf32, #tpu.memory_space<vmem>>, vector<16xf32>,
            %add3A_504 = arith.addf %add3A_456, %get3A_503 : vector<16xf32>
            %add3A_505 = arith.constant 3 : i32
            %add3A_506 = arith.addi %mul3A_350, %add3A_505 : i32
            %get3A_507 = arith.index_cast %add3A_506 : i32 to index
            %get3A_508 = arith.constant 64 : index
            %get3A_509 = tpu.vector_load %arg14[%get3A_507, %get3A_508] {strides = array<i32>} : memref<128x128xf32, #tpu.memory_space<vmem>>, vector<16xf32>,
            %add3A_510 = arith.addf %add3A_462, %get3A_509 : vector<16xf32>
            %add3A_511 = arith.constant 3 : i32
            %add3A_512 = arith.addi %mul3A_350, %add3A_511 : i32
            %get3A_513 = arith.index_cast %add3A_512 : i32 to index
            %get3A_514 = arith.constant 80 : index
            %get3A_515 = tpu.vector_load %arg14[%get3A_513, %get3A_514] {strides = array<i32>} : memref<128x128xf32, #tpu.memory_space<vmem>>, vector<16xf32>,
            %add3A_516 = arith.addf %add3A_468, %get3A_515 : vector<16xf32>
            %add3A_517 = arith.constant 3 : i32
            %add3A_518 = arith.addi %mul3A_350, %add3A_517 : i32
            %get3A_519 = arith.index_cast %add3A_518 : i32 to index
            %get3A_520 = arith.constant 96 : index
            %get3A_521 = tpu.vector_load %arg14[%get3A_519, %get3A_520] {strides = array<i32>} : memref<128x128xf32, #tpu.memory_space<vmem>>, vector<16xf32>,
            %add3A_522 = arith.addf %add3A_474, %get3A_521 : vector<16xf32>
            %add3A_523 = arith.constant 3 : i32
            %add3A_524 = arith.addi %mul3A_350, %add3A_523 : i32
            %get3A_525 = arith.index_cast %add3A_524 : i32 to index
            %get3A_526 = arith.constant 112 : index
            %get3A_527 = tpu.vector_load %arg14[%get3A_525, %get3A_526] {strides = array<i32>} : memref<128x128xf32, #tpu.memory_space<vmem>>, vector<16xf32>,
            %add3A_528 = arith.addf %add3A_480, %get3A_527 : vector<16xf32>
            %add3A_529 = arith.constant 4 : i32
            %add3A_530 = arith.addi %mul3A_350, %add3A_529 : i32
            %get3A_531 = arith.index_cast %add3A_530 : i32 to index
            %get3A_532 = arith.constant 0 : index
            %get3A_533 = tpu.vector_load %arg14[%get3A_531, %get3A_532] {strides = array<i32>} : memref<128x128xf32, #tpu.memory_space<vmem>>, vector<16xf32>,
            %add3A_534 = arith.addf %add3A_486, %get3A_533 : vector<16xf32>
            %add3A_535 = arith.constant 4 : i32
            %add3A_536 = arith.addi %mul3A_350, %add3A_535 : i32
            %get3A_537 = arith.index_cast %add3A_536 : i32 to index
            %get3A_538 = arith.constant 16 : index
            %get3A_539 = tpu.vector_load %arg14[%get3A_537, %get3A_538] {strides = array<i32>} : memref<128x128xf32, #tpu.memory_space<vmem>>, vector<16xf32>,
            %add3A_540 = arith.addf %add3A_492, %get3A_539 : vector<16xf32>
            %add3A_541 = arith.constant 4 : i32
            %add3A_542 = arith.addi %mul3A_350, %add3A_541 : i32
            %get3A_543 = arith.index_cast %add3A_542 : i32 to index
            %get3A_544 = arith.constant 32 : index
            %get3A_545 = tpu.vector_load %arg14[%get3A_543, %get3A_544] {strides = array<i32>} : memref<128x128xf32, #tpu.memory_space<vmem>>, vector<16xf32>,
            %add3A_546 = arith.addf %add3A_498, %get3A_545 : vector<16xf32>
            %add3A_547 = arith.constant 4 : i32
            %add3A_548 = arith.addi %mul3A_350, %add3A_547 : i32
            %get3A_549 = arith.index_cast %add3A_548 : i32 to index
            %get3A_550 = arith.constant 48 : index
            %get3A_551 = tpu.vector_load %arg14[%get3A_549, %get3A_550] {strides = array<i32>} : memref<128x128xf32, #tpu.memory_space<vmem>>, vector<16xf32>,
            %add3A_552 = arith.addf %add3A_504, %get3A_551 : vector<16xf32>
            %add3A_553 = arith.constant 4 : i32
            %add3A_554 = arith.addi %mul3A_350, %add3A_553 : i32
            %get3A_555 = arith.index_cast %add3A_554 : i32 to index
            %get3A_556 = arith.constant 64 : index
            %get3A_557 = tpu.vector_load %arg14[%get3A_555, %get3A_556] {strides = array<i32>} : memref<128x128xf32, #tpu.memory_space<vmem>>, vector<16xf32>,
            %add3A_558 = arith.addf %add3A_510, %get3A_557 : vector<16xf32>
            %add3A_559 = arith.constant 4 : i32
            %add3A_560 = arith.addi %mul3A_350, %add3A_559 : i32
            %get3A_561 = arith.index_cast %add3A_560 : i32 to index
            %get3A_562 = arith.constant 80 : index
            %get3A_563 = tpu.vector_load %arg14[%get3A_561, %get3A_562] {strides = array<i32>} : memref<128x128xf32, #tpu.memory_space<vmem>>, vector<16xf32>,
            %add3A_564 = arith.addf %add3A_516, %get3A_563 : vector<16xf32>
            %add3A_565 = arith.constant 4 : i32
            %add3A_566 = arith.addi %mul3A_350, %add3A_565 : i32
            %get3A_567 = arith.index_cast %add3A_566 : i32 to index
            %get3A_568 = arith.constant 96 : index
            %get3A_569 = tpu.vector_load %arg14[%get3A_567, %get3A_568] {strides = array<i32>} : memref<128x128xf32, #tpu.memory_space<vmem>>, vector<16xf32>,
            %add3A_570 = arith.addf %add3A_522, %get3A_569 : vector<16xf32>
            %add3A_571 = arith.constant 4 : i32
            %add3A_572 = arith.addi %mul3A_350, %add3A_571 : i32
            %get3A_573 = arith.index_cast %add3A_572 : i32 to index
            %get3A_574 = arith.constant 112 : index
            %get3A_575 = tpu.vector_load %arg14[%get3A_573, %get3A_574] {strides = array<i32>} : memref<128x128xf32, #tpu.memory_space<vmem>>, vector<16xf32>,
            %add3A_576 = arith.addf %add3A_528, %get3A_575 : vector<16xf32>
            %add3A_577 = arith.constant 5 : i32
            %add3A_578 = arith.addi %mul3A_350, %add3A_577 : i32
            %get3A_579 = arith.index_cast %add3A_578 : i32 to index
            %get3A_580 = arith.constant 0 : index
            %get3A_581 = tpu.vector_load %arg14[%get3A_579, %get3A_580] {strides = array<i32>} : memref<128x128xf32, #tpu.memory_space<vmem>>, vector<16xf32>,
            %add3A_582 = arith.addf %add3A_534, %get3A_581 : vector<16xf32>
            %add3A_583 = arith.constant 5 : i32
            %add3A_584 = arith.addi %mul3A_350, %add3A_583 : i32
            %get3A_585 = arith.index_cast %add3A_584 : i32 to index
            %get3A_586 = arith.constant 16 : index
            %get3A_587 = tpu.vector_load %arg14[%get3A_585, %get3A_586] {strides = array<i32>} : memref<128x128xf32, #tpu.memory_space<vmem>>, vector<16xf32>,
            %add3A_588 = arith.addf %add3A_540, %get3A_587 : vector<16xf32>
            %add3A_589 = arith.constant 5 : i32
            %add3A_590 = arith.addi %mul3A_350, %add3A_589 : i32
            %get3A_591 = arith.index_cast %add3A_590 : i32 to index
            %get3A_592 = arith.constant 32 : index
            %get3A_593 = tpu.vector_load %arg14[%get3A_591, %get3A_592] {strides = array<i32>} : memref<128x128xf32, #tpu.memory_space<vmem>>, vector<16xf32>,
            %add3A_594 = arith.addf %add3A_546, %get3A_593 : vector<16xf32>
            %add3A_595 = arith.constant 5 : i32
            %add3A_596 = arith.addi %mul3A_350, %add3A_595 : i32
            %get3A_597 = arith.index_cast %add3A_596 : i32 to index
            %get3A_598 = arith.constant 48 : index
            %get3A_599 = tpu.vector_load %arg14[%get3A_597, %get3A_598] {strides = array<i32>} : memref<128x128xf32, #tpu.memory_space<vmem>>, vector<16xf32>,
            %add3A_600 = arith.addf %add3A_552, %get3A_599 : vector<16xf32>
            %add3A_601 = arith.constant 5 : i32
            %add3A_602 = arith.addi %mul3A_350, %add3A_601 : i32
            %get3A_603 = arith.index_cast %add3A_602 : i32 to index
            %get3A_604 = arith.constant 64 : index
            %get3A_605 = tpu.vector_load %arg14[%get3A_603, %get3A_604] {strides = array<i32>} : memref<128x128xf32, #tpu.memory_space<vmem>>, vector<16xf32>,
            %add3A_606 = arith.addf %add3A_558, %get3A_605 : vector<16xf32>
            %add3A_607 = arith.constant 5 : i32
            %add3A_608 = arith.addi %mul3A_350, %add3A_607 : i32
            %get3A_609 = arith.index_cast %add3A_608 : i32 to index
            %get3A_610 = arith.constant 80 : index
            %get3A_611 = tpu.vector_load %arg14[%get3A_609, %get3A_610] {strides = array<i32>} : memref<128x128xf32, #tpu.memory_space<vmem>>, vector<16xf32>,
            %add3A_612 = arith.addf %add3A_564, %get3A_611 : vector<16xf32>
            %add3A_613 = arith.constant 5 : i32
            %add3A_614 = arith.addi %mul3A_350, %add3A_613 : i32
            %get3A_615 = arith.index_cast %add3A_614 : i32 to index
            %get3A_616 = arith.constant 96 : index
            %get3A_617 = tpu.vector_load %arg14[%get3A_615, %get3A_616] {strides = array<i32>} : memref<128x128xf32, #tpu.memory_space<vmem>>, vector<16xf32>,
            %add3A_618 = arith.addf %add3A_570, %get3A_617 : vector<16xf32>
            %add3A_619 = arith.constant 5 : i32
            %add3A_620 = arith.addi %mul3A_350, %add3A_619 : i32
            %get3A_621 = arith.index_cast %add3A_620 : i32 to index
            %get3A_622 = arith.constant 112 : index
            %get3A_623 = tpu.vector_load %arg14[%get3A_621, %get3A_622] {strides = array<i32>} : memref<128x128xf32, #tpu.memory_space<vmem>>, vector<16xf32>,
            %add3A_624 = arith.addf %add3A_576, %get3A_623 : vector<16xf32>
            %add3A_625 = arith.constant 6 : i32
            %add3A_626 = arith.addi %mul3A_350, %add3A_625 : i32
            %get3A_627 = arith.index_cast %add3A_626 : i32 to index
            %get3A_628 = arith.constant 0 : index
            %get3A_629 = tpu.vector_load %arg14[%get3A_627, %get3A_628] {strides = array<i32>} : memref<128x128xf32, #tpu.memory_space<vmem>>, vector<16xf32>,
            %add3A_630 = arith.addf %add3A_582, %get3A_629 : vector<16xf32>
            %add3A_631 = arith.constant 6 : i32
            %add3A_632 = arith.addi %mul3A_350, %add3A_631 : i32
            %get3A_633 = arith.index_cast %add3A_632 : i32 to index
            %get3A_634 = arith.constant 16 : index
            %get3A_635 = tpu.vector_load %arg14[%get3A_633, %get3A_634] {strides = array<i32>} : memref<128x128xf32, #tpu.memory_space<vmem>>, vector<16xf32>,
            %add3A_636 = arith.addf %add3A_588, %get3A_635 : vector<16xf32>
            %add3A_637 = arith.constant 6 : i32
            %add3A_638 = arith.addi %mul3A_350, %add3A_637 : i32
            %get3A_639 = arith.index_cast %add3A_638 : i32 to index
            %get3A_640 = arith.constant 32 : index
            %get3A_641 = tpu.vector_load %arg14[%get3A_639, %get3A_640] {strides = array<i32>} : memref<128x128xf32, #tpu.memory_space<vmem>>, vector<16xf32>,
            %add3A_642 = arith.addf %add3A_594, %get3A_641 : vector<16xf32>
            %add3A_643 = arith.constant 6 : i32
            %add3A_644 = arith.addi %mul3A_350, %add3A_643 : i32
            %get3A_645 = arith.index_cast %add3A_644 : i32 to index
            %get3A_646 = arith.constant 48 : index
            %get3A_647 = tpu.vector_load %arg14[%get3A_645, %get3A_646] {strides = array<i32>} : memref<128x128xf32, #tpu.memory_space<vmem>>, vector<16xf32>,
            %add3A_648 = arith.addf %add3A_600, %get3A_647 : vector<16xf32>
            %add3A_649 = arith.constant 6 : i32
            %add3A_650 = arith.addi %mul3A_350, %add3A_649 : i32
            %get3A_651 = arith.index_cast %add3A_650 : i32 to index
            %get3A_652 = arith.constant 64 : index
            %get3A_653 = tpu.vector_load %arg14[%get3A_651, %get3A_652] {strides = array<i32>} : memref<128x128xf32, #tpu.memory_space<vmem>>, vector<16xf32>,
            %add3A_654 = arith.addf %add3A_606, %get3A_653 : vector<16xf32>
            %add3A_655 = arith.constant 6 : i32
            %add3A_656 = arith.addi %mul3A_350, %add3A_655 : i32
            %get3A_657 = arith.index_cast %add3A_656 : i32 to index
            %get3A_658 = arith.constant 80 : index
            %get3A_659 = tpu.vector_load %arg14[%get3A_657, %get3A_658] {strides = array<i32>} : memref<128x128xf32, #tpu.memory_space<vmem>>, vector<16xf32>,
            %add3A_660 = arith.addf %add3A_612, %get3A_659 : vector<16xf32>
            %add3A_661 = arith.constant 6 : i32
            %add3A_662 = arith.addi %mul3A_350, %add3A_661 : i32
            %get3A_663 = arith.index_cast %add3A_662 : i32 to index
            %get3A_664 = arith.constant 96 : index
            %get3A_665 = tpu.vector_load %arg14[%get3A_663, %get3A_664] {strides = array<i32>} : memref<128x128xf32, #tpu.memory_space<vmem>>, vector<16xf32>,
            %add3A_666 = arith.addf %add3A_618, %get3A_665 : vector<16xf32>
            %add3A_667 = arith.constant 6 : i32
            %add3A_668 = arith.addi %mul3A_350, %add3A_667 : i32
            %get3A_669 = arith.index_cast %add3A_668 : i32 to index
            %get3A_670 = arith.constant 112 : index
            %get3A_671 = tpu.vector_load %arg14[%get3A_669, %get3A_670] {strides = array<i32>} : memref<128x128xf32, #tpu.memory_space<vmem>>, vector<16xf32>,
            %add3A_672 = arith.addf %add3A_624, %get3A_671 : vector<16xf32>
            %add3A_673 = arith.constant 7 : i32
            %add3A_674 = arith.addi %mul3A_350, %add3A_673 : i32
            %get3A_675 = arith.index_cast %add3A_674 : i32 to index
            %get3A_676 = arith.constant 0 : index
            %get3A_677 = tpu.vector_load %arg14[%get3A_675, %get3A_676] {strides = array<i32>} : memref<128x128xf32, #tpu.memory_space<vmem>>, vector<16xf32>,
            %add3A_678 = arith.addf %add3A_630, %get3A_677 : vector<16xf32>
            %add3A_679 = arith.constant 7 : i32
            %add3A_680 = arith.addi %mul3A_350, %add3A_679 : i32
            %get3A_681 = arith.index_cast %add3A_680 : i32 to index
            %get3A_682 = arith.constant 16 : index
            %get3A_683 = tpu.vector_load %arg14[%get3A_681, %get3A_682] {strides = array<i32>} : memref<128x128xf32, #tpu.memory_space<vmem>>, vector<16xf32>,
            %add3A_684 = arith.addf %add3A_636, %get3A_683 : vector<16xf32>
            %add3A_685 = arith.constant 7 : i32
            %add3A_686 = arith.addi %mul3A_350, %add3A_685 : i32
            %get3A_687 = arith.index_cast %add3A_686 : i32 to index
            %get3A_688 = arith.constant 32 : index
            %get3A_689 = tpu.vector_load %arg14[%get3A_687, %get3A_688] {strides = array<i32>} : memref<128x128xf32, #tpu.memory_space<vmem>>, vector<16xf32>,
            %add3A_690 = arith.addf %add3A_642, %get3A_689 : vector<16xf32>
            %add3A_691 = arith.constant 7 : i32
            %add3A_692 = arith.addi %mul3A_350, %add3A_691 : i32
            %get3A_693 = arith.index_cast %add3A_692 : i32 to index
            %get3A_694 = arith.constant 48 : index
            %get3A_695 = tpu.vector_load %arg14[%get3A_693, %get3A_694] {strides = array<i32>} : memref<128x128xf32, #tpu.memory_space<vmem>>, vector<16xf32>,
            %add3A_696 = arith.addf %add3A_648, %get3A_695 : vector<16xf32>
            %add3A_697 = arith.constant 7 : i32
            %add3A_698 = arith.addi %mul3A_350, %add3A_697 : i32
            %get3A_699 = arith.index_cast %add3A_698 : i32 to index
            %get3A_700 = arith.constant 64 : index
            %get3A_701 = tpu.vector_load %arg14[%get3A_699, %get3A_700] {strides = array<i32>} : memref<128x128xf32, #tpu.memory_space<vmem>>, vector<16xf32>,
            %add3A_702 = arith.addf %add3A_654, %get3A_701 : vector<16xf32>
            %add3A_703 = arith.constant 7 : i32
            %add3A_704 = arith.addi %mul3A_350, %add3A_703 : i32
            %get3A_705 = arith.index_cast %add3A_704 : i32 to index
            %get3A_706 = arith.constant 80 : index
            %get3A_707 = tpu.vector_load %arg14[%get3A_705, %get3A_706] {strides = array<i32>} : memref<128x128xf32, #tpu.memory_space<vmem>>, vector<16xf32>,
            %add3A_708 = arith.addf %add3A_660, %get3A_707 : vector<16xf32>
            %add3A_709 = arith.constant 7 : i32
            %add3A_710 = arith.addi %mul3A_350, %add3A_709 : i32
            %get3A_711 = arith.index_cast %add3A_710 : i32 to index
            %get3A_712 = arith.constant 96 : index
            %get3A_713 = tpu.vector_load %arg14[%get3A_711, %get3A_712] {strides = array<i32>} : memref<128x128xf32, #tpu.memory_space<vmem>>, vector<16xf32>,
            %add3A_714 = arith.addf %add3A_666, %get3A_713 : vector<16xf32>
            %add3A_715 = arith.constant 7 : i32
            %add3A_716 = arith.addi %mul3A_350, %add3A_715 : i32
            %get3A_717 = arith.index_cast %add3A_716 : i32 to index
            %get3A_718 = arith.constant 112 : index
            %get3A_719 = tpu.vector_load %arg14[%get3A_717, %get3A_718] {strides = array<i32>} : memref<128x128xf32, #tpu.memory_space<vmem>>, vector<16xf32>,
            %add3A_720 = arith.addf %add3A_672, %get3A_719 : vector<16xf32>
            %add3A_721 = arith.constant 8 : i32
            %add3A_722 = arith.addi %mul3A_350, %add3A_721 : i32
            %get3A_723 = arith.index_cast %add3A_722 : i32 to index
            %get3A_724 = arith.constant 0 : index
            %get3A_725 = tpu.vector_load %arg14[%get3A_723, %get3A_724] {strides = array<i32>} : memref<128x128xf32, #tpu.memory_space<vmem>>, vector<16xf32>,
            %add3A_726 = arith.addf %add3A_678, %get3A_725 : vector<16xf32>
            %add3A_727 = arith.constant 8 : i32
            %add3A_728 = arith.addi %mul3A_350, %add3A_727 : i32
            %get3A_729 = arith.index_cast %add3A_728 : i32 to index
            %get3A_730 = arith.constant 16 : index
            %get3A_731 = tpu.vector_load %arg14[%get3A_729, %get3A_730] {strides = array<i32>} : memref<128x128xf32, #tpu.memory_space<vmem>>, vector<16xf32>,
            %add3A_732 = arith.addf %add3A_684, %get3A_731 : vector<16xf32>
            %add3A_733 = arith.constant 8 : i32
            %add3A_734 = arith.addi %mul3A_350, %add3A_733 : i32
            %get3A_735 = arith.index_cast %add3A_734 : i32 to index
            %get3A_736 = arith.constant 32 : index
            %get3A_737 = tpu.vector_load %arg14[%get3A_735, %get3A_736] {strides = array<i32>} : memref<128x128xf32, #tpu.memory_space<vmem>>, vector<16xf32>,
            %add3A_738 = arith.addf %add3A_690, %get3A_737 : vector<16xf32>
            %add3A_739 = arith.constant 8 : i32
            %add3A_740 = arith.addi %mul3A_350, %add3A_739 : i32
            %get3A_741 = arith.index_cast %add3A_740 : i32 to index
            %get3A_742 = arith.constant 48 : index
            %get3A_743 = tpu.vector_load %arg14[%get3A_741, %get3A_742] {strides = array<i32>} : memref<128x128xf32, #tpu.memory_space<vmem>>, vector<16xf32>,
            %add3A_744 = arith.addf %add3A_696, %get3A_743 : vector<16xf32>
            %add3A_745 = arith.constant 8 : i32
            %add3A_746 = arith.addi %mul3A_350, %add3A_745 : i32
            %get3A_747 = arith.index_cast %add3A_746 : i32 to index
            %get3A_748 = arith.constant 64 : index
            %get3A_749 = tpu.vector_load %arg14[%get3A_747, %get3A_748] {strides = array<i32>} : memref<128x128xf32, #tpu.memory_space<vmem>>, vector<16xf32>,
            %add3A_750 = arith.addf %add3A_702, %get3A_749 : vector<16xf32>
            %add3A_751 = arith.constant 8 : i32
            %add3A_752 = arith.addi %mul3A_350, %add3A_751 : i32
            %get3A_753 = arith.index_cast %add3A_752 : i32 to index
            %get3A_754 = arith.constant 80 : index
            %get3A_755 = tpu.vector_load %arg14[%get3A_753, %get3A_754] {strides = array<i32>} : memref<128x128xf32, #tpu.memory_space<vmem>>, vector<16xf32>,
            %add3A_756 = arith.addf %add3A_708, %get3A_755 : vector<16xf32>
            %add3A_757 = arith.constant 8 : i32
            %add3A_758 = arith.addi %mul3A_350, %add3A_757 : i32
            %get3A_759 = arith.index_cast %add3A_758 : i32 to index
            %get3A_760 = arith.constant 96 : index
            %get3A_761 = tpu.vector_load %arg14[%get3A_759, %get3A_760] {strides = array<i32>} : memref<128x128xf32, #tpu.memory_space<vmem>>, vector<16xf32>,
            %add3A_762 = arith.addf %add3A_714, %get3A_761 : vector<16xf32>
            %add3A_763 = arith.constant 8 : i32
            %add3A_764 = arith.addi %mul3A_350, %add3A_763 : i32
            %get3A_765 = arith.index_cast %add3A_764 : i32 to index
            %get3A_766 = arith.constant 112 : index
            %get3A_767 = tpu.vector_load %arg14[%get3A_765, %get3A_766] {strides = array<i32>} : memref<128x128xf32, #tpu.memory_space<vmem>>, vector<16xf32>,
            %add3A_768 = arith.addf %add3A_720, %get3A_767 : vector<16xf32>
            %add3A_769 = arith.constant 9 : i32
            %add3A_770 = arith.addi %mul3A_350, %add3A_769 : i32
            %get3A_771 = arith.index_cast %add3A_770 : i32 to index
            %get3A_772 = arith.constant 0 : index
            %get3A_773 = tpu.vector_load %arg14[%get3A_771, %get3A_772] {strides = array<i32>} : memref<128x128xf32, #tpu.memory_space<vmem>>, vector<16xf32>,
            %add3A_774 = arith.addf %add3A_726, %get3A_773 : vector<16xf32>
            %add3A_775 = arith.constant 9 : i32
            %add3A_776 = arith.addi %mul3A_350, %add3A_775 : i32
            %get3A_777 = arith.index_cast %add3A_776 : i32 to index
            %get3A_778 = arith.constant 16 : index
            %get3A_779 = tpu.vector_load %arg14[%get3A_777, %get3A_778] {strides = array<i32>} : memref<128x128xf32, #tpu.memory_space<vmem>>, vector<16xf32>,
            %add3A_780 = arith.addf %add3A_732, %get3A_779 : vector<16xf32>
            %add3A_781 = arith.constant 9 : i32
            %add3A_782 = arith.addi %mul3A_350, %add3A_781 : i32
            %get3A_783 = arith.index_cast %add3A_782 : i32 to index
            %get3A_784 = arith.constant 32 : index
            %get3A_785 = tpu.vector_load %arg14[%get3A_783, %get3A_784] {strides = array<i32>} : memref<128x128xf32, #tpu.memory_space<vmem>>, vector<16xf32>,
            %add3A_786 = arith.addf %add3A_738, %get3A_785 : vector<16xf32>
            %add3A_787 = arith.constant 9 : i32
            %add3A_788 = arith.addi %mul3A_350, %add3A_787 : i32
            %get3A_789 = arith.index_cast %add3A_788 : i32 to index
            %get3A_790 = arith.constant 48 : index
            %get3A_791 = tpu.vector_load %arg14[%get3A_789, %get3A_790] {strides = array<i32>} : memref<128x128xf32, #tpu.memory_space<vmem>>, vector<16xf32>,
            %add3A_792 = arith.addf %add3A_744, %get3A_791 : vector<16xf32>
            %add3A_793 = arith.constant 9 : i32
            %add3A_794 = arith.addi %mul3A_350, %add3A_793 : i32
            %get3A_795 = arith.index_cast %add3A_794 : i32 to index
            %get3A_796 = arith.constant 64 : index
            %get3A_797 = tpu.vector_load %arg14[%get3A_795, %get3A_796] {strides = array<i32>} : memref<128x128xf32, #tpu.memory_space<vmem>>, vector<16xf32>,
            %add3A_798 = arith.addf %add3A_750, %get3A_797 : vector<16xf32>
            %add3A_799 = arith.constant 9 : i32
            %add3A_800 = arith.addi %mul3A_350, %add3A_799 : i32
            %get3A_801 = arith.index_cast %add3A_800 : i32 to index
            %get3A_802 = arith.constant 80 : index
            %get3A_803 = tpu.vector_load %arg14[%get3A_801, %get3A_802] {strides = array<i32>} : memref<128x128xf32, #tpu.memory_space<vmem>>, vector<16xf32>,
            %add3A_804 = arith.addf %add3A_756, %get3A_803 : vector<16xf32>
            %add3A_805 = arith.constant 9 : i32
            %add3A_806 = arith.addi %mul3A_350, %add3A_805 : i32
            %get3A_807 = arith.index_cast %add3A_806 : i32 to index
            %get3A_808 = arith.constant 96 : index
            %get3A_809 = tpu.vector_load %arg14[%get3A_807, %get3A_808] {strides = array<i32>} : memref<128x128xf32, #tpu.memory_space<vmem>>, vector<16xf32>,
            %add3A_810 = arith.addf %add3A_762, %get3A_809 : vector<16xf32>
            %add3A_811 = arith.constant 9 : i32
            %add3A_812 = arith.addi %mul3A_350, %add3A_811 : i32
            %get3A_813 = arith.index_cast %add3A_812 : i32 to index
            %get3A_814 = arith.constant 112 : index
            %get3A_815 = tpu.vector_load %arg14[%get3A_813, %get3A_814] {strides = array<i32>} : memref<128x128xf32, #tpu.memory_space<vmem>>, vector<16xf32>,
            %add3A_816 = arith.addf %add3A_768, %get3A_815 : vector<16xf32>
            %add3A_817 = arith.constant 10 : i32
            %add3A_818 = arith.addi %mul3A_350, %add3A_817 : i32
            %get3A_819 = arith.index_cast %add3A_818 : i32 to index
            %get3A_820 = arith.constant 0 : index
            %get3A_821 = tpu.vector_load %arg14[%get3A_819, %get3A_820] {strides = array<i32>} : memref<128x128xf32, #tpu.memory_space<vmem>>, vector<16xf32>,
            %add3A_822 = arith.addf %add3A_774, %get3A_821 : vector<16xf32>
            %add3A_823 = arith.constant 10 : i32
            %add3A_824 = arith.addi %mul3A_350, %add3A_823 : i32
            %get3A_825 = arith.index_cast %add3A_824 : i32 to index
            %get3A_826 = arith.constant 16 : index
            %get3A_827 = tpu.vector_load %arg14[%get3A_825, %get3A_826] {strides = array<i32>} : memref<128x128xf32, #tpu.memory_space<vmem>>, vector<16xf32>,
            %add3A_828 = arith.addf %add3A_780, %get3A_827 : vector<16xf32>
            %add3A_829 = arith.constant 10 : i32
            %add3A_830 = arith.addi %mul3A_350, %add3A_829 : i32
            %get3A_831 = arith.index_cast %add3A_830 : i32 to index
            %get3A_832 = arith.constant 32 : index
            %get3A_833 = tpu.vector_load %arg14[%get3A_831, %get3A_832] {strides = array<i32>} : memref<128x128xf32, #tpu.memory_space<vmem>>, vector<16xf32>,
            %add3A_834 = arith.addf %add3A_786, %get3A_833 : vector<16xf32>
            %add3A_835 = arith.constant 10 : i32
            %add3A_836 = arith.addi %mul3A_350, %add3A_835 : i32
            %get3A_837 = arith.index_cast %add3A_836 : i32 to index
            %get3A_838 = arith.constant 48 : index
            %get3A_839 = tpu.vector_load %arg14[%get3A_837, %get3A_838] {strides = array<i32>} : memref<128x128xf32, #tpu.memory_space<vmem>>, vector<16xf32>,
            %add3A_840 = arith.addf %add3A_792, %get3A_839 : vector<16xf32>
            %add3A_841 = arith.constant 10 : i32
            %add3A_842 = arith.addi %mul3A_350, %add3A_841 : i32
            %get3A_843 = arith.index_cast %add3A_842 : i32 to index
            %get3A_844 = arith.constant 64 : index
            %get3A_845 = tpu.vector_load %arg14[%get3A_843, %get3A_844] {strides = array<i32>} : memref<128x128xf32, #tpu.memory_space<vmem>>, vector<16xf32>,
            %add3A_846 = arith.addf %add3A_798, %get3A_845 : vector<16xf32>
            %add3A_847 = arith.constant 10 : i32
            %add3A_848 = arith.addi %mul3A_350, %add3A_847 : i32
            %get3A_849 = arith.index_cast %add3A_848 : i32 to index
            %get3A_850 = arith.constant 80 : index
            %get3A_851 = tpu.vector_load %arg14[%get3A_849, %get3A_850] {strides = array<i32>} : memref<128x128xf32, #tpu.memory_space<vmem>>, vector<16xf32>,
            %add3A_852 = arith.addf %add3A_804, %get3A_851 : vector<16xf32>
            %add3A_853 = arith.constant 10 : i32
            %add3A_854 = arith.addi %mul3A_350, %add3A_853 : i32
            %get3A_855 = arith.index_cast %add3A_854 : i32 to index
            %get3A_856 = arith.constant 96 : index
            %get3A_857 = tpu.vector_load %arg14[%get3A_855, %get3A_856] {strides = array<i32>} : memref<128x128xf32, #tpu.memory_space<vmem>>, vector<16xf32>,
            %add3A_858 = arith.addf %add3A_810, %get3A_857 : vector<16xf32>
            %add3A_859 = arith.constant 10 : i32
            %add3A_860 = arith.addi %mul3A_350, %add3A_859 : i32
            %get3A_861 = arith.index_cast %add3A_860 : i32 to index
            %get3A_862 = arith.constant 112 : index
            %get3A_863 = tpu.vector_load %arg14[%get3A_861, %get3A_862] {strides = array<i32>} : memref<128x128xf32, #tpu.memory_space<vmem>>, vector<16xf32>,
            %add3A_864 = arith.addf %add3A_816, %get3A_863 : vector<16xf32>
            %add3A_865 = arith.constant 11 : i32
            %add3A_866 = arith.addi %mul3A_350, %add3A_865 : i32
            %get3A_867 = arith.index_cast %add3A_866 : i32 to index
            %get3A_868 = arith.constant 0 : index
            %get3A_869 = tpu.vector_load %arg14[%get3A_867, %get3A_868] {strides = array<i32>} : memref<128x128xf32, #tpu.memory_space<vmem>>, vector<16xf32>,
            %add3A_870 = arith.addf %add3A_822, %get3A_869 : vector<16xf32>
            %add3A_871 = arith.constant 11 : i32
            %add3A_872 = arith.addi %mul3A_350, %add3A_871 : i32
            %get3A_873 = arith.index_cast %add3A_872 : i32 to index
            %get3A_874 = arith.constant 16 : index
            %get3A_875 = tpu.vector_load %arg14[%get3A_873, %get3A_874] {strides = array<i32>} : memref<128x128xf32, #tpu.memory_space<vmem>>, vector<16xf32>,
            %add3A_876 = arith.addf %add3A_828, %get3A_875 : vector<16xf32>
            %add3A_877 = arith.constant 11 : i32
            %add3A_878 = arith.addi %mul3A_350, %add3A_877 : i32
            %get3A_879 = arith.index_cast %add3A_878 : i32 to index
            %get3A_880 = arith.constant 32 : index
            %get3A_881 = tpu.vector_load %arg14[%get3A_879, %get3A_880] {strides = array<i32>} : memref<128x128xf32, #tpu.memory_space<vmem>>, vector<16xf32>,
            %add3A_882 = arith.addf %add3A_834, %get3A_881 : vector<16xf32>
            %add3A_883 = arith.constant 11 : i32
            %add3A_884 = arith.addi %mul3A_350, %add3A_883 : i32
            %get3A_885 = arith.index_cast %add3A_884 : i32 to index
            %get3A_886 = arith.constant 48 : index
            %get3A_887 = tpu.vector_load %arg14[%get3A_885, %get3A_886] {strides = array<i32>} : memref<128x128xf32, #tpu.memory_space<vmem>>, vector<16xf32>,
            %add3A_888 = arith.addf %add3A_840, %get3A_887 : vector<16xf32>
            %add3A_889 = arith.constant 11 : i32
            %add3A_890 = arith.addi %mul3A_350, %add3A_889 : i32
            %get3A_891 = arith.index_cast %add3A_890 : i32 to index
            %get3A_892 = arith.constant 64 : index
            %get3A_893 = tpu.vector_load %arg14[%get3A_891, %get3A_892] {strides = array<i32>} : memref<128x128xf32, #tpu.memory_space<vmem>>, vector<16xf32>,
            %add3A_894 = arith.addf %add3A_846, %get3A_893 : vector<16xf32>
            %add3A_895 = arith.constant 11 : i32
            %add3A_896 = arith.addi %mul3A_350, %add3A_895 : i32
            %get3A_897 = arith.index_cast %add3A_896 : i32 to index
            %get3A_898 = arith.constant 80 : index
            %get3A_899 = tpu.vector_load %arg14[%get3A_897, %get3A_898] {strides = array<i32>} : memref<128x128xf32, #tpu.memory_space<vmem>>, vector<16xf32>,
            %add3A_900 = arith.addf %add3A_852, %get3A_899 : vector<16xf32>
            %add3A_901 = arith.constant 11 : i32
            %add3A_902 = arith.addi %mul3A_350, %add3A_901 : i32
            %get3A_903 = arith.index_cast %add3A_902 : i32 to index
            %get3A_904 = arith.constant 96 : index
            %get3A_905 = tpu.vector_load %arg14[%get3A_903, %get3A_904] {strides = array<i32>} : memref<128x128xf32, #tpu.memory_space<vmem>>, vector<16xf32>,
            %add3A_906 = arith.addf %add3A_858, %get3A_905 : vector<16xf32>
            %add3A_907 = arith.constant 11 : i32
            %add3A_908 = arith.addi %mul3A_350, %add3A_907 : i32
            %get3A_909 = arith.index_cast %add3A_908 : i32 to index
            %get3A_910 = arith.constant 112 : index
            %get3A_911 = tpu.vector_load %arg14[%get3A_909, %get3A_910] {strides = array<i32>} : memref<128x128xf32, #tpu.memory_space<vmem>>, vector<16xf32>,
            %add3A_912 = arith.addf %add3A_864, %get3A_911 : vector<16xf32>
            %add3A_913 = arith.constant 12 : i32
            %add3A_914 = arith.addi %mul3A_350, %add3A_913 : i32
            %get3A_915 = arith.index_cast %add3A_914 : i32 to index
            %get3A_916 = arith.constant 0 : index
            %get3A_917 = tpu.vector_load %arg14[%get3A_915, %get3A_916] {strides = array<i32>} : memref<128x128xf32, #tpu.memory_space<vmem>>, vector<16xf32>,
            %add3A_918 = arith.addf %add3A_870, %get3A_917 : vector<16xf32>
            %add3A_919 = arith.constant 12 : i32
            %add3A_920 = arith.addi %mul3A_350, %add3A_919 : i32
            %get3A_921 = arith.index_cast %add3A_920 : i32 to index
            %get3A_922 = arith.constant 16 : index
            %get3A_923 = tpu.vector_load %arg14[%get3A_921, %get3A_922] {strides = array<i32>} : memref<128x128xf32, #tpu.memory_space<vmem>>, vector<16xf32>,
            %add3A_924 = arith.addf %add3A_876, %get3A_923 : vector<16xf32>
            %add3A_925 = arith.constant 12 : i32
            %add3A_926 = arith.addi %mul3A_350, %add3A_925 : i32
            %get3A_927 = arith.index_cast %add3A_926 : i32 to index
            %get3A_928 = arith.constant 32 : index
            %get3A_929 = tpu.vector_load %arg14[%get3A_927, %get3A_928] {strides = array<i32>} : memref<128x128xf32, #tpu.memory_space<vmem>>, vector<16xf32>,
            %add3A_930 = arith.addf %add3A_882, %get3A_929 : vector<16xf32>
            %add3A_931 = arith.constant 12 : i32
            %add3A_932 = arith.addi %mul3A_350, %add3A_931 : i32
            %get3A_933 = arith.index_cast %add3A_932 : i32 to index
            %get3A_934 = arith.constant 48 : index
            %get3A_935 = tpu.vector_load %arg14[%get3A_933, %get3A_934] {strides = array<i32>} : memref<128x128xf32, #tpu.memory_space<vmem>>, vector<16xf32>,
            %add3A_936 = arith.addf %add3A_888, %get3A_935 : vector<16xf32>
            %add3A_937 = arith.constant 12 : i32
            %add3A_938 = arith.addi %mul3A_350, %add3A_937 : i32
            %get3A_939 = arith.index_cast %add3A_938 : i32 to index
            %get3A_940 = arith.constant 64 : index
            %get3A_941 = tpu.vector_load %arg14[%get3A_939, %get3A_940] {strides = array<i32>} : memref<128x128xf32, #tpu.memory_space<vmem>>, vector<16xf32>,
            %add3A_942 = arith.addf %add3A_894, %get3A_941 : vector<16xf32>
            %add3A_943 = arith.constant 12 : i32
            %add3A_944 = arith.addi %mul3A_350, %add3A_943 : i32
            %get3A_945 = arith.index_cast %add3A_944 : i32 to index
            %get3A_946 = arith.constant 80 : index
            %get3A_947 = tpu.vector_load %arg14[%get3A_945, %get3A_946] {strides = array<i32>} : memref<128x128xf32, #tpu.memory_space<vmem>>, vector<16xf32>,
            %add3A_948 = arith.addf %add3A_900, %get3A_947 : vector<16xf32>
            %add3A_949 = arith.constant 12 : i32
            %add3A_950 = arith.addi %mul3A_350, %add3A_949 : i32
            %get3A_951 = arith.index_cast %add3A_950 : i32 to index
            %get3A_952 = arith.constant 96 : index
            %get3A_953 = tpu.vector_load %arg14[%get3A_951, %get3A_952] {strides = array<i32>} : memref<128x128xf32, #tpu.memory_space<vmem>>, vector<16xf32>,
            %add3A_954 = arith.addf %add3A_906, %get3A_953 : vector<16xf32>
            %add3A_955 = arith.constant 12 : i32
            %add3A_956 = arith.addi %mul3A_350, %add3A_955 : i32
            %get3A_957 = arith.index_cast %add3A_956 : i32 to index
            %get3A_958 = arith.constant 112 : index
            %get3A_959 = tpu.vector_load %arg14[%get3A_957, %get3A_958] {strides = array<i32>} : memref<128x128xf32, #tpu.memory_space<vmem>>, vector<16xf32>,
            %add3A_960 = arith.addf %add3A_912, %get3A_959 : vector<16xf32>
            %add3A_961 = arith.constant 13 : i32
            %add3A_962 = arith.addi %mul3A_350, %add3A_961 : i32
            %get3A_963 = arith.index_cast %add3A_962 : i32 to index
            %get3A_964 = arith.constant 0 : index
            %get3A_965 = tpu.vector_load %arg14[%get3A_963, %get3A_964] {strides = array<i32>} : memref<128x128xf32, #tpu.memory_space<vmem>>, vector<16xf32>,
            %add3A_966 = arith.addf %add3A_918, %get3A_965 : vector<16xf32>
            %add3A_967 = arith.constant 13 : i32
            %add3A_968 = arith.addi %mul3A_350, %add3A_967 : i32
            %get3A_969 = arith.index_cast %add3A_968 : i32 to index
            %get3A_970 = arith.constant 16 : index
            %get3A_971 = tpu.vector_load %arg14[%get3A_969, %get3A_970] {strides = array<i32>} : memref<128x128xf32, #tpu.memory_space<vmem>>, vector<16xf32>,
            %add3A_972 = arith.addf %add3A_924, %get3A_971 : vector<16xf32>
            %add3A_973 = arith.constant 13 : i32
            %add3A_974 = arith.addi %mul3A_350, %add3A_973 : i32
            %get3A_975 = arith.index_cast %add3A_974 : i32 to index
            %get3A_976 = arith.constant 32 : index
            %get3A_977 = tpu.vector_load %arg14[%get3A_975, %get3A_976] {strides = array<i32>} : memref<128x128xf32, #tpu.memory_space<vmem>>, vector<16xf32>,
            %add3A_978 = arith.addf %add3A_930, %get3A_977 : vector<16xf32>
            %add3A_979 = arith.constant 13 : i32
            %add3A_980 = arith.addi %mul3A_350, %add3A_979 : i32
            %get3A_981 = arith.index_cast %add3A_980 : i32 to index
            %get3A_982 = arith.constant 48 : index
            %get3A_983 = tpu.vector_load %arg14[%get3A_981, %get3A_982] {strides = array<i32>} : memref<128x128xf32, #tpu.memory_space<vmem>>, vector<16xf32>,
            %add3A_984 = arith.addf %add3A_936, %get3A_983 : vector<16xf32>
            %add3A_985 = arith.constant 13 : i32
            %add3A_986 = arith.addi %mul3A_350, %add3A_985 : i32
            %get3A_987 = arith.index_cast %add3A_986 : i32 to index
            %get3A_988 = arith.constant 64 : index
            %get3A_989 = tpu.vector_load %arg14[%get3A_987, %get3A_988] {strides = array<i32>} : memref<128x128xf32, #tpu.memory_space<vmem>>, vector<16xf32>,
            %add3A_990 = arith.addf %add3A_942, %get3A_989 : vector<16xf32>
            %add3A_991 = arith.constant 13 : i32
            %add3A_992 = arith.addi %mul3A_350, %add3A_991 : i32
            %get3A_993 = arith.index_cast %add3A_992 : i32 to index
            %get3A_994 = arith.constant 80 : index
            %get3A_995 = tpu.vector_load %arg14[%get3A_993, %get3A_994] {strides = array<i32>} : memref<128x128xf32, #tpu.memory_space<vmem>>, vector<16xf32>,
            %add3A_996 = arith.addf %add3A_948, %get3A_995 : vector<16xf32>
            %add3A_997 = arith.constant 13 : i32
            %add3A_998 = arith.addi %mul3A_350, %add3A_997 : i32
            %get3A_999 = arith.index_cast %add3A_998 : i32 to index
            %get3A_1000 = arith.constant 96 : index
            %get3A_1001 = tpu.vector_load %arg14[%get3A_999, %get3A_1000] {strides = array<i32>} : memref<128x128xf32, #tpu.memory_space<vmem>>, vector<16xf32>,
            %add3A_1002 = arith.addf %add3A_954, %get3A_1001 : vector<16xf32>
            %add3A_1003 = arith.constant 13 : i32
            %add3A_1004 = arith.addi %mul3A_350, %add3A_1003 : i32
            %get3A_1005 = arith.index_cast %add3A_1004 : i32 to index
            %get3A_1006 = arith.constant 112 : index
            %get3A_1007 = tpu.vector_load %arg14[%get3A_1005, %get3A_1006] {strides = array<i32>} : memref<128x128xf32, #tpu.memory_space<vmem>>, vector<16xf32>,
            %add3A_1008 = arith.addf %add3A_960, %get3A_1007 : vector<16xf32>
            %add3A_1009 = arith.constant 14 : i32
            %add3A_1010 = arith.addi %mul3A_350, %add3A_1009 : i32
            %get3A_1011 = arith.index_cast %add3A_1010 : i32 to index
            %get3A_1012 = arith.constant 0 : index
            %get3A_1013 = tpu.vector_load %arg14[%get3A_1011, %get3A_1012] {strides = array<i32>} : memref<128x128xf32, #tpu.memory_space<vmem>>, vector<16xf32>,
            %add3A_1014 = arith.addf %add3A_966, %get3A_1013 : vector<16xf32>
            %add3A_1015 = arith.constant 14 : i32
            %add3A_1016 = arith.addi %mul3A_350, %add3A_1015 : i32
            %get3A_1017 = arith.index_cast %add3A_1016 : i32 to index
            %get3A_1018 = arith.constant 16 : index
            %get3A_1019 = tpu.vector_load %arg14[%get3A_1017, %get3A_1018] {strides = array<i32>} : memref<128x128xf32, #tpu.memory_space<vmem>>, vector<16xf32>,
            %add3A_1020 = arith.addf %add3A_972, %get3A_1019 : vector<16xf32>
            %add3A_1021 = arith.constant 14 : i32
            %add3A_1022 = arith.addi %mul3A_350, %add3A_1021 : i32
            %get3A_1023 = arith.index_cast %add3A_1022 : i32 to index
            %get3A_1024 = arith.constant 32 : index
            %get3A_1025 = tpu.vector_load %arg14[%get3A_1023, %get3A_1024] {strides = array<i32>} : memref<128x128xf32, #tpu.memory_space<vmem>>, vector<16xf32>,
            %add3A_1026 = arith.addf %add3A_978, %get3A_1025 : vector<16xf32>
            %add3A_1027 = arith.constant 14 : i32
            %add3A_1028 = arith.addi %mul3A_350, %add3A_1027 : i32
            %get3A_1029 = arith.index_cast %add3A_1028 : i32 to index
            %get3A_1030 = arith.constant 48 : index
            %get3A_1031 = tpu.vector_load %arg14[%get3A_1029, %get3A_1030] {strides = array<i32>} : memref<128x128xf32, #tpu.memory_space<vmem>>, vector<16xf32>,
            %add3A_1032 = arith.addf %add3A_984, %get3A_1031 : vector<16xf32>
            %add3A_1033 = arith.constant 14 : i32
            %add3A_1034 = arith.addi %mul3A_350, %add3A_1033 : i32
            %get3A_1035 = arith.index_cast %add3A_1034 : i32 to index
            %get3A_1036 = arith.constant 64 : index
            %get3A_1037 = tpu.vector_load %arg14[%get3A_1035, %get3A_1036] {strides = array<i32>} : memref<128x128xf32, #tpu.memory_space<vmem>>, vector<16xf32>,
            %add3A_1038 = arith.addf %add3A_990, %get3A_1037 : vector<16xf32>
            %add3A_1039 = arith.constant 14 : i32
            %add3A_1040 = arith.addi %mul3A_350, %add3A_1039 : i32
            %get3A_1041 = arith.index_cast %add3A_1040 : i32 to index
            %get3A_1042 = arith.constant 80 : index
            %get3A_1043 = tpu.vector_load %arg14[%get3A_1041, %get3A_1042] {strides = array<i32>} : memref<128x128xf32, #tpu.memory_space<vmem>>, vector<16xf32>,
            %add3A_1044 = arith.addf %add3A_996, %get3A_1043 : vector<16xf32>
            %add3A_1045 = arith.constant 14 : i32
            %add3A_1046 = arith.addi %mul3A_350, %add3A_1045 : i32
            %get3A_1047 = arith.index_cast %add3A_1046 : i32 to index
            %get3A_1048 = arith.constant 96 : index
            %get3A_1049 = tpu.vector_load %arg14[%get3A_1047, %get3A_1048] {strides = array<i32>} : memref<128x128xf32, #tpu.memory_space<vmem>>, vector<16xf32>,
            %add3A_1050 = arith.addf %add3A_1002, %get3A_1049 : vector<16xf32>
            %add3A_1051 = arith.constant 14 : i32
            %add3A_1052 = arith.addi %mul3A_350, %add3A_1051 : i32
            %get3A_1053 = arith.index_cast %add3A_1052 : i32 to index
            %get3A_1054 = arith.constant 112 : index
            %get3A_1055 = tpu.vector_load %arg14[%get3A_1053, %get3A_1054] {strides = array<i32>} : memref<128x128xf32, #tpu.memory_space<vmem>>, vector<16xf32>,
            %add3A_1056 = arith.addf %add3A_1008, %get3A_1055 : vector<16xf32>
            %add3A_1057 = arith.constant 15 : i32
            %add3A_1058 = arith.addi %mul3A_350, %add3A_1057 : i32
            %get3A_1059 = arith.index_cast %add3A_1058 : i32 to index
            %get3A_1060 = arith.constant 0 : index
            %get3A_1061 = tpu.vector_load %arg14[%get3A_1059, %get3A_1060] {strides = array<i32>} : memref<128x128xf32, #tpu.memory_space<vmem>>, vector<16xf32>,
            %add3A_1062 = arith.addf %add3A_1014, %get3A_1061 : vector<16xf32>
            %add3A_1063 = arith.constant 15 : i32
            %add3A_1064 = arith.addi %mul3A_350, %add3A_1063 : i32
            %get3A_1065 = arith.index_cast %add3A_1064 : i32 to index
            %get3A_1066 = arith.constant 16 : index
            %get3A_1067 = tpu.vector_load %arg14[%get3A_1065, %get3A_1066] {strides = array<i32>} : memref<128x128xf32, #tpu.memory_space<vmem>>, vector<16xf32>,
            %add3A_1068 = arith.addf %add3A_1020, %get3A_1067 : vector<16xf32>
            %add3A_1069 = arith.constant 15 : i32
            %add3A_1070 = arith.addi %mul3A_350, %add3A_1069 : i32
            %get3A_1071 = arith.index_cast %add3A_1070 : i32 to index
            %get3A_1072 = arith.constant 32 : index
            %get3A_1073 = tpu.vector_load %arg14[%get3A_1071, %get3A_1072] {strides = array<i32>} : memref<128x128xf32, #tpu.memory_space<vmem>>, vector<16xf32>,
            %add3A_1074 = arith.addf %add3A_1026, %get3A_1073 : vector<16xf32>
            %add3A_1075 = arith.constant 15 : i32
            %add3A_1076 = arith.addi %mul3A_350, %add3A_1075 : i32
            %get3A_1077 = arith.index_cast %add3A_1076 : i32 to index
            %get3A_1078 = arith.constant 48 : index
            %get3A_1079 = tpu.vector_load %arg14[%get3A_1077, %get3A_1078] {strides = array<i32>} : memref<128x128xf32, #tpu.memory_space<vmem>>, vector<16xf32>,
            %add3A_1080 = arith.addf %add3A_1032, %get3A_1079 : vector<16xf32>
            %add3A_1081 = arith.constant 15 : i32
            %add3A_1082 = arith.addi %mul3A_350, %add3A_1081 : i32
            %get3A_1083 = arith.index_cast %add3A_1082 : i32 to index
            %get3A_1084 = arith.constant 64 : index
            %get3A_1085 = tpu.vector_load %arg14[%get3A_1083, %get3A_1084] {strides = array<i32>} : memref<128x128xf32, #tpu.memory_space<vmem>>, vector<16xf32>,
            %add3A_1086 = arith.addf %add3A_1038, %get3A_1085 : vector<16xf32>
            %add3A_1087 = arith.constant 15 : i32
            %add3A_1088 = arith.addi %mul3A_350, %add3A_1087 : i32
            %get3A_1089 = arith.index_cast %add3A_1088 : i32 to index
            %get3A_1090 = arith.constant 80 : index
            %get3A_1091 = tpu.vector_load %arg14[%get3A_1089, %get3A_1090] {strides = array<i32>} : memref<128x128xf32, #tpu.memory_space<vmem>>, vector<16xf32>,
            %add3A_1092 = arith.addf %add3A_1044, %get3A_1091 : vector<16xf32>
            %add3A_1093 = arith.constant 15 : i32
            %add3A_1094 = arith.addi %mul3A_350, %add3A_1093 : i32
            %get3A_1095 = arith.index_cast %add3A_1094 : i32 to index
            %get3A_1096 = arith.constant 96 : index
            %get3A_1097 = tpu.vector_load %arg14[%get3A_1095, %get3A_1096] {strides = array<i32>} : memref<128x128xf32, #tpu.memory_space<vmem>>, vector<16xf32>,
            %add3A_1098 = arith.addf %add3A_1050, %get3A_1097 : vector<16xf32>
            %add3A_1099 = arith.constant 15 : i32
            %add3A_1100 = arith.addi %mul3A_350, %add3A_1099 : i32
            %get3A_1101 = arith.index_cast %add3A_1100 : i32 to index
            %get3A_1102 = arith.constant 112 : index
            %get3A_1103 = tpu.vector_load %arg14[%get3A_1101, %get3A_1102] {strides = array<i32>} : memref<128x128xf32, #tpu.memory_space<vmem>>, vector<16xf32>,
            %add3A_1104 = arith.addf %add3A_1056, %get3A_1103 : vector<16xf32>
            tpu.vector_store_idx %arg16[%gather3A_335, %add3A_15], %add3A_1062 {add = true} : memref<256x128xf32, #tpu.memory_space<vmem>>[vector<16xi32>, vector<16xi32>], vector<16xf32>,
            tpu.vector_store_idx %arg16[%gather3A_335, %add3A_19], %add3A_1068 {add = true} : memref<256x128xf32, #tpu.memory_space<vmem>>[vector<16xi32>, vector<16xi32>], vector<16xf32>,
            tpu.vector_store_idx %arg16[%gather3A_335, %add3A_23], %add3A_1074 {add = true} : memref<256x128xf32, #tpu.memory_space<vmem>>[vector<16xi32>, vector<16xi32>], vector<16xf32>,
            tpu.vector_store_idx %arg16[%gather3A_335, %add3A_27], %add3A_1080 {add = true} : memref<256x128xf32, #tpu.memory_space<vmem>>[vector<16xi32>, vector<16xi32>], vector<16xf32>,
            tpu.vector_store_idx %arg16[%gather3A_335, %add3A_31], %add3A_1086 {add = true} : memref<256x128xf32, #tpu.memory_space<vmem>>[vector<16xi32>, vector<16xi32>], vector<16xf32>,
            tpu.vector_store_idx %arg16[%gather3A_335, %add3A_35], %add3A_1092 {add = true} : memref<256x128xf32, #tpu.memory_space<vmem>>[vector<16xi32>, vector<16xi32>], vector<16xf32>,
            tpu.vector_store_idx %arg16[%gather3A_335, %add3A_39], %add3A_1098 {add = true} : memref<256x128xf32, #tpu.memory_space<vmem>>[vector<16xi32>, vector<16xi32>], vector<16xf32>,
            tpu.vector_store_idx %arg16[%gather3A_335, %add3A_43], %add3A_1104 {add = true} : memref<256x128xf32, #tpu.memory_space<vmem>>[vector<16xi32>, vector<16xi32>], vector<16xf32>,
          } else {
          }
          %eq3A_356 = arith.constant 0 : i32
          %eq3A_357 = arith.cmpi eq, %reduce_min3A_348, %eq3A_356 : i32
          %convert_element_type3A_358 = arith.extui %eq3A_357 : i1 to i32
          %cond3A_359 = arith.constant 0 : i32
          %cond3A_360 = arith.cmpi ne, %convert_element_type3A_358, %cond3A_359 : i32
          scf.if %cond3A_360 {
            %scan3A_361 = arith.constant 0 : i32
            %scan3A_362 = arith.constant 0 : i32
            %scan3A_363 = arith.constant 16 : i32
            %scan3A_364 = arith.addi %scan3A_362, %scan3A_363 : i32
            %scan3A_365 = arith.constant 1 : i32
            scf.for %scan3A_367 = %scan3A_362 to %scan3A_364 step %scan3A_365  : i32 {
              %add3A_368 = vector.broadcast %scan3A_367 : i32 to vector<16xi32>
              %add3A_369 = arith.addi %add3A_47, %add3A_368 : vector<16xi32>
              %broadcast_in_dim3A_370 = vector.shape_cast %add3A_369 : vector<16xi32> to vector<16x1xi32>
              %gather3A_371 = vector.shape_cast %broadcast_in_dim3A_370 : vector<16x1xi32> to vector<16xi32>
              %gather3A_372 = tpu.dynamic_gather %get3A_333[%gather3A_371] in [0] : vector<16xi32>, vector<16xi32> -> vector<16xi32>
              %add3A_373 = arith.addi %mul3A_350, %scan3A_367 : i32
              %get3A_374 = arith.index_cast %add3A_373 : i32 to index
              %get3A_375 = arith.constant 0 : index
              %get3A_376 = tpu.vector_load %arg14[%get3A_374, %get3A_375] {strides = array<i32>} : memref<128x128xf32, #tpu.memory_space<vmem>>, vector<16xf32>,
              tpu.vector_store_idx %arg16[%gather3A_372, %add3A_15], %get3A_376 {add = true} : memref<256x128xf32, #tpu.memory_space<vmem>>[vector<16xi32>, vector<16xi32>], vector<16xf32>,
              %add3A_377 = arith.addi %mul3A_350, %scan3A_367 : i32
              %get3A_378 = arith.index_cast %add3A_377 : i32 to index
              %get3A_379 = arith.constant 16 : index
              %get3A_380 = tpu.vector_load %arg14[%get3A_378, %get3A_379] {strides = array<i32>} : memref<128x128xf32, #tpu.memory_space<vmem>>, vector<16xf32>,
              tpu.vector_store_idx %arg16[%gather3A_372, %add3A_19], %get3A_380 {add = true} : memref<256x128xf32, #tpu.memory_space<vmem>>[vector<16xi32>, vector<16xi32>], vector<16xf32>,
              %add3A_381 = arith.addi %mul3A_350, %scan3A_367 : i32
              %get3A_382 = arith.index_cast %add3A_381 : i32 to index
              %get3A_383 = arith.constant 32 : index
              %get3A_384 = tpu.vector_load %arg14[%get3A_382, %get3A_383] {strides = array<i32>} : memref<128x128xf32, #tpu.memory_space<vmem>>, vector<16xf32>,
              tpu.vector_store_idx %arg16[%gather3A_372, %add3A_23], %get3A_384 {add = true} : memref<256x128xf32, #tpu.memory_space<vmem>>[vector<16xi32>, vector<16xi32>], vector<16xf32>,
              %add3A_385 = arith.addi %mul3A_350, %scan3A_367 : i32
              %get3A_386 = arith.index_cast %add3A_385 : i32 to index
              %get3A_387 = arith.constant 48 : index
              %get3A_388 = tpu.vector_load %arg14[%get3A_386, %get3A_387] {strides = array<i32>} : memref<128x128xf32, #tpu.memory_space<vmem>>, vector<16xf32>,
              tpu.vector_store_idx %arg16[%gather3A_372, %add3A_27], %get3A_388 {add = true} : memref<256x128xf32, #tpu.memory_space<vmem>>[vector<16xi32>, vector<16xi32>], vector<16xf32>,
              %add3A_389 = arith.addi %mul3A_350, %scan3A_367 : i32
              %get3A_390 = arith.index_cast %add3A_389 : i32 to index
              %get3A_391 = arith.constant 64 : index
              %get3A_392 = tpu.vector_load %arg14[%get3A_390, %get3A_391] {strides = array<i32>} : memref<128x128xf32, #tpu.memory_space<vmem>>, vector<16xf32>,
              tpu.vector_store_idx %arg16[%gather3A_372, %add3A_31], %get3A_392 {add = true} : memref<256x128xf32, #tpu.memory_space<vmem>>[vector<16xi32>, vector<16xi32>], vector<16xf32>,
              %add3A_393 = arith.addi %mul3A_350, %scan3A_367 : i32
              %get3A_394 = arith.index_cast %add3A_393 : i32 to index
              %get3A_395 = arith.constant 80 : index
              %get3A_396 = tpu.vector_load %arg14[%get3A_394, %get3A_395] {strides = array<i32>} : memref<128x128xf32, #tpu.memory_space<vmem>>, vector<16xf32>,
              tpu.vector_store_idx %arg16[%gather3A_372, %add3A_35], %get3A_396 {add = true} : memref<256x128xf32, #tpu.memory_space<vmem>>[vector<16xi32>, vector<16xi32>], vector<16xf32>,
              %add3A_397 = arith.addi %mul3A_350, %scan3A_367 : i32
              %get3A_398 = arith.index_cast %add3A_397 : i32 to index
              %get3A_399 = arith.constant 96 : index
              %get3A_400 = tpu.vector_load %arg14[%get3A_398, %get3A_399] {strides = array<i32>} : memref<128x128xf32, #tpu.memory_space<vmem>>, vector<16xf32>,
              tpu.vector_store_idx %arg16[%gather3A_372, %add3A_39], %get3A_400 {add = true} : memref<256x128xf32, #tpu.memory_space<vmem>>[vector<16xi32>, vector<16xi32>], vector<16xf32>,
              %add3A_401 = arith.addi %mul3A_350, %scan3A_367 : i32
              %get3A_402 = arith.index_cast %add3A_401 : i32 to index
              %get3A_403 = arith.constant 112 : index
              %get3A_404 = tpu.vector_load %arg14[%get3A_402, %get3A_403] {strides = array<i32>} : memref<128x128xf32, #tpu.memory_space<vmem>>, vector<16xf32>,
              tpu.vector_store_idx %arg16[%gather3A_372, %add3A_43], %get3A_404 {add = true} : memref<256x128xf32, #tpu.memory_space<vmem>>[vector<16xi32>, vector<16xi32>], vector<16xf32>,
            }
            %scan3A_366 = arith.constant 16 : i32
          } else {
          }
        }
        %scan3A_328 = arith.constant 8 : i32
      } else {
      }
    }
    %while3A_80 = arith.constant 1 : i32
    scf.for %while3A_229 = %while3A_78 to %while3A_74 step %while3A_80  : i32 {
      %add3A_230 = arith.addi %select_n3A_65, %while3A_229 : i32
      %jit3A_231 = arith.constant 3 : i32
      %eq3A_232 = arith.constant 0 : i32
      %eq3A_233 = arith.cmpi eq, %jit3A_231, %eq3A_232 : i32
      %jit3A_234 = arith.constant 1 : i32
      %select_n3A_235 = arith.select %eq3A_233, %jit3A_234, %jit3A_231 : i32
      %rem3A_236 = arith.remsi %while3A_229, %select_n3A_235 : i32
      %ne3A_237 = arith.constant 0 : i32
      %ne3A_238 = arith.cmpi ne, %rem3A_236, %ne3A_237 : i32
      %lt3A_239 = arith.constant 0 : i32
      %lt3A_240 = arith.cmpi slt, %rem3A_236, %lt3A_239 : i32
      %lt3A_241 = arith.constant 0 : i32
      %lt3A_242 = arith.cmpi slt, %select_n3A_235, %lt3A_241 : i32
      %ne3A_243 = arith.xori %lt3A_240, %lt3A_242 : i1
      %and3A_244 = arith.andi %ne3A_243, %ne3A_238 : i1
      %add3A_245 = arith.addi %rem3A_236, %select_n3A_235 : i32
      %select_n3A_246 = arith.select %and3A_244, %add3A_245, %rem3A_236 : i32
      %eq3A_247 = arith.constant 0 : i32
      %eq3A_248 = arith.cmpi eq, %select_n3A_246, %eq3A_247 : i32
      %convert_element_type3A_249 = arith.extui %eq3A_248 : i1 to i32
      %cond3A_250 = arith.constant 0 : i32
      %cond3A_251 = arith.cmpi ne, %convert_element_type3A_249, %cond3A_250 : i32
      scf.if %cond3A_251 {
        %add3A_294 = arith.constant 2 : i32
        %add3A_295 = arith.addi %while3A_229, %add3A_294 : i32
        %lt3A_296 = arith.cmpi slt, %add3A_295, %select_n3A_55 : i32
        %convert_element_type3A_297 = arith.extui %lt3A_296 : i1 to i32
        %cond3A_298 = arith.constant 0 : i32
        %cond3A_299 = arith.cmpi ne, %convert_element_type3A_297, %cond3A_298 : i32
        scf.if %cond3A_299 {
          %add3A_321 = arith.constant 2 : i32
          %add3A_322 = arith.addi %add3A_230, %add3A_321 : i32
          %mul3A_323 = arith.constant 128 : i32
          %mul3A_324 = arith.muli %add3A_322, %mul3A_323 : i32
          %multiple_of3A_325 = tpu.assume_multiple %mul3A_324, 128 : i32
          %dma_start3A_326 = arith.constant 0 : i32
          %dma_start3A_327 = tpu.memref_slice %arg2[%multiple_of3A_325, %dma_start3A_326] : memref<320000x128xf32, #tpu.memory_space<hbm>> -> memref<128x128xf32, #tpu.memory_space<hbm>>
          %dma_start3A_328 = arith.constant 0 : i32
          %dma_start3A_329 = tpu.memref_slice %arg2[%multiple_of3A_325, %dma_start3A_328] : memref<320000x128xf32, #tpu.memory_space<hbm>> -> memref<128x128xf32, #tpu.memory_space<hbm>>
          tpu.enqueue_dma source(%dma_start3A_329 : memref<128x128xf32, #tpu.memory_space<hbm>>) target(%arg14 : memref<128x128xf32, #tpu.memory_space<vmem>>) target_semaphore(%arg21 : memref<!tpu.dma_semaphore, #tpu.memory_space<semaphore_mem>>)
        } else {
        }
        %dma_wait3A = arith.constant 0 : i32
        %dma_wait3A_300 = arith.constant 0 : i32
        %dma_wait3A_301 = tpu.memref_slice %arg2[%dma_wait3A, %dma_wait3A_300] : memref<320000x128xf32, #tpu.memory_space<hbm>> -> memref<128x128xf32, #tpu.memory_space<hbm>>
        %dma_wait3A_302 = arith.constant 0 : i32
        %dma_wait3A_303 = arith.constant 0 : i32
        %dma_wait3A_304 = tpu.memref_slice %arg2[%dma_wait3A_302, %dma_wait3A_303] : memref<320000x128xf32, #tpu.memory_space<hbm>> -> memref<128x128xf32, #tpu.memory_space<hbm>>
        tpu.wait_dma2 semaphore(%arg19 : memref<!tpu.dma_semaphore, #tpu.memory_space<semaphore_mem>>) src(%dma_wait3A_304 : memref<128x128xf32, #tpu.memory_space<hbm>>) dst(%arg12 : memref<128x128xf32, #tpu.memory_space<vmem>>)
        %mul3A_305 = arith.constant 128 : i32
        %mul3A_306 = arith.muli %add3A_230, %mul3A_305 : i32
        %add3A_307 = arith.constant 1 : i32
        %add3A_308 = arith.addi %mul3A_306, %add3A_307 : i32
        %scan3A_309 = arith.constant 0 : i32
        %scan3A_310 = arith.constant 0 : i32
        %scan3A_311 = arith.constant 8 : i32
        %scan3A_312 = arith.addi %scan3A_310, %scan3A_311 : i32
        %scan3A_313 = arith.constant 1 : i32
        scf.for %scan3A_321 = %scan3A_310 to %scan3A_312 step %scan3A_313  : i32 {
          %mul3A_322 = arith.constant 16 : i32
          %mul3A_323 = arith.muli %scan3A_321, %mul3A_322 : i32
          %get3A = arith.index_cast %while3A_229 : i32 to index
          %get3A_324 = arith.index_cast %mul3A_323 : i32 to index
          %get3A_325 = tpu.vector_load %arg15[%get3A, %get3A_324] {strides = array<i32>} : memref<80x128xi32, #tpu.memory_space<vmem>>, vector<16xi32>,
          %mul3A_326 = arith.constant 16 : i32
          %mul3A_327 = arith.muli %scan3A_321, %mul3A_326 : i32
          %add3A_328 = arith.addi %add3A_308, %mul3A_327 : i32
          %add3A_329 = vector.broadcast %add3A_328 : i32 to vector<16xi32>
          %add3A_330 = arith.addi %add3A_329, %iota3A : vector<16xi32>
          tpu.vector_store_idx %arg17[%get3A_325, %iota3A], %add3A_330 : memref<256x16xi32, #tpu.memory_space<vmem>>[vector<16xi32>, vector<16xi32>], vector<16xi32>,
        }
        %scan3A_314 = arith.constant 8 : i32
        %dma_start3A_315 = arith.constant 0 : i32
        %dma_start3A_316 = tpu.memref_slice %arg15[%while3A_229, %dma_start3A_315] : memref<80x128xi32, #tpu.memory_space<vmem>> -> memref<1x128xi32, #tpu.memory_space<vmem>>
        %dma_start3A_317 = tpu.memref_squeeze %dma_start3A_316 : memref<1x128xi32, #tpu.memory_space<vmem>> -> memref<128xi32, #tpu.memory_space<vmem>>
        %dma_start3A_318 = arith.constant 0 : i32
        %dma_start3A_319 = arith.constant 0 : i32
        %dma_start3A_320 = tpu.memref_slice %arg18[%dma_start3A_318, %dma_start3A_319] : memref<256x128xf32, #tpu.memory_space<vmem_shared>> -> memref<256x128xf32, #tpu.memory_space<vmem_shared>>
        tpu.enqueue_indirect_dma source(%arg12 : memref<128x128xf32, #tpu.memory_space<vmem>>) target(%dma_start3A_320 : memref<256x128xf32, #tpu.memory_space<vmem_shared>>) offsets(%dma_start3A_317 : memref<128xi32, #tpu.memory_space<vmem>>) semaphore(%arg22 : memref<!tpu.dma_semaphore, #tpu.memory_space<semaphore_mem>>) {add = true}
      } else {
      }
      %jit3A_252 = arith.constant 3 : i32
      %eq3A_253 = arith.constant 0 : i32
      %eq3A_254 = arith.cmpi eq, %jit3A_252, %eq3A_253 : i32
      %jit3A_255 = arith.constant 1 : i32
      %select_n3A_256 = arith.select %eq3A_254, %jit3A_255, %jit3A_252 : i32
      %rem3A_257 = arith.remsi %while3A_229, %select_n3A_256 : i32
      %ne3A_258 = arith.constant 0 : i32
      %ne3A_259 = arith.cmpi ne, %rem3A_257, %ne3A_258 : i32
      %lt3A_260 = arith.constant 0 : i32
      %lt3A_261 = arith.cmpi slt, %rem3A_257, %lt3A_260 : i32
      %lt3A_262 = arith.constant 0 : i32
      %lt3A_263 = arith.cmpi slt, %select_n3A_256, %lt3A_262 : i32
      %ne3A_264 = arith.xori %lt3A_261, %lt3A_263 : i1
      %and3A_265 = arith.andi %ne3A_264, %ne3A_259 : i1
      %add3A_266 = arith.addi %rem3A_257, %select_n3A_256 : i32
      %select_n3A_267 = arith.select %and3A_265, %add3A_266, %rem3A_257 : i32
      %eq3A_268 = arith.constant 1 : i32
      %eq3A_269 = arith.cmpi eq, %select_n3A_267, %eq3A_268 : i32
      %convert_element_type3A_270 = arith.extui %eq3A_269 : i1 to i32
      %cond3A_271 = arith.constant 0 : i32
      %cond3A_272 = arith.cmpi ne, %convert_element_type3A_270, %cond3A_271 : i32
      scf.if %cond3A_272 {
        %sub3A_294 = arith.constant 1 : i32
        %sub3A_295 = arith.subi %while3A_229, %sub3A_294 : i32
        %dma_wait3A = arith.constant 0 : i32
        %dma_wait3A_296 = tpu.memref_slice %arg15[%sub3A_295, %dma_wait3A] : memref<80x128xi32, #tpu.memory_space<vmem>> -> memref<1x128xi32, #tpu.memory_space<vmem>>
        %dma_wait3A_297 = tpu.memref_squeeze %dma_wait3A_296 : memref<1x128xi32, #tpu.memory_space<vmem>> -> memref<128xi32, #tpu.memory_space<vmem>>
        %dma_wait3A_298 = arith.constant 0 : i32
        %dma_wait3A_299 = arith.constant 0 : i32
        %dma_wait3A_300 = tpu.memref_slice %arg18[%dma_wait3A_298, %dma_wait3A_299] : memref<256x128xf32, #tpu.memory_space<vmem_shared>> -> memref<256x128xf32, #tpu.memory_space<vmem_shared>>
        tpu.wait_indirect_dma semaphore(%arg22 : memref<!tpu.dma_semaphore, #tpu.memory_space<semaphore_mem>>) src(%arg12 : memref<128x128xf32, #tpu.memory_space<vmem>>) dst(%dma_wait3A_300 : memref<256x128xf32, #tpu.memory_space<vmem_shared>>)
        %add3A_301 = arith.constant 2 : i32
        %add3A_302 = arith.addi %while3A_229, %add3A_301 : i32
        %lt3A_303 = arith.cmpi slt, %add3A_302, %select_n3A_55 : i32
        %convert_element_type3A_304 = arith.extui %lt3A_303 : i1 to i32
        %cond3A_305 = arith.constant 0 : i32
        %cond3A_306 = arith.cmpi ne, %convert_element_type3A_304, %cond3A_305 : i32
        scf.if %cond3A_306 {
          %add3A_329 = arith.constant 2 : i32
          %add3A_330 = arith.addi %add3A_230, %add3A_329 : i32
          %mul3A_331 = arith.constant 128 : i32
          %mul3A_332 = arith.muli %add3A_330, %mul3A_331 : i32
          %multiple_of3A_333 = tpu.assume_multiple %mul3A_332, 128 : i32
          %dma_start3A_334 = arith.constant 0 : i32
          %dma_start3A_335 = tpu.memref_slice %arg2[%multiple_of3A_333, %dma_start3A_334] : memref<320000x128xf32, #tpu.memory_space<hbm>> -> memref<128x128xf32, #tpu.memory_space<hbm>>
          %dma_start3A_336 = arith.constant 0 : i32
          %dma_start3A_337 = tpu.memref_slice %arg2[%multiple_of3A_333, %dma_start3A_336] : memref<320000x128xf32, #tpu.memory_space<hbm>> -> memref<128x128xf32, #tpu.memory_space<hbm>>
          tpu.enqueue_dma source(%dma_start3A_337 : memref<128x128xf32, #tpu.memory_space<hbm>>) target(%arg12 : memref<128x128xf32, #tpu.memory_space<vmem>>) target_semaphore(%arg19 : memref<!tpu.dma_semaphore, #tpu.memory_space<semaphore_mem>>)
        } else {
        }
        %dma_wait3A_307 = arith.constant 0 : i32
        %dma_wait3A_308 = arith.constant 0 : i32
        %dma_wait3A_309 = tpu.memref_slice %arg2[%dma_wait3A_307, %dma_wait3A_308] : memref<320000x128xf32, #tpu.memory_space<hbm>> -> memref<128x128xf32, #tpu.memory_space<hbm>>
        %dma_wait3A_310 = arith.constant 0 : i32
        %dma_wait3A_311 = arith.constant 0 : i32
        %dma_wait3A_312 = tpu.memref_slice %arg2[%dma_wait3A_310, %dma_wait3A_311] : memref<320000x128xf32, #tpu.memory_space<hbm>> -> memref<128x128xf32, #tpu.memory_space<hbm>>
        tpu.wait_dma2 semaphore(%arg20 : memref<!tpu.dma_semaphore, #tpu.memory_space<semaphore_mem>>) src(%dma_wait3A_312 : memref<128x128xf32, #tpu.memory_space<hbm>>) dst(%arg13 : memref<128x128xf32, #tpu.memory_space<vmem>>)
        %mul3A_313 = arith.constant 128 : i32
        %mul3A_314 = arith.muli %add3A_230, %mul3A_313 : i32
        %add3A_315 = arith.constant 1 : i32
        %add3A_316 = arith.addi %mul3A_314, %add3A_315 : i32
        %scan3A_317 = arith.constant 0 : i32
        %scan3A_318 = arith.constant 0 : i32
        %scan3A_319 = arith.constant 8 : i32
        %scan3A_320 = arith.addi %scan3A_318, %scan3A_319 : i32
        %scan3A_321 = arith.constant 1 : i32
        scf.for %scan3A_329 = %scan3A_318 to %scan3A_320 step %scan3A_321  : i32 {
          %mul3A_330 = arith.constant 16 : i32
          %mul3A_331 = arith.muli %scan3A_329, %mul3A_330 : i32
          %get3A = arith.index_cast %while3A_229 : i32 to index
          %get3A_332 = arith.index_cast %mul3A_331 : i32 to index
          %get3A_333 = tpu.vector_load %arg15[%get3A, %get3A_332] {strides = array<i32>} : memref<80x128xi32, #tpu.memory_space<vmem>>, vector<16xi32>,
          %mul3A_334 = arith.constant 16 : i32
          %mul3A_335 = arith.muli %scan3A_329, %mul3A_334 : i32
          %add3A_336 = arith.addi %add3A_316, %mul3A_335 : i32
          %add3A_337 = vector.broadcast %add3A_336 : i32 to vector<16xi32>
          %add3A_338 = arith.addi %add3A_337, %iota3A : vector<16xi32>
          tpu.vector_store_idx %arg17[%get3A_333, %iota3A], %add3A_338 : memref<256x16xi32, #tpu.memory_space<vmem>>[vector<16xi32>, vector<16xi32>], vector<16xi32>,
        }
        %scan3A_322 = arith.constant 8 : i32
        %dma_start3A_323 = arith.constant 0 : i32
        %dma_start3A_324 = tpu.memref_slice %arg15[%while3A_229, %dma_start3A_323] : memref<80x128xi32, #tpu.memory_space<vmem>> -> memref<1x128xi32, #tpu.memory_space<vmem>>
        %dma_start3A_325 = tpu.memref_squeeze %dma_start3A_324 : memref<1x128xi32, #tpu.memory_space<vmem>> -> memref<128xi32, #tpu.memory_space<vmem>>
        %dma_start3A_326 = arith.constant 0 : i32
        %dma_start3A_327 = arith.constant 0 : i32
        %dma_start3A_328 = tpu.memref_slice %arg18[%dma_start3A_326, %dma_start3A_327] : memref<256x128xf32, #tpu.memory_space<vmem_shared>> -> memref<256x128xf32, #tpu.memory_space<vmem_shared>>
        tpu.enqueue_indirect_dma source(%arg13 : memref<128x128xf32, #tpu.memory_space<vmem>>) target(%dma_start3A_328 : memref<256x128xf32, #tpu.memory_space<vmem_shared>>) offsets(%dma_start3A_325 : memref<128xi32, #tpu.memory_space<vmem>>) semaphore(%arg22 : memref<!tpu.dma_semaphore, #tpu.memory_space<semaphore_mem>>) {add = true}
      } else {
      }
      %jit3A_273 = arith.constant 3 : i32
      %eq3A_274 = arith.constant 0 : i32
      %eq3A_275 = arith.cmpi eq, %jit3A_273, %eq3A_274 : i32
      %jit3A_276 = arith.constant 1 : i32
      %select_n3A_277 = arith.select %eq3A_275, %jit3A_276, %jit3A_273 : i32
      %rem3A_278 = arith.remsi %while3A_229, %select_n3A_277 : i32
      %ne3A_279 = arith.constant 0 : i32
      %ne3A_280 = arith.cmpi ne, %rem3A_278, %ne3A_279 : i32
      %lt3A_281 = arith.constant 0 : i32
      %lt3A_282 = arith.cmpi slt, %rem3A_278, %lt3A_281 : i32
      %lt3A_283 = arith.constant 0 : i32
      %lt3A_284 = arith.cmpi slt, %select_n3A_277, %lt3A_283 : i32
      %ne3A_285 = arith.xori %lt3A_282, %lt3A_284 : i1
      %and3A_286 = arith.andi %ne3A_285, %ne3A_280 : i1
      %add3A_287 = arith.addi %rem3A_278, %select_n3A_277 : i32
      %select_n3A_288 = arith.select %and3A_286, %add3A_287, %rem3A_278 : i32
      %eq3A_289 = arith.constant 2 : i32
      %eq3A_290 = arith.cmpi eq, %select_n3A_288, %eq3A_289 : i32
      %convert_element_type3A_291 = arith.extui %eq3A_290 : i1 to i32
      %cond3A_292 = arith.constant 0 : i32
      %cond3A_293 = arith.cmpi ne, %convert_element_type3A_291, %cond3A_292 : i32
      scf.if %cond3A_293 {
        %sub3A_294 = arith.constant 1 : i32
        %sub3A_295 = arith.subi %while3A_229, %sub3A_294 : i32
        %dma_wait3A = arith.constant 0 : i32
        %dma_wait3A_296 = tpu.memref_slice %arg15[%sub3A_295, %dma_wait3A] : memref<80x128xi32, #tpu.memory_space<vmem>> -> memref<1x128xi32, #tpu.memory_space<vmem>>
        %dma_wait3A_297 = tpu.memref_squeeze %dma_wait3A_296 : memref<1x128xi32, #tpu.memory_space<vmem>> -> memref<128xi32, #tpu.memory_space<vmem>>
        %dma_wait3A_298 = arith.constant 0 : i32
        %dma_wait3A_299 = arith.constant 0 : i32
        %dma_wait3A_300 = tpu.memref_slice %arg18[%dma_wait3A_298, %dma_wait3A_299] : memref<256x128xf32, #tpu.memory_space<vmem_shared>> -> memref<256x128xf32, #tpu.memory_space<vmem_shared>>
        tpu.wait_indirect_dma semaphore(%arg22 : memref<!tpu.dma_semaphore, #tpu.memory_space<semaphore_mem>>) src(%arg13 : memref<128x128xf32, #tpu.memory_space<vmem>>) dst(%dma_wait3A_300 : memref<256x128xf32, #tpu.memory_space<vmem_shared>>)
        %add3A_301 = arith.constant 2 : i32
        %add3A_302 = arith.addi %while3A_229, %add3A_301 : i32
        %lt3A_303 = arith.cmpi slt, %add3A_302, %select_n3A_55 : i32
        %convert_element_type3A_304 = arith.extui %lt3A_303 : i1 to i32
        %cond3A_305 = arith.constant 0 : i32
        %cond3A_306 = arith.cmpi ne, %convert_element_type3A_304, %cond3A_305 : i32
        scf.if %cond3A_306 {
          %add3A_329 = arith.constant 2 : i32
          %add3A_330 = arith.addi %add3A_230, %add3A_329 : i32
          %mul3A_331 = arith.constant 128 : i32
          %mul3A_332 = arith.muli %add3A_330, %mul3A_331 : i32
          %multiple_of3A_333 = tpu.assume_multiple %mul3A_332, 128 : i32
          %dma_start3A_334 = arith.constant 0 : i32
          %dma_start3A_335 = tpu.memref_slice %arg2[%multiple_of3A_333, %dma_start3A_334] : memref<320000x128xf32, #tpu.memory_space<hbm>> -> memref<128x128xf32, #tpu.memory_space<hbm>>
          %dma_start3A_336 = arith.constant 0 : i32
          %dma_start3A_337 = tpu.memref_slice %arg2[%multiple_of3A_333, %dma_start3A_336] : memref<320000x128xf32, #tpu.memory_space<hbm>> -> memref<128x128xf32, #tpu.memory_space<hbm>>
          tpu.enqueue_dma source(%dma_start3A_337 : memref<128x128xf32, #tpu.memory_space<hbm>>) target(%arg13 : memref<128x128xf32, #tpu.memory_space<vmem>>) target_semaphore(%arg20 : memref<!tpu.dma_semaphore, #tpu.memory_space<semaphore_mem>>)
        } else {
        }
        %dma_wait3A_307 = arith.constant 0 : i32
        %dma_wait3A_308 = arith.constant 0 : i32
        %dma_wait3A_309 = tpu.memref_slice %arg2[%dma_wait3A_307, %dma_wait3A_308] : memref<320000x128xf32, #tpu.memory_space<hbm>> -> memref<128x128xf32, #tpu.memory_space<hbm>>
        %dma_wait3A_310 = arith.constant 0 : i32
        %dma_wait3A_311 = arith.constant 0 : i32
        %dma_wait3A_312 = tpu.memref_slice %arg2[%dma_wait3A_310, %dma_wait3A_311] : memref<320000x128xf32, #tpu.memory_space<hbm>> -> memref<128x128xf32, #tpu.memory_space<hbm>>
        tpu.wait_dma2 semaphore(%arg21 : memref<!tpu.dma_semaphore, #tpu.memory_space<semaphore_mem>>) src(%dma_wait3A_312 : memref<128x128xf32, #tpu.memory_space<hbm>>) dst(%arg14 : memref<128x128xf32, #tpu.memory_space<vmem>>)
        %mul3A_313 = arith.constant 128 : i32
        %mul3A_314 = arith.muli %add3A_230, %mul3A_313 : i32
        %add3A_315 = arith.constant 1 : i32
        %add3A_316 = arith.addi %mul3A_314, %add3A_315 : i32
        %scan3A_317 = arith.constant 0 : i32
        %scan3A_318 = arith.constant 0 : i32
        %scan3A_319 = arith.constant 8 : i32
        %scan3A_320 = arith.addi %scan3A_318, %scan3A_319 : i32
        %scan3A_321 = arith.constant 1 : i32
        scf.for %scan3A_329 = %scan3A_318 to %scan3A_320 step %scan3A_321  : i32 {
          %mul3A_330 = arith.constant 16 : i32
          %mul3A_331 = arith.muli %scan3A_329, %mul3A_330 : i32
          %get3A = arith.index_cast %while3A_229 : i32 to index
          %get3A_332 = arith.index_cast %mul3A_331 : i32 to index
          %get3A_333 = tpu.vector_load %arg15[%get3A, %get3A_332] {strides = array<i32>} : memref<80x128xi32, #tpu.memory_space<vmem>>, vector<16xi32>,
          %mul3A_334 = arith.constant 16 : i32
          %mul3A_335 = arith.muli %scan3A_329, %mul3A_334 : i32
          %add3A_336 = arith.addi %add3A_316, %mul3A_335 : i32
          %add3A_337 = vector.broadcast %add3A_336 : i32 to vector<16xi32>
          %add3A_338 = arith.addi %add3A_337, %iota3A : vector<16xi32>
          tpu.vector_store_idx %arg17[%get3A_333, %iota3A], %add3A_338 : memref<256x16xi32, #tpu.memory_space<vmem>>[vector<16xi32>, vector<16xi32>], vector<16xi32>,
        }
        %scan3A_322 = arith.constant 8 : i32
        %scan3A_323 = arith.constant 0 : i32
        %scan3A_324 = arith.constant 0 : i32
        %scan3A_325 = arith.constant 8 : i32
        %scan3A_326 = arith.addi %scan3A_324, %scan3A_325 : i32
        %scan3A_327 = arith.constant 1 : i32
        scf.for %scan3A_329 = %scan3A_324 to %scan3A_326 step %scan3A_327  : i32 {
          %mul3A_330 = arith.constant 16 : i32
          %mul3A_331 = arith.muli %scan3A_329, %mul3A_330 : i32
          %get3A = arith.index_cast %while3A_229 : i32 to index
          %get3A_332 = arith.index_cast %mul3A_331 : i32 to index
          %get3A_333 = tpu.vector_load %arg15[%get3A, %get3A_332] {strides = array<i32>} : memref<80x128xi32, #tpu.memory_space<vmem>>, vector<16xi32>,
          %broadcast_in_dim3A_334 = vector.shape_cast %add3A_47 : vector<16xi32> to vector<16x1xi32>
          %gather3A = vector.shape_cast %broadcast_in_dim3A_334 : vector<16x1xi32> to vector<16xi32>
          %gather3A_335 = tpu.dynamic_gather %get3A_333[%gather3A] in [0] : vector<16xi32>, vector<16xi32> -> vector<16xi32>
          %eq3A_336 = arith.cmpi eq, %get3A_333, %gather3A_335 : vector<16xi32>
          %jit3A_337 = arith.constant 1 : i32
          %jit3A_338 = arith.constant 0 : i32
          %broadcast_in_dim3A_339 = vector.broadcast %jit3A_337 : i32 to vector<16xi32>
          %broadcast_in_dim3A_340 = vector.broadcast %jit3A_338 : i32 to vector<16xi32>
          %select_n3A_341 = arith.select %eq3A_336, %broadcast_in_dim3A_339, %broadcast_in_dim3A_340 : vector<16xi1>, vector<16xi32>
          %reduce_min3A = arith.constant true
          %reduce_min3A_342 = vector.broadcast %reduce_min3A : i1 to vector<16xi1>
          %reduce_min3A_343 = arith.constant -2147483648 : i32
          %reduce_min3A_344 = vector.broadcast %reduce_min3A_343 : i32 to vector<16xi32>
          %reduce_min3A_345 = arith.xori %select_n3A_341, %reduce_min3A_344 : vector<16xi32>
          %reduce_min3A_346 = tpu.scan <min>, %reduce_min3A_345 masked %reduce_min3A_342 : vector<16xi32>, vector<16xi1> -> vector<16xi32>
          %reduce_min3A_347 = arith.xori %reduce_min3A_346, %reduce_min3A_344 : vector<16xi32>
          %reduce_min3A_348 = vector.extract %reduce_min3A_347[15] : i32 from vector<16xi32>
          %mul3A_349 = arith.constant 16 : i32
          %mul3A_350 = arith.muli %scan3A_329, %mul3A_349 : i32
          %eq3A_351 = arith.constant 1 : i32
          %eq3A_352 = arith.cmpi eq, %reduce_min3A_348, %eq3A_351 : i32
          %convert_element_type3A_353 = arith.extui %eq3A_352 : i1 to i32
          %cond3A_354 = arith.constant 0 : i32
          %cond3A_355 = arith.cmpi ne, %convert_element_type3A_353, %cond3A_354 : i32
          scf.if %cond3A_355 {
            %get3A_361 = arith.index_cast %mul3A_350 : i32 to index
            %get3A_362 = arith.constant 0 : index
            %get3A_363 = tpu.vector_load %arg14[%get3A_361, %get3A_362] {strides = array<i32>} : memref<128x128xf32, #tpu.memory_space<vmem>>, vector<16xf32>,
            %get3A_364 = arith.index_cast %mul3A_350 : i32 to index
            %get3A_365 = arith.constant 16 : index
            %get3A_366 = tpu.vector_load %arg14[%get3A_364, %get3A_365] {strides = array<i32>} : memref<128x128xf32, #tpu.memory_space<vmem>>, vector<16xf32>,
            %get3A_367 = arith.index_cast %mul3A_350 : i32 to index
            %get3A_368 = arith.constant 32 : index
            %get3A_369 = tpu.vector_load %arg14[%get3A_367, %get3A_368] {strides = array<i32>} : memref<128x128xf32, #tpu.memory_space<vmem>>, vector<16xf32>,
            %get3A_370 = arith.index_cast %mul3A_350 : i32 to index
            %get3A_371 = arith.constant 48 : index
            %get3A_372 = tpu.vector_load %arg14[%get3A_370, %get3A_371] {strides = array<i32>} : memref<128x128xf32, #tpu.memory_space<vmem>>, vector<16xf32>,
            %get3A_373 = arith.index_cast %mul3A_350 : i32 to index
            %get3A_374 = arith.constant 64 : index
            %get3A_375 = tpu.vector_load %arg14[%get3A_373, %get3A_374] {strides = array<i32>} : memref<128x128xf32, #tpu.memory_space<vmem>>, vector<16xf32>,
            %get3A_376 = arith.index_cast %mul3A_350 : i32 to index
            %get3A_377 = arith.constant 80 : index
            %get3A_378 = tpu.vector_load %arg14[%get3A_376, %get3A_377] {strides = array<i32>} : memref<128x128xf32, #tpu.memory_space<vmem>>, vector<16xf32>,
            %get3A_379 = arith.index_cast %mul3A_350 : i32 to index
            %get3A_380 = arith.constant 96 : index
            %get3A_381 = tpu.vector_load %arg14[%get3A_379, %get3A_380] {strides = array<i32>} : memref<128x128xf32, #tpu.memory_space<vmem>>, vector<16xf32>,
            %get3A_382 = arith.index_cast %mul3A_350 : i32 to index
            %get3A_383 = arith.constant 112 : index
            %get3A_384 = tpu.vector_load %arg14[%get3A_382, %get3A_383] {strides = array<i32>} : memref<128x128xf32, #tpu.memory_space<vmem>>, vector<16xf32>,
            %add3A_385 = arith.constant 1 : i32
            %add3A_386 = arith.addi %mul3A_350, %add3A_385 : i32
            %get3A_387 = arith.index_cast %add3A_386 : i32 to index
            %get3A_388 = arith.constant 0 : index
            %get3A_389 = tpu.vector_load %arg14[%get3A_387, %get3A_388] {strides = array<i32>} : memref<128x128xf32, #tpu.memory_space<vmem>>, vector<16xf32>,
            %add3A_390 = arith.addf %get3A_363, %get3A_389 : vector<16xf32>
            %add3A_391 = arith.constant 1 : i32
            %add3A_392 = arith.addi %mul3A_350, %add3A_391 : i32
            %get3A_393 = arith.index_cast %add3A_392 : i32 to index
            %get3A_394 = arith.constant 16 : index
            %get3A_395 = tpu.vector_load %arg14[%get3A_393, %get3A_394] {strides = array<i32>} : memref<128x128xf32, #tpu.memory_space<vmem>>, vector<16xf32>,
            %add3A_396 = arith.addf %get3A_366, %get3A_395 : vector<16xf32>
            %add3A_397 = arith.constant 1 : i32
            %add3A_398 = arith.addi %mul3A_350, %add3A_397 : i32
            %get3A_399 = arith.index_cast %add3A_398 : i32 to index
            %get3A_400 = arith.constant 32 : index
            %get3A_401 = tpu.vector_load %arg14[%get3A_399, %get3A_400] {strides = array<i32>} : memref<128x128xf32, #tpu.memory_space<vmem>>, vector<16xf32>,
            %add3A_402 = arith.addf %get3A_369, %get3A_401 : vector<16xf32>
            %add3A_403 = arith.constant 1 : i32
            %add3A_404 = arith.addi %mul3A_350, %add3A_403 : i32
            %get3A_405 = arith.index_cast %add3A_404 : i32 to index
            %get3A_406 = arith.constant 48 : index
            %get3A_407 = tpu.vector_load %arg14[%get3A_405, %get3A_406] {strides = array<i32>} : memref<128x128xf32, #tpu.memory_space<vmem>>, vector<16xf32>,
            %add3A_408 = arith.addf %get3A_372, %get3A_407 : vector<16xf32>
            %add3A_409 = arith.constant 1 : i32
            %add3A_410 = arith.addi %mul3A_350, %add3A_409 : i32
            %get3A_411 = arith.index_cast %add3A_410 : i32 to index
            %get3A_412 = arith.constant 64 : index
            %get3A_413 = tpu.vector_load %arg14[%get3A_411, %get3A_412] {strides = array<i32>} : memref<128x128xf32, #tpu.memory_space<vmem>>, vector<16xf32>,
            %add3A_414 = arith.addf %get3A_375, %get3A_413 : vector<16xf32>
            %add3A_415 = arith.constant 1 : i32
            %add3A_416 = arith.addi %mul3A_350, %add3A_415 : i32
            %get3A_417 = arith.index_cast %add3A_416 : i32 to index
            %get3A_418 = arith.constant 80 : index
            %get3A_419 = tpu.vector_load %arg14[%get3A_417, %get3A_418] {strides = array<i32>} : memref<128x128xf32, #tpu.memory_space<vmem>>, vector<16xf32>,
            %add3A_420 = arith.addf %get3A_378, %get3A_419 : vector<16xf32>
            %add3A_421 = arith.constant 1 : i32
            %add3A_422 = arith.addi %mul3A_350, %add3A_421 : i32
            %get3A_423 = arith.index_cast %add3A_422 : i32 to index
            %get3A_424 = arith.constant 96 : index
            %get3A_425 = tpu.vector_load %arg14[%get3A_423, %get3A_424] {strides = array<i32>} : memref<128x128xf32, #tpu.memory_space<vmem>>, vector<16xf32>,
            %add3A_426 = arith.addf %get3A_381, %get3A_425 : vector<16xf32>
            %add3A_427 = arith.constant 1 : i32
            %add3A_428 = arith.addi %mul3A_350, %add3A_427 : i32
            %get3A_429 = arith.index_cast %add3A_428 : i32 to index
            %get3A_430 = arith.constant 112 : index
            %get3A_431 = tpu.vector_load %arg14[%get3A_429, %get3A_430] {strides = array<i32>} : memref<128x128xf32, #tpu.memory_space<vmem>>, vector<16xf32>,
            %add3A_432 = arith.addf %get3A_384, %get3A_431 : vector<16xf32>
            %add3A_433 = arith.constant 2 : i32
            %add3A_434 = arith.addi %mul3A_350, %add3A_433 : i32
            %get3A_435 = arith.index_cast %add3A_434 : i32 to index
            %get3A_436 = arith.constant 0 : index
            %get3A_437 = tpu.vector_load %arg14[%get3A_435, %get3A_436] {strides = array<i32>} : memref<128x128xf32, #tpu.memory_space<vmem>>, vector<16xf32>,
            %add3A_438 = arith.addf %add3A_390, %get3A_437 : vector<16xf32>
            %add3A_439 = arith.constant 2 : i32
            %add3A_440 = arith.addi %mul3A_350, %add3A_439 : i32
            %get3A_441 = arith.index_cast %add3A_440 : i32 to index
            %get3A_442 = arith.constant 16 : index
            %get3A_443 = tpu.vector_load %arg14[%get3A_441, %get3A_442] {strides = array<i32>} : memref<128x128xf32, #tpu.memory_space<vmem>>, vector<16xf32>,
            %add3A_444 = arith.addf %add3A_396, %get3A_443 : vector<16xf32>
            %add3A_445 = arith.constant 2 : i32
            %add3A_446 = arith.addi %mul3A_350, %add3A_445 : i32
            %get3A_447 = arith.index_cast %add3A_446 : i32 to index
            %get3A_448 = arith.constant 32 : index
            %get3A_449 = tpu.vector_load %arg14[%get3A_447, %get3A_448] {strides = array<i32>} : memref<128x128xf32, #tpu.memory_space<vmem>>, vector<16xf32>,
            %add3A_450 = arith.addf %add3A_402, %get3A_449 : vector<16xf32>
            %add3A_451 = arith.constant 2 : i32
            %add3A_452 = arith.addi %mul3A_350, %add3A_451 : i32
            %get3A_453 = arith.index_cast %add3A_452 : i32 to index
            %get3A_454 = arith.constant 48 : index
            %get3A_455 = tpu.vector_load %arg14[%get3A_453, %get3A_454] {strides = array<i32>} : memref<128x128xf32, #tpu.memory_space<vmem>>, vector<16xf32>,
            %add3A_456 = arith.addf %add3A_408, %get3A_455 : vector<16xf32>
            %add3A_457 = arith.constant 2 : i32
            %add3A_458 = arith.addi %mul3A_350, %add3A_457 : i32
            %get3A_459 = arith.index_cast %add3A_458 : i32 to index
            %get3A_460 = arith.constant 64 : index
            %get3A_461 = tpu.vector_load %arg14[%get3A_459, %get3A_460] {strides = array<i32>} : memref<128x128xf32, #tpu.memory_space<vmem>>, vector<16xf32>,
            %add3A_462 = arith.addf %add3A_414, %get3A_461 : vector<16xf32>
            %add3A_463 = arith.constant 2 : i32
            %add3A_464 = arith.addi %mul3A_350, %add3A_463 : i32
            %get3A_465 = arith.index_cast %add3A_464 : i32 to index
            %get3A_466 = arith.constant 80 : index
            %get3A_467 = tpu.vector_load %arg14[%get3A_465, %get3A_466] {strides = array<i32>} : memref<128x128xf32, #tpu.memory_space<vmem>>, vector<16xf32>,
            %add3A_468 = arith.addf %add3A_420, %get3A_467 : vector<16xf32>
            %add3A_469 = arith.constant 2 : i32
            %add3A_470 = arith.addi %mul3A_350, %add3A_469 : i32
            %get3A_471 = arith.index_cast %add3A_470 : i32 to index
            %get3A_472 = arith.constant 96 : index
            %get3A_473 = tpu.vector_load %arg14[%get3A_471, %get3A_472] {strides = array<i32>} : memref<128x128xf32, #tpu.memory_space<vmem>>, vector<16xf32>,
            %add3A_474 = arith.addf %add3A_426, %get3A_473 : vector<16xf32>
            %add3A_475 = arith.constant 2 : i32
            %add3A_476 = arith.addi %mul3A_350, %add3A_475 : i32
            %get3A_477 = arith.index_cast %add3A_476 : i32 to index
            %get3A_478 = arith.constant 112 : index
            %get3A_479 = tpu.vector_load %arg14[%get3A_477, %get3A_478] {strides = array<i32>} : memref<128x128xf32, #tpu.memory_space<vmem>>, vector<16xf32>,
            %add3A_480 = arith.addf %add3A_432, %get3A_479 : vector<16xf32>
            %add3A_481 = arith.constant 3 : i32
            %add3A_482 = arith.addi %mul3A_350, %add3A_481 : i32
            %get3A_483 = arith.index_cast %add3A_482 : i32 to index
            %get3A_484 = arith.constant 0 : index
            %get3A_485 = tpu.vector_load %arg14[%get3A_483, %get3A_484] {strides = array<i32>} : memref<128x128xf32, #tpu.memory_space<vmem>>, vector<16xf32>,
            %add3A_486 = arith.addf %add3A_438, %get3A_485 : vector<16xf32>
            %add3A_487 = arith.constant 3 : i32
            %add3A_488 = arith.addi %mul3A_350, %add3A_487 : i32
            %get3A_489 = arith.index_cast %add3A_488 : i32 to index
            %get3A_490 = arith.constant 16 : index
            %get3A_491 = tpu.vector_load %arg14[%get3A_489, %get3A_490] {strides = array<i32>} : memref<128x128xf32, #tpu.memory_space<vmem>>, vector<16xf32>,
            %add3A_492 = arith.addf %add3A_444, %get3A_491 : vector<16xf32>
            %add3A_493 = arith.constant 3 : i32
            %add3A_494 = arith.addi %mul3A_350, %add3A_493 : i32
            %get3A_495 = arith.index_cast %add3A_494 : i32 to index
            %get3A_496 = arith.constant 32 : index
            %get3A_497 = tpu.vector_load %arg14[%get3A_495, %get3A_496] {strides = array<i32>} : memref<128x128xf32, #tpu.memory_space<vmem>>, vector<16xf32>,
            %add3A_498 = arith.addf %add3A_450, %get3A_497 : vector<16xf32>
            %add3A_499 = arith.constant 3 : i32
            %add3A_500 = arith.addi %mul3A_350, %add3A_499 : i32
            %get3A_501 = arith.index_cast %add3A_500 : i32 to index
            %get3A_502 = arith.constant 48 : index
            %get3A_503 = tpu.vector_load %arg14[%get3A_501, %get3A_502] {strides = array<i32>} : memref<128x128xf32, #tpu.memory_space<vmem>>, vector<16xf32>,
            %add3A_504 = arith.addf %add3A_456, %get3A_503 : vector<16xf32>
            %add3A_505 = arith.constant 3 : i32
            %add3A_506 = arith.addi %mul3A_350, %add3A_505 : i32
            %get3A_507 = arith.index_cast %add3A_506 : i32 to index
            %get3A_508 = arith.constant 64 : index
            %get3A_509 = tpu.vector_load %arg14[%get3A_507, %get3A_508] {strides = array<i32>} : memref<128x128xf32, #tpu.memory_space<vmem>>, vector<16xf32>,
            %add3A_510 = arith.addf %add3A_462, %get3A_509 : vector<16xf32>
            %add3A_511 = arith.constant 3 : i32
            %add3A_512 = arith.addi %mul3A_350, %add3A_511 : i32
            %get3A_513 = arith.index_cast %add3A_512 : i32 to index
            %get3A_514 = arith.constant 80 : index
            %get3A_515 = tpu.vector_load %arg14[%get3A_513, %get3A_514] {strides = array<i32>} : memref<128x128xf32, #tpu.memory_space<vmem>>, vector<16xf32>,
            %add3A_516 = arith.addf %add3A_468, %get3A_515 : vector<16xf32>
            %add3A_517 = arith.constant 3 : i32
            %add3A_518 = arith.addi %mul3A_350, %add3A_517 : i32
            %get3A_519 = arith.index_cast %add3A_518 : i32 to index
            %get3A_520 = arith.constant 96 : index
            %get3A_521 = tpu.vector_load %arg14[%get3A_519, %get3A_520] {strides = array<i32>} : memref<128x128xf32, #tpu.memory_space<vmem>>, vector<16xf32>,
            %add3A_522 = arith.addf %add3A_474, %get3A_521 : vector<16xf32>
            %add3A_523 = arith.constant 3 : i32
            %add3A_524 = arith.addi %mul3A_350, %add3A_523 : i32
            %get3A_525 = arith.index_cast %add3A_524 : i32 to index
            %get3A_526 = arith.constant 112 : index
            %get3A_527 = tpu.vector_load %arg14[%get3A_525, %get3A_526] {strides = array<i32>} : memref<128x128xf32, #tpu.memory_space<vmem>>, vector<16xf32>,
            %add3A_528 = arith.addf %add3A_480, %get3A_527 : vector<16xf32>
            %add3A_529 = arith.constant 4 : i32
            %add3A_530 = arith.addi %mul3A_350, %add3A_529 : i32
            %get3A_531 = arith.index_cast %add3A_530 : i32 to index
            %get3A_532 = arith.constant 0 : index
            %get3A_533 = tpu.vector_load %arg14[%get3A_531, %get3A_532] {strides = array<i32>} : memref<128x128xf32, #tpu.memory_space<vmem>>, vector<16xf32>,
            %add3A_534 = arith.addf %add3A_486, %get3A_533 : vector<16xf32>
            %add3A_535 = arith.constant 4 : i32
            %add3A_536 = arith.addi %mul3A_350, %add3A_535 : i32
            %get3A_537 = arith.index_cast %add3A_536 : i32 to index
            %get3A_538 = arith.constant 16 : index
            %get3A_539 = tpu.vector_load %arg14[%get3A_537, %get3A_538] {strides = array<i32>} : memref<128x128xf32, #tpu.memory_space<vmem>>, vector<16xf32>,
            %add3A_540 = arith.addf %add3A_492, %get3A_539 : vector<16xf32>
            %add3A_541 = arith.constant 4 : i32
            %add3A_542 = arith.addi %mul3A_350, %add3A_541 : i32
            %get3A_543 = arith.index_cast %add3A_542 : i32 to index
            %get3A_544 = arith.constant 32 : index
            %get3A_545 = tpu.vector_load %arg14[%get3A_543, %get3A_544] {strides = array<i32>} : memref<128x128xf32, #tpu.memory_space<vmem>>, vector<16xf32>,
            %add3A_546 = arith.addf %add3A_498, %get3A_545 : vector<16xf32>
            %add3A_547 = arith.constant 4 : i32
            %add3A_548 = arith.addi %mul3A_350, %add3A_547 : i32
            %get3A_549 = arith.index_cast %add3A_548 : i32 to index
            %get3A_550 = arith.constant 48 : index
            %get3A_551 = tpu.vector_load %arg14[%get3A_549, %get3A_550] {strides = array<i32>} : memref<128x128xf32, #tpu.memory_space<vmem>>, vector<16xf32>,
            %add3A_552 = arith.addf %add3A_504, %get3A_551 : vector<16xf32>
            %add3A_553 = arith.constant 4 : i32
            %add3A_554 = arith.addi %mul3A_350, %add3A_553 : i32
            %get3A_555 = arith.index_cast %add3A_554 : i32 to index
            %get3A_556 = arith.constant 64 : index
            %get3A_557 = tpu.vector_load %arg14[%get3A_555, %get3A_556] {strides = array<i32>} : memref<128x128xf32, #tpu.memory_space<vmem>>, vector<16xf32>,
            %add3A_558 = arith.addf %add3A_510, %get3A_557 : vector<16xf32>
            %add3A_559 = arith.constant 4 : i32
            %add3A_560 = arith.addi %mul3A_350, %add3A_559 : i32
            %get3A_561 = arith.index_cast %add3A_560 : i32 to index
            %get3A_562 = arith.constant 80 : index
            %get3A_563 = tpu.vector_load %arg14[%get3A_561, %get3A_562] {strides = array<i32>} : memref<128x128xf32, #tpu.memory_space<vmem>>, vector<16xf32>,
            %add3A_564 = arith.addf %add3A_516, %get3A_563 : vector<16xf32>
            %add3A_565 = arith.constant 4 : i32
            %add3A_566 = arith.addi %mul3A_350, %add3A_565 : i32
            %get3A_567 = arith.index_cast %add3A_566 : i32 to index
            %get3A_568 = arith.constant 96 : index
            %get3A_569 = tpu.vector_load %arg14[%get3A_567, %get3A_568] {strides = array<i32>} : memref<128x128xf32, #tpu.memory_space<vmem>>, vector<16xf32>,
            %add3A_570 = arith.addf %add3A_522, %get3A_569 : vector<16xf32>
            %add3A_571 = arith.constant 4 : i32
            %add3A_572 = arith.addi %mul3A_350, %add3A_571 : i32
            %get3A_573 = arith.index_cast %add3A_572 : i32 to index
            %get3A_574 = arith.constant 112 : index
            %get3A_575 = tpu.vector_load %arg14[%get3A_573, %get3A_574] {strides = array<i32>} : memref<128x128xf32, #tpu.memory_space<vmem>>, vector<16xf32>,
            %add3A_576 = arith.addf %add3A_528, %get3A_575 : vector<16xf32>
            %add3A_577 = arith.constant 5 : i32
            %add3A_578 = arith.addi %mul3A_350, %add3A_577 : i32
            %get3A_579 = arith.index_cast %add3A_578 : i32 to index
            %get3A_580 = arith.constant 0 : index
            %get3A_581 = tpu.vector_load %arg14[%get3A_579, %get3A_580] {strides = array<i32>} : memref<128x128xf32, #tpu.memory_space<vmem>>, vector<16xf32>,
            %add3A_582 = arith.addf %add3A_534, %get3A_581 : vector<16xf32>
            %add3A_583 = arith.constant 5 : i32
            %add3A_584 = arith.addi %mul3A_350, %add3A_583 : i32
            %get3A_585 = arith.index_cast %add3A_584 : i32 to index
            %get3A_586 = arith.constant 16 : index
            %get3A_587 = tpu.vector_load %arg14[%get3A_585, %get3A_586] {strides = array<i32>} : memref<128x128xf32, #tpu.memory_space<vmem>>, vector<16xf32>,
            %add3A_588 = arith.addf %add3A_540, %get3A_587 : vector<16xf32>
            %add3A_589 = arith.constant 5 : i32
            %add3A_590 = arith.addi %mul3A_350, %add3A_589 : i32
            %get3A_591 = arith.index_cast %add3A_590 : i32 to index
            %get3A_592 = arith.constant 32 : index
            %get3A_593 = tpu.vector_load %arg14[%get3A_591, %get3A_592] {strides = array<i32>} : memref<128x128xf32, #tpu.memory_space<vmem>>, vector<16xf32>,
            %add3A_594 = arith.addf %add3A_546, %get3A_593 : vector<16xf32>
            %add3A_595 = arith.constant 5 : i32
            %add3A_596 = arith.addi %mul3A_350, %add3A_595 : i32
            %get3A_597 = arith.index_cast %add3A_596 : i32 to index
            %get3A_598 = arith.constant 48 : index
            %get3A_599 = tpu.vector_load %arg14[%get3A_597, %get3A_598] {strides = array<i32>} : memref<128x128xf32, #tpu.memory_space<vmem>>, vector<16xf32>,
            %add3A_600 = arith.addf %add3A_552, %get3A_599 : vector<16xf32>
            %add3A_601 = arith.constant 5 : i32
            %add3A_602 = arith.addi %mul3A_350, %add3A_601 : i32
            %get3A_603 = arith.index_cast %add3A_602 : i32 to index
            %get3A_604 = arith.constant 64 : index
            %get3A_605 = tpu.vector_load %arg14[%get3A_603, %get3A_604] {strides = array<i32>} : memref<128x128xf32, #tpu.memory_space<vmem>>, vector<16xf32>,
            %add3A_606 = arith.addf %add3A_558, %get3A_605 : vector<16xf32>
            %add3A_607 = arith.constant 5 : i32
            %add3A_608 = arith.addi %mul3A_350, %add3A_607 : i32
            %get3A_609 = arith.index_cast %add3A_608 : i32 to index
            %get3A_610 = arith.constant 80 : index
            %get3A_611 = tpu.vector_load %arg14[%get3A_609, %get3A_610] {strides = array<i32>} : memref<128x128xf32, #tpu.memory_space<vmem>>, vector<16xf32>,
            %add3A_612 = arith.addf %add3A_564, %get3A_611 : vector<16xf32>
            %add3A_613 = arith.constant 5 : i32
            %add3A_614 = arith.addi %mul3A_350, %add3A_613 : i32
            %get3A_615 = arith.index_cast %add3A_614 : i32 to index
            %get3A_616 = arith.constant 96 : index
            %get3A_617 = tpu.vector_load %arg14[%get3A_615, %get3A_616] {strides = array<i32>} : memref<128x128xf32, #tpu.memory_space<vmem>>, vector<16xf32>,
            %add3A_618 = arith.addf %add3A_570, %get3A_617 : vector<16xf32>
            %add3A_619 = arith.constant 5 : i32
            %add3A_620 = arith.addi %mul3A_350, %add3A_619 : i32
            %get3A_621 = arith.index_cast %add3A_620 : i32 to index
            %get3A_622 = arith.constant 112 : index
            %get3A_623 = tpu.vector_load %arg14[%get3A_621, %get3A_622] {strides = array<i32>} : memref<128x128xf32, #tpu.memory_space<vmem>>, vector<16xf32>,
            %add3A_624 = arith.addf %add3A_576, %get3A_623 : vector<16xf32>
            %add3A_625 = arith.constant 6 : i32
            %add3A_626 = arith.addi %mul3A_350, %add3A_625 : i32
            %get3A_627 = arith.index_cast %add3A_626 : i32 to index
            %get3A_628 = arith.constant 0 : index
            %get3A_629 = tpu.vector_load %arg14[%get3A_627, %get3A_628] {strides = array<i32>} : memref<128x128xf32, #tpu.memory_space<vmem>>, vector<16xf32>,
            %add3A_630 = arith.addf %add3A_582, %get3A_629 : vector<16xf32>
            %add3A_631 = arith.constant 6 : i32
            %add3A_632 = arith.addi %mul3A_350, %add3A_631 : i32
            %get3A_633 = arith.index_cast %add3A_632 : i32 to index
            %get3A_634 = arith.constant 16 : index
            %get3A_635 = tpu.vector_load %arg14[%get3A_633, %get3A_634] {strides = array<i32>} : memref<128x128xf32, #tpu.memory_space<vmem>>, vector<16xf32>,
            %add3A_636 = arith.addf %add3A_588, %get3A_635 : vector<16xf32>
            %add3A_637 = arith.constant 6 : i32
            %add3A_638 = arith.addi %mul3A_350, %add3A_637 : i32
            %get3A_639 = arith.index_cast %add3A_638 : i32 to index
            %get3A_640 = arith.constant 32 : index
            %get3A_641 = tpu.vector_load %arg14[%get3A_639, %get3A_640] {strides = array<i32>} : memref<128x128xf32, #tpu.memory_space<vmem>>, vector<16xf32>,
            %add3A_642 = arith.addf %add3A_594, %get3A_641 : vector<16xf32>
            %add3A_643 = arith.constant 6 : i32
            %add3A_644 = arith.addi %mul3A_350, %add3A_643 : i32
            %get3A_645 = arith.index_cast %add3A_644 : i32 to index
            %get3A_646 = arith.constant 48 : index
            %get3A_647 = tpu.vector_load %arg14[%get3A_645, %get3A_646] {strides = array<i32>} : memref<128x128xf32, #tpu.memory_space<vmem>>, vector<16xf32>,
            %add3A_648 = arith.addf %add3A_600, %get3A_647 : vector<16xf32>
            %add3A_649 = arith.constant 6 : i32
            %add3A_650 = arith.addi %mul3A_350, %add3A_649 : i32
            %get3A_651 = arith.index_cast %add3A_650 : i32 to index
            %get3A_652 = arith.constant 64 : index
            %get3A_653 = tpu.vector_load %arg14[%get3A_651, %get3A_652] {strides = array<i32>} : memref<128x128xf32, #tpu.memory_space<vmem>>, vector<16xf32>,
            %add3A_654 = arith.addf %add3A_606, %get3A_653 : vector<16xf32>
            %add3A_655 = arith.constant 6 : i32
            %add3A_656 = arith.addi %mul3A_350, %add3A_655 : i32
            %get3A_657 = arith.index_cast %add3A_656 : i32 to index
            %get3A_658 = arith.constant 80 : index
            %get3A_659 = tpu.vector_load %arg14[%get3A_657, %get3A_658] {strides = array<i32>} : memref<128x128xf32, #tpu.memory_space<vmem>>, vector<16xf32>,
            %add3A_660 = arith.addf %add3A_612, %get3A_659 : vector<16xf32>
            %add3A_661 = arith.constant 6 : i32
            %add3A_662 = arith.addi %mul3A_350, %add3A_661 : i32
            %get3A_663 = arith.index_cast %add3A_662 : i32 to index
            %get3A_664 = arith.constant 96 : index
            %get3A_665 = tpu.vector_load %arg14[%get3A_663, %get3A_664] {strides = array<i32>} : memref<128x128xf32, #tpu.memory_space<vmem>>, vector<16xf32>,
            %add3A_666 = arith.addf %add3A_618, %get3A_665 : vector<16xf32>
            %add3A_667 = arith.constant 6 : i32
            %add3A_668 = arith.addi %mul3A_350, %add3A_667 : i32
            %get3A_669 = arith.index_cast %add3A_668 : i32 to index
            %get3A_670 = arith.constant 112 : index
            %get3A_671 = tpu.vector_load %arg14[%get3A_669, %get3A_670] {strides = array<i32>} : memref<128x128xf32, #tpu.memory_space<vmem>>, vector<16xf32>,
            %add3A_672 = arith.addf %add3A_624, %get3A_671 : vector<16xf32>
            %add3A_673 = arith.constant 7 : i32
            %add3A_674 = arith.addi %mul3A_350, %add3A_673 : i32
            %get3A_675 = arith.index_cast %add3A_674 : i32 to index
            %get3A_676 = arith.constant 0 : index
            %get3A_677 = tpu.vector_load %arg14[%get3A_675, %get3A_676] {strides = array<i32>} : memref<128x128xf32, #tpu.memory_space<vmem>>, vector<16xf32>,
            %add3A_678 = arith.addf %add3A_630, %get3A_677 : vector<16xf32>
            %add3A_679 = arith.constant 7 : i32
            %add3A_680 = arith.addi %mul3A_350, %add3A_679 : i32
            %get3A_681 = arith.index_cast %add3A_680 : i32 to index
            %get3A_682 = arith.constant 16 : index
            %get3A_683 = tpu.vector_load %arg14[%get3A_681, %get3A_682] {strides = array<i32>} : memref<128x128xf32, #tpu.memory_space<vmem>>, vector<16xf32>,
            %add3A_684 = arith.addf %add3A_636, %get3A_683 : vector<16xf32>
            %add3A_685 = arith.constant 7 : i32
            %add3A_686 = arith.addi %mul3A_350, %add3A_685 : i32
            %get3A_687 = arith.index_cast %add3A_686 : i32 to index
            %get3A_688 = arith.constant 32 : index
            %get3A_689 = tpu.vector_load %arg14[%get3A_687, %get3A_688] {strides = array<i32>} : memref<128x128xf32, #tpu.memory_space<vmem>>, vector<16xf32>,
            %add3A_690 = arith.addf %add3A_642, %get3A_689 : vector<16xf32>
            %add3A_691 = arith.constant 7 : i32
            %add3A_692 = arith.addi %mul3A_350, %add3A_691 : i32
            %get3A_693 = arith.index_cast %add3A_692 : i32 to index
            %get3A_694 = arith.constant 48 : index
            %get3A_695 = tpu.vector_load %arg14[%get3A_693, %get3A_694] {strides = array<i32>} : memref<128x128xf32, #tpu.memory_space<vmem>>, vector<16xf32>,
            %add3A_696 = arith.addf %add3A_648, %get3A_695 : vector<16xf32>
            %add3A_697 = arith.constant 7 : i32
            %add3A_698 = arith.addi %mul3A_350, %add3A_697 : i32
            %get3A_699 = arith.index_cast %add3A_698 : i32 to index
            %get3A_700 = arith.constant 64 : index
            %get3A_701 = tpu.vector_load %arg14[%get3A_699, %get3A_700] {strides = array<i32>} : memref<128x128xf32, #tpu.memory_space<vmem>>, vector<16xf32>,
            %add3A_702 = arith.addf %add3A_654, %get3A_701 : vector<16xf32>
            %add3A_703 = arith.constant 7 : i32
            %add3A_704 = arith.addi %mul3A_350, %add3A_703 : i32
            %get3A_705 = arith.index_cast %add3A_704 : i32 to index
            %get3A_706 = arith.constant 80 : index
            %get3A_707 = tpu.vector_load %arg14[%get3A_705, %get3A_706] {strides = array<i32>} : memref<128x128xf32, #tpu.memory_space<vmem>>, vector<16xf32>,
            %add3A_708 = arith.addf %add3A_660, %get3A_707 : vector<16xf32>
            %add3A_709 = arith.constant 7 : i32
            %add3A_710 = arith.addi %mul3A_350, %add3A_709 : i32
            %get3A_711 = arith.index_cast %add3A_710 : i32 to index
            %get3A_712 = arith.constant 96 : index
            %get3A_713 = tpu.vector_load %arg14[%get3A_711, %get3A_712] {strides = array<i32>} : memref<128x128xf32, #tpu.memory_space<vmem>>, vector<16xf32>,
            %add3A_714 = arith.addf %add3A_666, %get3A_713 : vector<16xf32>
            %add3A_715 = arith.constant 7 : i32
            %add3A_716 = arith.addi %mul3A_350, %add3A_715 : i32
            %get3A_717 = arith.index_cast %add3A_716 : i32 to index
            %get3A_718 = arith.constant 112 : index
            %get3A_719 = tpu.vector_load %arg14[%get3A_717, %get3A_718] {strides = array<i32>} : memref<128x128xf32, #tpu.memory_space<vmem>>, vector<16xf32>,
            %add3A_720 = arith.addf %add3A_672, %get3A_719 : vector<16xf32>
            %add3A_721 = arith.constant 8 : i32
            %add3A_722 = arith.addi %mul3A_350, %add3A_721 : i32
            %get3A_723 = arith.index_cast %add3A_722 : i32 to index
            %get3A_724 = arith.constant 0 : index
            %get3A_725 = tpu.vector_load %arg14[%get3A_723, %get3A_724] {strides = array<i32>} : memref<128x128xf32, #tpu.memory_space<vmem>>, vector<16xf32>,
            %add3A_726 = arith.addf %add3A_678, %get3A_725 : vector<16xf32>
            %add3A_727 = arith.constant 8 : i32
            %add3A_728 = arith.addi %mul3A_350, %add3A_727 : i32
            %get3A_729 = arith.index_cast %add3A_728 : i32 to index
            %get3A_730 = arith.constant 16 : index
            %get3A_731 = tpu.vector_load %arg14[%get3A_729, %get3A_730] {strides = array<i32>} : memref<128x128xf32, #tpu.memory_space<vmem>>, vector<16xf32>,
            %add3A_732 = arith.addf %add3A_684, %get3A_731 : vector<16xf32>
            %add3A_733 = arith.constant 8 : i32
            %add3A_734 = arith.addi %mul3A_350, %add3A_733 : i32
            %get3A_735 = arith.index_cast %add3A_734 : i32 to index
            %get3A_736 = arith.constant 32 : index
            %get3A_737 = tpu.vector_load %arg14[%get3A_735, %get3A_736] {strides = array<i32>} : memref<128x128xf32, #tpu.memory_space<vmem>>, vector<16xf32>,
            %add3A_738 = arith.addf %add3A_690, %get3A_737 : vector<16xf32>
            %add3A_739 = arith.constant 8 : i32
            %add3A_740 = arith.addi %mul3A_350, %add3A_739 : i32
            %get3A_741 = arith.index_cast %add3A_740 : i32 to index
            %get3A_742 = arith.constant 48 : index
            %get3A_743 = tpu.vector_load %arg14[%get3A_741, %get3A_742] {strides = array<i32>} : memref<128x128xf32, #tpu.memory_space<vmem>>, vector<16xf32>,
            %add3A_744 = arith.addf %add3A_696, %get3A_743 : vector<16xf32>
            %add3A_745 = arith.constant 8 : i32
            %add3A_746 = arith.addi %mul3A_350, %add3A_745 : i32
            %get3A_747 = arith.index_cast %add3A_746 : i32 to index
            %get3A_748 = arith.constant 64 : index
            %get3A_749 = tpu.vector_load %arg14[%get3A_747, %get3A_748] {strides = array<i32>} : memref<128x128xf32, #tpu.memory_space<vmem>>, vector<16xf32>,
            %add3A_750 = arith.addf %add3A_702, %get3A_749 : vector<16xf32>
            %add3A_751 = arith.constant 8 : i32
            %add3A_752 = arith.addi %mul3A_350, %add3A_751 : i32
            %get3A_753 = arith.index_cast %add3A_752 : i32 to index
            %get3A_754 = arith.constant 80 : index
            %get3A_755 = tpu.vector_load %arg14[%get3A_753, %get3A_754] {strides = array<i32>} : memref<128x128xf32, #tpu.memory_space<vmem>>, vector<16xf32>,
            %add3A_756 = arith.addf %add3A_708, %get3A_755 : vector<16xf32>
            %add3A_757 = arith.constant 8 : i32
            %add3A_758 = arith.addi %mul3A_350, %add3A_757 : i32
            %get3A_759 = arith.index_cast %add3A_758 : i32 to index
            %get3A_760 = arith.constant 96 : index
            %get3A_761 = tpu.vector_load %arg14[%get3A_759, %get3A_760] {strides = array<i32>} : memref<128x128xf32, #tpu.memory_space<vmem>>, vector<16xf32>,
            %add3A_762 = arith.addf %add3A_714, %get3A_761 : vector<16xf32>
            %add3A_763 = arith.constant 8 : i32
            %add3A_764 = arith.addi %mul3A_350, %add3A_763 : i32
            %get3A_765 = arith.index_cast %add3A_764 : i32 to index
            %get3A_766 = arith.constant 112 : index
            %get3A_767 = tpu.vector_load %arg14[%get3A_765, %get3A_766] {strides = array<i32>} : memref<128x128xf32, #tpu.memory_space<vmem>>, vector<16xf32>,
            %add3A_768 = arith.addf %add3A_720, %get3A_767 : vector<16xf32>
            %add3A_769 = arith.constant 9 : i32
            %add3A_770 = arith.addi %mul3A_350, %add3A_769 : i32
            %get3A_771 = arith.index_cast %add3A_770 : i32 to index
            %get3A_772 = arith.constant 0 : index
            %get3A_773 = tpu.vector_load %arg14[%get3A_771, %get3A_772] {strides = array<i32>} : memref<128x128xf32, #tpu.memory_space<vmem>>, vector<16xf32>,
            %add3A_774 = arith.addf %add3A_726, %get3A_773 : vector<16xf32>
            %add3A_775 = arith.constant 9 : i32
            %add3A_776 = arith.addi %mul3A_350, %add3A_775 : i32
            %get3A_777 = arith.index_cast %add3A_776 : i32 to index
            %get3A_778 = arith.constant 16 : index
            %get3A_779 = tpu.vector_load %arg14[%get3A_777, %get3A_778] {strides = array<i32>} : memref<128x128xf32, #tpu.memory_space<vmem>>, vector<16xf32>,
            %add3A_780 = arith.addf %add3A_732, %get3A_779 : vector<16xf32>
            %add3A_781 = arith.constant 9 : i32
            %add3A_782 = arith.addi %mul3A_350, %add3A_781 : i32
            %get3A_783 = arith.index_cast %add3A_782 : i32 to index
            %get3A_784 = arith.constant 32 : index
            %get3A_785 = tpu.vector_load %arg14[%get3A_783, %get3A_784] {strides = array<i32>} : memref<128x128xf32, #tpu.memory_space<vmem>>, vector<16xf32>,
            %add3A_786 = arith.addf %add3A_738, %get3A_785 : vector<16xf32>
            %add3A_787 = arith.constant 9 : i32
            %add3A_788 = arith.addi %mul3A_350, %add3A_787 : i32
            %get3A_789 = arith.index_cast %add3A_788 : i32 to index
            %get3A_790 = arith.constant 48 : index
            %get3A_791 = tpu.vector_load %arg14[%get3A_789, %get3A_790] {strides = array<i32>} : memref<128x128xf32, #tpu.memory_space<vmem>>, vector<16xf32>,
            %add3A_792 = arith.addf %add3A_744, %get3A_791 : vector<16xf32>
            %add3A_793 = arith.constant 9 : i32
            %add3A_794 = arith.addi %mul3A_350, %add3A_793 : i32
            %get3A_795 = arith.index_cast %add3A_794 : i32 to index
            %get3A_796 = arith.constant 64 : index
            %get3A_797 = tpu.vector_load %arg14[%get3A_795, %get3A_796] {strides = array<i32>} : memref<128x128xf32, #tpu.memory_space<vmem>>, vector<16xf32>,
            %add3A_798 = arith.addf %add3A_750, %get3A_797 : vector<16xf32>
            %add3A_799 = arith.constant 9 : i32
            %add3A_800 = arith.addi %mul3A_350, %add3A_799 : i32
            %get3A_801 = arith.index_cast %add3A_800 : i32 to index
            %get3A_802 = arith.constant 80 : index
            %get3A_803 = tpu.vector_load %arg14[%get3A_801, %get3A_802] {strides = array<i32>} : memref<128x128xf32, #tpu.memory_space<vmem>>, vector<16xf32>,
            %add3A_804 = arith.addf %add3A_756, %get3A_803 : vector<16xf32>
            %add3A_805 = arith.constant 9 : i32
            %add3A_806 = arith.addi %mul3A_350, %add3A_805 : i32
            %get3A_807 = arith.index_cast %add3A_806 : i32 to index
            %get3A_808 = arith.constant 96 : index
            %get3A_809 = tpu.vector_load %arg14[%get3A_807, %get3A_808] {strides = array<i32>} : memref<128x128xf32, #tpu.memory_space<vmem>>, vector<16xf32>,
            %add3A_810 = arith.addf %add3A_762, %get3A_809 : vector<16xf32>
            %add3A_811 = arith.constant 9 : i32
            %add3A_812 = arith.addi %mul3A_350, %add3A_811 : i32
            %get3A_813 = arith.index_cast %add3A_812 : i32 to index
            %get3A_814 = arith.constant 112 : index
            %get3A_815 = tpu.vector_load %arg14[%get3A_813, %get3A_814] {strides = array<i32>} : memref<128x128xf32, #tpu.memory_space<vmem>>, vector<16xf32>,
            %add3A_816 = arith.addf %add3A_768, %get3A_815 : vector<16xf32>
            %add3A_817 = arith.constant 10 : i32
            %add3A_818 = arith.addi %mul3A_350, %add3A_817 : i32
            %get3A_819 = arith.index_cast %add3A_818 : i32 to index
            %get3A_820 = arith.constant 0 : index
            %get3A_821 = tpu.vector_load %arg14[%get3A_819, %get3A_820] {strides = array<i32>} : memref<128x128xf32, #tpu.memory_space<vmem>>, vector<16xf32>,
            %add3A_822 = arith.addf %add3A_774, %get3A_821 : vector<16xf32>
            %add3A_823 = arith.constant 10 : i32
            %add3A_824 = arith.addi %mul3A_350, %add3A_823 : i32
            %get3A_825 = arith.index_cast %add3A_824 : i32 to index
            %get3A_826 = arith.constant 16 : index
            %get3A_827 = tpu.vector_load %arg14[%get3A_825, %get3A_826] {strides = array<i32>} : memref<128x128xf32, #tpu.memory_space<vmem>>, vector<16xf32>,
            %add3A_828 = arith.addf %add3A_780, %get3A_827 : vector<16xf32>
            %add3A_829 = arith.constant 10 : i32
            %add3A_830 = arith.addi %mul3A_350, %add3A_829 : i32
            %get3A_831 = arith.index_cast %add3A_830 : i32 to index
            %get3A_832 = arith.constant 32 : index
            %get3A_833 = tpu.vector_load %arg14[%get3A_831, %get3A_832] {strides = array<i32>} : memref<128x128xf32, #tpu.memory_space<vmem>>, vector<16xf32>,
            %add3A_834 = arith.addf %add3A_786, %get3A_833 : vector<16xf32>
            %add3A_835 = arith.constant 10 : i32
            %add3A_836 = arith.addi %mul3A_350, %add3A_835 : i32
            %get3A_837 = arith.index_cast %add3A_836 : i32 to index
            %get3A_838 = arith.constant 48 : index
            %get3A_839 = tpu.vector_load %arg14[%get3A_837, %get3A_838] {strides = array<i32>} : memref<128x128xf32, #tpu.memory_space<vmem>>, vector<16xf32>,
            %add3A_840 = arith.addf %add3A_792, %get3A_839 : vector<16xf32>
            %add3A_841 = arith.constant 10 : i32
            %add3A_842 = arith.addi %mul3A_350, %add3A_841 : i32
            %get3A_843 = arith.index_cast %add3A_842 : i32 to index
            %get3A_844 = arith.constant 64 : index
            %get3A_845 = tpu.vector_load %arg14[%get3A_843, %get3A_844] {strides = array<i32>} : memref<128x128xf32, #tpu.memory_space<vmem>>, vector<16xf32>,
            %add3A_846 = arith.addf %add3A_798, %get3A_845 : vector<16xf32>
            %add3A_847 = arith.constant 10 : i32
            %add3A_848 = arith.addi %mul3A_350, %add3A_847 : i32
            %get3A_849 = arith.index_cast %add3A_848 : i32 to index
            %get3A_850 = arith.constant 80 : index
            %get3A_851 = tpu.vector_load %arg14[%get3A_849, %get3A_850] {strides = array<i32>} : memref<128x128xf32, #tpu.memory_space<vmem>>, vector<16xf32>,
            %add3A_852 = arith.addf %add3A_804, %get3A_851 : vector<16xf32>
            %add3A_853 = arith.constant 10 : i32
            %add3A_854 = arith.addi %mul3A_350, %add3A_853 : i32
            %get3A_855 = arith.index_cast %add3A_854 : i32 to index
            %get3A_856 = arith.constant 96 : index
            %get3A_857 = tpu.vector_load %arg14[%get3A_855, %get3A_856] {strides = array<i32>} : memref<128x128xf32, #tpu.memory_space<vmem>>, vector<16xf32>,
            %add3A_858 = arith.addf %add3A_810, %get3A_857 : vector<16xf32>
            %add3A_859 = arith.constant 10 : i32
            %add3A_860 = arith.addi %mul3A_350, %add3A_859 : i32
            %get3A_861 = arith.index_cast %add3A_860 : i32 to index
            %get3A_862 = arith.constant 112 : index
            %get3A_863 = tpu.vector_load %arg14[%get3A_861, %get3A_862] {strides = array<i32>} : memref<128x128xf32, #tpu.memory_space<vmem>>, vector<16xf32>,
            %add3A_864 = arith.addf %add3A_816, %get3A_863 : vector<16xf32>
            %add3A_865 = arith.constant 11 : i32
            %add3A_866 = arith.addi %mul3A_350, %add3A_865 : i32
            %get3A_867 = arith.index_cast %add3A_866 : i32 to index
            %get3A_868 = arith.constant 0 : index
            %get3A_869 = tpu.vector_load %arg14[%get3A_867, %get3A_868] {strides = array<i32>} : memref<128x128xf32, #tpu.memory_space<vmem>>, vector<16xf32>,
            %add3A_870 = arith.addf %add3A_822, %get3A_869 : vector<16xf32>
            %add3A_871 = arith.constant 11 : i32
            %add3A_872 = arith.addi %mul3A_350, %add3A_871 : i32
            %get3A_873 = arith.index_cast %add3A_872 : i32 to index
            %get3A_874 = arith.constant 16 : index
            %get3A_875 = tpu.vector_load %arg14[%get3A_873, %get3A_874] {strides = array<i32>} : memref<128x128xf32, #tpu.memory_space<vmem>>, vector<16xf32>,
            %add3A_876 = arith.addf %add3A_828, %get3A_875 : vector<16xf32>
            %add3A_877 = arith.constant 11 : i32
            %add3A_878 = arith.addi %mul3A_350, %add3A_877 : i32
            %get3A_879 = arith.index_cast %add3A_878 : i32 to index
            %get3A_880 = arith.constant 32 : index
            %get3A_881 = tpu.vector_load %arg14[%get3A_879, %get3A_880] {strides = array<i32>} : memref<128x128xf32, #tpu.memory_space<vmem>>, vector<16xf32>,
            %add3A_882 = arith.addf %add3A_834, %get3A_881 : vector<16xf32>
            %add3A_883 = arith.constant 11 : i32
            %add3A_884 = arith.addi %mul3A_350, %add3A_883 : i32
            %get3A_885 = arith.index_cast %add3A_884 : i32 to index
            %get3A_886 = arith.constant 48 : index
            %get3A_887 = tpu.vector_load %arg14[%get3A_885, %get3A_886] {strides = array<i32>} : memref<128x128xf32, #tpu.memory_space<vmem>>, vector<16xf32>,
            %add3A_888 = arith.addf %add3A_840, %get3A_887 : vector<16xf32>
            %add3A_889 = arith.constant 11 : i32
            %add3A_890 = arith.addi %mul3A_350, %add3A_889 : i32
            %get3A_891 = arith.index_cast %add3A_890 : i32 to index
            %get3A_892 = arith.constant 64 : index
            %get3A_893 = tpu.vector_load %arg14[%get3A_891, %get3A_892] {strides = array<i32>} : memref<128x128xf32, #tpu.memory_space<vmem>>, vector<16xf32>,
            %add3A_894 = arith.addf %add3A_846, %get3A_893 : vector<16xf32>
            %add3A_895 = arith.constant 11 : i32
            %add3A_896 = arith.addi %mul3A_350, %add3A_895 : i32
            %get3A_897 = arith.index_cast %add3A_896 : i32 to index
            %get3A_898 = arith.constant 80 : index
            %get3A_899 = tpu.vector_load %arg14[%get3A_897, %get3A_898] {strides = array<i32>} : memref<128x128xf32, #tpu.memory_space<vmem>>, vector<16xf32>,
            %add3A_900 = arith.addf %add3A_852, %get3A_899 : vector<16xf32>
            %add3A_901 = arith.constant 11 : i32
            %add3A_902 = arith.addi %mul3A_350, %add3A_901 : i32
            %get3A_903 = arith.index_cast %add3A_902 : i32 to index
            %get3A_904 = arith.constant 96 : index
            %get3A_905 = tpu.vector_load %arg14[%get3A_903, %get3A_904] {strides = array<i32>} : memref<128x128xf32, #tpu.memory_space<vmem>>, vector<16xf32>,
            %add3A_906 = arith.addf %add3A_858, %get3A_905 : vector<16xf32>
            %add3A_907 = arith.constant 11 : i32
            %add3A_908 = arith.addi %mul3A_350, %add3A_907 : i32
            %get3A_909 = arith.index_cast %add3A_908 : i32 to index
            %get3A_910 = arith.constant 112 : index
            %get3A_911 = tpu.vector_load %arg14[%get3A_909, %get3A_910] {strides = array<i32>} : memref<128x128xf32, #tpu.memory_space<vmem>>, vector<16xf32>,
            %add3A_912 = arith.addf %add3A_864, %get3A_911 : vector<16xf32>
            %add3A_913 = arith.constant 12 : i32
            %add3A_914 = arith.addi %mul3A_350, %add3A_913 : i32
            %get3A_915 = arith.index_cast %add3A_914 : i32 to index
            %get3A_916 = arith.constant 0 : index
            %get3A_917 = tpu.vector_load %arg14[%get3A_915, %get3A_916] {strides = array<i32>} : memref<128x128xf32, #tpu.memory_space<vmem>>, vector<16xf32>,
            %add3A_918 = arith.addf %add3A_870, %get3A_917 : vector<16xf32>
            %add3A_919 = arith.constant 12 : i32
            %add3A_920 = arith.addi %mul3A_350, %add3A_919 : i32
            %get3A_921 = arith.index_cast %add3A_920 : i32 to index
            %get3A_922 = arith.constant 16 : index
            %get3A_923 = tpu.vector_load %arg14[%get3A_921, %get3A_922] {strides = array<i32>} : memref<128x128xf32, #tpu.memory_space<vmem>>, vector<16xf32>,
            %add3A_924 = arith.addf %add3A_876, %get3A_923 : vector<16xf32>
            %add3A_925 = arith.constant 12 : i32
            %add3A_926 = arith.addi %mul3A_350, %add3A_925 : i32
            %get3A_927 = arith.index_cast %add3A_926 : i32 to index
            %get3A_928 = arith.constant 32 : index
            %get3A_929 = tpu.vector_load %arg14[%get3A_927, %get3A_928] {strides = array<i32>} : memref<128x128xf32, #tpu.memory_space<vmem>>, vector<16xf32>,
            %add3A_930 = arith.addf %add3A_882, %get3A_929 : vector<16xf32>
            %add3A_931 = arith.constant 12 : i32
            %add3A_932 = arith.addi %mul3A_350, %add3A_931 : i32
            %get3A_933 = arith.index_cast %add3A_932 : i32 to index
            %get3A_934 = arith.constant 48 : index
            %get3A_935 = tpu.vector_load %arg14[%get3A_933, %get3A_934] {strides = array<i32>} : memref<128x128xf32, #tpu.memory_space<vmem>>, vector<16xf32>,
            %add3A_936 = arith.addf %add3A_888, %get3A_935 : vector<16xf32>
            %add3A_937 = arith.constant 12 : i32
            %add3A_938 = arith.addi %mul3A_350, %add3A_937 : i32
            %get3A_939 = arith.index_cast %add3A_938 : i32 to index
            %get3A_940 = arith.constant 64 : index
            %get3A_941 = tpu.vector_load %arg14[%get3A_939, %get3A_940] {strides = array<i32>} : memref<128x128xf32, #tpu.memory_space<vmem>>, vector<16xf32>,
            %add3A_942 = arith.addf %add3A_894, %get3A_941 : vector<16xf32>
            %add3A_943 = arith.constant 12 : i32
            %add3A_944 = arith.addi %mul3A_350, %add3A_943 : i32
            %get3A_945 = arith.index_cast %add3A_944 : i32 to index
            %get3A_946 = arith.constant 80 : index
            %get3A_947 = tpu.vector_load %arg14[%get3A_945, %get3A_946] {strides = array<i32>} : memref<128x128xf32, #tpu.memory_space<vmem>>, vector<16xf32>,
            %add3A_948 = arith.addf %add3A_900, %get3A_947 : vector<16xf32>
            %add3A_949 = arith.constant 12 : i32
            %add3A_950 = arith.addi %mul3A_350, %add3A_949 : i32
            %get3A_951 = arith.index_cast %add3A_950 : i32 to index
            %get3A_952 = arith.constant 96 : index
            %get3A_953 = tpu.vector_load %arg14[%get3A_951, %get3A_952] {strides = array<i32>} : memref<128x128xf32, #tpu.memory_space<vmem>>, vector<16xf32>,
            %add3A_954 = arith.addf %add3A_906, %get3A_953 : vector<16xf32>
            %add3A_955 = arith.constant 12 : i32
            %add3A_956 = arith.addi %mul3A_350, %add3A_955 : i32
            %get3A_957 = arith.index_cast %add3A_956 : i32 to index
            %get3A_958 = arith.constant 112 : index
            %get3A_959 = tpu.vector_load %arg14[%get3A_957, %get3A_958] {strides = array<i32>} : memref<128x128xf32, #tpu.memory_space<vmem>>, vector<16xf32>,
            %add3A_960 = arith.addf %add3A_912, %get3A_959 : vector<16xf32>
            %add3A_961 = arith.constant 13 : i32
            %add3A_962 = arith.addi %mul3A_350, %add3A_961 : i32
            %get3A_963 = arith.index_cast %add3A_962 : i32 to index
            %get3A_964 = arith.constant 0 : index
            %get3A_965 = tpu.vector_load %arg14[%get3A_963, %get3A_964] {strides = array<i32>} : memref<128x128xf32, #tpu.memory_space<vmem>>, vector<16xf32>,
            %add3A_966 = arith.addf %add3A_918, %get3A_965 : vector<16xf32>
            %add3A_967 = arith.constant 13 : i32
            %add3A_968 = arith.addi %mul3A_350, %add3A_967 : i32
            %get3A_969 = arith.index_cast %add3A_968 : i32 to index
            %get3A_970 = arith.constant 16 : index
            %get3A_971 = tpu.vector_load %arg14[%get3A_969, %get3A_970] {strides = array<i32>} : memref<128x128xf32, #tpu.memory_space<vmem>>, vector<16xf32>,
            %add3A_972 = arith.addf %add3A_924, %get3A_971 : vector<16xf32>
            %add3A_973 = arith.constant 13 : i32
            %add3A_974 = arith.addi %mul3A_350, %add3A_973 : i32
            %get3A_975 = arith.index_cast %add3A_974 : i32 to index
            %get3A_976 = arith.constant 32 : index
            %get3A_977 = tpu.vector_load %arg14[%get3A_975, %get3A_976] {strides = array<i32>} : memref<128x128xf32, #tpu.memory_space<vmem>>, vector<16xf32>,
            %add3A_978 = arith.addf %add3A_930, %get3A_977 : vector<16xf32>
            %add3A_979 = arith.constant 13 : i32
            %add3A_980 = arith.addi %mul3A_350, %add3A_979 : i32
            %get3A_981 = arith.index_cast %add3A_980 : i32 to index
            %get3A_982 = arith.constant 48 : index
            %get3A_983 = tpu.vector_load %arg14[%get3A_981, %get3A_982] {strides = array<i32>} : memref<128x128xf32, #tpu.memory_space<vmem>>, vector<16xf32>,
            %add3A_984 = arith.addf %add3A_936, %get3A_983 : vector<16xf32>
            %add3A_985 = arith.constant 13 : i32
            %add3A_986 = arith.addi %mul3A_350, %add3A_985 : i32
            %get3A_987 = arith.index_cast %add3A_986 : i32 to index
            %get3A_988 = arith.constant 64 : index
            %get3A_989 = tpu.vector_load %arg14[%get3A_987, %get3A_988] {strides = array<i32>} : memref<128x128xf32, #tpu.memory_space<vmem>>, vector<16xf32>,
            %add3A_990 = arith.addf %add3A_942, %get3A_989 : vector<16xf32>
            %add3A_991 = arith.constant 13 : i32
            %add3A_992 = arith.addi %mul3A_350, %add3A_991 : i32
            %get3A_993 = arith.index_cast %add3A_992 : i32 to index
            %get3A_994 = arith.constant 80 : index
            %get3A_995 = tpu.vector_load %arg14[%get3A_993, %get3A_994] {strides = array<i32>} : memref<128x128xf32, #tpu.memory_space<vmem>>, vector<16xf32>,
            %add3A_996 = arith.addf %add3A_948, %get3A_995 : vector<16xf32>
            %add3A_997 = arith.constant 13 : i32
            %add3A_998 = arith.addi %mul3A_350, %add3A_997 : i32
            %get3A_999 = arith.index_cast %add3A_998 : i32 to index
            %get3A_1000 = arith.constant 96 : index
            %get3A_1001 = tpu.vector_load %arg14[%get3A_999, %get3A_1000] {strides = array<i32>} : memref<128x128xf32, #tpu.memory_space<vmem>>, vector<16xf32>,
            %add3A_1002 = arith.addf %add3A_954, %get3A_1001 : vector<16xf32>
            %add3A_1003 = arith.constant 13 : i32
            %add3A_1004 = arith.addi %mul3A_350, %add3A_1003 : i32
            %get3A_1005 = arith.index_cast %add3A_1004 : i32 to index
            %get3A_1006 = arith.constant 112 : index
            %get3A_1007 = tpu.vector_load %arg14[%get3A_1005, %get3A_1006] {strides = array<i32>} : memref<128x128xf32, #tpu.memory_space<vmem>>, vector<16xf32>,
            %add3A_1008 = arith.addf %add3A_960, %get3A_1007 : vector<16xf32>
            %add3A_1009 = arith.constant 14 : i32
            %add3A_1010 = arith.addi %mul3A_350, %add3A_1009 : i32
            %get3A_1011 = arith.index_cast %add3A_1010 : i32 to index
            %get3A_1012 = arith.constant 0 : index
            %get3A_1013 = tpu.vector_load %arg14[%get3A_1011, %get3A_1012] {strides = array<i32>} : memref<128x128xf32, #tpu.memory_space<vmem>>, vector<16xf32>,
            %add3A_1014 = arith.addf %add3A_966, %get3A_1013 : vector<16xf32>
            %add3A_1015 = arith.constant 14 : i32
            %add3A_1016 = arith.addi %mul3A_350, %add3A_1015 : i32
            %get3A_1017 = arith.index_cast %add3A_1016 : i32 to index
            %get3A_1018 = arith.constant 16 : index
            %get3A_1019 = tpu.vector_load %arg14[%get3A_1017, %get3A_1018] {strides = array<i32>} : memref<128x128xf32, #tpu.memory_space<vmem>>, vector<16xf32>,
            %add3A_1020 = arith.addf %add3A_972, %get3A_1019 : vector<16xf32>
            %add3A_1021 = arith.constant 14 : i32
            %add3A_1022 = arith.addi %mul3A_350, %add3A_1021 : i32
            %get3A_1023 = arith.index_cast %add3A_1022 : i32 to index
            %get3A_1024 = arith.constant 32 : index
            %get3A_1025 = tpu.vector_load %arg14[%get3A_1023, %get3A_1024] {strides = array<i32>} : memref<128x128xf32, #tpu.memory_space<vmem>>, vector<16xf32>,
            %add3A_1026 = arith.addf %add3A_978, %get3A_1025 : vector<16xf32>
            %add3A_1027 = arith.constant 14 : i32
            %add3A_1028 = arith.addi %mul3A_350, %add3A_1027 : i32
            %get3A_1029 = arith.index_cast %add3A_1028 : i32 to index
            %get3A_1030 = arith.constant 48 : index
            %get3A_1031 = tpu.vector_load %arg14[%get3A_1029, %get3A_1030] {strides = array<i32>} : memref<128x128xf32, #tpu.memory_space<vmem>>, vector<16xf32>,
            %add3A_1032 = arith.addf %add3A_984, %get3A_1031 : vector<16xf32>
            %add3A_1033 = arith.constant 14 : i32
            %add3A_1034 = arith.addi %mul3A_350, %add3A_1033 : i32
            %get3A_1035 = arith.index_cast %add3A_1034 : i32 to index
            %get3A_1036 = arith.constant 64 : index
            %get3A_1037 = tpu.vector_load %arg14[%get3A_1035, %get3A_1036] {strides = array<i32>} : memref<128x128xf32, #tpu.memory_space<vmem>>, vector<16xf32>,
            %add3A_1038 = arith.addf %add3A_990, %get3A_1037 : vector<16xf32>
            %add3A_1039 = arith.constant 14 : i32
            %add3A_1040 = arith.addi %mul3A_350, %add3A_1039 : i32
            %get3A_1041 = arith.index_cast %add3A_1040 : i32 to index
            %get3A_1042 = arith.constant 80 : index
            %get3A_1043 = tpu.vector_load %arg14[%get3A_1041, %get3A_1042] {strides = array<i32>} : memref<128x128xf32, #tpu.memory_space<vmem>>, vector<16xf32>,
            %add3A_1044 = arith.addf %add3A_996, %get3A_1043 : vector<16xf32>
            %add3A_1045 = arith.constant 14 : i32
            %add3A_1046 = arith.addi %mul3A_350, %add3A_1045 : i32
            %get3A_1047 = arith.index_cast %add3A_1046 : i32 to index
            %get3A_1048 = arith.constant 96 : index
            %get3A_1049 = tpu.vector_load %arg14[%get3A_1047, %get3A_1048] {strides = array<i32>} : memref<128x128xf32, #tpu.memory_space<vmem>>, vector<16xf32>,
            %add3A_1050 = arith.addf %add3A_1002, %get3A_1049 : vector<16xf32>
            %add3A_1051 = arith.constant 14 : i32
            %add3A_1052 = arith.addi %mul3A_350, %add3A_1051 : i32
            %get3A_1053 = arith.index_cast %add3A_1052 : i32 to index
            %get3A_1054 = arith.constant 112 : index
            %get3A_1055 = tpu.vector_load %arg14[%get3A_1053, %get3A_1054] {strides = array<i32>} : memref<128x128xf32, #tpu.memory_space<vmem>>, vector<16xf32>,
            %add3A_1056 = arith.addf %add3A_1008, %get3A_1055 : vector<16xf32>
            %add3A_1057 = arith.constant 15 : i32
            %add3A_1058 = arith.addi %mul3A_350, %add3A_1057 : i32
            %get3A_1059 = arith.index_cast %add3A_1058 : i32 to index
            %get3A_1060 = arith.constant 0 : index
            %get3A_1061 = tpu.vector_load %arg14[%get3A_1059, %get3A_1060] {strides = array<i32>} : memref<128x128xf32, #tpu.memory_space<vmem>>, vector<16xf32>,
            %add3A_1062 = arith.addf %add3A_1014, %get3A_1061 : vector<16xf32>
            %add3A_1063 = arith.constant 15 : i32
            %add3A_1064 = arith.addi %mul3A_350, %add3A_1063 : i32
            %get3A_1065 = arith.index_cast %add3A_1064 : i32 to index
            %get3A_1066 = arith.constant 16 : index
            %get3A_1067 = tpu.vector_load %arg14[%get3A_1065, %get3A_1066] {strides = array<i32>} : memref<128x128xf32, #tpu.memory_space<vmem>>, vector<16xf32>,
            %add3A_1068 = arith.addf %add3A_1020, %get3A_1067 : vector<16xf32>
            %add3A_1069 = arith.constant 15 : i32
            %add3A_1070 = arith.addi %mul3A_350, %add3A_1069 : i32
            %get3A_1071 = arith.index_cast %add3A_1070 : i32 to index
            %get3A_1072 = arith.constant 32 : index
            %get3A_1073 = tpu.vector_load %arg14[%get3A_1071, %get3A_1072] {strides = array<i32>} : memref<128x128xf32, #tpu.memory_space<vmem>>, vector<16xf32>,
            %add3A_1074 = arith.addf %add3A_1026, %get3A_1073 : vector<16xf32>
            %add3A_1075 = arith.constant 15 : i32
            %add3A_1076 = arith.addi %mul3A_350, %add3A_1075 : i32
            %get3A_1077 = arith.index_cast %add3A_1076 : i32 to index
            %get3A_1078 = arith.constant 48 : index
            %get3A_1079 = tpu.vector_load %arg14[%get3A_1077, %get3A_1078] {strides = array<i32>} : memref<128x128xf32, #tpu.memory_space<vmem>>, vector<16xf32>,
            %add3A_1080 = arith.addf %add3A_1032, %get3A_1079 : vector<16xf32>
            %add3A_1081 = arith.constant 15 : i32
            %add3A_1082 = arith.addi %mul3A_350, %add3A_1081 : i32
            %get3A_1083 = arith.index_cast %add3A_1082 : i32 to index
            %get3A_1084 = arith.constant 64 : index
            %get3A_1085 = tpu.vector_load %arg14[%get3A_1083, %get3A_1084] {strides = array<i32>} : memref<128x128xf32, #tpu.memory_space<vmem>>, vector<16xf32>,
            %add3A_1086 = arith.addf %add3A_1038, %get3A_1085 : vector<16xf32>
            %add3A_1087 = arith.constant 15 : i32
            %add3A_1088 = arith.addi %mul3A_350, %add3A_1087 : i32
            %get3A_1089 = arith.index_cast %add3A_1088 : i32 to index
            %get3A_1090 = arith.constant 80 : index
            %get3A_1091 = tpu.vector_load %arg14[%get3A_1089, %get3A_1090] {strides = array<i32>} : memref<128x128xf32, #tpu.memory_space<vmem>>, vector<16xf32>,
            %add3A_1092 = arith.addf %add3A_1044, %get3A_1091 : vector<16xf32>
            %add3A_1093 = arith.constant 15 : i32
            %add3A_1094 = arith.addi %mul3A_350, %add3A_1093 : i32
            %get3A_1095 = arith.index_cast %add3A_1094 : i32 to index
            %get3A_1096 = arith.constant 96 : index
            %get3A_1097 = tpu.vector_load %arg14[%get3A_1095, %get3A_1096] {strides = array<i32>} : memref<128x128xf32, #tpu.memory_space<vmem>>, vector<16xf32>,
            %add3A_1098 = arith.addf %add3A_1050, %get3A_1097 : vector<16xf32>
            %add3A_1099 = arith.constant 15 : i32
            %add3A_1100 = arith.addi %mul3A_350, %add3A_1099 : i32
            %get3A_1101 = arith.index_cast %add3A_1100 : i32 to index
            %get3A_1102 = arith.constant 112 : index
            %get3A_1103 = tpu.vector_load %arg14[%get3A_1101, %get3A_1102] {strides = array<i32>} : memref<128x128xf32, #tpu.memory_space<vmem>>, vector<16xf32>,
            %add3A_1104 = arith.addf %add3A_1056, %get3A_1103 : vector<16xf32>
            tpu.vector_store_idx %arg16[%gather3A_335, %add3A_15], %add3A_1062 {add = true} : memref<256x128xf32, #tpu.memory_space<vmem>>[vector<16xi32>, vector<16xi32>], vector<16xf32>,
            tpu.vector_store_idx %arg16[%gather3A_335, %add3A_19], %add3A_1068 {add = true} : memref<256x128xf32, #tpu.memory_space<vmem>>[vector<16xi32>, vector<16xi32>], vector<16xf32>,
            tpu.vector_store_idx %arg16[%gather3A_335, %add3A_23], %add3A_1074 {add = true} : memref<256x128xf32, #tpu.memory_space<vmem>>[vector<16xi32>, vector<16xi32>], vector<16xf32>,
            tpu.vector_store_idx %arg16[%gather3A_335, %add3A_27], %add3A_1080 {add = true} : memref<256x128xf32, #tpu.memory_space<vmem>>[vector<16xi32>, vector<16xi32>], vector<16xf32>,
            tpu.vector_store_idx %arg16[%gather3A_335, %add3A_31], %add3A_1086 {add = true} : memref<256x128xf32, #tpu.memory_space<vmem>>[vector<16xi32>, vector<16xi32>], vector<16xf32>,
            tpu.vector_store_idx %arg16[%gather3A_335, %add3A_35], %add3A_1092 {add = true} : memref<256x128xf32, #tpu.memory_space<vmem>>[vector<16xi32>, vector<16xi32>], vector<16xf32>,
            tpu.vector_store_idx %arg16[%gather3A_335, %add3A_39], %add3A_1098 {add = true} : memref<256x128xf32, #tpu.memory_space<vmem>>[vector<16xi32>, vector<16xi32>], vector<16xf32>,
            tpu.vector_store_idx %arg16[%gather3A_335, %add3A_43], %add3A_1104 {add = true} : memref<256x128xf32, #tpu.memory_space<vmem>>[vector<16xi32>, vector<16xi32>], vector<16xf32>,
          } else {
          }
          %eq3A_356 = arith.constant 0 : i32
          %eq3A_357 = arith.cmpi eq, %reduce_min3A_348, %eq3A_356 : i32
          %convert_element_type3A_358 = arith.extui %eq3A_357 : i1 to i32
          %cond3A_359 = arith.constant 0 : i32
          %cond3A_360 = arith.cmpi ne, %convert_element_type3A_358, %cond3A_359 : i32
          scf.if %cond3A_360 {
            %scan3A_361 = arith.constant 0 : i32
            %scan3A_362 = arith.constant 0 : i32
            %scan3A_363 = arith.constant 16 : i32
            %scan3A_364 = arith.addi %scan3A_362, %scan3A_363 : i32
            %scan3A_365 = arith.constant 1 : i32
            scf.for %scan3A_367 = %scan3A_362 to %scan3A_364 step %scan3A_365  : i32 {
              %add3A_368 = vector.broadcast %scan3A_367 : i32 to vector<16xi32>
              %add3A_369 = arith.addi %add3A_47, %add3A_368 : vector<16xi32>
              %broadcast_in_dim3A_370 = vector.shape_cast %add3A_369 : vector<16xi32> to vector<16x1xi32>
              %gather3A_371 = vector.shape_cast %broadcast_in_dim3A_370 : vector<16x1xi32> to vector<16xi32>
              %gather3A_372 = tpu.dynamic_gather %get3A_333[%gather3A_371] in [0] : vector<16xi32>, vector<16xi32> -> vector<16xi32>
              %add3A_373 = arith.addi %mul3A_350, %scan3A_367 : i32
              %get3A_374 = arith.index_cast %add3A_373 : i32 to index
              %get3A_375 = arith.constant 0 : index
              %get3A_376 = tpu.vector_load %arg14[%get3A_374, %get3A_375] {strides = array<i32>} : memref<128x128xf32, #tpu.memory_space<vmem>>, vector<16xf32>,
              tpu.vector_store_idx %arg16[%gather3A_372, %add3A_15], %get3A_376 {add = true} : memref<256x128xf32, #tpu.memory_space<vmem>>[vector<16xi32>, vector<16xi32>], vector<16xf32>,
              %add3A_377 = arith.addi %mul3A_350, %scan3A_367 : i32
              %get3A_378 = arith.index_cast %add3A_377 : i32 to index
              %get3A_379 = arith.constant 16 : index
              %get3A_380 = tpu.vector_load %arg14[%get3A_378, %get3A_379] {strides = array<i32>} : memref<128x128xf32, #tpu.memory_space<vmem>>, vector<16xf32>,
              tpu.vector_store_idx %arg16[%gather3A_372, %add3A_19], %get3A_380 {add = true} : memref<256x128xf32, #tpu.memory_space<vmem>>[vector<16xi32>, vector<16xi32>], vector<16xf32>,
              %add3A_381 = arith.addi %mul3A_350, %scan3A_367 : i32
              %get3A_382 = arith.index_cast %add3A_381 : i32 to index
              %get3A_383 = arith.constant 32 : index
              %get3A_384 = tpu.vector_load %arg14[%get3A_382, %get3A_383] {strides = array<i32>} : memref<128x128xf32, #tpu.memory_space<vmem>>, vector<16xf32>,
              tpu.vector_store_idx %arg16[%gather3A_372, %add3A_23], %get3A_384 {add = true} : memref<256x128xf32, #tpu.memory_space<vmem>>[vector<16xi32>, vector<16xi32>], vector<16xf32>,
              %add3A_385 = arith.addi %mul3A_350, %scan3A_367 : i32
              %get3A_386 = arith.index_cast %add3A_385 : i32 to index
              %get3A_387 = arith.constant 48 : index
              %get3A_388 = tpu.vector_load %arg14[%get3A_386, %get3A_387] {strides = array<i32>} : memref<128x128xf32, #tpu.memory_space<vmem>>, vector<16xf32>,
              tpu.vector_store_idx %arg16[%gather3A_372, %add3A_27], %get3A_388 {add = true} : memref<256x128xf32, #tpu.memory_space<vmem>>[vector<16xi32>, vector<16xi32>], vector<16xf32>,
              %add3A_389 = arith.addi %mul3A_350, %scan3A_367 : i32
              %get3A_390 = arith.index_cast %add3A_389 : i32 to index
              %get3A_391 = arith.constant 64 : index
              %get3A_392 = tpu.vector_load %arg14[%get3A_390, %get3A_391] {strides = array<i32>} : memref<128x128xf32, #tpu.memory_space<vmem>>, vector<16xf32>,
              tpu.vector_store_idx %arg16[%gather3A_372, %add3A_31], %get3A_392 {add = true} : memref<256x128xf32, #tpu.memory_space<vmem>>[vector<16xi32>, vector<16xi32>], vector<16xf32>,
              %add3A_393 = arith.addi %mul3A_350, %scan3A_367 : i32
              %get3A_394 = arith.index_cast %add3A_393 : i32 to index
              %get3A_395 = arith.constant 80 : index
              %get3A_396 = tpu.vector_load %arg14[%get3A_394, %get3A_395] {strides = array<i32>} : memref<128x128xf32, #tpu.memory_space<vmem>>, vector<16xf32>,
              tpu.vector_store_idx %arg16[%gather3A_372, %add3A_35], %get3A_396 {add = true} : memref<256x128xf32, #tpu.memory_space<vmem>>[vector<16xi32>, vector<16xi32>], vector<16xf32>,
              %add3A_397 = arith.addi %mul3A_350, %scan3A_367 : i32
              %get3A_398 = arith.index_cast %add3A_397 : i32 to index
              %get3A_399 = arith.constant 96 : index
              %get3A_400 = tpu.vector_load %arg14[%get3A_398, %get3A_399] {strides = array<i32>} : memref<128x128xf32, #tpu.memory_space<vmem>>, vector<16xf32>,
              tpu.vector_store_idx %arg16[%gather3A_372, %add3A_39], %get3A_400 {add = true} : memref<256x128xf32, #tpu.memory_space<vmem>>[vector<16xi32>, vector<16xi32>], vector<16xf32>,
              %add3A_401 = arith.addi %mul3A_350, %scan3A_367 : i32
              %get3A_402 = arith.index_cast %add3A_401 : i32 to index
              %get3A_403 = arith.constant 112 : index
              %get3A_404 = tpu.vector_load %arg14[%get3A_402, %get3A_403] {strides = array<i32>} : memref<128x128xf32, #tpu.memory_space<vmem>>, vector<16xf32>,
              tpu.vector_store_idx %arg16[%gather3A_372, %add3A_43], %get3A_404 {add = true} : memref<256x128xf32, #tpu.memory_space<vmem>>[vector<16xi32>, vector<16xi32>], vector<16xf32>,
            }
            %scan3A_366 = arith.constant 16 : i32
          } else {
          }
        }
        %scan3A_328 = arith.constant 8 : i32
      } else {
      }
    }
    %sub3A_81 = arith.constant 1 : i32
    %sub3A_82 = arith.subi %select_n3A_55, %sub3A_81 : i32
    %jit3A_83 = arith.constant 3 : i32
    %eq3A = arith.constant 0 : i32
    %eq3A_84 = arith.cmpi eq, %jit3A_83, %eq3A : i32
    %jit3A_85 = arith.constant 1 : i32
    %select_n3A_86 = arith.select %eq3A_84, %jit3A_85, %jit3A_83 : i32
    %rem3A = arith.remsi %sub3A_82, %select_n3A_86 : i32
    %ne3A = arith.constant 0 : i32
    %ne3A_87 = arith.cmpi ne, %rem3A, %ne3A : i32
    %lt3A_88 = arith.constant 0 : i32
    %lt3A_89 = arith.cmpi slt, %rem3A, %lt3A_88 : i32
    %lt3A_90 = arith.constant 0 : i32
    %lt3A_91 = arith.cmpi slt, %select_n3A_86, %lt3A_90 : i32
    %ne3A_92 = arith.xori %lt3A_89, %lt3A_91 : i1
    %and3A = arith.andi %ne3A_92, %ne3A_87 : i1
    %add3A_93 = arith.addi %rem3A, %select_n3A_86 : i32
    %select_n3A_94 = arith.select %and3A, %add3A_93, %rem3A : i32
    %eq3A_95 = arith.constant 0 : i32
    %eq3A_96 = arith.cmpi eq, %select_n3A_94, %eq3A_95 : i32
    %convert_element_type3A_97 = arith.extui %eq3A_96 : i1 to i32
    %cond3A_98 = arith.constant 0 : i32
    %cond3A_99 = arith.cmpi ne, %convert_element_type3A_97, %cond3A_98 : i32
    scf.if %cond3A_99 {
      %sub3A_229 = arith.constant 1 : i32
      %sub3A_230 = arith.subi %select_n3A_55, %sub3A_229 : i32
      %dma_wait3A = arith.constant 0 : i32
      %dma_wait3A_231 = tpu.memref_slice %arg15[%sub3A_230, %dma_wait3A] : memref<80x128xi32, #tpu.memory_space<vmem>> -> memref<1x128xi32, #tpu.memory_space<vmem>>
      %dma_wait3A_232 = tpu.memref_squeeze %dma_wait3A_231 : memref<1x128xi32, #tpu.memory_space<vmem>> -> memref<128xi32, #tpu.memory_space<vmem>>
      %dma_wait3A_233 = arith.constant 0 : i32
      %dma_wait3A_234 = arith.constant 0 : i32
      %dma_wait3A_235 = tpu.memref_slice %arg18[%dma_wait3A_233, %dma_wait3A_234] : memref<256x128xf32, #tpu.memory_space<vmem_shared>> -> memref<256x128xf32, #tpu.memory_space<vmem_shared>>
      tpu.wait_indirect_dma semaphore(%arg22 : memref<!tpu.dma_semaphore, #tpu.memory_space<semaphore_mem>>) src(%arg12 : memref<128x128xf32, #tpu.memory_space<vmem>>) dst(%dma_wait3A_235 : memref<256x128xf32, #tpu.memory_space<vmem_shared>>)
    } else {
    }
    %sub3A_100 = arith.constant 1 : i32
    %sub3A_101 = arith.subi %select_n3A_55, %sub3A_100 : i32
    %jit3A_102 = arith.constant 3 : i32
    %eq3A_103 = arith.constant 0 : i32
    %eq3A_104 = arith.cmpi eq, %jit3A_102, %eq3A_103 : i32
    %jit3A_105 = arith.constant 1 : i32
    %select_n3A_106 = arith.select %eq3A_104, %jit3A_105, %jit3A_102 : i32
    %rem3A_107 = arith.remsi %sub3A_101, %select_n3A_106 : i32
    %ne3A_108 = arith.constant 0 : i32
    %ne3A_109 = arith.cmpi ne, %rem3A_107, %ne3A_108 : i32
    %lt3A_110 = arith.constant 0 : i32
    %lt3A_111 = arith.cmpi slt, %rem3A_107, %lt3A_110 : i32
    %lt3A_112 = arith.constant 0 : i32
    %lt3A_113 = arith.cmpi slt, %select_n3A_106, %lt3A_112 : i32
    %ne3A_114 = arith.xori %lt3A_111, %lt3A_113 : i1
    %and3A_115 = arith.andi %ne3A_114, %ne3A_109 : i1
    %add3A_116 = arith.addi %rem3A_107, %select_n3A_106 : i32
    %select_n3A_117 = arith.select %and3A_115, %add3A_116, %rem3A_107 : i32
    %eq3A_118 = arith.constant 1 : i32
    %eq3A_119 = arith.cmpi eq, %select_n3A_117, %eq3A_118 : i32
    %convert_element_type3A_120 = arith.extui %eq3A_119 : i1 to i32
    %cond3A_121 = arith.constant 0 : i32
    %cond3A_122 = arith.cmpi ne, %convert_element_type3A_120, %cond3A_121 : i32
    scf.if %cond3A_122 {
      %sub3A_229 = arith.constant 1 : i32
      %sub3A_230 = arith.subi %select_n3A_55, %sub3A_229 : i32
      %dma_wait3A = arith.constant 0 : i32
      %dma_wait3A_231 = tpu.memref_slice %arg15[%sub3A_230, %dma_wait3A] : memref<80x128xi32, #tpu.memory_space<vmem>> -> memref<1x128xi32, #tpu.memory_space<vmem>>
      %dma_wait3A_232 = tpu.memref_squeeze %dma_wait3A_231 : memref<1x128xi32, #tpu.memory_space<vmem>> -> memref<128xi32, #tpu.memory_space<vmem>>
      %dma_wait3A_233 = arith.constant 0 : i32
      %dma_wait3A_234 = arith.constant 0 : i32
      %dma_wait3A_235 = tpu.memref_slice %arg18[%dma_wait3A_233, %dma_wait3A_234] : memref<256x128xf32, #tpu.memory_space<vmem_shared>> -> memref<256x128xf32, #tpu.memory_space<vmem_shared>>
      tpu.wait_indirect_dma semaphore(%arg22 : memref<!tpu.dma_semaphore, #tpu.memory_space<semaphore_mem>>) src(%arg13 : memref<128x128xf32, #tpu.memory_space<vmem>>) dst(%dma_wait3A_235 : memref<256x128xf32, #tpu.memory_space<vmem_shared>>)
    } else {
    }
    %barrier3A_123 = arith.constant 0 : index
    tpu.barrier barrier_id(%barrier3A_123)
    "tpu.region"() ({
      %run_scoped3A = tpu.sem_alloc : memref<!tpu.dma_semaphore, #tpu.memory_space<semaphore_mem>>
      %dma_start3A_229 = arith.constant 0 : i32
      %dma_start3A_230 = arith.constant 0 : i32
      %dma_start3A_231 = tpu.memref_slice %arg6[%add3A, %dma_start3A_229, %dma_start3A_230] : memref<32x256x128xf32, #tpu.memory_space<hbm>> -> memref<1x256x128xf32, #tpu.memory_space<hbm>>
      %dma_start3A_232 = tpu.memref_squeeze %dma_start3A_231 : memref<1x256x128xf32, #tpu.memory_space<hbm>> -> memref<256x128xf32, #tpu.memory_space<hbm>>
      %dma_start3A_233 = arith.constant 0 : i32
      %dma_start3A_234 = arith.constant 0 : i32
      %dma_start3A_235 = tpu.memref_slice %arg6[%add3A, %dma_start3A_233, %dma_start3A_234] : memref<32x256x128xf32, #tpu.memory_space<hbm>> -> memref<1x256x128xf32, #tpu.memory_space<hbm>>
      %dma_start3A_236 = tpu.memref_squeeze %dma_start3A_235 : memref<1x256x128xf32, #tpu.memory_space<hbm>> -> memref<256x128xf32, #tpu.memory_space<hbm>>
      tpu.enqueue_dma source(%arg16 : memref<256x128xf32, #tpu.memory_space<vmem>>) target(%dma_start3A_236 : memref<256x128xf32, #tpu.memory_space<hbm>>) target_semaphore(%run_scoped3A : memref<!tpu.dma_semaphore, #tpu.memory_space<semaphore_mem>>)
      %dma_wait3A = arith.constant 0 : i32
      %dma_wait3A_237 = arith.constant 0 : i32
      %dma_wait3A_238 = tpu.memref_slice %arg6[%add3A, %dma_wait3A, %dma_wait3A_237] : memref<32x256x128xf32, #tpu.memory_space<hbm>> -> memref<1x256x128xf32, #tpu.memory_space<hbm>>
      %dma_wait3A_239 = tpu.memref_squeeze %dma_wait3A_238 : memref<1x256x128xf32, #tpu.memory_space<hbm>> -> memref<256x128xf32, #tpu.memory_space<hbm>>
      %dma_wait3A_240 = arith.constant 0 : i32
      %dma_wait3A_241 = arith.constant 0 : i32
      %dma_wait3A_242 = tpu.memref_slice %arg6[%add3A, %dma_wait3A_240, %dma_wait3A_241] : memref<32x256x128xf32, #tpu.memory_space<hbm>> -> memref<1x256x128xf32, #tpu.memory_space<hbm>>
      %dma_wait3A_243 = tpu.memref_squeeze %dma_wait3A_242 : memref<1x256x128xf32, #tpu.memory_space<hbm>> -> memref<256x128xf32, #tpu.memory_space<hbm>>
      tpu.wait_dma2 semaphore(%run_scoped3A : memref<!tpu.dma_semaphore, #tpu.memory_space<semaphore_mem>>) src(%arg16 : memref<256x128xf32, #tpu.memory_space<vmem>>) dst(%dma_wait3A_243 : memref<256x128xf32, #tpu.memory_space<hbm>>)
      tpu.yield
    }) : () -> ()
    "tpu.region"() ({
      %run_scoped3A = tpu.sem_alloc : memref<!tpu.dma_semaphore, #tpu.memory_space<semaphore_mem>>
      %dma_start3A_229 = arith.constant 0 : i32
      %dma_start3A_230 = arith.constant 0 : i32
      %dma_start3A_231 = tpu.memref_slice %arg10[%add3A, %dma_start3A_229, %dma_start3A_230] : memref<32x256x16xi32, #tpu.memory_space<hbm>> -> memref<1x256x16xi32, #tpu.memory_space<hbm>>
      %dma_start3A_232 = tpu.memref_squeeze %dma_start3A_231 : memref<1x256x16xi32, #tpu.memory_space<hbm>> -> memref<256x16xi32, #tpu.memory_space<hbm>>
      %dma_start3A_233 = arith.constant 0 : i32
      %dma_start3A_234 = arith.constant 0 : i32
      %dma_start3A_235 = tpu.memref_slice %arg10[%add3A, %dma_start3A_233, %dma_start3A_234] : memref<32x256x16xi32, #tpu.memory_space<hbm>> -> memref<1x256x16xi32, #tpu.memory_space<hbm>>
      %dma_start3A_236 = tpu.memref_squeeze %dma_start3A_235 : memref<1x256x16xi32, #tpu.memory_space<hbm>> -> memref<256x16xi32, #tpu.memory_space<hbm>>
      tpu.enqueue_dma source(%arg17 : memref<256x16xi32, #tpu.memory_space<vmem>>) target(%dma_start3A_236 : memref<256x16xi32, #tpu.memory_space<hbm>>) target_semaphore(%run_scoped3A : memref<!tpu.dma_semaphore, #tpu.memory_space<semaphore_mem>>)
      %dma_wait3A = arith.constant 0 : i32
      %dma_wait3A_237 = arith.constant 0 : i32
      %dma_wait3A_238 = tpu.memref_slice %arg10[%add3A, %dma_wait3A, %dma_wait3A_237] : memref<32x256x16xi32, #tpu.memory_space<hbm>> -> memref<1x256x16xi32, #tpu.memory_space<hbm>>
      %dma_wait3A_239 = tpu.memref_squeeze %dma_wait3A_238 : memref<1x256x16xi32, #tpu.memory_space<hbm>> -> memref<256x16xi32, #tpu.memory_space<hbm>>
      %dma_wait3A_240 = arith.constant 0 : i32
      %dma_wait3A_241 = arith.constant 0 : i32
      %dma_wait3A_242 = tpu.memref_slice %arg10[%add3A, %dma_wait3A_240, %dma_wait3A_241] : memref<32x256x16xi32, #tpu.memory_space<hbm>> -> memref<1x256x16xi32, #tpu.memory_space<hbm>>
      %dma_wait3A_243 = tpu.memref_squeeze %dma_wait3A_242 : memref<1x256x16xi32, #tpu.memory_space<hbm>> -> memref<256x16xi32, #tpu.memory_space<hbm>>
      tpu.wait_dma2 semaphore(%run_scoped3A : memref<!tpu.dma_semaphore, #tpu.memory_space<semaphore_mem>>) src(%arg17 : memref<256x16xi32, #tpu.memory_space<vmem>>) dst(%dma_wait3A_243 : memref<256x16xi32, #tpu.memory_space<hbm>>)
      tpu.yield
    }) : () -> ()
    "tpu.region"() ({
      %run_scoped3A = tpu.sem_alloc : memref<!tpu.dma_semaphore, #tpu.memory_space<semaphore_mem>>
      %dma_start3A_229 = arith.constant 0 : i32
      %dma_start3A_230 = tpu.memref_slice %arg8[%arg0, %mul3A_49, %dma_start3A_229] : memref<2x256x128xf32, #tpu.memory_space<hbm>> -> memref<1x16x128xf32, #tpu.memory_space<hbm>>
      %dma_start3A_231 = tpu.memref_squeeze %dma_start3A_230 : memref<1x16x128xf32, #tpu.memory_space<hbm>> -> memref<16x128xf32, #tpu.memory_space<hbm>>
      %dma_start3A_232 = arith.constant 0 : i32
      %dma_start3A_233 = tpu.memref_slice %arg18[%mul3A_49, %dma_start3A_232] : memref<256x128xf32, #tpu.memory_space<vmem_shared>> -> memref<16x128xf32, #tpu.memory_space<vmem_shared>>
      tpu.enqueue_dma source(%dma_start3A_233 : memref<16x128xf32, #tpu.memory_space<vmem_shared>>) target(%dma_start3A_231 : memref<16x128xf32, #tpu.memory_space<hbm>>) target_semaphore(%run_scoped3A : memref<!tpu.dma_semaphore, #tpu.memory_space<semaphore_mem>>)
      %dma_wait3A = arith.constant 0 : i32
      %dma_wait3A_234 = tpu.memref_slice %arg8[%arg0, %mul3A_49, %dma_wait3A] : memref<2x256x128xf32, #tpu.memory_space<hbm>> -> memref<1x16x128xf32, #tpu.memory_space<hbm>>
      %dma_wait3A_235 = tpu.memref_squeeze %dma_wait3A_234 : memref<1x16x128xf32, #tpu.memory_space<hbm>> -> memref<16x128xf32, #tpu.memory_space<hbm>>
      %dma_wait3A_236 = arith.constant 0 : i32
      %dma_wait3A_237 = tpu.memref_slice %arg18[%mul3A_49, %dma_wait3A_236] : memref<256x128xf32, #tpu.memory_space<vmem_shared>> -> memref<16x128xf32, #tpu.memory_space<vmem_shared>>
      tpu.wait_dma2 semaphore(%run_scoped3A : memref<!tpu.dma_semaphore, #tpu.memory_space<semaphore_mem>>) src(%dma_wait3A_237 : memref<16x128xf32, #tpu.memory_space<vmem_shared>>) dst(%dma_wait3A_235 : memref<16x128xf32, #tpu.memory_space<hbm>>)
      tpu.yield
    }) : () -> ()
    %barrier3A_124 = arith.constant 0 : index
    tpu.barrier barrier_id(%barrier3A_124)
    %scan3A_125 = arith.constant 0 : i32
    %scan3A_126 = arith.constant 0 : i32
    %scan3A_127 = arith.constant 256 : i32
    %scan3A_128 = arith.addi %scan3A_126, %scan3A_127 : i32
    %scan3A_129 = arith.constant 1 : i32
    %scan3A_130 = scf.for %scan3A_229 = %scan3A_126 to %scan3A_128 step %scan3A_129 iter_args(%scan3A_230 = %scan3A_125) -> (i32)  : i32 {
      %swap3A = arith.index_cast %scan3A_229 : i32 to index
      %swap3A_231 = arith.constant 0 : index
      %swap3A_232 = tpu.vector_load %arg16[%swap3A, %swap3A_231] {strides = array<i32>} : memref<256x128xf32, #tpu.memory_space<vmem>>, vector<16xf32>,
      tpu.vector_store %arg16[%swap3A, %swap3A_231], %broadcast_in_dim3A_1 {strides = array<i32>} : memref<256x128xf32, #tpu.memory_space<vmem>>, vector<16xf32>,
      %swap3A_233 = arith.index_cast %scan3A_229 : i32 to index
      %swap3A_234 = arith.constant 16 : index
      %swap3A_235 = tpu.vector_load %arg16[%swap3A_233, %swap3A_234] {strides = array<i32>} : memref<256x128xf32, #tpu.memory_space<vmem>>, vector<16xf32>,
      tpu.vector_store %arg16[%swap3A_233, %swap3A_234], %broadcast_in_dim3A_1 {strides = array<i32>} : memref<256x128xf32, #tpu.memory_space<vmem>>, vector<16xf32>,
      %swap3A_236 = arith.index_cast %scan3A_229 : i32 to index
      %swap3A_237 = arith.constant 32 : index
      %swap3A_238 = tpu.vector_load %arg16[%swap3A_236, %swap3A_237] {strides = array<i32>} : memref<256x128xf32, #tpu.memory_space<vmem>>, vector<16xf32>,
      tpu.vector_store %arg16[%swap3A_236, %swap3A_237], %broadcast_in_dim3A_1 {strides = array<i32>} : memref<256x128xf32, #tpu.memory_space<vmem>>, vector<16xf32>,
      %swap3A_239 = arith.index_cast %scan3A_229 : i32 to index
      %swap3A_240 = arith.constant 48 : index
      %swap3A_241 = tpu.vector_load %arg16[%swap3A_239, %swap3A_240] {strides = array<i32>} : memref<256x128xf32, #tpu.memory_space<vmem>>, vector<16xf32>,
      tpu.vector_store %arg16[%swap3A_239, %swap3A_240], %broadcast_in_dim3A_1 {strides = array<i32>} : memref<256x128xf32, #tpu.memory_space<vmem>>, vector<16xf32>,
      %swap3A_242 = arith.index_cast %scan3A_229 : i32 to index
      %swap3A_243 = arith.constant 64 : index
      %swap3A_244 = tpu.vector_load %arg16[%swap3A_242, %swap3A_243] {strides = array<i32>} : memref<256x128xf32, #tpu.memory_space<vmem>>, vector<16xf32>,
      tpu.vector_store %arg16[%swap3A_242, %swap3A_243], %broadcast_in_dim3A_1 {strides = array<i32>} : memref<256x128xf32, #tpu.memory_space<vmem>>, vector<16xf32>,
      %swap3A_245 = arith.index_cast %scan3A_229 : i32 to index
      %swap3A_246 = arith.constant 80 : index
      %swap3A_247 = tpu.vector_load %arg16[%swap3A_245, %swap3A_246] {strides = array<i32>} : memref<256x128xf32, #tpu.memory_space<vmem>>, vector<16xf32>,
      tpu.vector_store %arg16[%swap3A_245, %swap3A_246], %broadcast_in_dim3A_1 {strides = array<i32>} : memref<256x128xf32, #tpu.memory_space<vmem>>, vector<16xf32>,
      %swap3A_248 = arith.index_cast %scan3A_229 : i32 to index
      %swap3A_249 = arith.constant 96 : index
      %swap3A_250 = tpu.vector_load %arg16[%swap3A_248, %swap3A_249] {strides = array<i32>} : memref<256x128xf32, #tpu.memory_space<vmem>>, vector<16xf32>,
      tpu.vector_store %arg16[%swap3A_248, %swap3A_249], %broadcast_in_dim3A_1 {strides = array<i32>} : memref<256x128xf32, #tpu.memory_space<vmem>>, vector<16xf32>,
      %swap3A_251 = arith.index_cast %scan3A_229 : i32 to index
      %swap3A_252 = arith.constant 112 : index
      %swap3A_253 = tpu.vector_load %arg16[%swap3A_251, %swap3A_252] {strides = array<i32>} : memref<256x128xf32, #tpu.memory_space<vmem>>, vector<16xf32>,
      tpu.vector_store %arg16[%swap3A_251, %swap3A_252], %broadcast_in_dim3A_1 {strides = array<i32>} : memref<256x128xf32, #tpu.memory_space<vmem>>, vector<16xf32>,
      %swap3A_254 = arith.index_cast %scan3A_229 : i32 to index
      %swap3A_255 = arith.constant 0 : index
      %swap3A_256 = tpu.vector_load %arg17[%swap3A_254, %swap3A_255] {strides = array<i32>} : memref<256x16xi32, #tpu.memory_space<vmem>>, vector<16xi32>,
      tpu.vector_store %arg17[%swap3A_254, %swap3A_255], %broadcast_in_dim3A_3 {strides = array<i32>} : memref<256x16xi32, #tpu.memory_space<vmem>>, vector<16xi32>,
      %scan3A_257 = arith.constant 0 : i32
      scf.yield %scan3A_257 : i32
    }
    %scan3A_131 = arith.constant 256 : i32
    %lt3A_132 = arith.constant 28 : i32
    %lt3A_133 = arith.cmpi slt, %add3A, %lt3A_132 : i32
    %lt3A_134 = arith.constant 31 : i32
    %lt3A_135 = arith.cmpi slt, %add3A, %lt3A_134 : i32
    %jit3A_136 = arith.constant 32 : i32
    %jit3A_137 = arith.constant 34 : i32
    %select_n3A_138 = arith.select %lt3A_135, %jit3A_136, %jit3A_137 : i32
    %jit3A_139 = arith.constant 40 : i32
    %select_n3A_140 = arith.select %lt3A_133, %jit3A_139, %select_n3A_138 : i32
    %lt3A_141 = arith.constant 28 : i32
    %lt3A_142 = arith.cmpi slt, %add3A, %lt3A_141 : i32
    %mul3A_143 = arith.constant 40 : i32
    %mul3A_144 = arith.muli %mul3A_143, %add3A : i32
    %sub3A_145 = arith.constant 28 : i32
    %sub3A_146 = arith.subi %add3A, %sub3A_145 : i32
    %mul3A_147 = arith.constant 32 : i32
    %mul3A_148 = arith.muli %mul3A_147, %sub3A_146 : i32
    %add3A_149 = arith.constant 1120 : i32
    %add3A_150 = arith.addi %add3A_149, %mul3A_148 : i32
    %select_n3A_151 = arith.select %lt3A_142, %mul3A_144, %add3A_150 : i32
    "tpu.region"() ({
      %run_scoped3A = tpu.sem_alloc : memref<!tpu.dma_semaphore, #tpu.memory_space<semaphore_mem>>
      %dma_start3A_229 = arith.constant 0 : i32
      %dma_start3A_230 = tpu.memref_slice %arg16[%mul3A_49, %dma_start3A_229] : memref<256x128xf32, #tpu.memory_space<vmem>> -> memref<16x128xf32, #tpu.memory_space<vmem>>
      %dma_start3A_231 = arith.constant 0 : i32
      %dma_start3A_232 = tpu.memref_slice %arg18[%mul3A_49, %dma_start3A_231] : memref<256x128xf32, #tpu.memory_space<vmem_shared>> -> memref<16x128xf32, #tpu.memory_space<vmem_shared>>
      %dma_start3A_233 = arith.constant 0 : i32
      %dma_start3A_234 = tpu.memref_slice %arg18[%mul3A_49, %dma_start3A_233] : memref<256x128xf32, #tpu.memory_space<vmem_shared>> -> memref<16x128xf32, #tpu.memory_space<vmem_shared>>
      %dma_start3A_235 = arith.constant 0 : i32
      %dma_start3A_236 = tpu.memref_slice %arg16[%mul3A_49, %dma_start3A_235] : memref<256x128xf32, #tpu.memory_space<vmem>> -> memref<16x128xf32, #tpu.memory_space<vmem>>
      tpu.enqueue_dma source(%dma_start3A_236 : memref<16x128xf32, #tpu.memory_space<vmem>>) target(%dma_start3A_234 : memref<16x128xf32, #tpu.memory_space<vmem_shared>>) target_semaphore(%run_scoped3A : memref<!tpu.dma_semaphore, #tpu.memory_space<semaphore_mem>>)
      %dma_wait3A = arith.constant 0 : i32
      %dma_wait3A_237 = tpu.memref_slice %arg16[%mul3A_49, %dma_wait3A] : memref<256x128xf32, #tpu.memory_space<vmem>> -> memref<16x128xf32, #tpu.memory_space<vmem>>
      %dma_wait3A_238 = arith.constant 0 : i32
      %dma_wait3A_239 = tpu.memref_slice %arg18[%mul3A_49, %dma_wait3A_238] : memref<256x128xf32, #tpu.memory_space<vmem_shared>> -> memref<16x128xf32, #tpu.memory_space<vmem_shared>>
      %dma_wait3A_240 = arith.constant 0 : i32
      %dma_wait3A_241 = tpu.memref_slice %arg18[%mul3A_49, %dma_wait3A_240] : memref<256x128xf32, #tpu.memory_space<vmem_shared>> -> memref<16x128xf32, #tpu.memory_space<vmem_shared>>
      %dma_wait3A_242 = arith.constant 0 : i32
      %dma_wait3A_243 = tpu.memref_slice %arg16[%mul3A_49, %dma_wait3A_242] : memref<256x128xf32, #tpu.memory_space<vmem>> -> memref<16x128xf32, #tpu.memory_space<vmem>>
      tpu.wait_dma2 semaphore(%run_scoped3A : memref<!tpu.dma_semaphore, #tpu.memory_space<semaphore_mem>>) src(%dma_wait3A_243 : memref<16x128xf32, #tpu.memory_space<vmem>>) dst(%dma_wait3A_241 : memref<16x128xf32, #tpu.memory_space<vmem_shared>>)
      tpu.yield
    }) : () -> ()
    %barrier3A_152 = arith.constant 0 : index
    tpu.barrier barrier_id(%barrier3A_152)
    "tpu.region"() ({
      %run_scoped3A = tpu.sem_alloc : memref<!tpu.dma_semaphore, #tpu.memory_space<semaphore_mem>>
      %dma_start3A_229 = arith.constant 0 : i32
      %dma_start3A_230 = arith.constant 0 : i32
      %dma_start3A_231 = tpu.memref_slice %arg15[%dma_start3A_229, %dma_start3A_230] : memref<80x128xi32, #tpu.memory_space<vmem>> -> memref<40x128xi32, #tpu.memory_space<vmem>>
      %dma_start3A_232 = arith.constant 0 : i32
      %dma_start3A_233 = tpu.memref_slice %arg5[%select_n3A_151, %dma_start3A_232] : memref<1258x128xi32, #tpu.memory_space<hbm>> -> memref<40x128xi32, #tpu.memory_space<hbm>>
      %dma_start3A_234 = arith.constant 0 : i32
      %dma_start3A_235 = arith.constant 0 : i32
      %dma_start3A_236 = tpu.memref_slice %arg15[%dma_start3A_234, %dma_start3A_235] : memref<80x128xi32, #tpu.memory_space<vmem>> -> memref<40x128xi32, #tpu.memory_space<vmem>>
      %dma_start3A_237 = arith.constant 0 : i32
      %dma_start3A_238 = tpu.memref_slice %arg5[%select_n3A_151, %dma_start3A_237] : memref<1258x128xi32, #tpu.memory_space<hbm>> -> memref<40x128xi32, #tpu.memory_space<hbm>>
      tpu.enqueue_dma source(%dma_start3A_238 : memref<40x128xi32, #tpu.memory_space<hbm>>) target(%dma_start3A_236 : memref<40x128xi32, #tpu.memory_space<vmem>>) target_semaphore(%run_scoped3A : memref<!tpu.dma_semaphore, #tpu.memory_space<semaphore_mem>>)
      %dma_wait3A = arith.constant 0 : i32
      %dma_wait3A_239 = arith.constant 0 : i32
      %dma_wait3A_240 = tpu.memref_slice %arg15[%dma_wait3A, %dma_wait3A_239] : memref<80x128xi32, #tpu.memory_space<vmem>> -> memref<40x128xi32, #tpu.memory_space<vmem>>
      %dma_wait3A_241 = arith.constant 0 : i32
      %dma_wait3A_242 = tpu.memref_slice %arg5[%select_n3A_151, %dma_wait3A_241] : memref<1258x128xi32, #tpu.memory_space<hbm>> -> memref<40x128xi32, #tpu.memory_space<hbm>>
      %dma_wait3A_243 = arith.constant 0 : i32
      %dma_wait3A_244 = arith.constant 0 : i32
      %dma_wait3A_245 = tpu.memref_slice %arg15[%dma_wait3A_243, %dma_wait3A_244] : memref<80x128xi32, #tpu.memory_space<vmem>> -> memref<40x128xi32, #tpu.memory_space<vmem>>
      %dma_wait3A_246 = arith.constant 0 : i32
      %dma_wait3A_247 = tpu.memref_slice %arg5[%select_n3A_151, %dma_wait3A_246] : memref<1258x128xi32, #tpu.memory_space<hbm>> -> memref<40x128xi32, #tpu.memory_space<hbm>>
      tpu.wait_dma2 semaphore(%run_scoped3A : memref<!tpu.dma_semaphore, #tpu.memory_space<semaphore_mem>>) src(%dma_wait3A_247 : memref<40x128xi32, #tpu.memory_space<hbm>>) dst(%dma_wait3A_245 : memref<40x128xi32, #tpu.memory_space<vmem>>)
      tpu.yield
    }) : () -> ()
    %mul3A_153 = arith.constant 128 : i32
    %mul3A_154 = arith.muli %select_n3A_151, %mul3A_153 : i32
    %multiple_of3A_155 = tpu.assume_multiple %mul3A_154, 128 : i32
    %dma_start3A_156 = arith.constant 0 : i32
    %dma_start3A_157 = tpu.memref_slice %arg4[%multiple_of3A_155, %dma_start3A_156] : memref<160000x128xf32, #tpu.memory_space<hbm>> -> memref<128x128xf32, #tpu.memory_space<hbm>>
    %dma_start3A_158 = arith.constant 0 : i32
    %dma_start3A_159 = tpu.memref_slice %arg4[%multiple_of3A_155, %dma_start3A_158] : memref<160000x128xf32, #tpu.memory_space<hbm>> -> memref<128x128xf32, #tpu.memory_space<hbm>>
    tpu.enqueue_dma source(%dma_start3A_159 : memref<128x128xf32, #tpu.memory_space<hbm>>) target(%arg12 : memref<128x128xf32, #tpu.memory_space<vmem>>) target_semaphore(%arg19 : memref<!tpu.dma_semaphore, #tpu.memory_space<semaphore_mem>>)
    %gt3A_160 = arith.constant 1 : i32
    %gt3A_161 = arith.cmpi sgt, %select_n3A_140, %gt3A_160 : i32
    %convert_element_type3A_162 = arith.extui %gt3A_161 : i1 to i32
    %cond3A_163 = arith.constant 0 : i32
    %cond3A_164 = arith.cmpi ne, %convert_element_type3A_162, %cond3A_163 : i32
    scf.if %cond3A_164 {
      %add3A_229 = arith.constant 1 : i32
      %add3A_230 = arith.addi %select_n3A_151, %add3A_229 : i32
      %mul3A_231 = arith.constant 128 : i32
      %mul3A_232 = arith.muli %add3A_230, %mul3A_231 : i32
      %multiple_of3A_233 = tpu.assume_multiple %mul3A_232, 128 : i32
      %dma_start3A_234 = arith.constant 0 : i32
      %dma_start3A_235 = tpu.memref_slice %arg4[%multiple_of3A_233, %dma_start3A_234] : memref<160000x128xf32, #tpu.memory_space<hbm>> -> memref<128x128xf32, #tpu.memory_space<hbm>>
      %dma_start3A_236 = arith.constant 0 : i32
      %dma_start3A_237 = tpu.memref_slice %arg4[%multiple_of3A_233, %dma_start3A_236] : memref<160000x128xf32, #tpu.memory_space<hbm>> -> memref<128x128xf32, #tpu.memory_space<hbm>>
      tpu.enqueue_dma source(%dma_start3A_237 : memref<128x128xf32, #tpu.memory_space<hbm>>) target(%arg13 : memref<128x128xf32, #tpu.memory_space<vmem>>) target_semaphore(%arg20 : memref<!tpu.dma_semaphore, #tpu.memory_space<semaphore_mem>>)
    } else {
    }
    %while3A_165 = arith.constant 0 : i32
    %while3A_166 = arith.subi %select_n3A_140, %while3A_165 : i32
    %while3A_167 = arith.addi %while3A_165, %while3A_166 : i32
    %while3A_168 = arith.constant 1 : i32
    %while3A_169 = arith.divsi %while3A_166, %while3A_168 : i32
    %while3A_170 = arith.muli %while3A_169, %while3A_168 : i32
    %while3A_171 = arith.addi %while3A_165, %while3A_170 : i32
    %while3A_172 = arith.constant 1 : i32
    scf.for %while3A_229 = %while3A_165 to %while3A_171 step %while3A_172  : i32 {
      %add3A_230 = arith.addi %select_n3A_151, %while3A_229 : i32
      %jit3A_231 = arith.constant 3 : i32
      %eq3A_232 = arith.constant 0 : i32
      %eq3A_233 = arith.cmpi eq, %jit3A_231, %eq3A_232 : i32
      %jit3A_234 = arith.constant 1 : i32
      %select_n3A_235 = arith.select %eq3A_233, %jit3A_234, %jit3A_231 : i32
      %rem3A_236 = arith.remsi %while3A_229, %select_n3A_235 : i32
      %ne3A_237 = arith.constant 0 : i32
      %ne3A_238 = arith.cmpi ne, %rem3A_236, %ne3A_237 : i32
      %lt3A_239 = arith.constant 0 : i32
      %lt3A_240 = arith.cmpi slt, %rem3A_236, %lt3A_239 : i32
      %lt3A_241 = arith.constant 0 : i32
      %lt3A_242 = arith.cmpi slt, %select_n3A_235, %lt3A_241 : i32
      %ne3A_243 = arith.xori %lt3A_240, %lt3A_242 : i1
      %and3A_244 = arith.andi %ne3A_243, %ne3A_238 : i1
      %add3A_245 = arith.addi %rem3A_236, %select_n3A_235 : i32
      %select_n3A_246 = arith.select %and3A_244, %add3A_245, %rem3A_236 : i32
      %eq3A_247 = arith.constant 0 : i32
      %eq3A_248 = arith.cmpi eq, %select_n3A_246, %eq3A_247 : i32
      %convert_element_type3A_249 = arith.extui %eq3A_248 : i1 to i32
      %cond3A_250 = arith.constant 0 : i32
      %cond3A_251 = arith.cmpi ne, %convert_element_type3A_249, %cond3A_250 : i32
      scf.if %cond3A_251 {
        %add3A_294 = arith.constant 2 : i32
        %add3A_295 = arith.addi %while3A_229, %add3A_294 : i32
        %lt3A_296 = arith.cmpi slt, %add3A_295, %select_n3A_140 : i32
        %convert_element_type3A_297 = arith.extui %lt3A_296 : i1 to i32
        %cond3A_298 = arith.constant 0 : i32
        %cond3A_299 = arith.cmpi ne, %convert_element_type3A_297, %cond3A_298 : i32
        scf.if %cond3A_299 {
          %add3A_321 = arith.constant 2 : i32
          %add3A_322 = arith.addi %add3A_230, %add3A_321 : i32
          %mul3A_323 = arith.constant 128 : i32
          %mul3A_324 = arith.muli %add3A_322, %mul3A_323 : i32
          %multiple_of3A_325 = tpu.assume_multiple %mul3A_324, 128 : i32
          %dma_start3A_326 = arith.constant 0 : i32
          %dma_start3A_327 = tpu.memref_slice %arg4[%multiple_of3A_325, %dma_start3A_326] : memref<160000x128xf32, #tpu.memory_space<hbm>> -> memref<128x128xf32, #tpu.memory_space<hbm>>
          %dma_start3A_328 = arith.constant 0 : i32
          %dma_start3A_329 = tpu.memref_slice %arg4[%multiple_of3A_325, %dma_start3A_328] : memref<160000x128xf32, #tpu.memory_space<hbm>> -> memref<128x128xf32, #tpu.memory_space<hbm>>
          tpu.enqueue_dma source(%dma_start3A_329 : memref<128x128xf32, #tpu.memory_space<hbm>>) target(%arg14 : memref<128x128xf32, #tpu.memory_space<vmem>>) target_semaphore(%arg21 : memref<!tpu.dma_semaphore, #tpu.memory_space<semaphore_mem>>)
        } else {
        }
        %dma_wait3A = arith.constant 0 : i32
        %dma_wait3A_300 = arith.constant 0 : i32
        %dma_wait3A_301 = tpu.memref_slice %arg4[%dma_wait3A, %dma_wait3A_300] : memref<160000x128xf32, #tpu.memory_space<hbm>> -> memref<128x128xf32, #tpu.memory_space<hbm>>
        %dma_wait3A_302 = arith.constant 0 : i32
        %dma_wait3A_303 = arith.constant 0 : i32
        %dma_wait3A_304 = tpu.memref_slice %arg4[%dma_wait3A_302, %dma_wait3A_303] : memref<160000x128xf32, #tpu.memory_space<hbm>> -> memref<128x128xf32, #tpu.memory_space<hbm>>
        tpu.wait_dma2 semaphore(%arg19 : memref<!tpu.dma_semaphore, #tpu.memory_space<semaphore_mem>>) src(%dma_wait3A_304 : memref<128x128xf32, #tpu.memory_space<hbm>>) dst(%arg12 : memref<128x128xf32, #tpu.memory_space<vmem>>)
        %mul3A_305 = arith.constant 128 : i32
        %mul3A_306 = arith.muli %add3A_230, %mul3A_305 : i32
        %add3A_307 = arith.constant 1 : i32
        %add3A_308 = arith.addi %mul3A_306, %add3A_307 : i32
        %scan3A_309 = arith.constant 0 : i32
        %scan3A_310 = arith.constant 0 : i32
        %scan3A_311 = arith.constant 8 : i32
        %scan3A_312 = arith.addi %scan3A_310, %scan3A_311 : i32
        %scan3A_313 = arith.constant 1 : i32
        scf.for %scan3A_321 = %scan3A_310 to %scan3A_312 step %scan3A_313  : i32 {
          %mul3A_322 = arith.constant 16 : i32
          %mul3A_323 = arith.muli %scan3A_321, %mul3A_322 : i32
          %get3A = arith.index_cast %while3A_229 : i32 to index
          %get3A_324 = arith.index_cast %mul3A_323 : i32 to index
          %get3A_325 = tpu.vector_load %arg15[%get3A, %get3A_324] {strides = array<i32>} : memref<80x128xi32, #tpu.memory_space<vmem>>, vector<16xi32>,
          %mul3A_326 = arith.constant 16 : i32
          %mul3A_327 = arith.muli %scan3A_321, %mul3A_326 : i32
          %add3A_328 = arith.addi %add3A_308, %mul3A_327 : i32
          %add3A_329 = vector.broadcast %add3A_328 : i32 to vector<16xi32>
          %add3A_330 = arith.addi %add3A_329, %iota3A : vector<16xi32>
          tpu.vector_store_idx %arg17[%get3A_325, %iota3A], %add3A_330 : memref<256x16xi32, #tpu.memory_space<vmem>>[vector<16xi32>, vector<16xi32>], vector<16xi32>,
        }
        %scan3A_314 = arith.constant 8 : i32
        %dma_start3A_315 = arith.constant 0 : i32
        %dma_start3A_316 = tpu.memref_slice %arg15[%while3A_229, %dma_start3A_315] : memref<80x128xi32, #tpu.memory_space<vmem>> -> memref<1x128xi32, #tpu.memory_space<vmem>>
        %dma_start3A_317 = tpu.memref_squeeze %dma_start3A_316 : memref<1x128xi32, #tpu.memory_space<vmem>> -> memref<128xi32, #tpu.memory_space<vmem>>
        %dma_start3A_318 = arith.constant 0 : i32
        %dma_start3A_319 = arith.constant 0 : i32
        %dma_start3A_320 = tpu.memref_slice %arg18[%dma_start3A_318, %dma_start3A_319] : memref<256x128xf32, #tpu.memory_space<vmem_shared>> -> memref<256x128xf32, #tpu.memory_space<vmem_shared>>
        tpu.enqueue_indirect_dma source(%arg12 : memref<128x128xf32, #tpu.memory_space<vmem>>) target(%dma_start3A_320 : memref<256x128xf32, #tpu.memory_space<vmem_shared>>) offsets(%dma_start3A_317 : memref<128xi32, #tpu.memory_space<vmem>>) semaphore(%arg22 : memref<!tpu.dma_semaphore, #tpu.memory_space<semaphore_mem>>) {add = true}
      } else {
      }
      %jit3A_252 = arith.constant 3 : i32
      %eq3A_253 = arith.constant 0 : i32
      %eq3A_254 = arith.cmpi eq, %jit3A_252, %eq3A_253 : i32
      %jit3A_255 = arith.constant 1 : i32
      %select_n3A_256 = arith.select %eq3A_254, %jit3A_255, %jit3A_252 : i32
      %rem3A_257 = arith.remsi %while3A_229, %select_n3A_256 : i32
      %ne3A_258 = arith.constant 0 : i32
      %ne3A_259 = arith.cmpi ne, %rem3A_257, %ne3A_258 : i32
      %lt3A_260 = arith.constant 0 : i32
      %lt3A_261 = arith.cmpi slt, %rem3A_257, %lt3A_260 : i32
      %lt3A_262 = arith.constant 0 : i32
      %lt3A_263 = arith.cmpi slt, %select_n3A_256, %lt3A_262 : i32
      %ne3A_264 = arith.xori %lt3A_261, %lt3A_263 : i1
      %and3A_265 = arith.andi %ne3A_264, %ne3A_259 : i1
      %add3A_266 = arith.addi %rem3A_257, %select_n3A_256 : i32
      %select_n3A_267 = arith.select %and3A_265, %add3A_266, %rem3A_257 : i32
      %eq3A_268 = arith.constant 1 : i32
      %eq3A_269 = arith.cmpi eq, %select_n3A_267, %eq3A_268 : i32
      %convert_element_type3A_270 = arith.extui %eq3A_269 : i1 to i32
      %cond3A_271 = arith.constant 0 : i32
      %cond3A_272 = arith.cmpi ne, %convert_element_type3A_270, %cond3A_271 : i32
      scf.if %cond3A_272 {
        %sub3A_294 = arith.constant 1 : i32
        %sub3A_295 = arith.subi %while3A_229, %sub3A_294 : i32
        %dma_wait3A = arith.constant 0 : i32
        %dma_wait3A_296 = tpu.memref_slice %arg15[%sub3A_295, %dma_wait3A] : memref<80x128xi32, #tpu.memory_space<vmem>> -> memref<1x128xi32, #tpu.memory_space<vmem>>
        %dma_wait3A_297 = tpu.memref_squeeze %dma_wait3A_296 : memref<1x128xi32, #tpu.memory_space<vmem>> -> memref<128xi32, #tpu.memory_space<vmem>>
        %dma_wait3A_298 = arith.constant 0 : i32
        %dma_wait3A_299 = arith.constant 0 : i32
        %dma_wait3A_300 = tpu.memref_slice %arg18[%dma_wait3A_298, %dma_wait3A_299] : memref<256x128xf32, #tpu.memory_space<vmem_shared>> -> memref<256x128xf32, #tpu.memory_space<vmem_shared>>
        tpu.wait_indirect_dma semaphore(%arg22 : memref<!tpu.dma_semaphore, #tpu.memory_space<semaphore_mem>>) src(%arg12 : memref<128x128xf32, #tpu.memory_space<vmem>>) dst(%dma_wait3A_300 : memref<256x128xf32, #tpu.memory_space<vmem_shared>>)
        %add3A_301 = arith.constant 2 : i32
        %add3A_302 = arith.addi %while3A_229, %add3A_301 : i32
        %lt3A_303 = arith.cmpi slt, %add3A_302, %select_n3A_140 : i32
        %convert_element_type3A_304 = arith.extui %lt3A_303 : i1 to i32
        %cond3A_305 = arith.constant 0 : i32
        %cond3A_306 = arith.cmpi ne, %convert_element_type3A_304, %cond3A_305 : i32
        scf.if %cond3A_306 {
          %add3A_329 = arith.constant 2 : i32
          %add3A_330 = arith.addi %add3A_230, %add3A_329 : i32
          %mul3A_331 = arith.constant 128 : i32
          %mul3A_332 = arith.muli %add3A_330, %mul3A_331 : i32
          %multiple_of3A_333 = tpu.assume_multiple %mul3A_332, 128 : i32
          %dma_start3A_334 = arith.constant 0 : i32
          %dma_start3A_335 = tpu.memref_slice %arg4[%multiple_of3A_333, %dma_start3A_334] : memref<160000x128xf32, #tpu.memory_space<hbm>> -> memref<128x128xf32, #tpu.memory_space<hbm>>
          %dma_start3A_336 = arith.constant 0 : i32
          %dma_start3A_337 = tpu.memref_slice %arg4[%multiple_of3A_333, %dma_start3A_336] : memref<160000x128xf32, #tpu.memory_space<hbm>> -> memref<128x128xf32, #tpu.memory_space<hbm>>
          tpu.enqueue_dma source(%dma_start3A_337 : memref<128x128xf32, #tpu.memory_space<hbm>>) target(%arg12 : memref<128x128xf32, #tpu.memory_space<vmem>>) target_semaphore(%arg19 : memref<!tpu.dma_semaphore, #tpu.memory_space<semaphore_mem>>)
        } else {
        }
        %dma_wait3A_307 = arith.constant 0 : i32
        %dma_wait3A_308 = arith.constant 0 : i32
        %dma_wait3A_309 = tpu.memref_slice %arg4[%dma_wait3A_307, %dma_wait3A_308] : memref<160000x128xf32, #tpu.memory_space<hbm>> -> memref<128x128xf32, #tpu.memory_space<hbm>>
        %dma_wait3A_310 = arith.constant 0 : i32
        %dma_wait3A_311 = arith.constant 0 : i32
        %dma_wait3A_312 = tpu.memref_slice %arg4[%dma_wait3A_310, %dma_wait3A_311] : memref<160000x128xf32, #tpu.memory_space<hbm>> -> memref<128x128xf32, #tpu.memory_space<hbm>>
        tpu.wait_dma2 semaphore(%arg20 : memref<!tpu.dma_semaphore, #tpu.memory_space<semaphore_mem>>) src(%dma_wait3A_312 : memref<128x128xf32, #tpu.memory_space<hbm>>) dst(%arg13 : memref<128x128xf32, #tpu.memory_space<vmem>>)
        %mul3A_313 = arith.constant 128 : i32
        %mul3A_314 = arith.muli %add3A_230, %mul3A_313 : i32
        %add3A_315 = arith.constant 1 : i32
        %add3A_316 = arith.addi %mul3A_314, %add3A_315 : i32
        %scan3A_317 = arith.constant 0 : i32
        %scan3A_318 = arith.constant 0 : i32
        %scan3A_319 = arith.constant 8 : i32
        %scan3A_320 = arith.addi %scan3A_318, %scan3A_319 : i32
        %scan3A_321 = arith.constant 1 : i32
        scf.for %scan3A_329 = %scan3A_318 to %scan3A_320 step %scan3A_321  : i32 {
          %mul3A_330 = arith.constant 16 : i32
          %mul3A_331 = arith.muli %scan3A_329, %mul3A_330 : i32
          %get3A = arith.index_cast %while3A_229 : i32 to index
          %get3A_332 = arith.index_cast %mul3A_331 : i32 to index
          %get3A_333 = tpu.vector_load %arg15[%get3A, %get3A_332] {strides = array<i32>} : memref<80x128xi32, #tpu.memory_space<vmem>>, vector<16xi32>,
          %mul3A_334 = arith.constant 16 : i32
          %mul3A_335 = arith.muli %scan3A_329, %mul3A_334 : i32
          %add3A_336 = arith.addi %add3A_316, %mul3A_335 : i32
          %add3A_337 = vector.broadcast %add3A_336 : i32 to vector<16xi32>
          %add3A_338 = arith.addi %add3A_337, %iota3A : vector<16xi32>
          tpu.vector_store_idx %arg17[%get3A_333, %iota3A], %add3A_338 : memref<256x16xi32, #tpu.memory_space<vmem>>[vector<16xi32>, vector<16xi32>], vector<16xi32>,
        }
        %scan3A_322 = arith.constant 8 : i32
        %dma_start3A_323 = arith.constant 0 : i32
        %dma_start3A_324 = tpu.memref_slice %arg15[%while3A_229, %dma_start3A_323] : memref<80x128xi32, #tpu.memory_space<vmem>> -> memref<1x128xi32, #tpu.memory_space<vmem>>
        %dma_start3A_325 = tpu.memref_squeeze %dma_start3A_324 : memref<1x128xi32, #tpu.memory_space<vmem>> -> memref<128xi32, #tpu.memory_space<vmem>>
        %dma_start3A_326 = arith.constant 0 : i32
        %dma_start3A_327 = arith.constant 0 : i32
        %dma_start3A_328 = tpu.memref_slice %arg18[%dma_start3A_326, %dma_start3A_327] : memref<256x128xf32, #tpu.memory_space<vmem_shared>> -> memref<256x128xf32, #tpu.memory_space<vmem_shared>>
        tpu.enqueue_indirect_dma source(%arg13 : memref<128x128xf32, #tpu.memory_space<vmem>>) target(%dma_start3A_328 : memref<256x128xf32, #tpu.memory_space<vmem_shared>>) offsets(%dma_start3A_325 : memref<128xi32, #tpu.memory_space<vmem>>) semaphore(%arg22 : memref<!tpu.dma_semaphore, #tpu.memory_space<semaphore_mem>>) {add = true}
      } else {
      }
      %jit3A_273 = arith.constant 3 : i32
      %eq3A_274 = arith.constant 0 : i32
      %eq3A_275 = arith.cmpi eq, %jit3A_273, %eq3A_274 : i32
      %jit3A_276 = arith.constant 1 : i32
      %select_n3A_277 = arith.select %eq3A_275, %jit3A_276, %jit3A_273 : i32
      %rem3A_278 = arith.remsi %while3A_229, %select_n3A_277 : i32
      %ne3A_279 = arith.constant 0 : i32
      %ne3A_280 = arith.cmpi ne, %rem3A_278, %ne3A_279 : i32
      %lt3A_281 = arith.constant 0 : i32
      %lt3A_282 = arith.cmpi slt, %rem3A_278, %lt3A_281 : i32
      %lt3A_283 = arith.constant 0 : i32
      %lt3A_284 = arith.cmpi slt, %select_n3A_277, %lt3A_283 : i32
      %ne3A_285 = arith.xori %lt3A_282, %lt3A_284 : i1
      %and3A_286 = arith.andi %ne3A_285, %ne3A_280 : i1
      %add3A_287 = arith.addi %rem3A_278, %select_n3A_277 : i32
      %select_n3A_288 = arith.select %and3A_286, %add3A_287, %rem3A_278 : i32
      %eq3A_289 = arith.constant 2 : i32
      %eq3A_290 = arith.cmpi eq, %select_n3A_288, %eq3A_289 : i32
      %convert_element_type3A_291 = arith.extui %eq3A_290 : i1 to i32
      %cond3A_292 = arith.constant 0 : i32
      %cond3A_293 = arith.cmpi ne, %convert_element_type3A_291, %cond3A_292 : i32
      scf.if %cond3A_293 {
        %sub3A_294 = arith.constant 1 : i32
        %sub3A_295 = arith.subi %while3A_229, %sub3A_294 : i32
        %dma_wait3A = arith.constant 0 : i32
        %dma_wait3A_296 = tpu.memref_slice %arg15[%sub3A_295, %dma_wait3A] : memref<80x128xi32, #tpu.memory_space<vmem>> -> memref<1x128xi32, #tpu.memory_space<vmem>>
        %dma_wait3A_297 = tpu.memref_squeeze %dma_wait3A_296 : memref<1x128xi32, #tpu.memory_space<vmem>> -> memref<128xi32, #tpu.memory_space<vmem>>
        %dma_wait3A_298 = arith.constant 0 : i32
        %dma_wait3A_299 = arith.constant 0 : i32
        %dma_wait3A_300 = tpu.memref_slice %arg18[%dma_wait3A_298, %dma_wait3A_299] : memref<256x128xf32, #tpu.memory_space<vmem_shared>> -> memref<256x128xf32, #tpu.memory_space<vmem_shared>>
        tpu.wait_indirect_dma semaphore(%arg22 : memref<!tpu.dma_semaphore, #tpu.memory_space<semaphore_mem>>) src(%arg13 : memref<128x128xf32, #tpu.memory_space<vmem>>) dst(%dma_wait3A_300 : memref<256x128xf32, #tpu.memory_space<vmem_shared>>)
        %add3A_301 = arith.constant 2 : i32
        %add3A_302 = arith.addi %while3A_229, %add3A_301 : i32
        %lt3A_303 = arith.cmpi slt, %add3A_302, %select_n3A_140 : i32
        %convert_element_type3A_304 = arith.extui %lt3A_303 : i1 to i32
        %cond3A_305 = arith.constant 0 : i32
        %cond3A_306 = arith.cmpi ne, %convert_element_type3A_304, %cond3A_305 : i32
        scf.if %cond3A_306 {
          %add3A_329 = arith.constant 2 : i32
          %add3A_330 = arith.addi %add3A_230, %add3A_329 : i32
          %mul3A_331 = arith.constant 128 : i32
          %mul3A_332 = arith.muli %add3A_330, %mul3A_331 : i32
          %multiple_of3A_333 = tpu.assume_multiple %mul3A_332, 128 : i32
          %dma_start3A_334 = arith.constant 0 : i32
          %dma_start3A_335 = tpu.memref_slice %arg4[%multiple_of3A_333, %dma_start3A_334] : memref<160000x128xf32, #tpu.memory_space<hbm>> -> memref<128x128xf32, #tpu.memory_space<hbm>>
          %dma_start3A_336 = arith.constant 0 : i32
          %dma_start3A_337 = tpu.memref_slice %arg4[%multiple_of3A_333, %dma_start3A_336] : memref<160000x128xf32, #tpu.memory_space<hbm>> -> memref<128x128xf32, #tpu.memory_space<hbm>>
          tpu.enqueue_dma source(%dma_start3A_337 : memref<128x128xf32, #tpu.memory_space<hbm>>) target(%arg13 : memref<128x128xf32, #tpu.memory_space<vmem>>) target_semaphore(%arg20 : memref<!tpu.dma_semaphore, #tpu.memory_space<semaphore_mem>>)
        } else {
        }
        %dma_wait3A_307 = arith.constant 0 : i32
        %dma_wait3A_308 = arith.constant 0 : i32
        %dma_wait3A_309 = tpu.memref_slice %arg4[%dma_wait3A_307, %dma_wait3A_308] : memref<160000x128xf32, #tpu.memory_space<hbm>> -> memref<128x128xf32, #tpu.memory_space<hbm>>
        %dma_wait3A_310 = arith.constant 0 : i32
        %dma_wait3A_311 = arith.constant 0 : i32
        %dma_wait3A_312 = tpu.memref_slice %arg4[%dma_wait3A_310, %dma_wait3A_311] : memref<160000x128xf32, #tpu.memory_space<hbm>> -> memref<128x128xf32, #tpu.memory_space<hbm>>
        tpu.wait_dma2 semaphore(%arg21 : memref<!tpu.dma_semaphore, #tpu.memory_space<semaphore_mem>>) src(%dma_wait3A_312 : memref<128x128xf32, #tpu.memory_space<hbm>>) dst(%arg14 : memref<128x128xf32, #tpu.memory_space<vmem>>)
        %mul3A_313 = arith.constant 128 : i32
        %mul3A_314 = arith.muli %add3A_230, %mul3A_313 : i32
        %add3A_315 = arith.constant 1 : i32
        %add3A_316 = arith.addi %mul3A_314, %add3A_315 : i32
        %scan3A_317 = arith.constant 0 : i32
        %scan3A_318 = arith.constant 0 : i32
        %scan3A_319 = arith.constant 8 : i32
        %scan3A_320 = arith.addi %scan3A_318, %scan3A_319 : i32
        %scan3A_321 = arith.constant 1 : i32
        scf.for %scan3A_329 = %scan3A_318 to %scan3A_320 step %scan3A_321  : i32 {
          %mul3A_330 = arith.constant 16 : i32
          %mul3A_331 = arith.muli %scan3A_329, %mul3A_330 : i32
          %get3A = arith.index_cast %while3A_229 : i32 to index
          %get3A_332 = arith.index_cast %mul3A_331 : i32 to index
          %get3A_333 = tpu.vector_load %arg15[%get3A, %get3A_332] {strides = array<i32>} : memref<80x128xi32, #tpu.memory_space<vmem>>, vector<16xi32>,
          %mul3A_334 = arith.constant 16 : i32
          %mul3A_335 = arith.muli %scan3A_329, %mul3A_334 : i32
          %add3A_336 = arith.addi %add3A_316, %mul3A_335 : i32
          %add3A_337 = vector.broadcast %add3A_336 : i32 to vector<16xi32>
          %add3A_338 = arith.addi %add3A_337, %iota3A : vector<16xi32>
          tpu.vector_store_idx %arg17[%get3A_333, %iota3A], %add3A_338 : memref<256x16xi32, #tpu.memory_space<vmem>>[vector<16xi32>, vector<16xi32>], vector<16xi32>,
        }
        %scan3A_322 = arith.constant 8 : i32
        %scan3A_323 = arith.constant 0 : i32
        %scan3A_324 = arith.constant 0 : i32
        %scan3A_325 = arith.constant 8 : i32
        %scan3A_326 = arith.addi %scan3A_324, %scan3A_325 : i32
        %scan3A_327 = arith.constant 1 : i32
        scf.for %scan3A_329 = %scan3A_324 to %scan3A_326 step %scan3A_327  : i32 {
          %mul3A_330 = arith.constant 16 : i32
          %mul3A_331 = arith.muli %scan3A_329, %mul3A_330 : i32
          %get3A = arith.index_cast %while3A_229 : i32 to index
          %get3A_332 = arith.index_cast %mul3A_331 : i32 to index
          %get3A_333 = tpu.vector_load %arg15[%get3A, %get3A_332] {strides = array<i32>} : memref<80x128xi32, #tpu.memory_space<vmem>>, vector<16xi32>,
          %broadcast_in_dim3A_334 = vector.shape_cast %add3A_47 : vector<16xi32> to vector<16x1xi32>
          %gather3A = vector.shape_cast %broadcast_in_dim3A_334 : vector<16x1xi32> to vector<16xi32>
          %gather3A_335 = tpu.dynamic_gather %get3A_333[%gather3A] in [0] : vector<16xi32>, vector<16xi32> -> vector<16xi32>
          %eq3A_336 = arith.cmpi eq, %get3A_333, %gather3A_335 : vector<16xi32>
          %jit3A_337 = arith.constant 1 : i32
          %jit3A_338 = arith.constant 0 : i32
          %broadcast_in_dim3A_339 = vector.broadcast %jit3A_337 : i32 to vector<16xi32>
          %broadcast_in_dim3A_340 = vector.broadcast %jit3A_338 : i32 to vector<16xi32>
          %select_n3A_341 = arith.select %eq3A_336, %broadcast_in_dim3A_339, %broadcast_in_dim3A_340 : vector<16xi1>, vector<16xi32>
          %reduce_min3A = arith.constant true
          %reduce_min3A_342 = vector.broadcast %reduce_min3A : i1 to vector<16xi1>
          %reduce_min3A_343 = arith.constant -2147483648 : i32
          %reduce_min3A_344 = vector.broadcast %reduce_min3A_343 : i32 to vector<16xi32>
          %reduce_min3A_345 = arith.xori %select_n3A_341, %reduce_min3A_344 : vector<16xi32>
          %reduce_min3A_346 = tpu.scan <min>, %reduce_min3A_345 masked %reduce_min3A_342 : vector<16xi32>, vector<16xi1> -> vector<16xi32>
          %reduce_min3A_347 = arith.xori %reduce_min3A_346, %reduce_min3A_344 : vector<16xi32>
          %reduce_min3A_348 = vector.extract %reduce_min3A_347[15] : i32 from vector<16xi32>
          %mul3A_349 = arith.constant 16 : i32
          %mul3A_350 = arith.muli %scan3A_329, %mul3A_349 : i32
          %eq3A_351 = arith.constant 1 : i32
          %eq3A_352 = arith.cmpi eq, %reduce_min3A_348, %eq3A_351 : i32
          %convert_element_type3A_353 = arith.extui %eq3A_352 : i1 to i32
          %cond3A_354 = arith.constant 0 : i32
          %cond3A_355 = arith.cmpi ne, %convert_element_type3A_353, %cond3A_354 : i32
          scf.if %cond3A_355 {
            %get3A_361 = arith.index_cast %mul3A_350 : i32 to index
            %get3A_362 = arith.constant 0 : index
            %get3A_363 = tpu.vector_load %arg14[%get3A_361, %get3A_362] {strides = array<i32>} : memref<128x128xf32, #tpu.memory_space<vmem>>, vector<16xf32>,
            %get3A_364 = arith.index_cast %mul3A_350 : i32 to index
            %get3A_365 = arith.constant 16 : index
            %get3A_366 = tpu.vector_load %arg14[%get3A_364, %get3A_365] {strides = array<i32>} : memref<128x128xf32, #tpu.memory_space<vmem>>, vector<16xf32>,
            %get3A_367 = arith.index_cast %mul3A_350 : i32 to index
            %get3A_368 = arith.constant 32 : index
            %get3A_369 = tpu.vector_load %arg14[%get3A_367, %get3A_368] {strides = array<i32>} : memref<128x128xf32, #tpu.memory_space<vmem>>, vector<16xf32>,
            %get3A_370 = arith.index_cast %mul3A_350 : i32 to index
            %get3A_371 = arith.constant 48 : index
            %get3A_372 = tpu.vector_load %arg14[%get3A_370, %get3A_371] {strides = array<i32>} : memref<128x128xf32, #tpu.memory_space<vmem>>, vector<16xf32>,
            %get3A_373 = arith.index_cast %mul3A_350 : i32 to index
            %get3A_374 = arith.constant 64 : index
            %get3A_375 = tpu.vector_load %arg14[%get3A_373, %get3A_374] {strides = array<i32>} : memref<128x128xf32, #tpu.memory_space<vmem>>, vector<16xf32>,
            %get3A_376 = arith.index_cast %mul3A_350 : i32 to index
            %get3A_377 = arith.constant 80 : index
            %get3A_378 = tpu.vector_load %arg14[%get3A_376, %get3A_377] {strides = array<i32>} : memref<128x128xf32, #tpu.memory_space<vmem>>, vector<16xf32>,
            %get3A_379 = arith.index_cast %mul3A_350 : i32 to index
            %get3A_380 = arith.constant 96 : index
            %get3A_381 = tpu.vector_load %arg14[%get3A_379, %get3A_380] {strides = array<i32>} : memref<128x128xf32, #tpu.memory_space<vmem>>, vector<16xf32>,
            %get3A_382 = arith.index_cast %mul3A_350 : i32 to index
            %get3A_383 = arith.constant 112 : index
            %get3A_384 = tpu.vector_load %arg14[%get3A_382, %get3A_383] {strides = array<i32>} : memref<128x128xf32, #tpu.memory_space<vmem>>, vector<16xf32>,
            %add3A_385 = arith.constant 1 : i32
            %add3A_386 = arith.addi %mul3A_350, %add3A_385 : i32
            %get3A_387 = arith.index_cast %add3A_386 : i32 to index
            %get3A_388 = arith.constant 0 : index
            %get3A_389 = tpu.vector_load %arg14[%get3A_387, %get3A_388] {strides = array<i32>} : memref<128x128xf32, #tpu.memory_space<vmem>>, vector<16xf32>,
            %add3A_390 = arith.addf %get3A_363, %get3A_389 : vector<16xf32>
            %add3A_391 = arith.constant 1 : i32
            %add3A_392 = arith.addi %mul3A_350, %add3A_391 : i32
            %get3A_393 = arith.index_cast %add3A_392 : i32 to index
            %get3A_394 = arith.constant 16 : index
            %get3A_395 = tpu.vector_load %arg14[%get3A_393, %get3A_394] {strides = array<i32>} : memref<128x128xf32, #tpu.memory_space<vmem>>, vector<16xf32>,
            %add3A_396 = arith.addf %get3A_366, %get3A_395 : vector<16xf32>
            %add3A_397 = arith.constant 1 : i32
            %add3A_398 = arith.addi %mul3A_350, %add3A_397 : i32
            %get3A_399 = arith.index_cast %add3A_398 : i32 to index
            %get3A_400 = arith.constant 32 : index
            %get3A_401 = tpu.vector_load %arg14[%get3A_399, %get3A_400] {strides = array<i32>} : memref<128x128xf32, #tpu.memory_space<vmem>>, vector<16xf32>,
            %add3A_402 = arith.addf %get3A_369, %get3A_401 : vector<16xf32>
            %add3A_403 = arith.constant 1 : i32
            %add3A_404 = arith.addi %mul3A_350, %add3A_403 : i32
            %get3A_405 = arith.index_cast %add3A_404 : i32 to index
            %get3A_406 = arith.constant 48 : index
            %get3A_407 = tpu.vector_load %arg14[%get3A_405, %get3A_406] {strides = array<i32>} : memref<128x128xf32, #tpu.memory_space<vmem>>, vector<16xf32>,
            %add3A_408 = arith.addf %get3A_372, %get3A_407 : vector<16xf32>
            %add3A_409 = arith.constant 1 : i32
            %add3A_410 = arith.addi %mul3A_350, %add3A_409 : i32
            %get3A_411 = arith.index_cast %add3A_410 : i32 to index
            %get3A_412 = arith.constant 64 : index
            %get3A_413 = tpu.vector_load %arg14[%get3A_411, %get3A_412] {strides = array<i32>} : memref<128x128xf32, #tpu.memory_space<vmem>>, vector<16xf32>,
            %add3A_414 = arith.addf %get3A_375, %get3A_413 : vector<16xf32>
            %add3A_415 = arith.constant 1 : i32
            %add3A_416 = arith.addi %mul3A_350, %add3A_415 : i32
            %get3A_417 = arith.index_cast %add3A_416 : i32 to index
            %get3A_418 = arith.constant 80 : index
            %get3A_419 = tpu.vector_load %arg14[%get3A_417, %get3A_418] {strides = array<i32>} : memref<128x128xf32, #tpu.memory_space<vmem>>, vector<16xf32>,
            %add3A_420 = arith.addf %get3A_378, %get3A_419 : vector<16xf32>
            %add3A_421 = arith.constant 1 : i32
            %add3A_422 = arith.addi %mul3A_350, %add3A_421 : i32
            %get3A_423 = arith.index_cast %add3A_422 : i32 to index
            %get3A_424 = arith.constant 96 : index
            %get3A_425 = tpu.vector_load %arg14[%get3A_423, %get3A_424] {strides = array<i32>} : memref<128x128xf32, #tpu.memory_space<vmem>>, vector<16xf32>,
            %add3A_426 = arith.addf %get3A_381, %get3A_425 : vector<16xf32>
            %add3A_427 = arith.constant 1 : i32
            %add3A_428 = arith.addi %mul3A_350, %add3A_427 : i32
            %get3A_429 = arith.index_cast %add3A_428 : i32 to index
            %get3A_430 = arith.constant 112 : index
            %get3A_431 = tpu.vector_load %arg14[%get3A_429, %get3A_430] {strides = array<i32>} : memref<128x128xf32, #tpu.memory_space<vmem>>, vector<16xf32>,
            %add3A_432 = arith.addf %get3A_384, %get3A_431 : vector<16xf32>
            %add3A_433 = arith.constant 2 : i32
            %add3A_434 = arith.addi %mul3A_350, %add3A_433 : i32
            %get3A_435 = arith.index_cast %add3A_434 : i32 to index
            %get3A_436 = arith.constant 0 : index
            %get3A_437 = tpu.vector_load %arg14[%get3A_435, %get3A_436] {strides = array<i32>} : memref<128x128xf32, #tpu.memory_space<vmem>>, vector<16xf32>,
            %add3A_438 = arith.addf %add3A_390, %get3A_437 : vector<16xf32>
            %add3A_439 = arith.constant 2 : i32
            %add3A_440 = arith.addi %mul3A_350, %add3A_439 : i32
            %get3A_441 = arith.index_cast %add3A_440 : i32 to index
            %get3A_442 = arith.constant 16 : index
            %get3A_443 = tpu.vector_load %arg14[%get3A_441, %get3A_442] {strides = array<i32>} : memref<128x128xf32, #tpu.memory_space<vmem>>, vector<16xf32>,
            %add3A_444 = arith.addf %add3A_396, %get3A_443 : vector<16xf32>
            %add3A_445 = arith.constant 2 : i32
            %add3A_446 = arith.addi %mul3A_350, %add3A_445 : i32
            %get3A_447 = arith.index_cast %add3A_446 : i32 to index
            %get3A_448 = arith.constant 32 : index
            %get3A_449 = tpu.vector_load %arg14[%get3A_447, %get3A_448] {strides = array<i32>} : memref<128x128xf32, #tpu.memory_space<vmem>>, vector<16xf32>,
            %add3A_450 = arith.addf %add3A_402, %get3A_449 : vector<16xf32>
            %add3A_451 = arith.constant 2 : i32
            %add3A_452 = arith.addi %mul3A_350, %add3A_451 : i32
            %get3A_453 = arith.index_cast %add3A_452 : i32 to index
            %get3A_454 = arith.constant 48 : index
            %get3A_455 = tpu.vector_load %arg14[%get3A_453, %get3A_454] {strides = array<i32>} : memref<128x128xf32, #tpu.memory_space<vmem>>, vector<16xf32>,
            %add3A_456 = arith.addf %add3A_408, %get3A_455 : vector<16xf32>
            %add3A_457 = arith.constant 2 : i32
            %add3A_458 = arith.addi %mul3A_350, %add3A_457 : i32
            %get3A_459 = arith.index_cast %add3A_458 : i32 to index
            %get3A_460 = arith.constant 64 : index
            %get3A_461 = tpu.vector_load %arg14[%get3A_459, %get3A_460] {strides = array<i32>} : memref<128x128xf32, #tpu.memory_space<vmem>>, vector<16xf32>,
            %add3A_462 = arith.addf %add3A_414, %get3A_461 : vector<16xf32>
            %add3A_463 = arith.constant 2 : i32
            %add3A_464 = arith.addi %mul3A_350, %add3A_463 : i32
            %get3A_465 = arith.index_cast %add3A_464 : i32 to index
            %get3A_466 = arith.constant 80 : index
            %get3A_467 = tpu.vector_load %arg14[%get3A_465, %get3A_466] {strides = array<i32>} : memref<128x128xf32, #tpu.memory_space<vmem>>, vector<16xf32>,
            %add3A_468 = arith.addf %add3A_420, %get3A_467 : vector<16xf32>
            %add3A_469 = arith.constant 2 : i32
            %add3A_470 = arith.addi %mul3A_350, %add3A_469 : i32
            %get3A_471 = arith.index_cast %add3A_470 : i32 to index
            %get3A_472 = arith.constant 96 : index
            %get3A_473 = tpu.vector_load %arg14[%get3A_471, %get3A_472] {strides = array<i32>} : memref<128x128xf32, #tpu.memory_space<vmem>>, vector<16xf32>,
            %add3A_474 = arith.addf %add3A_426, %get3A_473 : vector<16xf32>
            %add3A_475 = arith.constant 2 : i32
            %add3A_476 = arith.addi %mul3A_350, %add3A_475 : i32
            %get3A_477 = arith.index_cast %add3A_476 : i32 to index
            %get3A_478 = arith.constant 112 : index
            %get3A_479 = tpu.vector_load %arg14[%get3A_477, %get3A_478] {strides = array<i32>} : memref<128x128xf32, #tpu.memory_space<vmem>>, vector<16xf32>,
            %add3A_480 = arith.addf %add3A_432, %get3A_479 : vector<16xf32>
            %add3A_481 = arith.constant 3 : i32
            %add3A_482 = arith.addi %mul3A_350, %add3A_481 : i32
            %get3A_483 = arith.index_cast %add3A_482 : i32 to index
            %get3A_484 = arith.constant 0 : index
            %get3A_485 = tpu.vector_load %arg14[%get3A_483, %get3A_484] {strides = array<i32>} : memref<128x128xf32, #tpu.memory_space<vmem>>, vector<16xf32>,
            %add3A_486 = arith.addf %add3A_438, %get3A_485 : vector<16xf32>
            %add3A_487 = arith.constant 3 : i32
            %add3A_488 = arith.addi %mul3A_350, %add3A_487 : i32
            %get3A_489 = arith.index_cast %add3A_488 : i32 to index
            %get3A_490 = arith.constant 16 : index
            %get3A_491 = tpu.vector_load %arg14[%get3A_489, %get3A_490] {strides = array<i32>} : memref<128x128xf32, #tpu.memory_space<vmem>>, vector<16xf32>,
            %add3A_492 = arith.addf %add3A_444, %get3A_491 : vector<16xf32>
            %add3A_493 = arith.constant 3 : i32
            %add3A_494 = arith.addi %mul3A_350, %add3A_493 : i32
            %get3A_495 = arith.index_cast %add3A_494 : i32 to index
            %get3A_496 = arith.constant 32 : index
            %get3A_497 = tpu.vector_load %arg14[%get3A_495, %get3A_496] {strides = array<i32>} : memref<128x128xf32, #tpu.memory_space<vmem>>, vector<16xf32>,
            %add3A_498 = arith.addf %add3A_450, %get3A_497 : vector<16xf32>
            %add3A_499 = arith.constant 3 : i32
            %add3A_500 = arith.addi %mul3A_350, %add3A_499 : i32
            %get3A_501 = arith.index_cast %add3A_500 : i32 to index
            %get3A_502 = arith.constant 48 : index
            %get3A_503 = tpu.vector_load %arg14[%get3A_501, %get3A_502] {strides = array<i32>} : memref<128x128xf32, #tpu.memory_space<vmem>>, vector<16xf32>,
            %add3A_504 = arith.addf %add3A_456, %get3A_503 : vector<16xf32>
            %add3A_505 = arith.constant 3 : i32
            %add3A_506 = arith.addi %mul3A_350, %add3A_505 : i32
            %get3A_507 = arith.index_cast %add3A_506 : i32 to index
            %get3A_508 = arith.constant 64 : index
            %get3A_509 = tpu.vector_load %arg14[%get3A_507, %get3A_508] {strides = array<i32>} : memref<128x128xf32, #tpu.memory_space<vmem>>, vector<16xf32>,
            %add3A_510 = arith.addf %add3A_462, %get3A_509 : vector<16xf32>
            %add3A_511 = arith.constant 3 : i32
            %add3A_512 = arith.addi %mul3A_350, %add3A_511 : i32
            %get3A_513 = arith.index_cast %add3A_512 : i32 to index
            %get3A_514 = arith.constant 80 : index
            %get3A_515 = tpu.vector_load %arg14[%get3A_513, %get3A_514] {strides = array<i32>} : memref<128x128xf32, #tpu.memory_space<vmem>>, vector<16xf32>,
            %add3A_516 = arith.addf %add3A_468, %get3A_515 : vector<16xf32>
            %add3A_517 = arith.constant 3 : i32
            %add3A_518 = arith.addi %mul3A_350, %add3A_517 : i32
            %get3A_519 = arith.index_cast %add3A_518 : i32 to index
            %get3A_520 = arith.constant 96 : index
            %get3A_521 = tpu.vector_load %arg14[%get3A_519, %get3A_520] {strides = array<i32>} : memref<128x128xf32, #tpu.memory_space<vmem>>, vector<16xf32>,
            %add3A_522 = arith.addf %add3A_474, %get3A_521 : vector<16xf32>
            %add3A_523 = arith.constant 3 : i32
            %add3A_524 = arith.addi %mul3A_350, %add3A_523 : i32
            %get3A_525 = arith.index_cast %add3A_524 : i32 to index
            %get3A_526 = arith.constant 112 : index
            %get3A_527 = tpu.vector_load %arg14[%get3A_525, %get3A_526] {strides = array<i32>} : memref<128x128xf32, #tpu.memory_space<vmem>>, vector<16xf32>,
            %add3A_528 = arith.addf %add3A_480, %get3A_527 : vector<16xf32>
            %add3A_529 = arith.constant 4 : i32
            %add3A_530 = arith.addi %mul3A_350, %add3A_529 : i32
            %get3A_531 = arith.index_cast %add3A_530 : i32 to index
            %get3A_532 = arith.constant 0 : index
            %get3A_533 = tpu.vector_load %arg14[%get3A_531, %get3A_532] {strides = array<i32>} : memref<128x128xf32, #tpu.memory_space<vmem>>, vector<16xf32>,
            %add3A_534 = arith.addf %add3A_486, %get3A_533 : vector<16xf32>
            %add3A_535 = arith.constant 4 : i32
            %add3A_536 = arith.addi %mul3A_350, %add3A_535 : i32
            %get3A_537 = arith.index_cast %add3A_536 : i32 to index
            %get3A_538 = arith.constant 16 : index
            %get3A_539 = tpu.vector_load %arg14[%get3A_537, %get3A_538] {strides = array<i32>} : memref<128x128xf32, #tpu.memory_space<vmem>>, vector<16xf32>,
            %add3A_540 = arith.addf %add3A_492, %get3A_539 : vector<16xf32>
            %add3A_541 = arith.constant 4 : i32
            %add3A_542 = arith.addi %mul3A_350, %add3A_541 : i32
            %get3A_543 = arith.index_cast %add3A_542 : i32 to index
            %get3A_544 = arith.constant 32 : index
            %get3A_545 = tpu.vector_load %arg14[%get3A_543, %get3A_544] {strides = array<i32>} : memref<128x128xf32, #tpu.memory_space<vmem>>, vector<16xf32>,
            %add3A_546 = arith.addf %add3A_498, %get3A_545 : vector<16xf32>
            %add3A_547 = arith.constant 4 : i32
            %add3A_548 = arith.addi %mul3A_350, %add3A_547 : i32
            %get3A_549 = arith.index_cast %add3A_548 : i32 to index
            %get3A_550 = arith.constant 48 : index
            %get3A_551 = tpu.vector_load %arg14[%get3A_549, %get3A_550] {strides = array<i32>} : memref<128x128xf32, #tpu.memory_space<vmem>>, vector<16xf32>,
            %add3A_552 = arith.addf %add3A_504, %get3A_551 : vector<16xf32>
            %add3A_553 = arith.constant 4 : i32
            %add3A_554 = arith.addi %mul3A_350, %add3A_553 : i32
            %get3A_555 = arith.index_cast %add3A_554 : i32 to index
            %get3A_556 = arith.constant 64 : index
            %get3A_557 = tpu.vector_load %arg14[%get3A_555, %get3A_556] {strides = array<i32>} : memref<128x128xf32, #tpu.memory_space<vmem>>, vector<16xf32>,
            %add3A_558 = arith.addf %add3A_510, %get3A_557 : vector<16xf32>
            %add3A_559 = arith.constant 4 : i32
            %add3A_560 = arith.addi %mul3A_350, %add3A_559 : i32
            %get3A_561 = arith.index_cast %add3A_560 : i32 to index
            %get3A_562 = arith.constant 80 : index
            %get3A_563 = tpu.vector_load %arg14[%get3A_561, %get3A_562] {strides = array<i32>} : memref<128x128xf32, #tpu.memory_space<vmem>>, vector<16xf32>,
            %add3A_564 = arith.addf %add3A_516, %get3A_563 : vector<16xf32>
            %add3A_565 = arith.constant 4 : i32
            %add3A_566 = arith.addi %mul3A_350, %add3A_565 : i32
            %get3A_567 = arith.index_cast %add3A_566 : i32 to index
            %get3A_568 = arith.constant 96 : index
            %get3A_569 = tpu.vector_load %arg14[%get3A_567, %get3A_568] {strides = array<i32>} : memref<128x128xf32, #tpu.memory_space<vmem>>, vector<16xf32>,
            %add3A_570 = arith.addf %add3A_522, %get3A_569 : vector<16xf32>
            %add3A_571 = arith.constant 4 : i32
            %add3A_572 = arith.addi %mul3A_350, %add3A_571 : i32
            %get3A_573 = arith.index_cast %add3A_572 : i32 to index
            %get3A_574 = arith.constant 112 : index
            %get3A_575 = tpu.vector_load %arg14[%get3A_573, %get3A_574] {strides = array<i32>} : memref<128x128xf32, #tpu.memory_space<vmem>>, vector<16xf32>,
            %add3A_576 = arith.addf %add3A_528, %get3A_575 : vector<16xf32>
            %add3A_577 = arith.constant 5 : i32
            %add3A_578 = arith.addi %mul3A_350, %add3A_577 : i32
            %get3A_579 = arith.index_cast %add3A_578 : i32 to index
            %get3A_580 = arith.constant 0 : index
            %get3A_581 = tpu.vector_load %arg14[%get3A_579, %get3A_580] {strides = array<i32>} : memref<128x128xf32, #tpu.memory_space<vmem>>, vector<16xf32>,
            %add3A_582 = arith.addf %add3A_534, %get3A_581 : vector<16xf32>
            %add3A_583 = arith.constant 5 : i32
            %add3A_584 = arith.addi %mul3A_350, %add3A_583 : i32
            %get3A_585 = arith.index_cast %add3A_584 : i32 to index
            %get3A_586 = arith.constant 16 : index
            %get3A_587 = tpu.vector_load %arg14[%get3A_585, %get3A_586] {strides = array<i32>} : memref<128x128xf32, #tpu.memory_space<vmem>>, vector<16xf32>,
            %add3A_588 = arith.addf %add3A_540, %get3A_587 : vector<16xf32>
            %add3A_589 = arith.constant 5 : i32
            %add3A_590 = arith.addi %mul3A_350, %add3A_589 : i32
            %get3A_591 = arith.index_cast %add3A_590 : i32 to index
            %get3A_592 = arith.constant 32 : index
            %get3A_593 = tpu.vector_load %arg14[%get3A_591, %get3A_592] {strides = array<i32>} : memref<128x128xf32, #tpu.memory_space<vmem>>, vector<16xf32>,
            %add3A_594 = arith.addf %add3A_546, %get3A_593 : vector<16xf32>
            %add3A_595 = arith.constant 5 : i32
            %add3A_596 = arith.addi %mul3A_350, %add3A_595 : i32
            %get3A_597 = arith.index_cast %add3A_596 : i32 to index
            %get3A_598 = arith.constant 48 : index
            %get3A_599 = tpu.vector_load %arg14[%get3A_597, %get3A_598] {strides = array<i32>} : memref<128x128xf32, #tpu.memory_space<vmem>>, vector<16xf32>,
            %add3A_600 = arith.addf %add3A_552, %get3A_599 : vector<16xf32>
            %add3A_601 = arith.constant 5 : i32
            %add3A_602 = arith.addi %mul3A_350, %add3A_601 : i32
            %get3A_603 = arith.index_cast %add3A_602 : i32 to index
            %get3A_604 = arith.constant 64 : index
            %get3A_605 = tpu.vector_load %arg14[%get3A_603, %get3A_604] {strides = array<i32>} : memref<128x128xf32, #tpu.memory_space<vmem>>, vector<16xf32>,
            %add3A_606 = arith.addf %add3A_558, %get3A_605 : vector<16xf32>
            %add3A_607 = arith.constant 5 : i32
            %add3A_608 = arith.addi %mul3A_350, %add3A_607 : i32
            %get3A_609 = arith.index_cast %add3A_608 : i32 to index
            %get3A_610 = arith.constant 80 : index
            %get3A_611 = tpu.vector_load %arg14[%get3A_609, %get3A_610] {strides = array<i32>} : memref<128x128xf32, #tpu.memory_space<vmem>>, vector<16xf32>,
            %add3A_612 = arith.addf %add3A_564, %get3A_611 : vector<16xf32>
            %add3A_613 = arith.constant 5 : i32
            %add3A_614 = arith.addi %mul3A_350, %add3A_613 : i32
            %get3A_615 = arith.index_cast %add3A_614 : i32 to index
            %get3A_616 = arith.constant 96 : index
            %get3A_617 = tpu.vector_load %arg14[%get3A_615, %get3A_616] {strides = array<i32>} : memref<128x128xf32, #tpu.memory_space<vmem>>, vector<16xf32>,
            %add3A_618 = arith.addf %add3A_570, %get3A_617 : vector<16xf32>
            %add3A_619 = arith.constant 5 : i32
            %add3A_620 = arith.addi %mul3A_350, %add3A_619 : i32
            %get3A_621 = arith.index_cast %add3A_620 : i32 to index
            %get3A_622 = arith.constant 112 : index
            %get3A_623 = tpu.vector_load %arg14[%get3A_621, %get3A_622] {strides = array<i32>} : memref<128x128xf32, #tpu.memory_space<vmem>>, vector<16xf32>,
            %add3A_624 = arith.addf %add3A_576, %get3A_623 : vector<16xf32>
            %add3A_625 = arith.constant 6 : i32
            %add3A_626 = arith.addi %mul3A_350, %add3A_625 : i32
            %get3A_627 = arith.index_cast %add3A_626 : i32 to index
            %get3A_628 = arith.constant 0 : index
            %get3A_629 = tpu.vector_load %arg14[%get3A_627, %get3A_628] {strides = array<i32>} : memref<128x128xf32, #tpu.memory_space<vmem>>, vector<16xf32>,
            %add3A_630 = arith.addf %add3A_582, %get3A_629 : vector<16xf32>
            %add3A_631 = arith.constant 6 : i32
            %add3A_632 = arith.addi %mul3A_350, %add3A_631 : i32
            %get3A_633 = arith.index_cast %add3A_632 : i32 to index
            %get3A_634 = arith.constant 16 : index
            %get3A_635 = tpu.vector_load %arg14[%get3A_633, %get3A_634] {strides = array<i32>} : memref<128x128xf32, #tpu.memory_space<vmem>>, vector<16xf32>,
            %add3A_636 = arith.addf %add3A_588, %get3A_635 : vector<16xf32>
            %add3A_637 = arith.constant 6 : i32
            %add3A_638 = arith.addi %mul3A_350, %add3A_637 : i32
            %get3A_639 = arith.index_cast %add3A_638 : i32 to index
            %get3A_640 = arith.constant 32 : index
            %get3A_641 = tpu.vector_load %arg14[%get3A_639, %get3A_640] {strides = array<i32>} : memref<128x128xf32, #tpu.memory_space<vmem>>, vector<16xf32>,
            %add3A_642 = arith.addf %add3A_594, %get3A_641 : vector<16xf32>
            %add3A_643 = arith.constant 6 : i32
            %add3A_644 = arith.addi %mul3A_350, %add3A_643 : i32
            %get3A_645 = arith.index_cast %add3A_644 : i32 to index
            %get3A_646 = arith.constant 48 : index
            %get3A_647 = tpu.vector_load %arg14[%get3A_645, %get3A_646] {strides = array<i32>} : memref<128x128xf32, #tpu.memory_space<vmem>>, vector<16xf32>,
            %add3A_648 = arith.addf %add3A_600, %get3A_647 : vector<16xf32>
            %add3A_649 = arith.constant 6 : i32
            %add3A_650 = arith.addi %mul3A_350, %add3A_649 : i32
            %get3A_651 = arith.index_cast %add3A_650 : i32 to index
            %get3A_652 = arith.constant 64 : index
            %get3A_653 = tpu.vector_load %arg14[%get3A_651, %get3A_652] {strides = array<i32>} : memref<128x128xf32, #tpu.memory_space<vmem>>, vector<16xf32>,
            %add3A_654 = arith.addf %add3A_606, %get3A_653 : vector<16xf32>
            %add3A_655 = arith.constant 6 : i32
            %add3A_656 = arith.addi %mul3A_350, %add3A_655 : i32
            %get3A_657 = arith.index_cast %add3A_656 : i32 to index
            %get3A_658 = arith.constant 80 : index
            %get3A_659 = tpu.vector_load %arg14[%get3A_657, %get3A_658] {strides = array<i32>} : memref<128x128xf32, #tpu.memory_space<vmem>>, vector<16xf32>,
            %add3A_660 = arith.addf %add3A_612, %get3A_659 : vector<16xf32>
            %add3A_661 = arith.constant 6 : i32
            %add3A_662 = arith.addi %mul3A_350, %add3A_661 : i32
            %get3A_663 = arith.index_cast %add3A_662 : i32 to index
            %get3A_664 = arith.constant 96 : index
            %get3A_665 = tpu.vector_load %arg14[%get3A_663, %get3A_664] {strides = array<i32>} : memref<128x128xf32, #tpu.memory_space<vmem>>, vector<16xf32>,
            %add3A_666 = arith.addf %add3A_618, %get3A_665 : vector<16xf32>
            %add3A_667 = arith.constant 6 : i32
            %add3A_668 = arith.addi %mul3A_350, %add3A_667 : i32
            %get3A_669 = arith.index_cast %add3A_668 : i32 to index
            %get3A_670 = arith.constant 112 : index
            %get3A_671 = tpu.vector_load %arg14[%get3A_669, %get3A_670] {strides = array<i32>} : memref<128x128xf32, #tpu.memory_space<vmem>>, vector<16xf32>,
            %add3A_672 = arith.addf %add3A_624, %get3A_671 : vector<16xf32>
            %add3A_673 = arith.constant 7 : i32
            %add3A_674 = arith.addi %mul3A_350, %add3A_673 : i32
            %get3A_675 = arith.index_cast %add3A_674 : i32 to index
            %get3A_676 = arith.constant 0 : index
            %get3A_677 = tpu.vector_load %arg14[%get3A_675, %get3A_676] {strides = array<i32>} : memref<128x128xf32, #tpu.memory_space<vmem>>, vector<16xf32>,
            %add3A_678 = arith.addf %add3A_630, %get3A_677 : vector<16xf32>
            %add3A_679 = arith.constant 7 : i32
            %add3A_680 = arith.addi %mul3A_350, %add3A_679 : i32
            %get3A_681 = arith.index_cast %add3A_680 : i32 to index
            %get3A_682 = arith.constant 16 : index
            %get3A_683 = tpu.vector_load %arg14[%get3A_681, %get3A_682] {strides = array<i32>} : memref<128x128xf32, #tpu.memory_space<vmem>>, vector<16xf32>,
            %add3A_684 = arith.addf %add3A_636, %get3A_683 : vector<16xf32>
            %add3A_685 = arith.constant 7 : i32
            %add3A_686 = arith.addi %mul3A_350, %add3A_685 : i32
            %get3A_687 = arith.index_cast %add3A_686 : i32 to index
            %get3A_688 = arith.constant 32 : index
            %get3A_689 = tpu.vector_load %arg14[%get3A_687, %get3A_688] {strides = array<i32>} : memref<128x128xf32, #tpu.memory_space<vmem>>, vector<16xf32>,
            %add3A_690 = arith.addf %add3A_642, %get3A_689 : vector<16xf32>
            %add3A_691 = arith.constant 7 : i32
            %add3A_692 = arith.addi %mul3A_350, %add3A_691 : i32
            %get3A_693 = arith.index_cast %add3A_692 : i32 to index
            %get3A_694 = arith.constant 48 : index
            %get3A_695 = tpu.vector_load %arg14[%get3A_693, %get3A_694] {strides = array<i32>} : memref<128x128xf32, #tpu.memory_space<vmem>>, vector<16xf32>,
            %add3A_696 = arith.addf %add3A_648, %get3A_695 : vector<16xf32>
            %add3A_697 = arith.constant 7 : i32
            %add3A_698 = arith.addi %mul3A_350, %add3A_697 : i32
            %get3A_699 = arith.index_cast %add3A_698 : i32 to index
            %get3A_700 = arith.constant 64 : index
            %get3A_701 = tpu.vector_load %arg14[%get3A_699, %get3A_700] {strides = array<i32>} : memref<128x128xf32, #tpu.memory_space<vmem>>, vector<16xf32>,
            %add3A_702 = arith.addf %add3A_654, %get3A_701 : vector<16xf32>
            %add3A_703 = arith.constant 7 : i32
            %add3A_704 = arith.addi %mul3A_350, %add3A_703 : i32
            %get3A_705 = arith.index_cast %add3A_704 : i32 to index
            %get3A_706 = arith.constant 80 : index
            %get3A_707 = tpu.vector_load %arg14[%get3A_705, %get3A_706] {strides = array<i32>} : memref<128x128xf32, #tpu.memory_space<vmem>>, vector<16xf32>,
            %add3A_708 = arith.addf %add3A_660, %get3A_707 : vector<16xf32>
            %add3A_709 = arith.constant 7 : i32
            %add3A_710 = arith.addi %mul3A_350, %add3A_709 : i32
            %get3A_711 = arith.index_cast %add3A_710 : i32 to index
            %get3A_712 = arith.constant 96 : index
            %get3A_713 = tpu.vector_load %arg14[%get3A_711, %get3A_712] {strides = array<i32>} : memref<128x128xf32, #tpu.memory_space<vmem>>, vector<16xf32>,
            %add3A_714 = arith.addf %add3A_666, %get3A_713 : vector<16xf32>
            %add3A_715 = arith.constant 7 : i32
            %add3A_716 = arith.addi %mul3A_350, %add3A_715 : i32
            %get3A_717 = arith.index_cast %add3A_716 : i32 to index
            %get3A_718 = arith.constant 112 : index
            %get3A_719 = tpu.vector_load %arg14[%get3A_717, %get3A_718] {strides = array<i32>} : memref<128x128xf32, #tpu.memory_space<vmem>>, vector<16xf32>,
            %add3A_720 = arith.addf %add3A_672, %get3A_719 : vector<16xf32>
            %add3A_721 = arith.constant 8 : i32
            %add3A_722 = arith.addi %mul3A_350, %add3A_721 : i32
            %get3A_723 = arith.index_cast %add3A_722 : i32 to index
            %get3A_724 = arith.constant 0 : index
            %get3A_725 = tpu.vector_load %arg14[%get3A_723, %get3A_724] {strides = array<i32>} : memref<128x128xf32, #tpu.memory_space<vmem>>, vector<16xf32>,
            %add3A_726 = arith.addf %add3A_678, %get3A_725 : vector<16xf32>
            %add3A_727 = arith.constant 8 : i32
            %add3A_728 = arith.addi %mul3A_350, %add3A_727 : i32
            %get3A_729 = arith.index_cast %add3A_728 : i32 to index
            %get3A_730 = arith.constant 16 : index
            %get3A_731 = tpu.vector_load %arg14[%get3A_729, %get3A_730] {strides = array<i32>} : memref<128x128xf32, #tpu.memory_space<vmem>>, vector<16xf32>,
            %add3A_732 = arith.addf %add3A_684, %get3A_731 : vector<16xf32>
            %add3A_733 = arith.constant 8 : i32
            %add3A_734 = arith.addi %mul3A_350, %add3A_733 : i32
            %get3A_735 = arith.index_cast %add3A_734 : i32 to index
            %get3A_736 = arith.constant 32 : index
            %get3A_737 = tpu.vector_load %arg14[%get3A_735, %get3A_736] {strides = array<i32>} : memref<128x128xf32, #tpu.memory_space<vmem>>, vector<16xf32>,
            %add3A_738 = arith.addf %add3A_690, %get3A_737 : vector<16xf32>
            %add3A_739 = arith.constant 8 : i32
            %add3A_740 = arith.addi %mul3A_350, %add3A_739 : i32
            %get3A_741 = arith.index_cast %add3A_740 : i32 to index
            %get3A_742 = arith.constant 48 : index
            %get3A_743 = tpu.vector_load %arg14[%get3A_741, %get3A_742] {strides = array<i32>} : memref<128x128xf32, #tpu.memory_space<vmem>>, vector<16xf32>,
            %add3A_744 = arith.addf %add3A_696, %get3A_743 : vector<16xf32>
            %add3A_745 = arith.constant 8 : i32
            %add3A_746 = arith.addi %mul3A_350, %add3A_745 : i32
            %get3A_747 = arith.index_cast %add3A_746 : i32 to index
            %get3A_748 = arith.constant 64 : index
            %get3A_749 = tpu.vector_load %arg14[%get3A_747, %get3A_748] {strides = array<i32>} : memref<128x128xf32, #tpu.memory_space<vmem>>, vector<16xf32>,
            %add3A_750 = arith.addf %add3A_702, %get3A_749 : vector<16xf32>
            %add3A_751 = arith.constant 8 : i32
            %add3A_752 = arith.addi %mul3A_350, %add3A_751 : i32
            %get3A_753 = arith.index_cast %add3A_752 : i32 to index
            %get3A_754 = arith.constant 80 : index
            %get3A_755 = tpu.vector_load %arg14[%get3A_753, %get3A_754] {strides = array<i32>} : memref<128x128xf32, #tpu.memory_space<vmem>>, vector<16xf32>,
            %add3A_756 = arith.addf %add3A_708, %get3A_755 : vector<16xf32>
            %add3A_757 = arith.constant 8 : i32
            %add3A_758 = arith.addi %mul3A_350, %add3A_757 : i32
            %get3A_759 = arith.index_cast %add3A_758 : i32 to index
            %get3A_760 = arith.constant 96 : index
            %get3A_761 = tpu.vector_load %arg14[%get3A_759, %get3A_760] {strides = array<i32>} : memref<128x128xf32, #tpu.memory_space<vmem>>, vector<16xf32>,
            %add3A_762 = arith.addf %add3A_714, %get3A_761 : vector<16xf32>
            %add3A_763 = arith.constant 8 : i32
            %add3A_764 = arith.addi %mul3A_350, %add3A_763 : i32
            %get3A_765 = arith.index_cast %add3A_764 : i32 to index
            %get3A_766 = arith.constant 112 : index
            %get3A_767 = tpu.vector_load %arg14[%get3A_765, %get3A_766] {strides = array<i32>} : memref<128x128xf32, #tpu.memory_space<vmem>>, vector<16xf32>,
            %add3A_768 = arith.addf %add3A_720, %get3A_767 : vector<16xf32>
            %add3A_769 = arith.constant 9 : i32
            %add3A_770 = arith.addi %mul3A_350, %add3A_769 : i32
            %get3A_771 = arith.index_cast %add3A_770 : i32 to index
            %get3A_772 = arith.constant 0 : index
            %get3A_773 = tpu.vector_load %arg14[%get3A_771, %get3A_772] {strides = array<i32>} : memref<128x128xf32, #tpu.memory_space<vmem>>, vector<16xf32>,
            %add3A_774 = arith.addf %add3A_726, %get3A_773 : vector<16xf32>
            %add3A_775 = arith.constant 9 : i32
            %add3A_776 = arith.addi %mul3A_350, %add3A_775 : i32
            %get3A_777 = arith.index_cast %add3A_776 : i32 to index
            %get3A_778 = arith.constant 16 : index
            %get3A_779 = tpu.vector_load %arg14[%get3A_777, %get3A_778] {strides = array<i32>} : memref<128x128xf32, #tpu.memory_space<vmem>>, vector<16xf32>,
            %add3A_780 = arith.addf %add3A_732, %get3A_779 : vector<16xf32>
            %add3A_781 = arith.constant 9 : i32
            %add3A_782 = arith.addi %mul3A_350, %add3A_781 : i32
            %get3A_783 = arith.index_cast %add3A_782 : i32 to index
            %get3A_784 = arith.constant 32 : index
            %get3A_785 = tpu.vector_load %arg14[%get3A_783, %get3A_784] {strides = array<i32>} : memref<128x128xf32, #tpu.memory_space<vmem>>, vector<16xf32>,
            %add3A_786 = arith.addf %add3A_738, %get3A_785 : vector<16xf32>
            %add3A_787 = arith.constant 9 : i32
            %add3A_788 = arith.addi %mul3A_350, %add3A_787 : i32
            %get3A_789 = arith.index_cast %add3A_788 : i32 to index
            %get3A_790 = arith.constant 48 : index
            %get3A_791 = tpu.vector_load %arg14[%get3A_789, %get3A_790] {strides = array<i32>} : memref<128x128xf32, #tpu.memory_space<vmem>>, vector<16xf32>,
            %add3A_792 = arith.addf %add3A_744, %get3A_791 : vector<16xf32>
            %add3A_793 = arith.constant 9 : i32
            %add3A_794 = arith.addi %mul3A_350, %add3A_793 : i32
            %get3A_795 = arith.index_cast %add3A_794 : i32 to index
            %get3A_796 = arith.constant 64 : index
            %get3A_797 = tpu.vector_load %arg14[%get3A_795, %get3A_796] {strides = array<i32>} : memref<128x128xf32, #tpu.memory_space<vmem>>, vector<16xf32>,
            %add3A_798 = arith.addf %add3A_750, %get3A_797 : vector<16xf32>
            %add3A_799 = arith.constant 9 : i32
            %add3A_800 = arith.addi %mul3A_350, %add3A_799 : i32
            %get3A_801 = arith.index_cast %add3A_800 : i32 to index
            %get3A_802 = arith.constant 80 : index
            %get3A_803 = tpu.vector_load %arg14[%get3A_801, %get3A_802] {strides = array<i32>} : memref<128x128xf32, #tpu.memory_space<vmem>>, vector<16xf32>,
            %add3A_804 = arith.addf %add3A_756, %get3A_803 : vector<16xf32>
            %add3A_805 = arith.constant 9 : i32
            %add3A_806 = arith.addi %mul3A_350, %add3A_805 : i32
            %get3A_807 = arith.index_cast %add3A_806 : i32 to index
            %get3A_808 = arith.constant 96 : index
            %get3A_809 = tpu.vector_load %arg14[%get3A_807, %get3A_808] {strides = array<i32>} : memref<128x128xf32, #tpu.memory_space<vmem>>, vector<16xf32>,
            %add3A_810 = arith.addf %add3A_762, %get3A_809 : vector<16xf32>
            %add3A_811 = arith.constant 9 : i32
            %add3A_812 = arith.addi %mul3A_350, %add3A_811 : i32
            %get3A_813 = arith.index_cast %add3A_812 : i32 to index
            %get3A_814 = arith.constant 112 : index
            %get3A_815 = tpu.vector_load %arg14[%get3A_813, %get3A_814] {strides = array<i32>} : memref<128x128xf32, #tpu.memory_space<vmem>>, vector<16xf32>,
            %add3A_816 = arith.addf %add3A_768, %get3A_815 : vector<16xf32>
            %add3A_817 = arith.constant 10 : i32
            %add3A_818 = arith.addi %mul3A_350, %add3A_817 : i32
            %get3A_819 = arith.index_cast %add3A_818 : i32 to index
            %get3A_820 = arith.constant 0 : index
            %get3A_821 = tpu.vector_load %arg14[%get3A_819, %get3A_820] {strides = array<i32>} : memref<128x128xf32, #tpu.memory_space<vmem>>, vector<16xf32>,
            %add3A_822 = arith.addf %add3A_774, %get3A_821 : vector<16xf32>
            %add3A_823 = arith.constant 10 : i32
            %add3A_824 = arith.addi %mul3A_350, %add3A_823 : i32
            %get3A_825 = arith.index_cast %add3A_824 : i32 to index
            %get3A_826 = arith.constant 16 : index
            %get3A_827 = tpu.vector_load %arg14[%get3A_825, %get3A_826] {strides = array<i32>} : memref<128x128xf32, #tpu.memory_space<vmem>>, vector<16xf32>,
            %add3A_828 = arith.addf %add3A_780, %get3A_827 : vector<16xf32>
            %add3A_829 = arith.constant 10 : i32
            %add3A_830 = arith.addi %mul3A_350, %add3A_829 : i32
            %get3A_831 = arith.index_cast %add3A_830 : i32 to index
            %get3A_832 = arith.constant 32 : index
            %get3A_833 = tpu.vector_load %arg14[%get3A_831, %get3A_832] {strides = array<i32>} : memref<128x128xf32, #tpu.memory_space<vmem>>, vector<16xf32>,
            %add3A_834 = arith.addf %add3A_786, %get3A_833 : vector<16xf32>
            %add3A_835 = arith.constant 10 : i32
            %add3A_836 = arith.addi %mul3A_350, %add3A_835 : i32
            %get3A_837 = arith.index_cast %add3A_836 : i32 to index
            %get3A_838 = arith.constant 48 : index
            %get3A_839 = tpu.vector_load %arg14[%get3A_837, %get3A_838] {strides = array<i32>} : memref<128x128xf32, #tpu.memory_space<vmem>>, vector<16xf32>,
            %add3A_840 = arith.addf %add3A_792, %get3A_839 : vector<16xf32>
            %add3A_841 = arith.constant 10 : i32
            %add3A_842 = arith.addi %mul3A_350, %add3A_841 : i32
            %get3A_843 = arith.index_cast %add3A_842 : i32 to index
            %get3A_844 = arith.constant 64 : index
            %get3A_845 = tpu.vector_load %arg14[%get3A_843, %get3A_844] {strides = array<i32>} : memref<128x128xf32, #tpu.memory_space<vmem>>, vector<16xf32>,
            %add3A_846 = arith.addf %add3A_798, %get3A_845 : vector<16xf32>
            %add3A_847 = arith.constant 10 : i32
            %add3A_848 = arith.addi %mul3A_350, %add3A_847 : i32
            %get3A_849 = arith.index_cast %add3A_848 : i32 to index
            %get3A_850 = arith.constant 80 : index
            %get3A_851 = tpu.vector_load %arg14[%get3A_849, %get3A_850] {strides = array<i32>} : memref<128x128xf32, #tpu.memory_space<vmem>>, vector<16xf32>,
            %add3A_852 = arith.addf %add3A_804, %get3A_851 : vector<16xf32>
            %add3A_853 = arith.constant 10 : i32
            %add3A_854 = arith.addi %mul3A_350, %add3A_853 : i32
            %get3A_855 = arith.index_cast %add3A_854 : i32 to index
            %get3A_856 = arith.constant 96 : index
            %get3A_857 = tpu.vector_load %arg14[%get3A_855, %get3A_856] {strides = array<i32>} : memref<128x128xf32, #tpu.memory_space<vmem>>, vector<16xf32>,
            %add3A_858 = arith.addf %add3A_810, %get3A_857 : vector<16xf32>
            %add3A_859 = arith.constant 10 : i32
            %add3A_860 = arith.addi %mul3A_350, %add3A_859 : i32
            %get3A_861 = arith.index_cast %add3A_860 : i32 to index
            %get3A_862 = arith.constant 112 : index
            %get3A_863 = tpu.vector_load %arg14[%get3A_861, %get3A_862] {strides = array<i32>} : memref<128x128xf32, #tpu.memory_space<vmem>>, vector<16xf32>,
            %add3A_864 = arith.addf %add3A_816, %get3A_863 : vector<16xf32>
            %add3A_865 = arith.constant 11 : i32
            %add3A_866 = arith.addi %mul3A_350, %add3A_865 : i32
            %get3A_867 = arith.index_cast %add3A_866 : i32 to index
            %get3A_868 = arith.constant 0 : index
            %get3A_869 = tpu.vector_load %arg14[%get3A_867, %get3A_868] {strides = array<i32>} : memref<128x128xf32, #tpu.memory_space<vmem>>, vector<16xf32>,
            %add3A_870 = arith.addf %add3A_822, %get3A_869 : vector<16xf32>
            %add3A_871 = arith.constant 11 : i32
            %add3A_872 = arith.addi %mul3A_350, %add3A_871 : i32
            %get3A_873 = arith.index_cast %add3A_872 : i32 to index
            %get3A_874 = arith.constant 16 : index
            %get3A_875 = tpu.vector_load %arg14[%get3A_873, %get3A_874] {strides = array<i32>} : memref<128x128xf32, #tpu.memory_space<vmem>>, vector<16xf32>,
            %add3A_876 = arith.addf %add3A_828, %get3A_875 : vector<16xf32>
            %add3A_877 = arith.constant 11 : i32
            %add3A_878 = arith.addi %mul3A_350, %add3A_877 : i32
            %get3A_879 = arith.index_cast %add3A_878 : i32 to index
            %get3A_880 = arith.constant 32 : index
            %get3A_881 = tpu.vector_load %arg14[%get3A_879, %get3A_880] {strides = array<i32>} : memref<128x128xf32, #tpu.memory_space<vmem>>, vector<16xf32>,
            %add3A_882 = arith.addf %add3A_834, %get3A_881 : vector<16xf32>
            %add3A_883 = arith.constant 11 : i32
            %add3A_884 = arith.addi %mul3A_350, %add3A_883 : i32
            %get3A_885 = arith.index_cast %add3A_884 : i32 to index
            %get3A_886 = arith.constant 48 : index
            %get3A_887 = tpu.vector_load %arg14[%get3A_885, %get3A_886] {strides = array<i32>} : memref<128x128xf32, #tpu.memory_space<vmem>>, vector<16xf32>,
            %add3A_888 = arith.addf %add3A_840, %get3A_887 : vector<16xf32>
            %add3A_889 = arith.constant 11 : i32
            %add3A_890 = arith.addi %mul3A_350, %add3A_889 : i32
            %get3A_891 = arith.index_cast %add3A_890 : i32 to index
            %get3A_892 = arith.constant 64 : index
            %get3A_893 = tpu.vector_load %arg14[%get3A_891, %get3A_892] {strides = array<i32>} : memref<128x128xf32, #tpu.memory_space<vmem>>, vector<16xf32>,
            %add3A_894 = arith.addf %add3A_846, %get3A_893 : vector<16xf32>
            %add3A_895 = arith.constant 11 : i32
            %add3A_896 = arith.addi %mul3A_350, %add3A_895 : i32
            %get3A_897 = arith.index_cast %add3A_896 : i32 to index
            %get3A_898 = arith.constant 80 : index
            %get3A_899 = tpu.vector_load %arg14[%get3A_897, %get3A_898] {strides = array<i32>} : memref<128x128xf32, #tpu.memory_space<vmem>>, vector<16xf32>,
            %add3A_900 = arith.addf %add3A_852, %get3A_899 : vector<16xf32>
            %add3A_901 = arith.constant 11 : i32
            %add3A_902 = arith.addi %mul3A_350, %add3A_901 : i32
            %get3A_903 = arith.index_cast %add3A_902 : i32 to index
            %get3A_904 = arith.constant 96 : index
            %get3A_905 = tpu.vector_load %arg14[%get3A_903, %get3A_904] {strides = array<i32>} : memref<128x128xf32, #tpu.memory_space<vmem>>, vector<16xf32>,
            %add3A_906 = arith.addf %add3A_858, %get3A_905 : vector<16xf32>
            %add3A_907 = arith.constant 11 : i32
            %add3A_908 = arith.addi %mul3A_350, %add3A_907 : i32
            %get3A_909 = arith.index_cast %add3A_908 : i32 to index
            %get3A_910 = arith.constant 112 : index
            %get3A_911 = tpu.vector_load %arg14[%get3A_909, %get3A_910] {strides = array<i32>} : memref<128x128xf32, #tpu.memory_space<vmem>>, vector<16xf32>,
            %add3A_912 = arith.addf %add3A_864, %get3A_911 : vector<16xf32>
            %add3A_913 = arith.constant 12 : i32
            %add3A_914 = arith.addi %mul3A_350, %add3A_913 : i32
            %get3A_915 = arith.index_cast %add3A_914 : i32 to index
            %get3A_916 = arith.constant 0 : index
            %get3A_917 = tpu.vector_load %arg14[%get3A_915, %get3A_916] {strides = array<i32>} : memref<128x128xf32, #tpu.memory_space<vmem>>, vector<16xf32>,
            %add3A_918 = arith.addf %add3A_870, %get3A_917 : vector<16xf32>
            %add3A_919 = arith.constant 12 : i32
            %add3A_920 = arith.addi %mul3A_350, %add3A_919 : i32
            %get3A_921 = arith.index_cast %add3A_920 : i32 to index
            %get3A_922 = arith.constant 16 : index
            %get3A_923 = tpu.vector_load %arg14[%get3A_921, %get3A_922] {strides = array<i32>} : memref<128x128xf32, #tpu.memory_space<vmem>>, vector<16xf32>,
            %add3A_924 = arith.addf %add3A_876, %get3A_923 : vector<16xf32>
            %add3A_925 = arith.constant 12 : i32
            %add3A_926 = arith.addi %mul3A_350, %add3A_925 : i32
            %get3A_927 = arith.index_cast %add3A_926 : i32 to index
            %get3A_928 = arith.constant 32 : index
            %get3A_929 = tpu.vector_load %arg14[%get3A_927, %get3A_928] {strides = array<i32>} : memref<128x128xf32, #tpu.memory_space<vmem>>, vector<16xf32>,
            %add3A_930 = arith.addf %add3A_882, %get3A_929 : vector<16xf32>
            %add3A_931 = arith.constant 12 : i32
            %add3A_932 = arith.addi %mul3A_350, %add3A_931 : i32
            %get3A_933 = arith.index_cast %add3A_932 : i32 to index
            %get3A_934 = arith.constant 48 : index
            %get3A_935 = tpu.vector_load %arg14[%get3A_933, %get3A_934] {strides = array<i32>} : memref<128x128xf32, #tpu.memory_space<vmem>>, vector<16xf32>,
            %add3A_936 = arith.addf %add3A_888, %get3A_935 : vector<16xf32>
            %add3A_937 = arith.constant 12 : i32
            %add3A_938 = arith.addi %mul3A_350, %add3A_937 : i32
            %get3A_939 = arith.index_cast %add3A_938 : i32 to index
            %get3A_940 = arith.constant 64 : index
            %get3A_941 = tpu.vector_load %arg14[%get3A_939, %get3A_940] {strides = array<i32>} : memref<128x128xf32, #tpu.memory_space<vmem>>, vector<16xf32>,
            %add3A_942 = arith.addf %add3A_894, %get3A_941 : vector<16xf32>
            %add3A_943 = arith.constant 12 : i32
            %add3A_944 = arith.addi %mul3A_350, %add3A_943 : i32
            %get3A_945 = arith.index_cast %add3A_944 : i32 to index
            %get3A_946 = arith.constant 80 : index
            %get3A_947 = tpu.vector_load %arg14[%get3A_945, %get3A_946] {strides = array<i32>} : memref<128x128xf32, #tpu.memory_space<vmem>>, vector<16xf32>,
            %add3A_948 = arith.addf %add3A_900, %get3A_947 : vector<16xf32>
            %add3A_949 = arith.constant 12 : i32
            %add3A_950 = arith.addi %mul3A_350, %add3A_949 : i32
            %get3A_951 = arith.index_cast %add3A_950 : i32 to index
            %get3A_952 = arith.constant 96 : index
            %get3A_953 = tpu.vector_load %arg14[%get3A_951, %get3A_952] {strides = array<i32>} : memref<128x128xf32, #tpu.memory_space<vmem>>, vector<16xf32>,
            %add3A_954 = arith.addf %add3A_906, %get3A_953 : vector<16xf32>
            %add3A_955 = arith.constant 12 : i32
            %add3A_956 = arith.addi %mul3A_350, %add3A_955 : i32
            %get3A_957 = arith.index_cast %add3A_956 : i32 to index
            %get3A_958 = arith.constant 112 : index
            %get3A_959 = tpu.vector_load %arg14[%get3A_957, %get3A_958] {strides = array<i32>} : memref<128x128xf32, #tpu.memory_space<vmem>>, vector<16xf32>,
            %add3A_960 = arith.addf %add3A_912, %get3A_959 : vector<16xf32>
            %add3A_961 = arith.constant 13 : i32
            %add3A_962 = arith.addi %mul3A_350, %add3A_961 : i32
            %get3A_963 = arith.index_cast %add3A_962 : i32 to index
            %get3A_964 = arith.constant 0 : index
            %get3A_965 = tpu.vector_load %arg14[%get3A_963, %get3A_964] {strides = array<i32>} : memref<128x128xf32, #tpu.memory_space<vmem>>, vector<16xf32>,
            %add3A_966 = arith.addf %add3A_918, %get3A_965 : vector<16xf32>
            %add3A_967 = arith.constant 13 : i32
            %add3A_968 = arith.addi %mul3A_350, %add3A_967 : i32
            %get3A_969 = arith.index_cast %add3A_968 : i32 to index
            %get3A_970 = arith.constant 16 : index
            %get3A_971 = tpu.vector_load %arg14[%get3A_969, %get3A_970] {strides = array<i32>} : memref<128x128xf32, #tpu.memory_space<vmem>>, vector<16xf32>,
            %add3A_972 = arith.addf %add3A_924, %get3A_971 : vector<16xf32>
            %add3A_973 = arith.constant 13 : i32
            %add3A_974 = arith.addi %mul3A_350, %add3A_973 : i32
            %get3A_975 = arith.index_cast %add3A_974 : i32 to index
            %get3A_976 = arith.constant 32 : index
            %get3A_977 = tpu.vector_load %arg14[%get3A_975, %get3A_976] {strides = array<i32>} : memref<128x128xf32, #tpu.memory_space<vmem>>, vector<16xf32>,
            %add3A_978 = arith.addf %add3A_930, %get3A_977 : vector<16xf32>
            %add3A_979 = arith.constant 13 : i32
            %add3A_980 = arith.addi %mul3A_350, %add3A_979 : i32
            %get3A_981 = arith.index_cast %add3A_980 : i32 to index
            %get3A_982 = arith.constant 48 : index
            %get3A_983 = tpu.vector_load %arg14[%get3A_981, %get3A_982] {strides = array<i32>} : memref<128x128xf32, #tpu.memory_space<vmem>>, vector<16xf32>,
            %add3A_984 = arith.addf %add3A_936, %get3A_983 : vector<16xf32>
            %add3A_985 = arith.constant 13 : i32
            %add3A_986 = arith.addi %mul3A_350, %add3A_985 : i32
            %get3A_987 = arith.index_cast %add3A_986 : i32 to index
            %get3A_988 = arith.constant 64 : index
            %get3A_989 = tpu.vector_load %arg14[%get3A_987, %get3A_988] {strides = array<i32>} : memref<128x128xf32, #tpu.memory_space<vmem>>, vector<16xf32>,
            %add3A_990 = arith.addf %add3A_942, %get3A_989 : vector<16xf32>
            %add3A_991 = arith.constant 13 : i32
            %add3A_992 = arith.addi %mul3A_350, %add3A_991 : i32
            %get3A_993 = arith.index_cast %add3A_992 : i32 to index
            %get3A_994 = arith.constant 80 : index
            %get3A_995 = tpu.vector_load %arg14[%get3A_993, %get3A_994] {strides = array<i32>} : memref<128x128xf32, #tpu.memory_space<vmem>>, vector<16xf32>,
            %add3A_996 = arith.addf %add3A_948, %get3A_995 : vector<16xf32>
            %add3A_997 = arith.constant 13 : i32
            %add3A_998 = arith.addi %mul3A_350, %add3A_997 : i32
            %get3A_999 = arith.index_cast %add3A_998 : i32 to index
            %get3A_1000 = arith.constant 96 : index
            %get3A_1001 = tpu.vector_load %arg14[%get3A_999, %get3A_1000] {strides = array<i32>} : memref<128x128xf32, #tpu.memory_space<vmem>>, vector<16xf32>,
            %add3A_1002 = arith.addf %add3A_954, %get3A_1001 : vector<16xf32>
            %add3A_1003 = arith.constant 13 : i32
            %add3A_1004 = arith.addi %mul3A_350, %add3A_1003 : i32
            %get3A_1005 = arith.index_cast %add3A_1004 : i32 to index
            %get3A_1006 = arith.constant 112 : index
            %get3A_1007 = tpu.vector_load %arg14[%get3A_1005, %get3A_1006] {strides = array<i32>} : memref<128x128xf32, #tpu.memory_space<vmem>>, vector<16xf32>,
            %add3A_1008 = arith.addf %add3A_960, %get3A_1007 : vector<16xf32>
            %add3A_1009 = arith.constant 14 : i32
            %add3A_1010 = arith.addi %mul3A_350, %add3A_1009 : i32
            %get3A_1011 = arith.index_cast %add3A_1010 : i32 to index
            %get3A_1012 = arith.constant 0 : index
            %get3A_1013 = tpu.vector_load %arg14[%get3A_1011, %get3A_1012] {strides = array<i32>} : memref<128x128xf32, #tpu.memory_space<vmem>>, vector<16xf32>,
            %add3A_1014 = arith.addf %add3A_966, %get3A_1013 : vector<16xf32>
            %add3A_1015 = arith.constant 14 : i32
            %add3A_1016 = arith.addi %mul3A_350, %add3A_1015 : i32
            %get3A_1017 = arith.index_cast %add3A_1016 : i32 to index
            %get3A_1018 = arith.constant 16 : index
            %get3A_1019 = tpu.vector_load %arg14[%get3A_1017, %get3A_1018] {strides = array<i32>} : memref<128x128xf32, #tpu.memory_space<vmem>>, vector<16xf32>,
            %add3A_1020 = arith.addf %add3A_972, %get3A_1019 : vector<16xf32>
            %add3A_1021 = arith.constant 14 : i32
            %add3A_1022 = arith.addi %mul3A_350, %add3A_1021 : i32
            %get3A_1023 = arith.index_cast %add3A_1022 : i32 to index
            %get3A_1024 = arith.constant 32 : index
            %get3A_1025 = tpu.vector_load %arg14[%get3A_1023, %get3A_1024] {strides = array<i32>} : memref<128x128xf32, #tpu.memory_space<vmem>>, vector<16xf32>,
            %add3A_1026 = arith.addf %add3A_978, %get3A_1025 : vector<16xf32>
            %add3A_1027 = arith.constant 14 : i32
            %add3A_1028 = arith.addi %mul3A_350, %add3A_1027 : i32
            %get3A_1029 = arith.index_cast %add3A_1028 : i32 to index
            %get3A_1030 = arith.constant 48 : index
            %get3A_1031 = tpu.vector_load %arg14[%get3A_1029, %get3A_1030] {strides = array<i32>} : memref<128x128xf32, #tpu.memory_space<vmem>>, vector<16xf32>,
            %add3A_1032 = arith.addf %add3A_984, %get3A_1031 : vector<16xf32>
            %add3A_1033 = arith.constant 14 : i32
            %add3A_1034 = arith.addi %mul3A_350, %add3A_1033 : i32
            %get3A_1035 = arith.index_cast %add3A_1034 : i32 to index
            %get3A_1036 = arith.constant 64 : index
            %get3A_1037 = tpu.vector_load %arg14[%get3A_1035, %get3A_1036] {strides = array<i32>} : memref<128x128xf32, #tpu.memory_space<vmem>>, vector<16xf32>,
            %add3A_1038 = arith.addf %add3A_990, %get3A_1037 : vector<16xf32>
            %add3A_1039 = arith.constant 14 : i32
            %add3A_1040 = arith.addi %mul3A_350, %add3A_1039 : i32
            %get3A_1041 = arith.index_cast %add3A_1040 : i32 to index
            %get3A_1042 = arith.constant 80 : index
            %get3A_1043 = tpu.vector_load %arg14[%get3A_1041, %get3A_1042] {strides = array<i32>} : memref<128x128xf32, #tpu.memory_space<vmem>>, vector<16xf32>,
            %add3A_1044 = arith.addf %add3A_996, %get3A_1043 : vector<16xf32>
            %add3A_1045 = arith.constant 14 : i32
            %add3A_1046 = arith.addi %mul3A_350, %add3A_1045 : i32
            %get3A_1047 = arith.index_cast %add3A_1046 : i32 to index
            %get3A_1048 = arith.constant 96 : index
            %get3A_1049 = tpu.vector_load %arg14[%get3A_1047, %get3A_1048] {strides = array<i32>} : memref<128x128xf32, #tpu.memory_space<vmem>>, vector<16xf32>,
            %add3A_1050 = arith.addf %add3A_1002, %get3A_1049 : vector<16xf32>
            %add3A_1051 = arith.constant 14 : i32
            %add3A_1052 = arith.addi %mul3A_350, %add3A_1051 : i32
            %get3A_1053 = arith.index_cast %add3A_1052 : i32 to index
            %get3A_1054 = arith.constant 112 : index
            %get3A_1055 = tpu.vector_load %arg14[%get3A_1053, %get3A_1054] {strides = array<i32>} : memref<128x128xf32, #tpu.memory_space<vmem>>, vector<16xf32>,
            %add3A_1056 = arith.addf %add3A_1008, %get3A_1055 : vector<16xf32>
            %add3A_1057 = arith.constant 15 : i32
            %add3A_1058 = arith.addi %mul3A_350, %add3A_1057 : i32
            %get3A_1059 = arith.index_cast %add3A_1058 : i32 to index
            %get3A_1060 = arith.constant 0 : index
            %get3A_1061 = tpu.vector_load %arg14[%get3A_1059, %get3A_1060] {strides = array<i32>} : memref<128x128xf32, #tpu.memory_space<vmem>>, vector<16xf32>,
            %add3A_1062 = arith.addf %add3A_1014, %get3A_1061 : vector<16xf32>
            %add3A_1063 = arith.constant 15 : i32
            %add3A_1064 = arith.addi %mul3A_350, %add3A_1063 : i32
            %get3A_1065 = arith.index_cast %add3A_1064 : i32 to index
            %get3A_1066 = arith.constant 16 : index
            %get3A_1067 = tpu.vector_load %arg14[%get3A_1065, %get3A_1066] {strides = array<i32>} : memref<128x128xf32, #tpu.memory_space<vmem>>, vector<16xf32>,
            %add3A_1068 = arith.addf %add3A_1020, %get3A_1067 : vector<16xf32>
            %add3A_1069 = arith.constant 15 : i32
            %add3A_1070 = arith.addi %mul3A_350, %add3A_1069 : i32
            %get3A_1071 = arith.index_cast %add3A_1070 : i32 to index
            %get3A_1072 = arith.constant 32 : index
            %get3A_1073 = tpu.vector_load %arg14[%get3A_1071, %get3A_1072] {strides = array<i32>} : memref<128x128xf32, #tpu.memory_space<vmem>>, vector<16xf32>,
            %add3A_1074 = arith.addf %add3A_1026, %get3A_1073 : vector<16xf32>
            %add3A_1075 = arith.constant 15 : i32
            %add3A_1076 = arith.addi %mul3A_350, %add3A_1075 : i32
            %get3A_1077 = arith.index_cast %add3A_1076 : i32 to index
            %get3A_1078 = arith.constant 48 : index
            %get3A_1079 = tpu.vector_load %arg14[%get3A_1077, %get3A_1078] {strides = array<i32>} : memref<128x128xf32, #tpu.memory_space<vmem>>, vector<16xf32>,
            %add3A_1080 = arith.addf %add3A_1032, %get3A_1079 : vector<16xf32>
            %add3A_1081 = arith.constant 15 : i32
            %add3A_1082 = arith.addi %mul3A_350, %add3A_1081 : i32
            %get3A_1083 = arith.index_cast %add3A_1082 : i32 to index
            %get3A_1084 = arith.constant 64 : index
            %get3A_1085 = tpu.vector_load %arg14[%get3A_1083, %get3A_1084] {strides = array<i32>} : memref<128x128xf32, #tpu.memory_space<vmem>>, vector<16xf32>,
            %add3A_1086 = arith.addf %add3A_1038, %get3A_1085 : vector<16xf32>
            %add3A_1087 = arith.constant 15 : i32
            %add3A_1088 = arith.addi %mul3A_350, %add3A_1087 : i32
            %get3A_1089 = arith.index_cast %add3A_1088 : i32 to index
            %get3A_1090 = arith.constant 80 : index
            %get3A_1091 = tpu.vector_load %arg14[%get3A_1089, %get3A_1090] {strides = array<i32>} : memref<128x128xf32, #tpu.memory_space<vmem>>, vector<16xf32>,
            %add3A_1092 = arith.addf %add3A_1044, %get3A_1091 : vector<16xf32>
            %add3A_1093 = arith.constant 15 : i32
            %add3A_1094 = arith.addi %mul3A_350, %add3A_1093 : i32
            %get3A_1095 = arith.index_cast %add3A_1094 : i32 to index
            %get3A_1096 = arith.constant 96 : index
            %get3A_1097 = tpu.vector_load %arg14[%get3A_1095, %get3A_1096] {strides = array<i32>} : memref<128x128xf32, #tpu.memory_space<vmem>>, vector<16xf32>,
            %add3A_1098 = arith.addf %add3A_1050, %get3A_1097 : vector<16xf32>
            %add3A_1099 = arith.constant 15 : i32
            %add3A_1100 = arith.addi %mul3A_350, %add3A_1099 : i32
            %get3A_1101 = arith.index_cast %add3A_1100 : i32 to index
            %get3A_1102 = arith.constant 112 : index
            %get3A_1103 = tpu.vector_load %arg14[%get3A_1101, %get3A_1102] {strides = array<i32>} : memref<128x128xf32, #tpu.memory_space<vmem>>, vector<16xf32>,
            %add3A_1104 = arith.addf %add3A_1056, %get3A_1103 : vector<16xf32>
            tpu.vector_store_idx %arg16[%gather3A_335, %add3A_15], %add3A_1062 {add = true} : memref<256x128xf32, #tpu.memory_space<vmem>>[vector<16xi32>, vector<16xi32>], vector<16xf32>,
            tpu.vector_store_idx %arg16[%gather3A_335, %add3A_19], %add3A_1068 {add = true} : memref<256x128xf32, #tpu.memory_space<vmem>>[vector<16xi32>, vector<16xi32>], vector<16xf32>,
            tpu.vector_store_idx %arg16[%gather3A_335, %add3A_23], %add3A_1074 {add = true} : memref<256x128xf32, #tpu.memory_space<vmem>>[vector<16xi32>, vector<16xi32>], vector<16xf32>,
            tpu.vector_store_idx %arg16[%gather3A_335, %add3A_27], %add3A_1080 {add = true} : memref<256x128xf32, #tpu.memory_space<vmem>>[vector<16xi32>, vector<16xi32>], vector<16xf32>,
            tpu.vector_store_idx %arg16[%gather3A_335, %add3A_31], %add3A_1086 {add = true} : memref<256x128xf32, #tpu.memory_space<vmem>>[vector<16xi32>, vector<16xi32>], vector<16xf32>,
            tpu.vector_store_idx %arg16[%gather3A_335, %add3A_35], %add3A_1092 {add = true} : memref<256x128xf32, #tpu.memory_space<vmem>>[vector<16xi32>, vector<16xi32>], vector<16xf32>,
            tpu.vector_store_idx %arg16[%gather3A_335, %add3A_39], %add3A_1098 {add = true} : memref<256x128xf32, #tpu.memory_space<vmem>>[vector<16xi32>, vector<16xi32>], vector<16xf32>,
            tpu.vector_store_idx %arg16[%gather3A_335, %add3A_43], %add3A_1104 {add = true} : memref<256x128xf32, #tpu.memory_space<vmem>>[vector<16xi32>, vector<16xi32>], vector<16xf32>,
          } else {
          }
          %eq3A_356 = arith.constant 0 : i32
          %eq3A_357 = arith.cmpi eq, %reduce_min3A_348, %eq3A_356 : i32
          %convert_element_type3A_358 = arith.extui %eq3A_357 : i1 to i32
          %cond3A_359 = arith.constant 0 : i32
          %cond3A_360 = arith.cmpi ne, %convert_element_type3A_358, %cond3A_359 : i32
          scf.if %cond3A_360 {
            %scan3A_361 = arith.constant 0 : i32
            %scan3A_362 = arith.constant 0 : i32
            %scan3A_363 = arith.constant 16 : i32
            %scan3A_364 = arith.addi %scan3A_362, %scan3A_363 : i32
            %scan3A_365 = arith.constant 1 : i32
            scf.for %scan3A_367 = %scan3A_362 to %scan3A_364 step %scan3A_365  : i32 {
              %add3A_368 = vector.broadcast %scan3A_367 : i32 to vector<16xi32>
              %add3A_369 = arith.addi %add3A_47, %add3A_368 : vector<16xi32>
              %broadcast_in_dim3A_370 = vector.shape_cast %add3A_369 : vector<16xi32> to vector<16x1xi32>
              %gather3A_371 = vector.shape_cast %broadcast_in_dim3A_370 : vector<16x1xi32> to vector<16xi32>
              %gather3A_372 = tpu.dynamic_gather %get3A_333[%gather3A_371] in [0] : vector<16xi32>, vector<16xi32> -> vector<16xi32>
              %add3A_373 = arith.addi %mul3A_350, %scan3A_367 : i32
              %get3A_374 = arith.index_cast %add3A_373 : i32 to index
              %get3A_375 = arith.constant 0 : index
              %get3A_376 = tpu.vector_load %arg14[%get3A_374, %get3A_375] {strides = array<i32>} : memref<128x128xf32, #tpu.memory_space<vmem>>, vector<16xf32>,
              tpu.vector_store_idx %arg16[%gather3A_372, %add3A_15], %get3A_376 {add = true} : memref<256x128xf32, #tpu.memory_space<vmem>>[vector<16xi32>, vector<16xi32>], vector<16xf32>,
              %add3A_377 = arith.addi %mul3A_350, %scan3A_367 : i32
              %get3A_378 = arith.index_cast %add3A_377 : i32 to index
              %get3A_379 = arith.constant 16 : index
              %get3A_380 = tpu.vector_load %arg14[%get3A_378, %get3A_379] {strides = array<i32>} : memref<128x128xf32, #tpu.memory_space<vmem>>, vector<16xf32>,
              tpu.vector_store_idx %arg16[%gather3A_372, %add3A_19], %get3A_380 {add = true} : memref<256x128xf32, #tpu.memory_space<vmem>>[vector<16xi32>, vector<16xi32>], vector<16xf32>,
              %add3A_381 = arith.addi %mul3A_350, %scan3A_367 : i32
              %get3A_382 = arith.index_cast %add3A_381 : i32 to index
              %get3A_383 = arith.constant 32 : index
              %get3A_384 = tpu.vector_load %arg14[%get3A_382, %get3A_383] {strides = array<i32>} : memref<128x128xf32, #tpu.memory_space<vmem>>, vector<16xf32>,
              tpu.vector_store_idx %arg16[%gather3A_372, %add3A_23], %get3A_384 {add = true} : memref<256x128xf32, #tpu.memory_space<vmem>>[vector<16xi32>, vector<16xi32>], vector<16xf32>,
              %add3A_385 = arith.addi %mul3A_350, %scan3A_367 : i32
              %get3A_386 = arith.index_cast %add3A_385 : i32 to index
              %get3A_387 = arith.constant 48 : index
              %get3A_388 = tpu.vector_load %arg14[%get3A_386, %get3A_387] {strides = array<i32>} : memref<128x128xf32, #tpu.memory_space<vmem>>, vector<16xf32>,
              tpu.vector_store_idx %arg16[%gather3A_372, %add3A_27], %get3A_388 {add = true} : memref<256x128xf32, #tpu.memory_space<vmem>>[vector<16xi32>, vector<16xi32>], vector<16xf32>,
              %add3A_389 = arith.addi %mul3A_350, %scan3A_367 : i32
              %get3A_390 = arith.index_cast %add3A_389 : i32 to index
              %get3A_391 = arith.constant 64 : index
              %get3A_392 = tpu.vector_load %arg14[%get3A_390, %get3A_391] {strides = array<i32>} : memref<128x128xf32, #tpu.memory_space<vmem>>, vector<16xf32>,
              tpu.vector_store_idx %arg16[%gather3A_372, %add3A_31], %get3A_392 {add = true} : memref<256x128xf32, #tpu.memory_space<vmem>>[vector<16xi32>, vector<16xi32>], vector<16xf32>,
              %add3A_393 = arith.addi %mul3A_350, %scan3A_367 : i32
              %get3A_394 = arith.index_cast %add3A_393 : i32 to index
              %get3A_395 = arith.constant 80 : index
              %get3A_396 = tpu.vector_load %arg14[%get3A_394, %get3A_395] {strides = array<i32>} : memref<128x128xf32, #tpu.memory_space<vmem>>, vector<16xf32>,
              tpu.vector_store_idx %arg16[%gather3A_372, %add3A_35], %get3A_396 {add = true} : memref<256x128xf32, #tpu.memory_space<vmem>>[vector<16xi32>, vector<16xi32>], vector<16xf32>,
              %add3A_397 = arith.addi %mul3A_350, %scan3A_367 : i32
              %get3A_398 = arith.index_cast %add3A_397 : i32 to index
              %get3A_399 = arith.constant 96 : index
              %get3A_400 = tpu.vector_load %arg14[%get3A_398, %get3A_399] {strides = array<i32>} : memref<128x128xf32, #tpu.memory_space<vmem>>, vector<16xf32>,
              tpu.vector_store_idx %arg16[%gather3A_372, %add3A_39], %get3A_400 {add = true} : memref<256x128xf32, #tpu.memory_space<vmem>>[vector<16xi32>, vector<16xi32>], vector<16xf32>,
              %add3A_401 = arith.addi %mul3A_350, %scan3A_367 : i32
              %get3A_402 = arith.index_cast %add3A_401 : i32 to index
              %get3A_403 = arith.constant 112 : index
              %get3A_404 = tpu.vector_load %arg14[%get3A_402, %get3A_403] {strides = array<i32>} : memref<128x128xf32, #tpu.memory_space<vmem>>, vector<16xf32>,
              tpu.vector_store_idx %arg16[%gather3A_372, %add3A_43], %get3A_404 {add = true} : memref<256x128xf32, #tpu.memory_space<vmem>>[vector<16xi32>, vector<16xi32>], vector<16xf32>,
            }
            %scan3A_366 = arith.constant 16 : i32
          } else {
          }
        }
        %scan3A_328 = arith.constant 8 : i32
      } else {
      }
    }
    %while3A_173 = arith.constant 1 : i32
    scf.for %while3A_229 = %while3A_171 to %while3A_167 step %while3A_173  : i32 {
      %add3A_230 = arith.addi %select_n3A_151, %while3A_229 : i32
      %jit3A_231 = arith.constant 3 : i32
      %eq3A_232 = arith.constant 0 : i32
      %eq3A_233 = arith.cmpi eq, %jit3A_231, %eq3A_232 : i32
      %jit3A_234 = arith.constant 1 : i32
      %select_n3A_235 = arith.select %eq3A_233, %jit3A_234, %jit3A_231 : i32
      %rem3A_236 = arith.remsi %while3A_229, %select_n3A_235 : i32
      %ne3A_237 = arith.constant 0 : i32
      %ne3A_238 = arith.cmpi ne, %rem3A_236, %ne3A_237 : i32
      %lt3A_239 = arith.constant 0 : i32
      %lt3A_240 = arith.cmpi slt, %rem3A_236, %lt3A_239 : i32
      %lt3A_241 = arith.constant 0 : i32
      %lt3A_242 = arith.cmpi slt, %select_n3A_235, %lt3A_241 : i32
      %ne3A_243 = arith.xori %lt3A_240, %lt3A_242 : i1
      %and3A_244 = arith.andi %ne3A_243, %ne3A_238 : i1
      %add3A_245 = arith.addi %rem3A_236, %select_n3A_235 : i32
      %select_n3A_246 = arith.select %and3A_244, %add3A_245, %rem3A_236 : i32
      %eq3A_247 = arith.constant 0 : i32
      %eq3A_248 = arith.cmpi eq, %select_n3A_246, %eq3A_247 : i32
      %convert_element_type3A_249 = arith.extui %eq3A_248 : i1 to i32
      %cond3A_250 = arith.constant 0 : i32
      %cond3A_251 = arith.cmpi ne, %convert_element_type3A_249, %cond3A_250 : i32
      scf.if %cond3A_251 {
        %add3A_294 = arith.constant 2 : i32
        %add3A_295 = arith.addi %while3A_229, %add3A_294 : i32
        %lt3A_296 = arith.cmpi slt, %add3A_295, %select_n3A_140 : i32
        %convert_element_type3A_297 = arith.extui %lt3A_296 : i1 to i32
        %cond3A_298 = arith.constant 0 : i32
        %cond3A_299 = arith.cmpi ne, %convert_element_type3A_297, %cond3A_298 : i32
        scf.if %cond3A_299 {
          %add3A_321 = arith.constant 2 : i32
          %add3A_322 = arith.addi %add3A_230, %add3A_321 : i32
          %mul3A_323 = arith.constant 128 : i32
          %mul3A_324 = arith.muli %add3A_322, %mul3A_323 : i32
          %multiple_of3A_325 = tpu.assume_multiple %mul3A_324, 128 : i32
          %dma_start3A_326 = arith.constant 0 : i32
          %dma_start3A_327 = tpu.memref_slice %arg4[%multiple_of3A_325, %dma_start3A_326] : memref<160000x128xf32, #tpu.memory_space<hbm>> -> memref<128x128xf32, #tpu.memory_space<hbm>>
          %dma_start3A_328 = arith.constant 0 : i32
          %dma_start3A_329 = tpu.memref_slice %arg4[%multiple_of3A_325, %dma_start3A_328] : memref<160000x128xf32, #tpu.memory_space<hbm>> -> memref<128x128xf32, #tpu.memory_space<hbm>>
          tpu.enqueue_dma source(%dma_start3A_329 : memref<128x128xf32, #tpu.memory_space<hbm>>) target(%arg14 : memref<128x128xf32, #tpu.memory_space<vmem>>) target_semaphore(%arg21 : memref<!tpu.dma_semaphore, #tpu.memory_space<semaphore_mem>>)
        } else {
        }
        %dma_wait3A = arith.constant 0 : i32
        %dma_wait3A_300 = arith.constant 0 : i32
        %dma_wait3A_301 = tpu.memref_slice %arg4[%dma_wait3A, %dma_wait3A_300] : memref<160000x128xf32, #tpu.memory_space<hbm>> -> memref<128x128xf32, #tpu.memory_space<hbm>>
        %dma_wait3A_302 = arith.constant 0 : i32
        %dma_wait3A_303 = arith.constant 0 : i32
        %dma_wait3A_304 = tpu.memref_slice %arg4[%dma_wait3A_302, %dma_wait3A_303] : memref<160000x128xf32, #tpu.memory_space<hbm>> -> memref<128x128xf32, #tpu.memory_space<hbm>>
        tpu.wait_dma2 semaphore(%arg19 : memref<!tpu.dma_semaphore, #tpu.memory_space<semaphore_mem>>) src(%dma_wait3A_304 : memref<128x128xf32, #tpu.memory_space<hbm>>) dst(%arg12 : memref<128x128xf32, #tpu.memory_space<vmem>>)
        %mul3A_305 = arith.constant 128 : i32
        %mul3A_306 = arith.muli %add3A_230, %mul3A_305 : i32
        %add3A_307 = arith.constant 1 : i32
        %add3A_308 = arith.addi %mul3A_306, %add3A_307 : i32
        %scan3A_309 = arith.constant 0 : i32
        %scan3A_310 = arith.constant 0 : i32
        %scan3A_311 = arith.constant 8 : i32
        %scan3A_312 = arith.addi %scan3A_310, %scan3A_311 : i32
        %scan3A_313 = arith.constant 1 : i32
        scf.for %scan3A_321 = %scan3A_310 to %scan3A_312 step %scan3A_313  : i32 {
          %mul3A_322 = arith.constant 16 : i32
          %mul3A_323 = arith.muli %scan3A_321, %mul3A_322 : i32
          %get3A = arith.index_cast %while3A_229 : i32 to index
          %get3A_324 = arith.index_cast %mul3A_323 : i32 to index
          %get3A_325 = tpu.vector_load %arg15[%get3A, %get3A_324] {strides = array<i32>} : memref<80x128xi32, #tpu.memory_space<vmem>>, vector<16xi32>,
          %mul3A_326 = arith.constant 16 : i32
          %mul3A_327 = arith.muli %scan3A_321, %mul3A_326 : i32
          %add3A_328 = arith.addi %add3A_308, %mul3A_327 : i32
          %add3A_329 = vector.broadcast %add3A_328 : i32 to vector<16xi32>
          %add3A_330 = arith.addi %add3A_329, %iota3A : vector<16xi32>
          tpu.vector_store_idx %arg17[%get3A_325, %iota3A], %add3A_330 : memref<256x16xi32, #tpu.memory_space<vmem>>[vector<16xi32>, vector<16xi32>], vector<16xi32>,
        }
        %scan3A_314 = arith.constant 8 : i32
        %dma_start3A_315 = arith.constant 0 : i32
        %dma_start3A_316 = tpu.memref_slice %arg15[%while3A_229, %dma_start3A_315] : memref<80x128xi32, #tpu.memory_space<vmem>> -> memref<1x128xi32, #tpu.memory_space<vmem>>
        %dma_start3A_317 = tpu.memref_squeeze %dma_start3A_316 : memref<1x128xi32, #tpu.memory_space<vmem>> -> memref<128xi32, #tpu.memory_space<vmem>>
        %dma_start3A_318 = arith.constant 0 : i32
        %dma_start3A_319 = arith.constant 0 : i32
        %dma_start3A_320 = tpu.memref_slice %arg18[%dma_start3A_318, %dma_start3A_319] : memref<256x128xf32, #tpu.memory_space<vmem_shared>> -> memref<256x128xf32, #tpu.memory_space<vmem_shared>>
        tpu.enqueue_indirect_dma source(%arg12 : memref<128x128xf32, #tpu.memory_space<vmem>>) target(%dma_start3A_320 : memref<256x128xf32, #tpu.memory_space<vmem_shared>>) offsets(%dma_start3A_317 : memref<128xi32, #tpu.memory_space<vmem>>) semaphore(%arg22 : memref<!tpu.dma_semaphore, #tpu.memory_space<semaphore_mem>>) {add = true}
      } else {
      }
      %jit3A_252 = arith.constant 3 : i32
      %eq3A_253 = arith.constant 0 : i32
      %eq3A_254 = arith.cmpi eq, %jit3A_252, %eq3A_253 : i32
      %jit3A_255 = arith.constant 1 : i32
      %select_n3A_256 = arith.select %eq3A_254, %jit3A_255, %jit3A_252 : i32
      %rem3A_257 = arith.remsi %while3A_229, %select_n3A_256 : i32
      %ne3A_258 = arith.constant 0 : i32
      %ne3A_259 = arith.cmpi ne, %rem3A_257, %ne3A_258 : i32
      %lt3A_260 = arith.constant 0 : i32
      %lt3A_261 = arith.cmpi slt, %rem3A_257, %lt3A_260 : i32
      %lt3A_262 = arith.constant 0 : i32
      %lt3A_263 = arith.cmpi slt, %select_n3A_256, %lt3A_262 : i32
      %ne3A_264 = arith.xori %lt3A_261, %lt3A_263 : i1
      %and3A_265 = arith.andi %ne3A_264, %ne3A_259 : i1
      %add3A_266 = arith.addi %rem3A_257, %select_n3A_256 : i32
      %select_n3A_267 = arith.select %and3A_265, %add3A_266, %rem3A_257 : i32
      %eq3A_268 = arith.constant 1 : i32
      %eq3A_269 = arith.cmpi eq, %select_n3A_267, %eq3A_268 : i32
      %convert_element_type3A_270 = arith.extui %eq3A_269 : i1 to i32
      %cond3A_271 = arith.constant 0 : i32
      %cond3A_272 = arith.cmpi ne, %convert_element_type3A_270, %cond3A_271 : i32
      scf.if %cond3A_272 {
        %sub3A_294 = arith.constant 1 : i32
        %sub3A_295 = arith.subi %while3A_229, %sub3A_294 : i32
        %dma_wait3A = arith.constant 0 : i32
        %dma_wait3A_296 = tpu.memref_slice %arg15[%sub3A_295, %dma_wait3A] : memref<80x128xi32, #tpu.memory_space<vmem>> -> memref<1x128xi32, #tpu.memory_space<vmem>>
        %dma_wait3A_297 = tpu.memref_squeeze %dma_wait3A_296 : memref<1x128xi32, #tpu.memory_space<vmem>> -> memref<128xi32, #tpu.memory_space<vmem>>
        %dma_wait3A_298 = arith.constant 0 : i32
        %dma_wait3A_299 = arith.constant 0 : i32
        %dma_wait3A_300 = tpu.memref_slice %arg18[%dma_wait3A_298, %dma_wait3A_299] : memref<256x128xf32, #tpu.memory_space<vmem_shared>> -> memref<256x128xf32, #tpu.memory_space<vmem_shared>>
        tpu.wait_indirect_dma semaphore(%arg22 : memref<!tpu.dma_semaphore, #tpu.memory_space<semaphore_mem>>) src(%arg12 : memref<128x128xf32, #tpu.memory_space<vmem>>) dst(%dma_wait3A_300 : memref<256x128xf32, #tpu.memory_space<vmem_shared>>)
        %add3A_301 = arith.constant 2 : i32
        %add3A_302 = arith.addi %while3A_229, %add3A_301 : i32
        %lt3A_303 = arith.cmpi slt, %add3A_302, %select_n3A_140 : i32
        %convert_element_type3A_304 = arith.extui %lt3A_303 : i1 to i32
        %cond3A_305 = arith.constant 0 : i32
        %cond3A_306 = arith.cmpi ne, %convert_element_type3A_304, %cond3A_305 : i32
        scf.if %cond3A_306 {
          %add3A_329 = arith.constant 2 : i32
          %add3A_330 = arith.addi %add3A_230, %add3A_329 : i32
          %mul3A_331 = arith.constant 128 : i32
          %mul3A_332 = arith.muli %add3A_330, %mul3A_331 : i32
          %multiple_of3A_333 = tpu.assume_multiple %mul3A_332, 128 : i32
          %dma_start3A_334 = arith.constant 0 : i32
          %dma_start3A_335 = tpu.memref_slice %arg4[%multiple_of3A_333, %dma_start3A_334] : memref<160000x128xf32, #tpu.memory_space<hbm>> -> memref<128x128xf32, #tpu.memory_space<hbm>>
          %dma_start3A_336 = arith.constant 0 : i32
          %dma_start3A_337 = tpu.memref_slice %arg4[%multiple_of3A_333, %dma_start3A_336] : memref<160000x128xf32, #tpu.memory_space<hbm>> -> memref<128x128xf32, #tpu.memory_space<hbm>>
          tpu.enqueue_dma source(%dma_start3A_337 : memref<128x128xf32, #tpu.memory_space<hbm>>) target(%arg12 : memref<128x128xf32, #tpu.memory_space<vmem>>) target_semaphore(%arg19 : memref<!tpu.dma_semaphore, #tpu.memory_space<semaphore_mem>>)
        } else {
        }
        %dma_wait3A_307 = arith.constant 0 : i32
        %dma_wait3A_308 = arith.constant 0 : i32
        %dma_wait3A_309 = tpu.memref_slice %arg4[%dma_wait3A_307, %dma_wait3A_308] : memref<160000x128xf32, #tpu.memory_space<hbm>> -> memref<128x128xf32, #tpu.memory_space<hbm>>
        %dma_wait3A_310 = arith.constant 0 : i32
        %dma_wait3A_311 = arith.constant 0 : i32
        %dma_wait3A_312 = tpu.memref_slice %arg4[%dma_wait3A_310, %dma_wait3A_311] : memref<160000x128xf32, #tpu.memory_space<hbm>> -> memref<128x128xf32, #tpu.memory_space<hbm>>
        tpu.wait_dma2 semaphore(%arg20 : memref<!tpu.dma_semaphore, #tpu.memory_space<semaphore_mem>>) src(%dma_wait3A_312 : memref<128x128xf32, #tpu.memory_space<hbm>>) dst(%arg13 : memref<128x128xf32, #tpu.memory_space<vmem>>)
        %mul3A_313 = arith.constant 128 : i32
        %mul3A_314 = arith.muli %add3A_230, %mul3A_313 : i32
        %add3A_315 = arith.constant 1 : i32
        %add3A_316 = arith.addi %mul3A_314, %add3A_315 : i32
        %scan3A_317 = arith.constant 0 : i32
        %scan3A_318 = arith.constant 0 : i32
        %scan3A_319 = arith.constant 8 : i32
        %scan3A_320 = arith.addi %scan3A_318, %scan3A_319 : i32
        %scan3A_321 = arith.constant 1 : i32
        scf.for %scan3A_329 = %scan3A_318 to %scan3A_320 step %scan3A_321  : i32 {
          %mul3A_330 = arith.constant 16 : i32
          %mul3A_331 = arith.muli %scan3A_329, %mul3A_330 : i32
          %get3A = arith.index_cast %while3A_229 : i32 to index
          %get3A_332 = arith.index_cast %mul3A_331 : i32 to index
          %get3A_333 = tpu.vector_load %arg15[%get3A, %get3A_332] {strides = array<i32>} : memref<80x128xi32, #tpu.memory_space<vmem>>, vector<16xi32>,
          %mul3A_334 = arith.constant 16 : i32
          %mul3A_335 = arith.muli %scan3A_329, %mul3A_334 : i32
          %add3A_336 = arith.addi %add3A_316, %mul3A_335 : i32
          %add3A_337 = vector.broadcast %add3A_336 : i32 to vector<16xi32>
          %add3A_338 = arith.addi %add3A_337, %iota3A : vector<16xi32>
          tpu.vector_store_idx %arg17[%get3A_333, %iota3A], %add3A_338 : memref<256x16xi32, #tpu.memory_space<vmem>>[vector<16xi32>, vector<16xi32>], vector<16xi32>,
        }
        %scan3A_322 = arith.constant 8 : i32
        %dma_start3A_323 = arith.constant 0 : i32
        %dma_start3A_324 = tpu.memref_slice %arg15[%while3A_229, %dma_start3A_323] : memref<80x128xi32, #tpu.memory_space<vmem>> -> memref<1x128xi32, #tpu.memory_space<vmem>>
        %dma_start3A_325 = tpu.memref_squeeze %dma_start3A_324 : memref<1x128xi32, #tpu.memory_space<vmem>> -> memref<128xi32, #tpu.memory_space<vmem>>
        %dma_start3A_326 = arith.constant 0 : i32
        %dma_start3A_327 = arith.constant 0 : i32
        %dma_start3A_328 = tpu.memref_slice %arg18[%dma_start3A_326, %dma_start3A_327] : memref<256x128xf32, #tpu.memory_space<vmem_shared>> -> memref<256x128xf32, #tpu.memory_space<vmem_shared>>
        tpu.enqueue_indirect_dma source(%arg13 : memref<128x128xf32, #tpu.memory_space<vmem>>) target(%dma_start3A_328 : memref<256x128xf32, #tpu.memory_space<vmem_shared>>) offsets(%dma_start3A_325 : memref<128xi32, #tpu.memory_space<vmem>>) semaphore(%arg22 : memref<!tpu.dma_semaphore, #tpu.memory_space<semaphore_mem>>) {add = true}
      } else {
      }
      %jit3A_273 = arith.constant 3 : i32
      %eq3A_274 = arith.constant 0 : i32
      %eq3A_275 = arith.cmpi eq, %jit3A_273, %eq3A_274 : i32
      %jit3A_276 = arith.constant 1 : i32
      %select_n3A_277 = arith.select %eq3A_275, %jit3A_276, %jit3A_273 : i32
      %rem3A_278 = arith.remsi %while3A_229, %select_n3A_277 : i32
      %ne3A_279 = arith.constant 0 : i32
      %ne3A_280 = arith.cmpi ne, %rem3A_278, %ne3A_279 : i32
      %lt3A_281 = arith.constant 0 : i32
      %lt3A_282 = arith.cmpi slt, %rem3A_278, %lt3A_281 : i32
      %lt3A_283 = arith.constant 0 : i32
      %lt3A_284 = arith.cmpi slt, %select_n3A_277, %lt3A_283 : i32
      %ne3A_285 = arith.xori %lt3A_282, %lt3A_284 : i1
      %and3A_286 = arith.andi %ne3A_285, %ne3A_280 : i1
      %add3A_287 = arith.addi %rem3A_278, %select_n3A_277 : i32
      %select_n3A_288 = arith.select %and3A_286, %add3A_287, %rem3A_278 : i32
      %eq3A_289 = arith.constant 2 : i32
      %eq3A_290 = arith.cmpi eq, %select_n3A_288, %eq3A_289 : i32
      %convert_element_type3A_291 = arith.extui %eq3A_290 : i1 to i32
      %cond3A_292 = arith.constant 0 : i32
      %cond3A_293 = arith.cmpi ne, %convert_element_type3A_291, %cond3A_292 : i32
      scf.if %cond3A_293 {
        %sub3A_294 = arith.constant 1 : i32
        %sub3A_295 = arith.subi %while3A_229, %sub3A_294 : i32
        %dma_wait3A = arith.constant 0 : i32
        %dma_wait3A_296 = tpu.memref_slice %arg15[%sub3A_295, %dma_wait3A] : memref<80x128xi32, #tpu.memory_space<vmem>> -> memref<1x128xi32, #tpu.memory_space<vmem>>
        %dma_wait3A_297 = tpu.memref_squeeze %dma_wait3A_296 : memref<1x128xi32, #tpu.memory_space<vmem>> -> memref<128xi32, #tpu.memory_space<vmem>>
        %dma_wait3A_298 = arith.constant 0 : i32
        %dma_wait3A_299 = arith.constant 0 : i32
        %dma_wait3A_300 = tpu.memref_slice %arg18[%dma_wait3A_298, %dma_wait3A_299] : memref<256x128xf32, #tpu.memory_space<vmem_shared>> -> memref<256x128xf32, #tpu.memory_space<vmem_shared>>
        tpu.wait_indirect_dma semaphore(%arg22 : memref<!tpu.dma_semaphore, #tpu.memory_space<semaphore_mem>>) src(%arg13 : memref<128x128xf32, #tpu.memory_space<vmem>>) dst(%dma_wait3A_300 : memref<256x128xf32, #tpu.memory_space<vmem_shared>>)
        %add3A_301 = arith.constant 2 : i32
        %add3A_302 = arith.addi %while3A_229, %add3A_301 : i32
        %lt3A_303 = arith.cmpi slt, %add3A_302, %select_n3A_140 : i32
        %convert_element_type3A_304 = arith.extui %lt3A_303 : i1 to i32
        %cond3A_305 = arith.constant 0 : i32
        %cond3A_306 = arith.cmpi ne, %convert_element_type3A_304, %cond3A_305 : i32
        scf.if %cond3A_306 {
          %add3A_329 = arith.constant 2 : i32
          %add3A_330 = arith.addi %add3A_230, %add3A_329 : i32
          %mul3A_331 = arith.constant 128 : i32
          %mul3A_332 = arith.muli %add3A_330, %mul3A_331 : i32
          %multiple_of3A_333 = tpu.assume_multiple %mul3A_332, 128 : i32
          %dma_start3A_334 = arith.constant 0 : i32
          %dma_start3A_335 = tpu.memref_slice %arg4[%multiple_of3A_333, %dma_start3A_334] : memref<160000x128xf32, #tpu.memory_space<hbm>> -> memref<128x128xf32, #tpu.memory_space<hbm>>
          %dma_start3A_336 = arith.constant 0 : i32
          %dma_start3A_337 = tpu.memref_slice %arg4[%multiple_of3A_333, %dma_start3A_336] : memref<160000x128xf32, #tpu.memory_space<hbm>> -> memref<128x128xf32, #tpu.memory_space<hbm>>
          tpu.enqueue_dma source(%dma_start3A_337 : memref<128x128xf32, #tpu.memory_space<hbm>>) target(%arg13 : memref<128x128xf32, #tpu.memory_space<vmem>>) target_semaphore(%arg20 : memref<!tpu.dma_semaphore, #tpu.memory_space<semaphore_mem>>)
        } else {
        }
        %dma_wait3A_307 = arith.constant 0 : i32
        %dma_wait3A_308 = arith.constant 0 : i32
        %dma_wait3A_309 = tpu.memref_slice %arg4[%dma_wait3A_307, %dma_wait3A_308] : memref<160000x128xf32, #tpu.memory_space<hbm>> -> memref<128x128xf32, #tpu.memory_space<hbm>>
        %dma_wait3A_310 = arith.constant 0 : i32
        %dma_wait3A_311 = arith.constant 0 : i32
        %dma_wait3A_312 = tpu.memref_slice %arg4[%dma_wait3A_310, %dma_wait3A_311] : memref<160000x128xf32, #tpu.memory_space<hbm>> -> memref<128x128xf32, #tpu.memory_space<hbm>>
        tpu.wait_dma2 semaphore(%arg21 : memref<!tpu.dma_semaphore, #tpu.memory_space<semaphore_mem>>) src(%dma_wait3A_312 : memref<128x128xf32, #tpu.memory_space<hbm>>) dst(%arg14 : memref<128x128xf32, #tpu.memory_space<vmem>>)
        %mul3A_313 = arith.constant 128 : i32
        %mul3A_314 = arith.muli %add3A_230, %mul3A_313 : i32
        %add3A_315 = arith.constant 1 : i32
        %add3A_316 = arith.addi %mul3A_314, %add3A_315 : i32
        %scan3A_317 = arith.constant 0 : i32
        %scan3A_318 = arith.constant 0 : i32
        %scan3A_319 = arith.constant 8 : i32
        %scan3A_320 = arith.addi %scan3A_318, %scan3A_319 : i32
        %scan3A_321 = arith.constant 1 : i32
        scf.for %scan3A_329 = %scan3A_318 to %scan3A_320 step %scan3A_321  : i32 {
          %mul3A_330 = arith.constant 16 : i32
          %mul3A_331 = arith.muli %scan3A_329, %mul3A_330 : i32
          %get3A = arith.index_cast %while3A_229 : i32 to index
          %get3A_332 = arith.index_cast %mul3A_331 : i32 to index
          %get3A_333 = tpu.vector_load %arg15[%get3A, %get3A_332] {strides = array<i32>} : memref<80x128xi32, #tpu.memory_space<vmem>>, vector<16xi32>,
          %mul3A_334 = arith.constant 16 : i32
          %mul3A_335 = arith.muli %scan3A_329, %mul3A_334 : i32
          %add3A_336 = arith.addi %add3A_316, %mul3A_335 : i32
          %add3A_337 = vector.broadcast %add3A_336 : i32 to vector<16xi32>
          %add3A_338 = arith.addi %add3A_337, %iota3A : vector<16xi32>
          tpu.vector_store_idx %arg17[%get3A_333, %iota3A], %add3A_338 : memref<256x16xi32, #tpu.memory_space<vmem>>[vector<16xi32>, vector<16xi32>], vector<16xi32>,
        }
        %scan3A_322 = arith.constant 8 : i32
        %scan3A_323 = arith.constant 0 : i32
        %scan3A_324 = arith.constant 0 : i32
        %scan3A_325 = arith.constant 8 : i32
        %scan3A_326 = arith.addi %scan3A_324, %scan3A_325 : i32
        %scan3A_327 = arith.constant 1 : i32
        scf.for %scan3A_329 = %scan3A_324 to %scan3A_326 step %scan3A_327  : i32 {
          %mul3A_330 = arith.constant 16 : i32
          %mul3A_331 = arith.muli %scan3A_329, %mul3A_330 : i32
          %get3A = arith.index_cast %while3A_229 : i32 to index
          %get3A_332 = arith.index_cast %mul3A_331 : i32 to index
          %get3A_333 = tpu.vector_load %arg15[%get3A, %get3A_332] {strides = array<i32>} : memref<80x128xi32, #tpu.memory_space<vmem>>, vector<16xi32>,
          %broadcast_in_dim3A_334 = vector.shape_cast %add3A_47 : vector<16xi32> to vector<16x1xi32>
          %gather3A = vector.shape_cast %broadcast_in_dim3A_334 : vector<16x1xi32> to vector<16xi32>
          %gather3A_335 = tpu.dynamic_gather %get3A_333[%gather3A] in [0] : vector<16xi32>, vector<16xi32> -> vector<16xi32>
          %eq3A_336 = arith.cmpi eq, %get3A_333, %gather3A_335 : vector<16xi32>
          %jit3A_337 = arith.constant 1 : i32
          %jit3A_338 = arith.constant 0 : i32
          %broadcast_in_dim3A_339 = vector.broadcast %jit3A_337 : i32 to vector<16xi32>
          %broadcast_in_dim3A_340 = vector.broadcast %jit3A_338 : i32 to vector<16xi32>
          %select_n3A_341 = arith.select %eq3A_336, %broadcast_in_dim3A_339, %broadcast_in_dim3A_340 : vector<16xi1>, vector<16xi32>
          %reduce_min3A = arith.constant true
          %reduce_min3A_342 = vector.broadcast %reduce_min3A : i1 to vector<16xi1>
          %reduce_min3A_343 = arith.constant -2147483648 : i32
          %reduce_min3A_344 = vector.broadcast %reduce_min3A_343 : i32 to vector<16xi32>
          %reduce_min3A_345 = arith.xori %select_n3A_341, %reduce_min3A_344 : vector<16xi32>
          %reduce_min3A_346 = tpu.scan <min>, %reduce_min3A_345 masked %reduce_min3A_342 : vector<16xi32>, vector<16xi1> -> vector<16xi32>
          %reduce_min3A_347 = arith.xori %reduce_min3A_346, %reduce_min3A_344 : vector<16xi32>
          %reduce_min3A_348 = vector.extract %reduce_min3A_347[15] : i32 from vector<16xi32>
          %mul3A_349 = arith.constant 16 : i32
          %mul3A_350 = arith.muli %scan3A_329, %mul3A_349 : i32
          %eq3A_351 = arith.constant 1 : i32
          %eq3A_352 = arith.cmpi eq, %reduce_min3A_348, %eq3A_351 : i32
          %convert_element_type3A_353 = arith.extui %eq3A_352 : i1 to i32
          %cond3A_354 = arith.constant 0 : i32
          %cond3A_355 = arith.cmpi ne, %convert_element_type3A_353, %cond3A_354 : i32
          scf.if %cond3A_355 {
            %get3A_361 = arith.index_cast %mul3A_350 : i32 to index
            %get3A_362 = arith.constant 0 : index
            %get3A_363 = tpu.vector_load %arg14[%get3A_361, %get3A_362] {strides = array<i32>} : memref<128x128xf32, #tpu.memory_space<vmem>>, vector<16xf32>,
            %get3A_364 = arith.index_cast %mul3A_350 : i32 to index
            %get3A_365 = arith.constant 16 : index
            %get3A_366 = tpu.vector_load %arg14[%get3A_364, %get3A_365] {strides = array<i32>} : memref<128x128xf32, #tpu.memory_space<vmem>>, vector<16xf32>,
            %get3A_367 = arith.index_cast %mul3A_350 : i32 to index
            %get3A_368 = arith.constant 32 : index
            %get3A_369 = tpu.vector_load %arg14[%get3A_367, %get3A_368] {strides = array<i32>} : memref<128x128xf32, #tpu.memory_space<vmem>>, vector<16xf32>,
            %get3A_370 = arith.index_cast %mul3A_350 : i32 to index
            %get3A_371 = arith.constant 48 : index
            %get3A_372 = tpu.vector_load %arg14[%get3A_370, %get3A_371] {strides = array<i32>} : memref<128x128xf32, #tpu.memory_space<vmem>>, vector<16xf32>,
            %get3A_373 = arith.index_cast %mul3A_350 : i32 to index
            %get3A_374 = arith.constant 64 : index
            %get3A_375 = tpu.vector_load %arg14[%get3A_373, %get3A_374] {strides = array<i32>} : memref<128x128xf32, #tpu.memory_space<vmem>>, vector<16xf32>,
            %get3A_376 = arith.index_cast %mul3A_350 : i32 to index
            %get3A_377 = arith.constant 80 : index
            %get3A_378 = tpu.vector_load %arg14[%get3A_376, %get3A_377] {strides = array<i32>} : memref<128x128xf32, #tpu.memory_space<vmem>>, vector<16xf32>,
            %get3A_379 = arith.index_cast %mul3A_350 : i32 to index
            %get3A_380 = arith.constant 96 : index
            %get3A_381 = tpu.vector_load %arg14[%get3A_379, %get3A_380] {strides = array<i32>} : memref<128x128xf32, #tpu.memory_space<vmem>>, vector<16xf32>,
            %get3A_382 = arith.index_cast %mul3A_350 : i32 to index
            %get3A_383 = arith.constant 112 : index
            %get3A_384 = tpu.vector_load %arg14[%get3A_382, %get3A_383] {strides = array<i32>} : memref<128x128xf32, #tpu.memory_space<vmem>>, vector<16xf32>,
            %add3A_385 = arith.constant 1 : i32
            %add3A_386 = arith.addi %mul3A_350, %add3A_385 : i32
            %get3A_387 = arith.index_cast %add3A_386 : i32 to index
            %get3A_388 = arith.constant 0 : index
            %get3A_389 = tpu.vector_load %arg14[%get3A_387, %get3A_388] {strides = array<i32>} : memref<128x128xf32, #tpu.memory_space<vmem>>, vector<16xf32>,
            %add3A_390 = arith.addf %get3A_363, %get3A_389 : vector<16xf32>
            %add3A_391 = arith.constant 1 : i32
            %add3A_392 = arith.addi %mul3A_350, %add3A_391 : i32
            %get3A_393 = arith.index_cast %add3A_392 : i32 to index
            %get3A_394 = arith.constant 16 : index
            %get3A_395 = tpu.vector_load %arg14[%get3A_393, %get3A_394] {strides = array<i32>} : memref<128x128xf32, #tpu.memory_space<vmem>>, vector<16xf32>,
            %add3A_396 = arith.addf %get3A_366, %get3A_395 : vector<16xf32>
            %add3A_397 = arith.constant 1 : i32
            %add3A_398 = arith.addi %mul3A_350, %add3A_397 : i32
            %get3A_399 = arith.index_cast %add3A_398 : i32 to index
            %get3A_400 = arith.constant 32 : index
            %get3A_401 = tpu.vector_load %arg14[%get3A_399, %get3A_400] {strides = array<i32>} : memref<128x128xf32, #tpu.memory_space<vmem>>, vector<16xf32>,
            %add3A_402 = arith.addf %get3A_369, %get3A_401 : vector<16xf32>
            %add3A_403 = arith.constant 1 : i32
            %add3A_404 = arith.addi %mul3A_350, %add3A_403 : i32
            %get3A_405 = arith.index_cast %add3A_404 : i32 to index
            %get3A_406 = arith.constant 48 : index
            %get3A_407 = tpu.vector_load %arg14[%get3A_405, %get3A_406] {strides = array<i32>} : memref<128x128xf32, #tpu.memory_space<vmem>>, vector<16xf32>,
            %add3A_408 = arith.addf %get3A_372, %get3A_407 : vector<16xf32>
            %add3A_409 = arith.constant 1 : i32
            %add3A_410 = arith.addi %mul3A_350, %add3A_409 : i32
            %get3A_411 = arith.index_cast %add3A_410 : i32 to index
            %get3A_412 = arith.constant 64 : index
            %get3A_413 = tpu.vector_load %arg14[%get3A_411, %get3A_412] {strides = array<i32>} : memref<128x128xf32, #tpu.memory_space<vmem>>, vector<16xf32>,
            %add3A_414 = arith.addf %get3A_375, %get3A_413 : vector<16xf32>
            %add3A_415 = arith.constant 1 : i32
            %add3A_416 = arith.addi %mul3A_350, %add3A_415 : i32
            %get3A_417 = arith.index_cast %add3A_416 : i32 to index
            %get3A_418 = arith.constant 80 : index
            %get3A_419 = tpu.vector_load %arg14[%get3A_417, %get3A_418] {strides = array<i32>} : memref<128x128xf32, #tpu.memory_space<vmem>>, vector<16xf32>,
            %add3A_420 = arith.addf %get3A_378, %get3A_419 : vector<16xf32>
            %add3A_421 = arith.constant 1 : i32
            %add3A_422 = arith.addi %mul3A_350, %add3A_421 : i32
            %get3A_423 = arith.index_cast %add3A_422 : i32 to index
            %get3A_424 = arith.constant 96 : index
            %get3A_425 = tpu.vector_load %arg14[%get3A_423, %get3A_424] {strides = array<i32>} : memref<128x128xf32, #tpu.memory_space<vmem>>, vector<16xf32>,
            %add3A_426 = arith.addf %get3A_381, %get3A_425 : vector<16xf32>
            %add3A_427 = arith.constant 1 : i32
            %add3A_428 = arith.addi %mul3A_350, %add3A_427 : i32
            %get3A_429 = arith.index_cast %add3A_428 : i32 to index
            %get3A_430 = arith.constant 112 : index
            %get3A_431 = tpu.vector_load %arg14[%get3A_429, %get3A_430] {strides = array<i32>} : memref<128x128xf32, #tpu.memory_space<vmem>>, vector<16xf32>,
            %add3A_432 = arith.addf %get3A_384, %get3A_431 : vector<16xf32>
            %add3A_433 = arith.constant 2 : i32
            %add3A_434 = arith.addi %mul3A_350, %add3A_433 : i32
            %get3A_435 = arith.index_cast %add3A_434 : i32 to index
            %get3A_436 = arith.constant 0 : index
            %get3A_437 = tpu.vector_load %arg14[%get3A_435, %get3A_436] {strides = array<i32>} : memref<128x128xf32, #tpu.memory_space<vmem>>, vector<16xf32>,
            %add3A_438 = arith.addf %add3A_390, %get3A_437 : vector<16xf32>
            %add3A_439 = arith.constant 2 : i32
            %add3A_440 = arith.addi %mul3A_350, %add3A_439 : i32
            %get3A_441 = arith.index_cast %add3A_440 : i32 to index
            %get3A_442 = arith.constant 16 : index
            %get3A_443 = tpu.vector_load %arg14[%get3A_441, %get3A_442] {strides = array<i32>} : memref<128x128xf32, #tpu.memory_space<vmem>>, vector<16xf32>,
            %add3A_444 = arith.addf %add3A_396, %get3A_443 : vector<16xf32>
            %add3A_445 = arith.constant 2 : i32
            %add3A_446 = arith.addi %mul3A_350, %add3A_445 : i32
            %get3A_447 = arith.index_cast %add3A_446 : i32 to index
            %get3A_448 = arith.constant 32 : index
            %get3A_449 = tpu.vector_load %arg14[%get3A_447, %get3A_448] {strides = array<i32>} : memref<128x128xf32, #tpu.memory_space<vmem>>, vector<16xf32>,
            %add3A_450 = arith.addf %add3A_402, %get3A_449 : vector<16xf32>
            %add3A_451 = arith.constant 2 : i32
            %add3A_452 = arith.addi %mul3A_350, %add3A_451 : i32
            %get3A_453 = arith.index_cast %add3A_452 : i32 to index
            %get3A_454 = arith.constant 48 : index
            %get3A_455 = tpu.vector_load %arg14[%get3A_453, %get3A_454] {strides = array<i32>} : memref<128x128xf32, #tpu.memory_space<vmem>>, vector<16xf32>,
            %add3A_456 = arith.addf %add3A_408, %get3A_455 : vector<16xf32>
            %add3A_457 = arith.constant 2 : i32
            %add3A_458 = arith.addi %mul3A_350, %add3A_457 : i32
            %get3A_459 = arith.index_cast %add3A_458 : i32 to index
            %get3A_460 = arith.constant 64 : index
            %get3A_461 = tpu.vector_load %arg14[%get3A_459, %get3A_460] {strides = array<i32>} : memref<128x128xf32, #tpu.memory_space<vmem>>, vector<16xf32>,
            %add3A_462 = arith.addf %add3A_414, %get3A_461 : vector<16xf32>
            %add3A_463 = arith.constant 2 : i32
            %add3A_464 = arith.addi %mul3A_350, %add3A_463 : i32
            %get3A_465 = arith.index_cast %add3A_464 : i32 to index
            %get3A_466 = arith.constant 80 : index
            %get3A_467 = tpu.vector_load %arg14[%get3A_465, %get3A_466] {strides = array<i32>} : memref<128x128xf32, #tpu.memory_space<vmem>>, vector<16xf32>,
            %add3A_468 = arith.addf %add3A_420, %get3A_467 : vector<16xf32>
            %add3A_469 = arith.constant 2 : i32
            %add3A_470 = arith.addi %mul3A_350, %add3A_469 : i32
            %get3A_471 = arith.index_cast %add3A_470 : i32 to index
            %get3A_472 = arith.constant 96 : index
            %get3A_473 = tpu.vector_load %arg14[%get3A_471, %get3A_472] {strides = array<i32>} : memref<128x128xf32, #tpu.memory_space<vmem>>, vector<16xf32>,
            %add3A_474 = arith.addf %add3A_426, %get3A_473 : vector<16xf32>
            %add3A_475 = arith.constant 2 : i32
            %add3A_476 = arith.addi %mul3A_350, %add3A_475 : i32
            %get3A_477 = arith.index_cast %add3A_476 : i32 to index
            %get3A_478 = arith.constant 112 : index
            %get3A_479 = tpu.vector_load %arg14[%get3A_477, %get3A_478] {strides = array<i32>} : memref<128x128xf32, #tpu.memory_space<vmem>>, vector<16xf32>,
            %add3A_480 = arith.addf %add3A_432, %get3A_479 : vector<16xf32>
            %add3A_481 = arith.constant 3 : i32
            %add3A_482 = arith.addi %mul3A_350, %add3A_481 : i32
            %get3A_483 = arith.index_cast %add3A_482 : i32 to index
            %get3A_484 = arith.constant 0 : index
            %get3A_485 = tpu.vector_load %arg14[%get3A_483, %get3A_484] {strides = array<i32>} : memref<128x128xf32, #tpu.memory_space<vmem>>, vector<16xf32>,
            %add3A_486 = arith.addf %add3A_438, %get3A_485 : vector<16xf32>
            %add3A_487 = arith.constant 3 : i32
            %add3A_488 = arith.addi %mul3A_350, %add3A_487 : i32
            %get3A_489 = arith.index_cast %add3A_488 : i32 to index
            %get3A_490 = arith.constant 16 : index
            %get3A_491 = tpu.vector_load %arg14[%get3A_489, %get3A_490] {strides = array<i32>} : memref<128x128xf32, #tpu.memory_space<vmem>>, vector<16xf32>,
            %add3A_492 = arith.addf %add3A_444, %get3A_491 : vector<16xf32>
            %add3A_493 = arith.constant 3 : i32
            %add3A_494 = arith.addi %mul3A_350, %add3A_493 : i32
            %get3A_495 = arith.index_cast %add3A_494 : i32 to index
            %get3A_496 = arith.constant 32 : index
            %get3A_497 = tpu.vector_load %arg14[%get3A_495, %get3A_496] {strides = array<i32>} : memref<128x128xf32, #tpu.memory_space<vmem>>, vector<16xf32>,
            %add3A_498 = arith.addf %add3A_450, %get3A_497 : vector<16xf32>
            %add3A_499 = arith.constant 3 : i32
            %add3A_500 = arith.addi %mul3A_350, %add3A_499 : i32
            %get3A_501 = arith.index_cast %add3A_500 : i32 to index
            %get3A_502 = arith.constant 48 : index
            %get3A_503 = tpu.vector_load %arg14[%get3A_501, %get3A_502] {strides = array<i32>} : memref<128x128xf32, #tpu.memory_space<vmem>>, vector<16xf32>,
            %add3A_504 = arith.addf %add3A_456, %get3A_503 : vector<16xf32>
            %add3A_505 = arith.constant 3 : i32
            %add3A_506 = arith.addi %mul3A_350, %add3A_505 : i32
            %get3A_507 = arith.index_cast %add3A_506 : i32 to index
            %get3A_508 = arith.constant 64 : index
            %get3A_509 = tpu.vector_load %arg14[%get3A_507, %get3A_508] {strides = array<i32>} : memref<128x128xf32, #tpu.memory_space<vmem>>, vector<16xf32>,
            %add3A_510 = arith.addf %add3A_462, %get3A_509 : vector<16xf32>
            %add3A_511 = arith.constant 3 : i32
            %add3A_512 = arith.addi %mul3A_350, %add3A_511 : i32
            %get3A_513 = arith.index_cast %add3A_512 : i32 to index
            %get3A_514 = arith.constant 80 : index
            %get3A_515 = tpu.vector_load %arg14[%get3A_513, %get3A_514] {strides = array<i32>} : memref<128x128xf32, #tpu.memory_space<vmem>>, vector<16xf32>,
            %add3A_516 = arith.addf %add3A_468, %get3A_515 : vector<16xf32>
            %add3A_517 = arith.constant 3 : i32
            %add3A_518 = arith.addi %mul3A_350, %add3A_517 : i32
            %get3A_519 = arith.index_cast %add3A_518 : i32 to index
            %get3A_520 = arith.constant 96 : index
            %get3A_521 = tpu.vector_load %arg14[%get3A_519, %get3A_520] {strides = array<i32>} : memref<128x128xf32, #tpu.memory_space<vmem>>, vector<16xf32>,
            %add3A_522 = arith.addf %add3A_474, %get3A_521 : vector<16xf32>
            %add3A_523 = arith.constant 3 : i32
            %add3A_524 = arith.addi %mul3A_350, %add3A_523 : i32
            %get3A_525 = arith.index_cast %add3A_524 : i32 to index
            %get3A_526 = arith.constant 112 : index
            %get3A_527 = tpu.vector_load %arg14[%get3A_525, %get3A_526] {strides = array<i32>} : memref<128x128xf32, #tpu.memory_space<vmem>>, vector<16xf32>,
            %add3A_528 = arith.addf %add3A_480, %get3A_527 : vector<16xf32>
            %add3A_529 = arith.constant 4 : i32
            %add3A_530 = arith.addi %mul3A_350, %add3A_529 : i32
            %get3A_531 = arith.index_cast %add3A_530 : i32 to index
            %get3A_532 = arith.constant 0 : index
            %get3A_533 = tpu.vector_load %arg14[%get3A_531, %get3A_532] {strides = array<i32>} : memref<128x128xf32, #tpu.memory_space<vmem>>, vector<16xf32>,
            %add3A_534 = arith.addf %add3A_486, %get3A_533 : vector<16xf32>
            %add3A_535 = arith.constant 4 : i32
            %add3A_536 = arith.addi %mul3A_350, %add3A_535 : i32
            %get3A_537 = arith.index_cast %add3A_536 : i32 to index
            %get3A_538 = arith.constant 16 : index
            %get3A_539 = tpu.vector_load %arg14[%get3A_537, %get3A_538] {strides = array<i32>} : memref<128x128xf32, #tpu.memory_space<vmem>>, vector<16xf32>,
            %add3A_540 = arith.addf %add3A_492, %get3A_539 : vector<16xf32>
            %add3A_541 = arith.constant 4 : i32
            %add3A_542 = arith.addi %mul3A_350, %add3A_541 : i32
            %get3A_543 = arith.index_cast %add3A_542 : i32 to index
            %get3A_544 = arith.constant 32 : index
            %get3A_545 = tpu.vector_load %arg14[%get3A_543, %get3A_544] {strides = array<i32>} : memref<128x128xf32, #tpu.memory_space<vmem>>, vector<16xf32>,
            %add3A_546 = arith.addf %add3A_498, %get3A_545 : vector<16xf32>
            %add3A_547 = arith.constant 4 : i32
            %add3A_548 = arith.addi %mul3A_350, %add3A_547 : i32
            %get3A_549 = arith.index_cast %add3A_548 : i32 to index
            %get3A_550 = arith.constant 48 : index
            %get3A_551 = tpu.vector_load %arg14[%get3A_549, %get3A_550] {strides = array<i32>} : memref<128x128xf32, #tpu.memory_space<vmem>>, vector<16xf32>,
            %add3A_552 = arith.addf %add3A_504, %get3A_551 : vector<16xf32>
            %add3A_553 = arith.constant 4 : i32
            %add3A_554 = arith.addi %mul3A_350, %add3A_553 : i32
            %get3A_555 = arith.index_cast %add3A_554 : i32 to index
            %get3A_556 = arith.constant 64 : index
            %get3A_557 = tpu.vector_load %arg14[%get3A_555, %get3A_556] {strides = array<i32>} : memref<128x128xf32, #tpu.memory_space<vmem>>, vector<16xf32>,
            %add3A_558 = arith.addf %add3A_510, %get3A_557 : vector<16xf32>
            %add3A_559 = arith.constant 4 : i32
            %add3A_560 = arith.addi %mul3A_350, %add3A_559 : i32
            %get3A_561 = arith.index_cast %add3A_560 : i32 to index
            %get3A_562 = arith.constant 80 : index
            %get3A_563 = tpu.vector_load %arg14[%get3A_561, %get3A_562] {strides = array<i32>} : memref<128x128xf32, #tpu.memory_space<vmem>>, vector<16xf32>,
            %add3A_564 = arith.addf %add3A_516, %get3A_563 : vector<16xf32>
            %add3A_565 = arith.constant 4 : i32
            %add3A_566 = arith.addi %mul3A_350, %add3A_565 : i32
            %get3A_567 = arith.index_cast %add3A_566 : i32 to index
            %get3A_568 = arith.constant 96 : index
            %get3A_569 = tpu.vector_load %arg14[%get3A_567, %get3A_568] {strides = array<i32>} : memref<128x128xf32, #tpu.memory_space<vmem>>, vector<16xf32>,
            %add3A_570 = arith.addf %add3A_522, %get3A_569 : vector<16xf32>
            %add3A_571 = arith.constant 4 : i32
            %add3A_572 = arith.addi %mul3A_350, %add3A_571 : i32
            %get3A_573 = arith.index_cast %add3A_572 : i32 to index
            %get3A_574 = arith.constant 112 : index
            %get3A_575 = tpu.vector_load %arg14[%get3A_573, %get3A_574] {strides = array<i32>} : memref<128x128xf32, #tpu.memory_space<vmem>>, vector<16xf32>,
            %add3A_576 = arith.addf %add3A_528, %get3A_575 : vector<16xf32>
            %add3A_577 = arith.constant 5 : i32
            %add3A_578 = arith.addi %mul3A_350, %add3A_577 : i32
            %get3A_579 = arith.index_cast %add3A_578 : i32 to index
            %get3A_580 = arith.constant 0 : index
            %get3A_581 = tpu.vector_load %arg14[%get3A_579, %get3A_580] {strides = array<i32>} : memref<128x128xf32, #tpu.memory_space<vmem>>, vector<16xf32>,
            %add3A_582 = arith.addf %add3A_534, %get3A_581 : vector<16xf32>
            %add3A_583 = arith.constant 5 : i32
            %add3A_584 = arith.addi %mul3A_350, %add3A_583 : i32
            %get3A_585 = arith.index_cast %add3A_584 : i32 to index
            %get3A_586 = arith.constant 16 : index
            %get3A_587 = tpu.vector_load %arg14[%get3A_585, %get3A_586] {strides = array<i32>} : memref<128x128xf32, #tpu.memory_space<vmem>>, vector<16xf32>,
            %add3A_588 = arith.addf %add3A_540, %get3A_587 : vector<16xf32>
            %add3A_589 = arith.constant 5 : i32
            %add3A_590 = arith.addi %mul3A_350, %add3A_589 : i32
            %get3A_591 = arith.index_cast %add3A_590 : i32 to index
            %get3A_592 = arith.constant 32 : index
            %get3A_593 = tpu.vector_load %arg14[%get3A_591, %get3A_592] {strides = array<i32>} : memref<128x128xf32, #tpu.memory_space<vmem>>, vector<16xf32>,
            %add3A_594 = arith.addf %add3A_546, %get3A_593 : vector<16xf32>
            %add3A_595 = arith.constant 5 : i32
            %add3A_596 = arith.addi %mul3A_350, %add3A_595 : i32
            %get3A_597 = arith.index_cast %add3A_596 : i32 to index
            %get3A_598 = arith.constant 48 : index
            %get3A_599 = tpu.vector_load %arg14[%get3A_597, %get3A_598] {strides = array<i32>} : memref<128x128xf32, #tpu.memory_space<vmem>>, vector<16xf32>,
            %add3A_600 = arith.addf %add3A_552, %get3A_599 : vector<16xf32>
            %add3A_601 = arith.constant 5 : i32
            %add3A_602 = arith.addi %mul3A_350, %add3A_601 : i32
            %get3A_603 = arith.index_cast %add3A_602 : i32 to index
            %get3A_604 = arith.constant 64 : index
            %get3A_605 = tpu.vector_load %arg14[%get3A_603, %get3A_604] {strides = array<i32>} : memref<128x128xf32, #tpu.memory_space<vmem>>, vector<16xf32>,
            %add3A_606 = arith.addf %add3A_558, %get3A_605 : vector<16xf32>
            %add3A_607 = arith.constant 5 : i32
            %add3A_608 = arith.addi %mul3A_350, %add3A_607 : i32
            %get3A_609 = arith.index_cast %add3A_608 : i32 to index
            %get3A_610 = arith.constant 80 : index
            %get3A_611 = tpu.vector_load %arg14[%get3A_609, %get3A_610] {strides = array<i32>} : memref<128x128xf32, #tpu.memory_space<vmem>>, vector<16xf32>,
            %add3A_612 = arith.addf %add3A_564, %get3A_611 : vector<16xf32>
            %add3A_613 = arith.constant 5 : i32
            %add3A_614 = arith.addi %mul3A_350, %add3A_613 : i32
            %get3A_615 = arith.index_cast %add3A_614 : i32 to index
            %get3A_616 = arith.constant 96 : index
            %get3A_617 = tpu.vector_load %arg14[%get3A_615, %get3A_616] {strides = array<i32>} : memref<128x128xf32, #tpu.memory_space<vmem>>, vector<16xf32>,
            %add3A_618 = arith.addf %add3A_570, %get3A_617 : vector<16xf32>
            %add3A_619 = arith.constant 5 : i32
            %add3A_620 = arith.addi %mul3A_350, %add3A_619 : i32
            %get3A_621 = arith.index_cast %add3A_620 : i32 to index
            %get3A_622 = arith.constant 112 : index
            %get3A_623 = tpu.vector_load %arg14[%get3A_621, %get3A_622] {strides = array<i32>} : memref<128x128xf32, #tpu.memory_space<vmem>>, vector<16xf32>,
            %add3A_624 = arith.addf %add3A_576, %get3A_623 : vector<16xf32>
            %add3A_625 = arith.constant 6 : i32
            %add3A_626 = arith.addi %mul3A_350, %add3A_625 : i32
            %get3A_627 = arith.index_cast %add3A_626 : i32 to index
            %get3A_628 = arith.constant 0 : index
            %get3A_629 = tpu.vector_load %arg14[%get3A_627, %get3A_628] {strides = array<i32>} : memref<128x128xf32, #tpu.memory_space<vmem>>, vector<16xf32>,
            %add3A_630 = arith.addf %add3A_582, %get3A_629 : vector<16xf32>
            %add3A_631 = arith.constant 6 : i32
            %add3A_632 = arith.addi %mul3A_350, %add3A_631 : i32
            %get3A_633 = arith.index_cast %add3A_632 : i32 to index
            %get3A_634 = arith.constant 16 : index
            %get3A_635 = tpu.vector_load %arg14[%get3A_633, %get3A_634] {strides = array<i32>} : memref<128x128xf32, #tpu.memory_space<vmem>>, vector<16xf32>,
            %add3A_636 = arith.addf %add3A_588, %get3A_635 : vector<16xf32>
            %add3A_637 = arith.constant 6 : i32
            %add3A_638 = arith.addi %mul3A_350, %add3A_637 : i32
            %get3A_639 = arith.index_cast %add3A_638 : i32 to index
            %get3A_640 = arith.constant 32 : index
            %get3A_641 = tpu.vector_load %arg14[%get3A_639, %get3A_640] {strides = array<i32>} : memref<128x128xf32, #tpu.memory_space<vmem>>, vector<16xf32>,
            %add3A_642 = arith.addf %add3A_594, %get3A_641 : vector<16xf32>
            %add3A_643 = arith.constant 6 : i32
            %add3A_644 = arith.addi %mul3A_350, %add3A_643 : i32
            %get3A_645 = arith.index_cast %add3A_644 : i32 to index
            %get3A_646 = arith.constant 48 : index
            %get3A_647 = tpu.vector_load %arg14[%get3A_645, %get3A_646] {strides = array<i32>} : memref<128x128xf32, #tpu.memory_space<vmem>>, vector<16xf32>,
            %add3A_648 = arith.addf %add3A_600, %get3A_647 : vector<16xf32>
            %add3A_649 = arith.constant 6 : i32
            %add3A_650 = arith.addi %mul3A_350, %add3A_649 : i32
            %get3A_651 = arith.index_cast %add3A_650 : i32 to index
            %get3A_652 = arith.constant 64 : index
            %get3A_653 = tpu.vector_load %arg14[%get3A_651, %get3A_652] {strides = array<i32>} : memref<128x128xf32, #tpu.memory_space<vmem>>, vector<16xf32>,
            %add3A_654 = arith.addf %add3A_606, %get3A_653 : vector<16xf32>
            %add3A_655 = arith.constant 6 : i32
            %add3A_656 = arith.addi %mul3A_350, %add3A_655 : i32
            %get3A_657 = arith.index_cast %add3A_656 : i32 to index
            %get3A_658 = arith.constant 80 : index
            %get3A_659 = tpu.vector_load %arg14[%get3A_657, %get3A_658] {strides = array<i32>} : memref<128x128xf32, #tpu.memory_space<vmem>>, vector<16xf32>,
            %add3A_660 = arith.addf %add3A_612, %get3A_659 : vector<16xf32>
            %add3A_661 = arith.constant 6 : i32
            %add3A_662 = arith.addi %mul3A_350, %add3A_661 : i32
            %get3A_663 = arith.index_cast %add3A_662 : i32 to index
            %get3A_664 = arith.constant 96 : index
            %get3A_665 = tpu.vector_load %arg14[%get3A_663, %get3A_664] {strides = array<i32>} : memref<128x128xf32, #tpu.memory_space<vmem>>, vector<16xf32>,
            %add3A_666 = arith.addf %add3A_618, %get3A_665 : vector<16xf32>
            %add3A_667 = arith.constant 6 : i32
            %add3A_668 = arith.addi %mul3A_350, %add3A_667 : i32
            %get3A_669 = arith.index_cast %add3A_668 : i32 to index
            %get3A_670 = arith.constant 112 : index
            %get3A_671 = tpu.vector_load %arg14[%get3A_669, %get3A_670] {strides = array<i32>} : memref<128x128xf32, #tpu.memory_space<vmem>>, vector<16xf32>,
            %add3A_672 = arith.addf %add3A_624, %get3A_671 : vector<16xf32>
            %add3A_673 = arith.constant 7 : i32
            %add3A_674 = arith.addi %mul3A_350, %add3A_673 : i32
            %get3A_675 = arith.index_cast %add3A_674 : i32 to index
            %get3A_676 = arith.constant 0 : index
            %get3A_677 = tpu.vector_load %arg14[%get3A_675, %get3A_676] {strides = array<i32>} : memref<128x128xf32, #tpu.memory_space<vmem>>, vector<16xf32>,
            %add3A_678 = arith.addf %add3A_630, %get3A_677 : vector<16xf32>
            %add3A_679 = arith.constant 7 : i32
            %add3A_680 = arith.addi %mul3A_350, %add3A_679 : i32
            %get3A_681 = arith.index_cast %add3A_680 : i32 to index
            %get3A_682 = arith.constant 16 : index
            %get3A_683 = tpu.vector_load %arg14[%get3A_681, %get3A_682] {strides = array<i32>} : memref<128x128xf32, #tpu.memory_space<vmem>>, vector<16xf32>,
            %add3A_684 = arith.addf %add3A_636, %get3A_683 : vector<16xf32>
            %add3A_685 = arith.constant 7 : i32
            %add3A_686 = arith.addi %mul3A_350, %add3A_685 : i32
            %get3A_687 = arith.index_cast %add3A_686 : i32 to index
            %get3A_688 = arith.constant 32 : index
            %get3A_689 = tpu.vector_load %arg14[%get3A_687, %get3A_688] {strides = array<i32>} : memref<128x128xf32, #tpu.memory_space<vmem>>, vector<16xf32>,
            %add3A_690 = arith.addf %add3A_642, %get3A_689 : vector<16xf32>
            %add3A_691 = arith.constant 7 : i32
            %add3A_692 = arith.addi %mul3A_350, %add3A_691 : i32
            %get3A_693 = arith.index_cast %add3A_692 : i32 to index
            %get3A_694 = arith.constant 48 : index
            %get3A_695 = tpu.vector_load %arg14[%get3A_693, %get3A_694] {strides = array<i32>} : memref<128x128xf32, #tpu.memory_space<vmem>>, vector<16xf32>,
            %add3A_696 = arith.addf %add3A_648, %get3A_695 : vector<16xf32>
            %add3A_697 = arith.constant 7 : i32
            %add3A_698 = arith.addi %mul3A_350, %add3A_697 : i32
            %get3A_699 = arith.index_cast %add3A_698 : i32 to index
            %get3A_700 = arith.constant 64 : index
            %get3A_701 = tpu.vector_load %arg14[%get3A_699, %get3A_700] {strides = array<i32>} : memref<128x128xf32, #tpu.memory_space<vmem>>, vector<16xf32>,
            %add3A_702 = arith.addf %add3A_654, %get3A_701 : vector<16xf32>
            %add3A_703 = arith.constant 7 : i32
            %add3A_704 = arith.addi %mul3A_350, %add3A_703 : i32
            %get3A_705 = arith.index_cast %add3A_704 : i32 to index
            %get3A_706 = arith.constant 80 : index
            %get3A_707 = tpu.vector_load %arg14[%get3A_705, %get3A_706] {strides = array<i32>} : memref<128x128xf32, #tpu.memory_space<vmem>>, vector<16xf32>,
            %add3A_708 = arith.addf %add3A_660, %get3A_707 : vector<16xf32>
            %add3A_709 = arith.constant 7 : i32
            %add3A_710 = arith.addi %mul3A_350, %add3A_709 : i32
            %get3A_711 = arith.index_cast %add3A_710 : i32 to index
            %get3A_712 = arith.constant 96 : index
            %get3A_713 = tpu.vector_load %arg14[%get3A_711, %get3A_712] {strides = array<i32>} : memref<128x128xf32, #tpu.memory_space<vmem>>, vector<16xf32>,
            %add3A_714 = arith.addf %add3A_666, %get3A_713 : vector<16xf32>
            %add3A_715 = arith.constant 7 : i32
            %add3A_716 = arith.addi %mul3A_350, %add3A_715 : i32
            %get3A_717 = arith.index_cast %add3A_716 : i32 to index
            %get3A_718 = arith.constant 112 : index
            %get3A_719 = tpu.vector_load %arg14[%get3A_717, %get3A_718] {strides = array<i32>} : memref<128x128xf32, #tpu.memory_space<vmem>>, vector<16xf32>,
            %add3A_720 = arith.addf %add3A_672, %get3A_719 : vector<16xf32>
            %add3A_721 = arith.constant 8 : i32
            %add3A_722 = arith.addi %mul3A_350, %add3A_721 : i32
            %get3A_723 = arith.index_cast %add3A_722 : i32 to index
            %get3A_724 = arith.constant 0 : index
            %get3A_725 = tpu.vector_load %arg14[%get3A_723, %get3A_724] {strides = array<i32>} : memref<128x128xf32, #tpu.memory_space<vmem>>, vector<16xf32>,
            %add3A_726 = arith.addf %add3A_678, %get3A_725 : vector<16xf32>
            %add3A_727 = arith.constant 8 : i32
            %add3A_728 = arith.addi %mul3A_350, %add3A_727 : i32
            %get3A_729 = arith.index_cast %add3A_728 : i32 to index
            %get3A_730 = arith.constant 16 : index
            %get3A_731 = tpu.vector_load %arg14[%get3A_729, %get3A_730] {strides = array<i32>} : memref<128x128xf32, #tpu.memory_space<vmem>>, vector<16xf32>,
            %add3A_732 = arith.addf %add3A_684, %get3A_731 : vector<16xf32>
            %add3A_733 = arith.constant 8 : i32
            %add3A_734 = arith.addi %mul3A_350, %add3A_733 : i32
            %get3A_735 = arith.index_cast %add3A_734 : i32 to index
            %get3A_736 = arith.constant 32 : index
            %get3A_737 = tpu.vector_load %arg14[%get3A_735, %get3A_736] {strides = array<i32>} : memref<128x128xf32, #tpu.memory_space<vmem>>, vector<16xf32>,
            %add3A_738 = arith.addf %add3A_690, %get3A_737 : vector<16xf32>
            %add3A_739 = arith.constant 8 : i32
            %add3A_740 = arith.addi %mul3A_350, %add3A_739 : i32
            %get3A_741 = arith.index_cast %add3A_740 : i32 to index
            %get3A_742 = arith.constant 48 : index
            %get3A_743 = tpu.vector_load %arg14[%get3A_741, %get3A_742] {strides = array<i32>} : memref<128x128xf32, #tpu.memory_space<vmem>>, vector<16xf32>,
            %add3A_744 = arith.addf %add3A_696, %get3A_743 : vector<16xf32>
            %add3A_745 = arith.constant 8 : i32
            %add3A_746 = arith.addi %mul3A_350, %add3A_745 : i32
            %get3A_747 = arith.index_cast %add3A_746 : i32 to index
            %get3A_748 = arith.constant 64 : index
            %get3A_749 = tpu.vector_load %arg14[%get3A_747, %get3A_748] {strides = array<i32>} : memref<128x128xf32, #tpu.memory_space<vmem>>, vector<16xf32>,
            %add3A_750 = arith.addf %add3A_702, %get3A_749 : vector<16xf32>
            %add3A_751 = arith.constant 8 : i32
            %add3A_752 = arith.addi %mul3A_350, %add3A_751 : i32
            %get3A_753 = arith.index_cast %add3A_752 : i32 to index
            %get3A_754 = arith.constant 80 : index
            %get3A_755 = tpu.vector_load %arg14[%get3A_753, %get3A_754] {strides = array<i32>} : memref<128x128xf32, #tpu.memory_space<vmem>>, vector<16xf32>,
            %add3A_756 = arith.addf %add3A_708, %get3A_755 : vector<16xf32>
            %add3A_757 = arith.constant 8 : i32
            %add3A_758 = arith.addi %mul3A_350, %add3A_757 : i32
            %get3A_759 = arith.index_cast %add3A_758 : i32 to index
            %get3A_760 = arith.constant 96 : index
            %get3A_761 = tpu.vector_load %arg14[%get3A_759, %get3A_760] {strides = array<i32>} : memref<128x128xf32, #tpu.memory_space<vmem>>, vector<16xf32>,
            %add3A_762 = arith.addf %add3A_714, %get3A_761 : vector<16xf32>
            %add3A_763 = arith.constant 8 : i32
            %add3A_764 = arith.addi %mul3A_350, %add3A_763 : i32
            %get3A_765 = arith.index_cast %add3A_764 : i32 to index
            %get3A_766 = arith.constant 112 : index
            %get3A_767 = tpu.vector_load %arg14[%get3A_765, %get3A_766] {strides = array<i32>} : memref<128x128xf32, #tpu.memory_space<vmem>>, vector<16xf32>,
            %add3A_768 = arith.addf %add3A_720, %get3A_767 : vector<16xf32>
            %add3A_769 = arith.constant 9 : i32
            %add3A_770 = arith.addi %mul3A_350, %add3A_769 : i32
            %get3A_771 = arith.index_cast %add3A_770 : i32 to index
            %get3A_772 = arith.constant 0 : index
            %get3A_773 = tpu.vector_load %arg14[%get3A_771, %get3A_772] {strides = array<i32>} : memref<128x128xf32, #tpu.memory_space<vmem>>, vector<16xf32>,
            %add3A_774 = arith.addf %add3A_726, %get3A_773 : vector<16xf32>
            %add3A_775 = arith.constant 9 : i32
            %add3A_776 = arith.addi %mul3A_350, %add3A_775 : i32
            %get3A_777 = arith.index_cast %add3A_776 : i32 to index
            %get3A_778 = arith.constant 16 : index
            %get3A_779 = tpu.vector_load %arg14[%get3A_777, %get3A_778] {strides = array<i32>} : memref<128x128xf32, #tpu.memory_space<vmem>>, vector<16xf32>,
            %add3A_780 = arith.addf %add3A_732, %get3A_779 : vector<16xf32>
            %add3A_781 = arith.constant 9 : i32
            %add3A_782 = arith.addi %mul3A_350, %add3A_781 : i32
            %get3A_783 = arith.index_cast %add3A_782 : i32 to index
            %get3A_784 = arith.constant 32 : index
            %get3A_785 = tpu.vector_load %arg14[%get3A_783, %get3A_784] {strides = array<i32>} : memref<128x128xf32, #tpu.memory_space<vmem>>, vector<16xf32>,
            %add3A_786 = arith.addf %add3A_738, %get3A_785 : vector<16xf32>
            %add3A_787 = arith.constant 9 : i32
            %add3A_788 = arith.addi %mul3A_350, %add3A_787 : i32
            %get3A_789 = arith.index_cast %add3A_788 : i32 to index
            %get3A_790 = arith.constant 48 : index
            %get3A_791 = tpu.vector_load %arg14[%get3A_789, %get3A_790] {strides = array<i32>} : memref<128x128xf32, #tpu.memory_space<vmem>>, vector<16xf32>,
            %add3A_792 = arith.addf %add3A_744, %get3A_791 : vector<16xf32>
            %add3A_793 = arith.constant 9 : i32
            %add3A_794 = arith.addi %mul3A_350, %add3A_793 : i32
            %get3A_795 = arith.index_cast %add3A_794 : i32 to index
            %get3A_796 = arith.constant 64 : index
            %get3A_797 = tpu.vector_load %arg14[%get3A_795, %get3A_796] {strides = array<i32>} : memref<128x128xf32, #tpu.memory_space<vmem>>, vector<16xf32>,
            %add3A_798 = arith.addf %add3A_750, %get3A_797 : vector<16xf32>
            %add3A_799 = arith.constant 9 : i32
            %add3A_800 = arith.addi %mul3A_350, %add3A_799 : i32
            %get3A_801 = arith.index_cast %add3A_800 : i32 to index
            %get3A_802 = arith.constant 80 : index
            %get3A_803 = tpu.vector_load %arg14[%get3A_801, %get3A_802] {strides = array<i32>} : memref<128x128xf32, #tpu.memory_space<vmem>>, vector<16xf32>,
            %add3A_804 = arith.addf %add3A_756, %get3A_803 : vector<16xf32>
            %add3A_805 = arith.constant 9 : i32
            %add3A_806 = arith.addi %mul3A_350, %add3A_805 : i32
            %get3A_807 = arith.index_cast %add3A_806 : i32 to index
            %get3A_808 = arith.constant 96 : index
            %get3A_809 = tpu.vector_load %arg14[%get3A_807, %get3A_808] {strides = array<i32>} : memref<128x128xf32, #tpu.memory_space<vmem>>, vector<16xf32>,
            %add3A_810 = arith.addf %add3A_762, %get3A_809 : vector<16xf32>
            %add3A_811 = arith.constant 9 : i32
            %add3A_812 = arith.addi %mul3A_350, %add3A_811 : i32
            %get3A_813 = arith.index_cast %add3A_812 : i32 to index
            %get3A_814 = arith.constant 112 : index
            %get3A_815 = tpu.vector_load %arg14[%get3A_813, %get3A_814] {strides = array<i32>} : memref<128x128xf32, #tpu.memory_space<vmem>>, vector<16xf32>,
            %add3A_816 = arith.addf %add3A_768, %get3A_815 : vector<16xf32>
            %add3A_817 = arith.constant 10 : i32
            %add3A_818 = arith.addi %mul3A_350, %add3A_817 : i32
            %get3A_819 = arith.index_cast %add3A_818 : i32 to index
            %get3A_820 = arith.constant 0 : index
            %get3A_821 = tpu.vector_load %arg14[%get3A_819, %get3A_820] {strides = array<i32>} : memref<128x128xf32, #tpu.memory_space<vmem>>, vector<16xf32>,
            %add3A_822 = arith.addf %add3A_774, %get3A_821 : vector<16xf32>
            %add3A_823 = arith.constant 10 : i32
            %add3A_824 = arith.addi %mul3A_350, %add3A_823 : i32
            %get3A_825 = arith.index_cast %add3A_824 : i32 to index
            %get3A_826 = arith.constant 16 : index
            %get3A_827 = tpu.vector_load %arg14[%get3A_825, %get3A_826] {strides = array<i32>} : memref<128x128xf32, #tpu.memory_space<vmem>>, vector<16xf32>,
            %add3A_828 = arith.addf %add3A_780, %get3A_827 : vector<16xf32>
            %add3A_829 = arith.constant 10 : i32
            %add3A_830 = arith.addi %mul3A_350, %add3A_829 : i32
            %get3A_831 = arith.index_cast %add3A_830 : i32 to index
            %get3A_832 = arith.constant 32 : index
            %get3A_833 = tpu.vector_load %arg14[%get3A_831, %get3A_832] {strides = array<i32>} : memref<128x128xf32, #tpu.memory_space<vmem>>, vector<16xf32>,
            %add3A_834 = arith.addf %add3A_786, %get3A_833 : vector<16xf32>
            %add3A_835 = arith.constant 10 : i32
            %add3A_836 = arith.addi %mul3A_350, %add3A_835 : i32
            %get3A_837 = arith.index_cast %add3A_836 : i32 to index
            %get3A_838 = arith.constant 48 : index
            %get3A_839 = tpu.vector_load %arg14[%get3A_837, %get3A_838] {strides = array<i32>} : memref<128x128xf32, #tpu.memory_space<vmem>>, vector<16xf32>,
            %add3A_840 = arith.addf %add3A_792, %get3A_839 : vector<16xf32>
            %add3A_841 = arith.constant 10 : i32
            %add3A_842 = arith.addi %mul3A_350, %add3A_841 : i32
            %get3A_843 = arith.index_cast %add3A_842 : i32 to index
            %get3A_844 = arith.constant 64 : index
            %get3A_845 = tpu.vector_load %arg14[%get3A_843, %get3A_844] {strides = array<i32>} : memref<128x128xf32, #tpu.memory_space<vmem>>, vector<16xf32>,
            %add3A_846 = arith.addf %add3A_798, %get3A_845 : vector<16xf32>
            %add3A_847 = arith.constant 10 : i32
            %add3A_848 = arith.addi %mul3A_350, %add3A_847 : i32
            %get3A_849 = arith.index_cast %add3A_848 : i32 to index
            %get3A_850 = arith.constant 80 : index
            %get3A_851 = tpu.vector_load %arg14[%get3A_849, %get3A_850] {strides = array<i32>} : memref<128x128xf32, #tpu.memory_space<vmem>>, vector<16xf32>,
            %add3A_852 = arith.addf %add3A_804, %get3A_851 : vector<16xf32>
            %add3A_853 = arith.constant 10 : i32
            %add3A_854 = arith.addi %mul3A_350, %add3A_853 : i32
            %get3A_855 = arith.index_cast %add3A_854 : i32 to index
            %get3A_856 = arith.constant 96 : index
            %get3A_857 = tpu.vector_load %arg14[%get3A_855, %get3A_856] {strides = array<i32>} : memref<128x128xf32, #tpu.memory_space<vmem>>, vector<16xf32>,
            %add3A_858 = arith.addf %add3A_810, %get3A_857 : vector<16xf32>
            %add3A_859 = arith.constant 10 : i32
            %add3A_860 = arith.addi %mul3A_350, %add3A_859 : i32
            %get3A_861 = arith.index_cast %add3A_860 : i32 to index
            %get3A_862 = arith.constant 112 : index
            %get3A_863 = tpu.vector_load %arg14[%get3A_861, %get3A_862] {strides = array<i32>} : memref<128x128xf32, #tpu.memory_space<vmem>>, vector<16xf32>,
            %add3A_864 = arith.addf %add3A_816, %get3A_863 : vector<16xf32>
            %add3A_865 = arith.constant 11 : i32
            %add3A_866 = arith.addi %mul3A_350, %add3A_865 : i32
            %get3A_867 = arith.index_cast %add3A_866 : i32 to index
            %get3A_868 = arith.constant 0 : index
            %get3A_869 = tpu.vector_load %arg14[%get3A_867, %get3A_868] {strides = array<i32>} : memref<128x128xf32, #tpu.memory_space<vmem>>, vector<16xf32>,
            %add3A_870 = arith.addf %add3A_822, %get3A_869 : vector<16xf32>
            %add3A_871 = arith.constant 11 : i32
            %add3A_872 = arith.addi %mul3A_350, %add3A_871 : i32
            %get3A_873 = arith.index_cast %add3A_872 : i32 to index
            %get3A_874 = arith.constant 16 : index
            %get3A_875 = tpu.vector_load %arg14[%get3A_873, %get3A_874] {strides = array<i32>} : memref<128x128xf32, #tpu.memory_space<vmem>>, vector<16xf32>,
            %add3A_876 = arith.addf %add3A_828, %get3A_875 : vector<16xf32>
            %add3A_877 = arith.constant 11 : i32
            %add3A_878 = arith.addi %mul3A_350, %add3A_877 : i32
            %get3A_879 = arith.index_cast %add3A_878 : i32 to index
            %get3A_880 = arith.constant 32 : index
            %get3A_881 = tpu.vector_load %arg14[%get3A_879, %get3A_880] {strides = array<i32>} : memref<128x128xf32, #tpu.memory_space<vmem>>, vector<16xf32>,
            %add3A_882 = arith.addf %add3A_834, %get3A_881 : vector<16xf32>
            %add3A_883 = arith.constant 11 : i32
            %add3A_884 = arith.addi %mul3A_350, %add3A_883 : i32
            %get3A_885 = arith.index_cast %add3A_884 : i32 to index
            %get3A_886 = arith.constant 48 : index
            %get3A_887 = tpu.vector_load %arg14[%get3A_885, %get3A_886] {strides = array<i32>} : memref<128x128xf32, #tpu.memory_space<vmem>>, vector<16xf32>,
            %add3A_888 = arith.addf %add3A_840, %get3A_887 : vector<16xf32>
            %add3A_889 = arith.constant 11 : i32
            %add3A_890 = arith.addi %mul3A_350, %add3A_889 : i32
            %get3A_891 = arith.index_cast %add3A_890 : i32 to index
            %get3A_892 = arith.constant 64 : index
            %get3A_893 = tpu.vector_load %arg14[%get3A_891, %get3A_892] {strides = array<i32>} : memref<128x128xf32, #tpu.memory_space<vmem>>, vector<16xf32>,
            %add3A_894 = arith.addf %add3A_846, %get3A_893 : vector<16xf32>
            %add3A_895 = arith.constant 11 : i32
            %add3A_896 = arith.addi %mul3A_350, %add3A_895 : i32
            %get3A_897 = arith.index_cast %add3A_896 : i32 to index
            %get3A_898 = arith.constant 80 : index
            %get3A_899 = tpu.vector_load %arg14[%get3A_897, %get3A_898] {strides = array<i32>} : memref<128x128xf32, #tpu.memory_space<vmem>>, vector<16xf32>,
            %add3A_900 = arith.addf %add3A_852, %get3A_899 : vector<16xf32>
            %add3A_901 = arith.constant 11 : i32
            %add3A_902 = arith.addi %mul3A_350, %add3A_901 : i32
            %get3A_903 = arith.index_cast %add3A_902 : i32 to index
            %get3A_904 = arith.constant 96 : index
            %get3A_905 = tpu.vector_load %arg14[%get3A_903, %get3A_904] {strides = array<i32>} : memref<128x128xf32, #tpu.memory_space<vmem>>, vector<16xf32>,
            %add3A_906 = arith.addf %add3A_858, %get3A_905 : vector<16xf32>
            %add3A_907 = arith.constant 11 : i32
            %add3A_908 = arith.addi %mul3A_350, %add3A_907 : i32
            %get3A_909 = arith.index_cast %add3A_908 : i32 to index
            %get3A_910 = arith.constant 112 : index
            %get3A_911 = tpu.vector_load %arg14[%get3A_909, %get3A_910] {strides = array<i32>} : memref<128x128xf32, #tpu.memory_space<vmem>>, vector<16xf32>,
            %add3A_912 = arith.addf %add3A_864, %get3A_911 : vector<16xf32>
            %add3A_913 = arith.constant 12 : i32
            %add3A_914 = arith.addi %mul3A_350, %add3A_913 : i32
            %get3A_915 = arith.index_cast %add3A_914 : i32 to index
            %get3A_916 = arith.constant 0 : index
            %get3A_917 = tpu.vector_load %arg14[%get3A_915, %get3A_916] {strides = array<i32>} : memref<128x128xf32, #tpu.memory_space<vmem>>, vector<16xf32>,
            %add3A_918 = arith.addf %add3A_870, %get3A_917 : vector<16xf32>
            %add3A_919 = arith.constant 12 : i32
            %add3A_920 = arith.addi %mul3A_350, %add3A_919 : i32
            %get3A_921 = arith.index_cast %add3A_920 : i32 to index
            %get3A_922 = arith.constant 16 : index
            %get3A_923 = tpu.vector_load %arg14[%get3A_921, %get3A_922] {strides = array<i32>} : memref<128x128xf32, #tpu.memory_space<vmem>>, vector<16xf32>,
            %add3A_924 = arith.addf %add3A_876, %get3A_923 : vector<16xf32>
            %add3A_925 = arith.constant 12 : i32
            %add3A_926 = arith.addi %mul3A_350, %add3A_925 : i32
            %get3A_927 = arith.index_cast %add3A_926 : i32 to index
            %get3A_928 = arith.constant 32 : index
            %get3A_929 = tpu.vector_load %arg14[%get3A_927, %get3A_928] {strides = array<i32>} : memref<128x128xf32, #tpu.memory_space<vmem>>, vector<16xf32>,
            %add3A_930 = arith.addf %add3A_882, %get3A_929 : vector<16xf32>
            %add3A_931 = arith.constant 12 : i32
            %add3A_932 = arith.addi %mul3A_350, %add3A_931 : i32
            %get3A_933 = arith.index_cast %add3A_932 : i32 to index
            %get3A_934 = arith.constant 48 : index
            %get3A_935 = tpu.vector_load %arg14[%get3A_933, %get3A_934] {strides = array<i32>} : memref<128x128xf32, #tpu.memory_space<vmem>>, vector<16xf32>,
            %add3A_936 = arith.addf %add3A_888, %get3A_935 : vector<16xf32>
            %add3A_937 = arith.constant 12 : i32
            %add3A_938 = arith.addi %mul3A_350, %add3A_937 : i32
            %get3A_939 = arith.index_cast %add3A_938 : i32 to index
            %get3A_940 = arith.constant 64 : index
            %get3A_941 = tpu.vector_load %arg14[%get3A_939, %get3A_940] {strides = array<i32>} : memref<128x128xf32, #tpu.memory_space<vmem>>, vector<16xf32>,
            %add3A_942 = arith.addf %add3A_894, %get3A_941 : vector<16xf32>
            %add3A_943 = arith.constant 12 : i32
            %add3A_944 = arith.addi %mul3A_350, %add3A_943 : i32
            %get3A_945 = arith.index_cast %add3A_944 : i32 to index
            %get3A_946 = arith.constant 80 : index
            %get3A_947 = tpu.vector_load %arg14[%get3A_945, %get3A_946] {strides = array<i32>} : memref<128x128xf32, #tpu.memory_space<vmem>>, vector<16xf32>,
            %add3A_948 = arith.addf %add3A_900, %get3A_947 : vector<16xf32>
            %add3A_949 = arith.constant 12 : i32
            %add3A_950 = arith.addi %mul3A_350, %add3A_949 : i32
            %get3A_951 = arith.index_cast %add3A_950 : i32 to index
            %get3A_952 = arith.constant 96 : index
            %get3A_953 = tpu.vector_load %arg14[%get3A_951, %get3A_952] {strides = array<i32>} : memref<128x128xf32, #tpu.memory_space<vmem>>, vector<16xf32>,
            %add3A_954 = arith.addf %add3A_906, %get3A_953 : vector<16xf32>
            %add3A_955 = arith.constant 12 : i32
            %add3A_956 = arith.addi %mul3A_350, %add3A_955 : i32
            %get3A_957 = arith.index_cast %add3A_956 : i32 to index
            %get3A_958 = arith.constant 112 : index
            %get3A_959 = tpu.vector_load %arg14[%get3A_957, %get3A_958] {strides = array<i32>} : memref<128x128xf32, #tpu.memory_space<vmem>>, vector<16xf32>,
            %add3A_960 = arith.addf %add3A_912, %get3A_959 : vector<16xf32>
            %add3A_961 = arith.constant 13 : i32
            %add3A_962 = arith.addi %mul3A_350, %add3A_961 : i32
            %get3A_963 = arith.index_cast %add3A_962 : i32 to index
            %get3A_964 = arith.constant 0 : index
            %get3A_965 = tpu.vector_load %arg14[%get3A_963, %get3A_964] {strides = array<i32>} : memref<128x128xf32, #tpu.memory_space<vmem>>, vector<16xf32>,
            %add3A_966 = arith.addf %add3A_918, %get3A_965 : vector<16xf32>
            %add3A_967 = arith.constant 13 : i32
            %add3A_968 = arith.addi %mul3A_350, %add3A_967 : i32
            %get3A_969 = arith.index_cast %add3A_968 : i32 to index
            %get3A_970 = arith.constant 16 : index
            %get3A_971 = tpu.vector_load %arg14[%get3A_969, %get3A_970] {strides = array<i32>} : memref<128x128xf32, #tpu.memory_space<vmem>>, vector<16xf32>,
            %add3A_972 = arith.addf %add3A_924, %get3A_971 : vector<16xf32>
            %add3A_973 = arith.constant 13 : i32
            %add3A_974 = arith.addi %mul3A_350, %add3A_973 : i32
            %get3A_975 = arith.index_cast %add3A_974 : i32 to index
            %get3A_976 = arith.constant 32 : index
            %get3A_977 = tpu.vector_load %arg14[%get3A_975, %get3A_976] {strides = array<i32>} : memref<128x128xf32, #tpu.memory_space<vmem>>, vector<16xf32>,
            %add3A_978 = arith.addf %add3A_930, %get3A_977 : vector<16xf32>
            %add3A_979 = arith.constant 13 : i32
            %add3A_980 = arith.addi %mul3A_350, %add3A_979 : i32
            %get3A_981 = arith.index_cast %add3A_980 : i32 to index
            %get3A_982 = arith.constant 48 : index
            %get3A_983 = tpu.vector_load %arg14[%get3A_981, %get3A_982] {strides = array<i32>} : memref<128x128xf32, #tpu.memory_space<vmem>>, vector<16xf32>,
            %add3A_984 = arith.addf %add3A_936, %get3A_983 : vector<16xf32>
            %add3A_985 = arith.constant 13 : i32
            %add3A_986 = arith.addi %mul3A_350, %add3A_985 : i32
            %get3A_987 = arith.index_cast %add3A_986 : i32 to index
            %get3A_988 = arith.constant 64 : index
            %get3A_989 = tpu.vector_load %arg14[%get3A_987, %get3A_988] {strides = array<i32>} : memref<128x128xf32, #tpu.memory_space<vmem>>, vector<16xf32>,
            %add3A_990 = arith.addf %add3A_942, %get3A_989 : vector<16xf32>
            %add3A_991 = arith.constant 13 : i32
            %add3A_992 = arith.addi %mul3A_350, %add3A_991 : i32
            %get3A_993 = arith.index_cast %add3A_992 : i32 to index
            %get3A_994 = arith.constant 80 : index
            %get3A_995 = tpu.vector_load %arg14[%get3A_993, %get3A_994] {strides = array<i32>} : memref<128x128xf32, #tpu.memory_space<vmem>>, vector<16xf32>,
            %add3A_996 = arith.addf %add3A_948, %get3A_995 : vector<16xf32>
            %add3A_997 = arith.constant 13 : i32
            %add3A_998 = arith.addi %mul3A_350, %add3A_997 : i32
            %get3A_999 = arith.index_cast %add3A_998 : i32 to index
            %get3A_1000 = arith.constant 96 : index
            %get3A_1001 = tpu.vector_load %arg14[%get3A_999, %get3A_1000] {strides = array<i32>} : memref<128x128xf32, #tpu.memory_space<vmem>>, vector<16xf32>,
            %add3A_1002 = arith.addf %add3A_954, %get3A_1001 : vector<16xf32>
            %add3A_1003 = arith.constant 13 : i32
            %add3A_1004 = arith.addi %mul3A_350, %add3A_1003 : i32
            %get3A_1005 = arith.index_cast %add3A_1004 : i32 to index
            %get3A_1006 = arith.constant 112 : index
            %get3A_1007 = tpu.vector_load %arg14[%get3A_1005, %get3A_1006] {strides = array<i32>} : memref<128x128xf32, #tpu.memory_space<vmem>>, vector<16xf32>,
            %add3A_1008 = arith.addf %add3A_960, %get3A_1007 : vector<16xf32>
            %add3A_1009 = arith.constant 14 : i32
            %add3A_1010 = arith.addi %mul3A_350, %add3A_1009 : i32
            %get3A_1011 = arith.index_cast %add3A_1010 : i32 to index
            %get3A_1012 = arith.constant 0 : index
            %get3A_1013 = tpu.vector_load %arg14[%get3A_1011, %get3A_1012] {strides = array<i32>} : memref<128x128xf32, #tpu.memory_space<vmem>>, vector<16xf32>,
            %add3A_1014 = arith.addf %add3A_966, %get3A_1013 : vector<16xf32>
            %add3A_1015 = arith.constant 14 : i32
            %add3A_1016 = arith.addi %mul3A_350, %add3A_1015 : i32
            %get3A_1017 = arith.index_cast %add3A_1016 : i32 to index
            %get3A_1018 = arith.constant 16 : index
            %get3A_1019 = tpu.vector_load %arg14[%get3A_1017, %get3A_1018] {strides = array<i32>} : memref<128x128xf32, #tpu.memory_space<vmem>>, vector<16xf32>,
            %add3A_1020 = arith.addf %add3A_972, %get3A_1019 : vector<16xf32>
            %add3A_1021 = arith.constant 14 : i32
            %add3A_1022 = arith.addi %mul3A_350, %add3A_1021 : i32
            %get3A_1023 = arith.index_cast %add3A_1022 : i32 to index
            %get3A_1024 = arith.constant 32 : index
            %get3A_1025 = tpu.vector_load %arg14[%get3A_1023, %get3A_1024] {strides = array<i32>} : memref<128x128xf32, #tpu.memory_space<vmem>>, vector<16xf32>,
            %add3A_1026 = arith.addf %add3A_978, %get3A_1025 : vector<16xf32>
            %add3A_1027 = arith.constant 14 : i32
            %add3A_1028 = arith.addi %mul3A_350, %add3A_1027 : i32
            %get3A_1029 = arith.index_cast %add3A_1028 : i32 to index
            %get3A_1030 = arith.constant 48 : index
            %get3A_1031 = tpu.vector_load %arg14[%get3A_1029, %get3A_1030] {strides = array<i32>} : memref<128x128xf32, #tpu.memory_space<vmem>>, vector<16xf32>,
            %add3A_1032 = arith.addf %add3A_984, %get3A_1031 : vector<16xf32>
            %add3A_1033 = arith.constant 14 : i32
            %add3A_1034 = arith.addi %mul3A_350, %add3A_1033 : i32
            %get3A_1035 = arith.index_cast %add3A_1034 : i32 to index
            %get3A_1036 = arith.constant 64 : index
            %get3A_1037 = tpu.vector_load %arg14[%get3A_1035, %get3A_1036] {strides = array<i32>} : memref<128x128xf32, #tpu.memory_space<vmem>>, vector<16xf32>,
            %add3A_1038 = arith.addf %add3A_990, %get3A_1037 : vector<16xf32>
            %add3A_1039 = arith.constant 14 : i32
            %add3A_1040 = arith.addi %mul3A_350, %add3A_1039 : i32
            %get3A_1041 = arith.index_cast %add3A_1040 : i32 to index
            %get3A_1042 = arith.constant 80 : index
            %get3A_1043 = tpu.vector_load %arg14[%get3A_1041, %get3A_1042] {strides = array<i32>} : memref<128x128xf32, #tpu.memory_space<vmem>>, vector<16xf32>,
            %add3A_1044 = arith.addf %add3A_996, %get3A_1043 : vector<16xf32>
            %add3A_1045 = arith.constant 14 : i32
            %add3A_1046 = arith.addi %mul3A_350, %add3A_1045 : i32
            %get3A_1047 = arith.index_cast %add3A_1046 : i32 to index
            %get3A_1048 = arith.constant 96 : index
            %get3A_1049 = tpu.vector_load %arg14[%get3A_1047, %get3A_1048] {strides = array<i32>} : memref<128x128xf32, #tpu.memory_space<vmem>>, vector<16xf32>,
            %add3A_1050 = arith.addf %add3A_1002, %get3A_1049 : vector<16xf32>
            %add3A_1051 = arith.constant 14 : i32
            %add3A_1052 = arith.addi %mul3A_350, %add3A_1051 : i32
            %get3A_1053 = arith.index_cast %add3A_1052 : i32 to index
            %get3A_1054 = arith.constant 112 : index
            %get3A_1055 = tpu.vector_load %arg14[%get3A_1053, %get3A_1054] {strides = array<i32>} : memref<128x128xf32, #tpu.memory_space<vmem>>, vector<16xf32>,
            %add3A_1056 = arith.addf %add3A_1008, %get3A_1055 : vector<16xf32>
            %add3A_1057 = arith.constant 15 : i32
            %add3A_1058 = arith.addi %mul3A_350, %add3A_1057 : i32
            %get3A_1059 = arith.index_cast %add3A_1058 : i32 to index
            %get3A_1060 = arith.constant 0 : index
            %get3A_1061 = tpu.vector_load %arg14[%get3A_1059, %get3A_1060] {strides = array<i32>} : memref<128x128xf32, #tpu.memory_space<vmem>>, vector<16xf32>,
            %add3A_1062 = arith.addf %add3A_1014, %get3A_1061 : vector<16xf32>
            %add3A_1063 = arith.constant 15 : i32
            %add3A_1064 = arith.addi %mul3A_350, %add3A_1063 : i32
            %get3A_1065 = arith.index_cast %add3A_1064 : i32 to index
            %get3A_1066 = arith.constant 16 : index
            %get3A_1067 = tpu.vector_load %arg14[%get3A_1065, %get3A_1066] {strides = array<i32>} : memref<128x128xf32, #tpu.memory_space<vmem>>, vector<16xf32>,
            %add3A_1068 = arith.addf %add3A_1020, %get3A_1067 : vector<16xf32>
            %add3A_1069 = arith.constant 15 : i32
            %add3A_1070 = arith.addi %mul3A_350, %add3A_1069 : i32
            %get3A_1071 = arith.index_cast %add3A_1070 : i32 to index
            %get3A_1072 = arith.constant 32 : index
            %get3A_1073 = tpu.vector_load %arg14[%get3A_1071, %get3A_1072] {strides = array<i32>} : memref<128x128xf32, #tpu.memory_space<vmem>>, vector<16xf32>,
            %add3A_1074 = arith.addf %add3A_1026, %get3A_1073 : vector<16xf32>
            %add3A_1075 = arith.constant 15 : i32
            %add3A_1076 = arith.addi %mul3A_350, %add3A_1075 : i32
            %get3A_1077 = arith.index_cast %add3A_1076 : i32 to index
            %get3A_1078 = arith.constant 48 : index
            %get3A_1079 = tpu.vector_load %arg14[%get3A_1077, %get3A_1078] {strides = array<i32>} : memref<128x128xf32, #tpu.memory_space<vmem>>, vector<16xf32>,
            %add3A_1080 = arith.addf %add3A_1032, %get3A_1079 : vector<16xf32>
            %add3A_1081 = arith.constant 15 : i32
            %add3A_1082 = arith.addi %mul3A_350, %add3A_1081 : i32
            %get3A_1083 = arith.index_cast %add3A_1082 : i32 to index
            %get3A_1084 = arith.constant 64 : index
            %get3A_1085 = tpu.vector_load %arg14[%get3A_1083, %get3A_1084] {strides = array<i32>} : memref<128x128xf32, #tpu.memory_space<vmem>>, vector<16xf32>,
            %add3A_1086 = arith.addf %add3A_1038, %get3A_1085 : vector<16xf32>
            %add3A_1087 = arith.constant 15 : i32
            %add3A_1088 = arith.addi %mul3A_350, %add3A_1087 : i32
            %get3A_1089 = arith.index_cast %add3A_1088 : i32 to index
            %get3A_1090 = arith.constant 80 : index
            %get3A_1091 = tpu.vector_load %arg14[%get3A_1089, %get3A_1090] {strides = array<i32>} : memref<128x128xf32, #tpu.memory_space<vmem>>, vector<16xf32>,
            %add3A_1092 = arith.addf %add3A_1044, %get3A_1091 : vector<16xf32>
            %add3A_1093 = arith.constant 15 : i32
            %add3A_1094 = arith.addi %mul3A_350, %add3A_1093 : i32
            %get3A_1095 = arith.index_cast %add3A_1094 : i32 to index
            %get3A_1096 = arith.constant 96 : index
            %get3A_1097 = tpu.vector_load %arg14[%get3A_1095, %get3A_1096] {strides = array<i32>} : memref<128x128xf32, #tpu.memory_space<vmem>>, vector<16xf32>,
            %add3A_1098 = arith.addf %add3A_1050, %get3A_1097 : vector<16xf32>
            %add3A_1099 = arith.constant 15 : i32
            %add3A_1100 = arith.addi %mul3A_350, %add3A_1099 : i32
            %get3A_1101 = arith.index_cast %add3A_1100 : i32 to index
            %get3A_1102 = arith.constant 112 : index
            %get3A_1103 = tpu.vector_load %arg14[%get3A_1101, %get3A_1102] {strides = array<i32>} : memref<128x128xf32, #tpu.memory_space<vmem>>, vector<16xf32>,
            %add3A_1104 = arith.addf %add3A_1056, %get3A_1103 : vector<16xf32>
            tpu.vector_store_idx %arg16[%gather3A_335, %add3A_15], %add3A_1062 {add = true} : memref<256x128xf32, #tpu.memory_space<vmem>>[vector<16xi32>, vector<16xi32>], vector<16xf32>,
            tpu.vector_store_idx %arg16[%gather3A_335, %add3A_19], %add3A_1068 {add = true} : memref<256x128xf32, #tpu.memory_space<vmem>>[vector<16xi32>, vector<16xi32>], vector<16xf32>,
            tpu.vector_store_idx %arg16[%gather3A_335, %add3A_23], %add3A_1074 {add = true} : memref<256x128xf32, #tpu.memory_space<vmem>>[vector<16xi32>, vector<16xi32>], vector<16xf32>,
            tpu.vector_store_idx %arg16[%gather3A_335, %add3A_27], %add3A_1080 {add = true} : memref<256x128xf32, #tpu.memory_space<vmem>>[vector<16xi32>, vector<16xi32>], vector<16xf32>,
            tpu.vector_store_idx %arg16[%gather3A_335, %add3A_31], %add3A_1086 {add = true} : memref<256x128xf32, #tpu.memory_space<vmem>>[vector<16xi32>, vector<16xi32>], vector<16xf32>,
            tpu.vector_store_idx %arg16[%gather3A_335, %add3A_35], %add3A_1092 {add = true} : memref<256x128xf32, #tpu.memory_space<vmem>>[vector<16xi32>, vector<16xi32>], vector<16xf32>,
            tpu.vector_store_idx %arg16[%gather3A_335, %add3A_39], %add3A_1098 {add = true} : memref<256x128xf32, #tpu.memory_space<vmem>>[vector<16xi32>, vector<16xi32>], vector<16xf32>,
            tpu.vector_store_idx %arg16[%gather3A_335, %add3A_43], %add3A_1104 {add = true} : memref<256x128xf32, #tpu.memory_space<vmem>>[vector<16xi32>, vector<16xi32>], vector<16xf32>,
          } else {
          }
          %eq3A_356 = arith.constant 0 : i32
          %eq3A_357 = arith.cmpi eq, %reduce_min3A_348, %eq3A_356 : i32
          %convert_element_type3A_358 = arith.extui %eq3A_357 : i1 to i32
          %cond3A_359 = arith.constant 0 : i32
          %cond3A_360 = arith.cmpi ne, %convert_element_type3A_358, %cond3A_359 : i32
          scf.if %cond3A_360 {
            %scan3A_361 = arith.constant 0 : i32
            %scan3A_362 = arith.constant 0 : i32
            %scan3A_363 = arith.constant 16 : i32
            %scan3A_364 = arith.addi %scan3A_362, %scan3A_363 : i32
            %scan3A_365 = arith.constant 1 : i32
            scf.for %scan3A_367 = %scan3A_362 to %scan3A_364 step %scan3A_365  : i32 {
              %add3A_368 = vector.broadcast %scan3A_367 : i32 to vector<16xi32>
              %add3A_369 = arith.addi %add3A_47, %add3A_368 : vector<16xi32>
              %broadcast_in_dim3A_370 = vector.shape_cast %add3A_369 : vector<16xi32> to vector<16x1xi32>
              %gather3A_371 = vector.shape_cast %broadcast_in_dim3A_370 : vector<16x1xi32> to vector<16xi32>
              %gather3A_372 = tpu.dynamic_gather %get3A_333[%gather3A_371] in [0] : vector<16xi32>, vector<16xi32> -> vector<16xi32>
              %add3A_373 = arith.addi %mul3A_350, %scan3A_367 : i32
              %get3A_374 = arith.index_cast %add3A_373 : i32 to index
              %get3A_375 = arith.constant 0 : index
              %get3A_376 = tpu.vector_load %arg14[%get3A_374, %get3A_375] {strides = array<i32>} : memref<128x128xf32, #tpu.memory_space<vmem>>, vector<16xf32>,
              tpu.vector_store_idx %arg16[%gather3A_372, %add3A_15], %get3A_376 {add = true} : memref<256x128xf32, #tpu.memory_space<vmem>>[vector<16xi32>, vector<16xi32>], vector<16xf32>,
              %add3A_377 = arith.addi %mul3A_350, %scan3A_367 : i32
              %get3A_378 = arith.index_cast %add3A_377 : i32 to index
              %get3A_379 = arith.constant 16 : index
              %get3A_380 = tpu.vector_load %arg14[%get3A_378, %get3A_379] {strides = array<i32>} : memref<128x128xf32, #tpu.memory_space<vmem>>, vector<16xf32>,
              tpu.vector_store_idx %arg16[%gather3A_372, %add3A_19], %get3A_380 {add = true} : memref<256x128xf32, #tpu.memory_space<vmem>>[vector<16xi32>, vector<16xi32>], vector<16xf32>,
              %add3A_381 = arith.addi %mul3A_350, %scan3A_367 : i32
              %get3A_382 = arith.index_cast %add3A_381 : i32 to index
              %get3A_383 = arith.constant 32 : index
              %get3A_384 = tpu.vector_load %arg14[%get3A_382, %get3A_383] {strides = array<i32>} : memref<128x128xf32, #tpu.memory_space<vmem>>, vector<16xf32>,
              tpu.vector_store_idx %arg16[%gather3A_372, %add3A_23], %get3A_384 {add = true} : memref<256x128xf32, #tpu.memory_space<vmem>>[vector<16xi32>, vector<16xi32>], vector<16xf32>,
              %add3A_385 = arith.addi %mul3A_350, %scan3A_367 : i32
              %get3A_386 = arith.index_cast %add3A_385 : i32 to index
              %get3A_387 = arith.constant 48 : index
              %get3A_388 = tpu.vector_load %arg14[%get3A_386, %get3A_387] {strides = array<i32>} : memref<128x128xf32, #tpu.memory_space<vmem>>, vector<16xf32>,
              tpu.vector_store_idx %arg16[%gather3A_372, %add3A_27], %get3A_388 {add = true} : memref<256x128xf32, #tpu.memory_space<vmem>>[vector<16xi32>, vector<16xi32>], vector<16xf32>,
              %add3A_389 = arith.addi %mul3A_350, %scan3A_367 : i32
              %get3A_390 = arith.index_cast %add3A_389 : i32 to index
              %get3A_391 = arith.constant 64 : index
              %get3A_392 = tpu.vector_load %arg14[%get3A_390, %get3A_391] {strides = array<i32>} : memref<128x128xf32, #tpu.memory_space<vmem>>, vector<16xf32>,
              tpu.vector_store_idx %arg16[%gather3A_372, %add3A_31], %get3A_392 {add = true} : memref<256x128xf32, #tpu.memory_space<vmem>>[vector<16xi32>, vector<16xi32>], vector<16xf32>,
              %add3A_393 = arith.addi %mul3A_350, %scan3A_367 : i32
              %get3A_394 = arith.index_cast %add3A_393 : i32 to index
              %get3A_395 = arith.constant 80 : index
              %get3A_396 = tpu.vector_load %arg14[%get3A_394, %get3A_395] {strides = array<i32>} : memref<128x128xf32, #tpu.memory_space<vmem>>, vector<16xf32>,
              tpu.vector_store_idx %arg16[%gather3A_372, %add3A_35], %get3A_396 {add = true} : memref<256x128xf32, #tpu.memory_space<vmem>>[vector<16xi32>, vector<16xi32>], vector<16xf32>,
              %add3A_397 = arith.addi %mul3A_350, %scan3A_367 : i32
              %get3A_398 = arith.index_cast %add3A_397 : i32 to index
              %get3A_399 = arith.constant 96 : index
              %get3A_400 = tpu.vector_load %arg14[%get3A_398, %get3A_399] {strides = array<i32>} : memref<128x128xf32, #tpu.memory_space<vmem>>, vector<16xf32>,
              tpu.vector_store_idx %arg16[%gather3A_372, %add3A_39], %get3A_400 {add = true} : memref<256x128xf32, #tpu.memory_space<vmem>>[vector<16xi32>, vector<16xi32>], vector<16xf32>,
              %add3A_401 = arith.addi %mul3A_350, %scan3A_367 : i32
              %get3A_402 = arith.index_cast %add3A_401 : i32 to index
              %get3A_403 = arith.constant 112 : index
              %get3A_404 = tpu.vector_load %arg14[%get3A_402, %get3A_403] {strides = array<i32>} : memref<128x128xf32, #tpu.memory_space<vmem>>, vector<16xf32>,
              tpu.vector_store_idx %arg16[%gather3A_372, %add3A_43], %get3A_404 {add = true} : memref<256x128xf32, #tpu.memory_space<vmem>>[vector<16xi32>, vector<16xi32>], vector<16xf32>,
            }
            %scan3A_366 = arith.constant 16 : i32
          } else {
          }
        }
        %scan3A_328 = arith.constant 8 : i32
      } else {
      }
    }
    %sub3A_174 = arith.constant 1 : i32
    %sub3A_175 = arith.subi %select_n3A_140, %sub3A_174 : i32
    %jit3A_176 = arith.constant 3 : i32
    %eq3A_177 = arith.constant 0 : i32
    %eq3A_178 = arith.cmpi eq, %jit3A_176, %eq3A_177 : i32
    %jit3A_179 = arith.constant 1 : i32
    %select_n3A_180 = arith.select %eq3A_178, %jit3A_179, %jit3A_176 : i32
    %rem3A_181 = arith.remsi %sub3A_175, %select_n3A_180 : i32
    %ne3A_182 = arith.constant 0 : i32
    %ne3A_183 = arith.cmpi ne, %rem3A_181, %ne3A_182 : i32
    %lt3A_184 = arith.constant 0 : i32
    %lt3A_185 = arith.cmpi slt, %rem3A_181, %lt3A_184 : i32
    %lt3A_186 = arith.constant 0 : i32
    %lt3A_187 = arith.cmpi slt, %select_n3A_180, %lt3A_186 : i32
    %ne3A_188 = arith.xori %lt3A_185, %lt3A_187 : i1
    %and3A_189 = arith.andi %ne3A_188, %ne3A_183 : i1
    %add3A_190 = arith.addi %rem3A_181, %select_n3A_180 : i32
    %select_n3A_191 = arith.select %and3A_189, %add3A_190, %rem3A_181 : i32
    %eq3A_192 = arith.constant 0 : i32
    %eq3A_193 = arith.cmpi eq, %select_n3A_191, %eq3A_192 : i32
    %convert_element_type3A_194 = arith.extui %eq3A_193 : i1 to i32
    %cond3A_195 = arith.constant 0 : i32
    %cond3A_196 = arith.cmpi ne, %convert_element_type3A_194, %cond3A_195 : i32
    scf.if %cond3A_196 {
      %sub3A_229 = arith.constant 1 : i32
      %sub3A_230 = arith.subi %select_n3A_140, %sub3A_229 : i32
      %dma_wait3A = arith.constant 0 : i32
      %dma_wait3A_231 = tpu.memref_slice %arg15[%sub3A_230, %dma_wait3A] : memref<80x128xi32, #tpu.memory_space<vmem>> -> memref<1x128xi32, #tpu.memory_space<vmem>>
      %dma_wait3A_232 = tpu.memref_squeeze %dma_wait3A_231 : memref<1x128xi32, #tpu.memory_space<vmem>> -> memref<128xi32, #tpu.memory_space<vmem>>
      %dma_wait3A_233 = arith.constant 0 : i32
      %dma_wait3A_234 = arith.constant 0 : i32
      %dma_wait3A_235 = tpu.memref_slice %arg18[%dma_wait3A_233, %dma_wait3A_234] : memref<256x128xf32, #tpu.memory_space<vmem_shared>> -> memref<256x128xf32, #tpu.memory_space<vmem_shared>>
      tpu.wait_indirect_dma semaphore(%arg22 : memref<!tpu.dma_semaphore, #tpu.memory_space<semaphore_mem>>) src(%arg12 : memref<128x128xf32, #tpu.memory_space<vmem>>) dst(%dma_wait3A_235 : memref<256x128xf32, #tpu.memory_space<vmem_shared>>)
    } else {
    }
    %sub3A_197 = arith.constant 1 : i32
    %sub3A_198 = arith.subi %select_n3A_140, %sub3A_197 : i32
    %jit3A_199 = arith.constant 3 : i32
    %eq3A_200 = arith.constant 0 : i32
    %eq3A_201 = arith.cmpi eq, %jit3A_199, %eq3A_200 : i32
    %jit3A_202 = arith.constant 1 : i32
    %select_n3A_203 = arith.select %eq3A_201, %jit3A_202, %jit3A_199 : i32
    %rem3A_204 = arith.remsi %sub3A_198, %select_n3A_203 : i32
    %ne3A_205 = arith.constant 0 : i32
    %ne3A_206 = arith.cmpi ne, %rem3A_204, %ne3A_205 : i32
    %lt3A_207 = arith.constant 0 : i32
    %lt3A_208 = arith.cmpi slt, %rem3A_204, %lt3A_207 : i32
    %lt3A_209 = arith.constant 0 : i32
    %lt3A_210 = arith.cmpi slt, %select_n3A_203, %lt3A_209 : i32
    %ne3A_211 = arith.xori %lt3A_208, %lt3A_210 : i1
    %and3A_212 = arith.andi %ne3A_211, %ne3A_206 : i1
    %add3A_213 = arith.addi %rem3A_204, %select_n3A_203 : i32
    %select_n3A_214 = arith.select %and3A_212, %add3A_213, %rem3A_204 : i32
    %eq3A_215 = arith.constant 1 : i32
    %eq3A_216 = arith.cmpi eq, %select_n3A_214, %eq3A_215 : i32
    %convert_element_type3A_217 = arith.extui %eq3A_216 : i1 to i32
    %cond3A_218 = arith.constant 0 : i32
    %cond3A_219 = arith.cmpi ne, %convert_element_type3A_217, %cond3A_218 : i32
    scf.if %cond3A_219 {
      %sub3A_229 = arith.constant 1 : i32
      %sub3A_230 = arith.subi %select_n3A_140, %sub3A_229 : i32
      %dma_wait3A = arith.constant 0 : i32
      %dma_wait3A_231 = tpu.memref_slice %arg15[%sub3A_230, %dma_wait3A] : memref<80x128xi32, #tpu.memory_space<vmem>> -> memref<1x128xi32, #tpu.memory_space<vmem>>
      %dma_wait3A_232 = tpu.memref_squeeze %dma_wait3A_231 : memref<1x128xi32, #tpu.memory_space<vmem>> -> memref<128xi32, #tpu.memory_space<vmem>>
      %dma_wait3A_233 = arith.constant 0 : i32
      %dma_wait3A_234 = arith.constant 0 : i32
      %dma_wait3A_235 = tpu.memref_slice %arg18[%dma_wait3A_233, %dma_wait3A_234] : memref<256x128xf32, #tpu.memory_space<vmem_shared>> -> memref<256x128xf32, #tpu.memory_space<vmem_shared>>
      tpu.wait_indirect_dma semaphore(%arg22 : memref<!tpu.dma_semaphore, #tpu.memory_space<semaphore_mem>>) src(%arg13 : memref<128x128xf32, #tpu.memory_space<vmem>>) dst(%dma_wait3A_235 : memref<256x128xf32, #tpu.memory_space<vmem_shared>>)
    } else {
    }
    %barrier3A_220 = arith.constant 0 : index
    tpu.barrier barrier_id(%barrier3A_220)
    "tpu.region"() ({
      %run_scoped3A = tpu.sem_alloc : memref<!tpu.dma_semaphore, #tpu.memory_space<semaphore_mem>>
      %dma_start3A_229 = arith.constant 0 : i32
      %dma_start3A_230 = arith.constant 0 : i32
      %dma_start3A_231 = tpu.memref_slice %arg7[%add3A, %dma_start3A_229, %dma_start3A_230] : memref<32x256x128xf32, #tpu.memory_space<hbm>> -> memref<1x256x128xf32, #tpu.memory_space<hbm>>
      %dma_start3A_232 = tpu.memref_squeeze %dma_start3A_231 : memref<1x256x128xf32, #tpu.memory_space<hbm>> -> memref<256x128xf32, #tpu.memory_space<hbm>>
      %dma_start3A_233 = arith.constant 0 : i32
      %dma_start3A_234 = arith.constant 0 : i32
      %dma_start3A_235 = tpu.memref_slice %arg7[%add3A, %dma_start3A_233, %dma_start3A_234] : memref<32x256x128xf32, #tpu.memory_space<hbm>> -> memref<1x256x128xf32, #tpu.memory_space<hbm>>
      %dma_start3A_236 = tpu.memref_squeeze %dma_start3A_235 : memref<1x256x128xf32, #tpu.memory_space<hbm>> -> memref<256x128xf32, #tpu.memory_space<hbm>>
      tpu.enqueue_dma source(%arg16 : memref<256x128xf32, #tpu.memory_space<vmem>>) target(%dma_start3A_236 : memref<256x128xf32, #tpu.memory_space<hbm>>) target_semaphore(%run_scoped3A : memref<!tpu.dma_semaphore, #tpu.memory_space<semaphore_mem>>)
      %dma_wait3A = arith.constant 0 : i32
      %dma_wait3A_237 = arith.constant 0 : i32
      %dma_wait3A_238 = tpu.memref_slice %arg7[%add3A, %dma_wait3A, %dma_wait3A_237] : memref<32x256x128xf32, #tpu.memory_space<hbm>> -> memref<1x256x128xf32, #tpu.memory_space<hbm>>
      %dma_wait3A_239 = tpu.memref_squeeze %dma_wait3A_238 : memref<1x256x128xf32, #tpu.memory_space<hbm>> -> memref<256x128xf32, #tpu.memory_space<hbm>>
      %dma_wait3A_240 = arith.constant 0 : i32
      %dma_wait3A_241 = arith.constant 0 : i32
      %dma_wait3A_242 = tpu.memref_slice %arg7[%add3A, %dma_wait3A_240, %dma_wait3A_241] : memref<32x256x128xf32, #tpu.memory_space<hbm>> -> memref<1x256x128xf32, #tpu.memory_space<hbm>>
      %dma_wait3A_243 = tpu.memref_squeeze %dma_wait3A_242 : memref<1x256x128xf32, #tpu.memory_space<hbm>> -> memref<256x128xf32, #tpu.memory_space<hbm>>
      tpu.wait_dma2 semaphore(%run_scoped3A : memref<!tpu.dma_semaphore, #tpu.memory_space<semaphore_mem>>) src(%arg16 : memref<256x128xf32, #tpu.memory_space<vmem>>) dst(%dma_wait3A_243 : memref<256x128xf32, #tpu.memory_space<hbm>>)
      tpu.yield
    }) : () -> ()
    "tpu.region"() ({
      %run_scoped3A = tpu.sem_alloc : memref<!tpu.dma_semaphore, #tpu.memory_space<semaphore_mem>>
      %dma_start3A_229 = arith.constant 0 : i32
      %dma_start3A_230 = arith.constant 0 : i32
      %dma_start3A_231 = tpu.memref_slice %arg11[%add3A, %dma_start3A_229, %dma_start3A_230] : memref<32x256x16xi32, #tpu.memory_space<hbm>> -> memref<1x256x16xi32, #tpu.memory_space<hbm>>
      %dma_start3A_232 = tpu.memref_squeeze %dma_start3A_231 : memref<1x256x16xi32, #tpu.memory_space<hbm>> -> memref<256x16xi32, #tpu.memory_space<hbm>>
      %dma_start3A_233 = arith.constant 0 : i32
      %dma_start3A_234 = arith.constant 0 : i32
      %dma_start3A_235 = tpu.memref_slice %arg11[%add3A, %dma_start3A_233, %dma_start3A_234] : memref<32x256x16xi32, #tpu.memory_space<hbm>> -> memref<1x256x16xi32, #tpu.memory_space<hbm>>
      %dma_start3A_236 = tpu.memref_squeeze %dma_start3A_235 : memref<1x256x16xi32, #tpu.memory_space<hbm>> -> memref<256x16xi32, #tpu.memory_space<hbm>>
      tpu.enqueue_dma source(%arg17 : memref<256x16xi32, #tpu.memory_space<vmem>>) target(%dma_start3A_236 : memref<256x16xi32, #tpu.memory_space<hbm>>) target_semaphore(%run_scoped3A : memref<!tpu.dma_semaphore, #tpu.memory_space<semaphore_mem>>)
      %dma_wait3A = arith.constant 0 : i32
      %dma_wait3A_237 = arith.constant 0 : i32
      %dma_wait3A_238 = tpu.memref_slice %arg11[%add3A, %dma_wait3A, %dma_wait3A_237] : memref<32x256x16xi32, #tpu.memory_space<hbm>> -> memref<1x256x16xi32, #tpu.memory_space<hbm>>
      %dma_wait3A_239 = tpu.memref_squeeze %dma_wait3A_238 : memref<1x256x16xi32, #tpu.memory_space<hbm>> -> memref<256x16xi32, #tpu.memory_space<hbm>>
      %dma_wait3A_240 = arith.constant 0 : i32
      %dma_wait3A_241 = arith.constant 0 : i32
      %dma_wait3A_242 = tpu.memref_slice %arg11[%add3A, %dma_wait3A_240, %dma_wait3A_241] : memref<32x256x16xi32, #tpu.memory_space<hbm>> -> memref<1x256x16xi32, #tpu.memory_space<hbm>>
      %dma_wait3A_243 = tpu.memref_squeeze %dma_wait3A_242 : memref<1x256x16xi32, #tpu.memory_space<hbm>> -> memref<256x16xi32, #tpu.memory_space<hbm>>
      tpu.wait_dma2 semaphore(%run_scoped3A : memref<!tpu.dma_semaphore, #tpu.memory_space<semaphore_mem>>) src(%arg17 : memref<256x16xi32, #tpu.memory_space<vmem>>) dst(%dma_wait3A_243 : memref<256x16xi32, #tpu.memory_space<hbm>>)
      tpu.yield
    }) : () -> ()
    "tpu.region"() ({
      %run_scoped3A = tpu.sem_alloc : memref<!tpu.dma_semaphore, #tpu.memory_space<semaphore_mem>>
      %dma_start3A_229 = arith.constant 0 : i32
      %dma_start3A_230 = tpu.memref_slice %arg9[%arg0, %mul3A_49, %dma_start3A_229] : memref<2x256x128xf32, #tpu.memory_space<hbm>> -> memref<1x16x128xf32, #tpu.memory_space<hbm>>
      %dma_start3A_231 = tpu.memref_squeeze %dma_start3A_230 : memref<1x16x128xf32, #tpu.memory_space<hbm>> -> memref<16x128xf32, #tpu.memory_space<hbm>>
      %dma_start3A_232 = arith.constant 0 : i32
      %dma_start3A_233 = tpu.memref_slice %arg18[%mul3A_49, %dma_start3A_232] : memref<256x128xf32, #tpu.memory_space<vmem_shared>> -> memref<16x128xf32, #tpu.memory_space<vmem_shared>>
      tpu.enqueue_dma source(%dma_start3A_233 : memref<16x128xf32, #tpu.memory_space<vmem_shared>>) target(%dma_start3A_231 : memref<16x128xf32, #tpu.memory_space<hbm>>) target_semaphore(%run_scoped3A : memref<!tpu.dma_semaphore, #tpu.memory_space<semaphore_mem>>)
      %dma_wait3A = arith.constant 0 : i32
      %dma_wait3A_234 = tpu.memref_slice %arg9[%arg0, %mul3A_49, %dma_wait3A] : memref<2x256x128xf32, #tpu.memory_space<hbm>> -> memref<1x16x128xf32, #tpu.memory_space<hbm>>
      %dma_wait3A_235 = tpu.memref_squeeze %dma_wait3A_234 : memref<1x16x128xf32, #tpu.memory_space<hbm>> -> memref<16x128xf32, #tpu.memory_space<hbm>>
      %dma_wait3A_236 = arith.constant 0 : i32
      %dma_wait3A_237 = tpu.memref_slice %arg18[%mul3A_49, %dma_wait3A_236] : memref<256x128xf32, #tpu.memory_space<vmem_shared>> -> memref<16x128xf32, #tpu.memory_space<vmem_shared>>
      tpu.wait_dma2 semaphore(%run_scoped3A : memref<!tpu.dma_semaphore, #tpu.memory_space<semaphore_mem>>) src(%dma_wait3A_237 : memref<16x128xf32, #tpu.memory_space<vmem_shared>>) dst(%dma_wait3A_235 : memref<16x128xf32, #tpu.memory_space<hbm>>)
      tpu.yield
    }) : () -> ()
    %barrier3A_221 = arith.constant 0 : index
    tpu.barrier barrier_id(%barrier3A_221)
    %scan3A_222 = arith.constant 0 : i32
    %scan3A_223 = arith.constant 0 : i32
    %scan3A_224 = arith.constant 256 : i32
    %scan3A_225 = arith.addi %scan3A_223, %scan3A_224 : i32
    %scan3A_226 = arith.constant 1 : i32
    %scan3A_227 = scf.for %scan3A_229 = %scan3A_223 to %scan3A_225 step %scan3A_226 iter_args(%scan3A_230 = %scan3A_222) -> (i32)  : i32 {
      %swap3A = arith.index_cast %scan3A_229 : i32 to index
      %swap3A_231 = arith.constant 0 : index
      %swap3A_232 = tpu.vector_load %arg16[%swap3A, %swap3A_231] {strides = array<i32>} : memref<256x128xf32, #tpu.memory_space<vmem>>, vector<16xf32>,
      tpu.vector_store %arg16[%swap3A, %swap3A_231], %broadcast_in_dim3A_1 {strides = array<i32>} : memref<256x128xf32, #tpu.memory_space<vmem>>, vector<16xf32>,
      %swap3A_233 = arith.index_cast %scan3A_229 : i32 to index
      %swap3A_234 = arith.constant 16 : index
      %swap3A_235 = tpu.vector_load %arg16[%swap3A_233, %swap3A_234] {strides = array<i32>} : memref<256x128xf32, #tpu.memory_space<vmem>>, vector<16xf32>,
      tpu.vector_store %arg16[%swap3A_233, %swap3A_234], %broadcast_in_dim3A_1 {strides = array<i32>} : memref<256x128xf32, #tpu.memory_space<vmem>>, vector<16xf32>,
      %swap3A_236 = arith.index_cast %scan3A_229 : i32 to index
      %swap3A_237 = arith.constant 32 : index
      %swap3A_238 = tpu.vector_load %arg16[%swap3A_236, %swap3A_237] {strides = array<i32>} : memref<256x128xf32, #tpu.memory_space<vmem>>, vector<16xf32>,
      tpu.vector_store %arg16[%swap3A_236, %swap3A_237], %broadcast_in_dim3A_1 {strides = array<i32>} : memref<256x128xf32, #tpu.memory_space<vmem>>, vector<16xf32>,
      %swap3A_239 = arith.index_cast %scan3A_229 : i32 to index
      %swap3A_240 = arith.constant 48 : index
      %swap3A_241 = tpu.vector_load %arg16[%swap3A_239, %swap3A_240] {strides = array<i32>} : memref<256x128xf32, #tpu.memory_space<vmem>>, vector<16xf32>,
      tpu.vector_store %arg16[%swap3A_239, %swap3A_240], %broadcast_in_dim3A_1 {strides = array<i32>} : memref<256x128xf32, #tpu.memory_space<vmem>>, vector<16xf32>,
      %swap3A_242 = arith.index_cast %scan3A_229 : i32 to index
      %swap3A_243 = arith.constant 64 : index
      %swap3A_244 = tpu.vector_load %arg16[%swap3A_242, %swap3A_243] {strides = array<i32>} : memref<256x128xf32, #tpu.memory_space<vmem>>, vector<16xf32>,
      tpu.vector_store %arg16[%swap3A_242, %swap3A_243], %broadcast_in_dim3A_1 {strides = array<i32>} : memref<256x128xf32, #tpu.memory_space<vmem>>, vector<16xf32>,
      %swap3A_245 = arith.index_cast %scan3A_229 : i32 to index
      %swap3A_246 = arith.constant 80 : index
      %swap3A_247 = tpu.vector_load %arg16[%swap3A_245, %swap3A_246] {strides = array<i32>} : memref<256x128xf32, #tpu.memory_space<vmem>>, vector<16xf32>,
      tpu.vector_store %arg16[%swap3A_245, %swap3A_246], %broadcast_in_dim3A_1 {strides = array<i32>} : memref<256x128xf32, #tpu.memory_space<vmem>>, vector<16xf32>,
      %swap3A_248 = arith.index_cast %scan3A_229 : i32 to index
      %swap3A_249 = arith.constant 96 : index
      %swap3A_250 = tpu.vector_load %arg16[%swap3A_248, %swap3A_249] {strides = array<i32>} : memref<256x128xf32, #tpu.memory_space<vmem>>, vector<16xf32>,
      tpu.vector_store %arg16[%swap3A_248, %swap3A_249], %broadcast_in_dim3A_1 {strides = array<i32>} : memref<256x128xf32, #tpu.memory_space<vmem>>, vector<16xf32>,
      %swap3A_251 = arith.index_cast %scan3A_229 : i32 to index
      %swap3A_252 = arith.constant 112 : index
      %swap3A_253 = tpu.vector_load %arg16[%swap3A_251, %swap3A_252] {strides = array<i32>} : memref<256x128xf32, #tpu.memory_space<vmem>>, vector<16xf32>,
      tpu.vector_store %arg16[%swap3A_251, %swap3A_252], %broadcast_in_dim3A_1 {strides = array<i32>} : memref<256x128xf32, #tpu.memory_space<vmem>>, vector<16xf32>,
      %swap3A_254 = arith.index_cast %scan3A_229 : i32 to index
      %swap3A_255 = arith.constant 0 : index
      %swap3A_256 = tpu.vector_load %arg17[%swap3A_254, %swap3A_255] {strides = array<i32>} : memref<256x16xi32, #tpu.memory_space<vmem>>, vector<16xi32>,
      tpu.vector_store %arg17[%swap3A_254, %swap3A_255], %broadcast_in_dim3A_3 {strides = array<i32>} : memref<256x16xi32, #tpu.memory_space<vmem>>, vector<16xi32>,
      %scan3A_257 = arith.constant 0 : i32
      scf.yield %scan3A_257 : i32
    }
    %scan3A_228 = arith.constant 256 : i32
    return
  }
}

module attributes {stable_mosaic.version = 14 : i64} {
  func.func @_tc_head_body(%arg0: memref<32x256x128xf32, #tpu.memory_space<vmem>>, %arg1: memref<32x256x128xf32, #tpu.memory_space<vmem>>, %arg2: memref<2x256x128xf32, #tpu.memory_space<vmem>>, %arg3: memref<2x256x128xf32, #tpu.memory_space<vmem>>, %arg4: memref<32x256x16xi32, #tpu.memory_space<vmem>>, %arg5: memref<32x256x16xi32, #tpu.memory_space<vmem>>, %arg6: memref<256x2xf32, #tpu.memory_space<vmem>>, %arg7: memref<1x2xf32, #tpu.memory_space<vmem>>, %arg8: memref<256x2xf32, #tpu.memory_space<vmem>>) attributes {dimension_semantics = [], scalar_prefetch = 0 : i64, scratch_operands = 0 : i64, tpu.core_type = #tpu.core_type<tc>} {
    %get3A = arith.constant 0 : index
    %get3A_0 = arith.constant 0 : index
    %get3A_1 = arith.constant 0 : index
    %get3A_2 = vector.load %arg0[%get3A, %get3A_0, %get3A_1] : memref<32x256x128xf32, #tpu.memory_space<vmem>>, vector<32x256x128xf32>
    %reduce_sum3A = arith.constant dense<0.000000e+00> : vector<256x128xf32>
    %reduce_sum3A_3 = vector.multi_reduction <add>, %get3A_2, %reduce_sum3A [0] : vector<32x256x128xf32> to vector<256x128xf32>
    %get3A_4 = arith.constant 0 : index
    %get3A_5 = arith.constant 0 : index
    %get3A_6 = arith.constant 0 : index
    %get3A_7 = vector.load %arg2[%get3A_4, %get3A_5, %get3A_6] : memref<2x256x128xf32, #tpu.memory_space<vmem>>, vector<1x256x128xf32>
    %get3A_8 = vector.shape_cast %get3A_7 : vector<1x256x128xf32> to vector<256x128xf32>
    %add3A = arith.addf %reduce_sum3A_3, %get3A_8 : vector<256x128xf32>
    %get3A_9 = arith.constant 1 : index
    %get3A_10 = arith.constant 0 : index
    %get3A_11 = arith.constant 0 : index
    %get3A_12 = vector.load %arg2[%get3A_9, %get3A_10, %get3A_11] : memref<2x256x128xf32, #tpu.memory_space<vmem>>, vector<1x256x128xf32>
    %get3A_13 = vector.shape_cast %get3A_12 : vector<1x256x128xf32> to vector<256x128xf32>
    %add3A_14 = arith.addf %add3A, %get3A_13 : vector<256x128xf32>
    %get3A_15 = arith.constant 0 : index
    %get3A_16 = arith.constant 0 : index
    %get3A_17 = arith.constant 0 : index
    %get3A_18 = vector.load %arg1[%get3A_15, %get3A_16, %get3A_17] : memref<32x256x128xf32, #tpu.memory_space<vmem>>, vector<32x256x128xf32>
    %reduce_sum3A_19 = arith.constant dense<0.000000e+00> : vector<256x128xf32>
    %reduce_sum3A_20 = vector.multi_reduction <add>, %get3A_18, %reduce_sum3A_19 [0] : vector<32x256x128xf32> to vector<256x128xf32>
    %get3A_21 = arith.constant 0 : index
    %get3A_22 = arith.constant 0 : index
    %get3A_23 = arith.constant 0 : index
    %get3A_24 = vector.load %arg3[%get3A_21, %get3A_22, %get3A_23] : memref<2x256x128xf32, #tpu.memory_space<vmem>>, vector<1x256x128xf32>
    %get3A_25 = vector.shape_cast %get3A_24 : vector<1x256x128xf32> to vector<256x128xf32>
    %add3A_26 = arith.addf %reduce_sum3A_20, %get3A_25 : vector<256x128xf32>
    %get3A_27 = arith.constant 1 : index
    %get3A_28 = arith.constant 0 : index
    %get3A_29 = arith.constant 0 : index
    %get3A_30 = vector.load %arg3[%get3A_27, %get3A_28, %get3A_29] : memref<2x256x128xf32, #tpu.memory_space<vmem>>, vector<1x256x128xf32>
    %get3A_31 = vector.shape_cast %get3A_30 : vector<1x256x128xf32> to vector<256x128xf32>
    %add3A_32 = arith.addf %add3A_26, %get3A_31 : vector<256x128xf32>
    %get3A_33 = arith.constant 0 : index
    %get3A_34 = arith.constant 0 : index
    %get3A_35 = arith.constant 0 : index
    %get3A_36 = vector.load %arg4[%get3A_33, %get3A_34, %get3A_35] : memref<32x256x16xi32, #tpu.memory_space<vmem>>, vector<32x256x16xi32>
    %reduce_max3A = arith.constant dense<-2147483648> : vector<256xi32>
    %reduce_max3A_37 = vector.multi_reduction <maxsi>, %get3A_36, %reduce_max3A [0, 2] : vector<32x256x16xi32> to vector<256xi32>
    %broadcast_in_dim3A = vector.shape_cast %reduce_max3A_37 : vector<256xi32> to vector<256x1xi32>
    %broadcast_in_dim3A_38 = arith.constant 0 : i32
    %broadcast_in_dim3A_39 = vector.broadcast %broadcast_in_dim3A_38 : i32 to vector<1x1xi32>
    %slice3A = vector.extract_strided_slice %broadcast_in_dim3A {offsets = [0, 0], sizes = [255, 1], strides = [1, 1]} : vector<256x1xi32> to vector<255x1xi32>
    %concatenate3A = tpu.concatenate %broadcast_in_dim3A_39, %slice3A in 0 : vector<1x1xi32>, vector<255x1xi32> -> vector<256x1xi32>
    %max3A = arith.maxsi %broadcast_in_dim3A, %concatenate3A : vector<256x1xi32>
    %broadcast_in_dim3A_40 = arith.constant 0 : i32
    %broadcast_in_dim3A_41 = vector.broadcast %broadcast_in_dim3A_40 : i32 to vector<2x1xi32>
    %slice3A_42 = vector.extract_strided_slice %max3A {offsets = [0, 0], sizes = [254, 1], strides = [1, 1]} : vector<256x1xi32> to vector<254x1xi32>
    %concatenate3A_43 = tpu.concatenate %broadcast_in_dim3A_41, %slice3A_42 in 0 : vector<2x1xi32>, vector<254x1xi32> -> vector<256x1xi32>
    %max3A_44 = arith.maxsi %max3A, %concatenate3A_43 : vector<256x1xi32>
    %broadcast_in_dim3A_45 = arith.constant 0 : i32
    %broadcast_in_dim3A_46 = vector.broadcast %broadcast_in_dim3A_45 : i32 to vector<4x1xi32>
    %slice3A_47 = vector.extract_strided_slice %max3A_44 {offsets = [0, 0], sizes = [252, 1], strides = [1, 1]} : vector<256x1xi32> to vector<252x1xi32>
    %concatenate3A_48 = tpu.concatenate %broadcast_in_dim3A_46, %slice3A_47 in 0 : vector<4x1xi32>, vector<252x1xi32> -> vector<256x1xi32>
    %max3A_49 = arith.maxsi %max3A_44, %concatenate3A_48 : vector<256x1xi32>
    %broadcast_in_dim3A_50 = arith.constant 0 : i32
    %broadcast_in_dim3A_51 = vector.broadcast %broadcast_in_dim3A_50 : i32 to vector<8x1xi32>
    %slice3A_52 = vector.extract_strided_slice %max3A_49 {offsets = [0, 0], sizes = [248, 1], strides = [1, 1]} : vector<256x1xi32> to vector<248x1xi32>
    %concatenate3A_53 = tpu.concatenate %broadcast_in_dim3A_51, %slice3A_52 in 0 : vector<8x1xi32>, vector<248x1xi32> -> vector<256x1xi32>
    %max3A_54 = arith.maxsi %max3A_49, %concatenate3A_53 : vector<256x1xi32>
    %broadcast_in_dim3A_55 = arith.constant 0 : i32
    %broadcast_in_dim3A_56 = vector.broadcast %broadcast_in_dim3A_55 : i32 to vector<16x1xi32>
    %slice3A_57 = vector.extract_strided_slice %max3A_54 {offsets = [0, 0], sizes = [240, 1], strides = [1, 1]} : vector<256x1xi32> to vector<240x1xi32>
    %concatenate3A_58 = tpu.concatenate %broadcast_in_dim3A_56, %slice3A_57 in 0 : vector<16x1xi32>, vector<240x1xi32> -> vector<256x1xi32>
    %max3A_59 = arith.maxsi %max3A_54, %concatenate3A_58 : vector<256x1xi32>
    %broadcast_in_dim3A_60 = arith.constant 0 : i32
    %broadcast_in_dim3A_61 = vector.broadcast %broadcast_in_dim3A_60 : i32 to vector<32x1xi32>
    %slice3A_62 = vector.extract_strided_slice %max3A_59 {offsets = [0, 0], sizes = [224, 1], strides = [1, 1]} : vector<256x1xi32> to vector<224x1xi32>
    %concatenate3A_63 = tpu.concatenate %broadcast_in_dim3A_61, %slice3A_62 in 0 : vector<32x1xi32>, vector<224x1xi32> -> vector<256x1xi32>
    %max3A_64 = arith.maxsi %max3A_59, %concatenate3A_63 : vector<256x1xi32>
    %broadcast_in_dim3A_65 = arith.constant 0 : i32
    %broadcast_in_dim3A_66 = vector.broadcast %broadcast_in_dim3A_65 : i32 to vector<64x1xi32>
    %slice3A_67 = vector.extract_strided_slice %max3A_64 {offsets = [0, 0], sizes = [192, 1], strides = [1, 1]} : vector<256x1xi32> to vector<192x1xi32>
    %concatenate3A_68 = tpu.concatenate %broadcast_in_dim3A_66, %slice3A_67 in 0 : vector<64x1xi32>, vector<192x1xi32> -> vector<256x1xi32>
    %max3A_69 = arith.maxsi %max3A_64, %concatenate3A_68 : vector<256x1xi32>
    %broadcast_in_dim3A_70 = arith.constant 0 : i32
    %broadcast_in_dim3A_71 = vector.broadcast %broadcast_in_dim3A_70 : i32 to vector<128x1xi32>
    %slice3A_72 = vector.extract_strided_slice %max3A_69 {offsets = [0, 0], sizes = [128, 1], strides = [1, 1]} : vector<256x1xi32> to vector<128x1xi32>
    %concatenate3A_73 = tpu.concatenate %broadcast_in_dim3A_71, %slice3A_72 in 0 : vector<128x1xi32>, vector<128x1xi32> -> vector<256x1xi32>
    %max3A_74 = arith.maxsi %max3A_69, %concatenate3A_73 : vector<256x1xi32>
    %broadcast_in_dim3A_75 = arith.constant 0 : i32
    %broadcast_in_dim3A_76 = vector.broadcast %broadcast_in_dim3A_75 : i32 to vector<1x1xi32>
    %slice3A_77 = vector.extract_strided_slice %max3A_74 {offsets = [0, 0], sizes = [255, 1], strides = [1, 1]} : vector<256x1xi32> to vector<255x1xi32>
    %concatenate3A_78 = tpu.concatenate %broadcast_in_dim3A_76, %slice3A_77 in 0 : vector<1x1xi32>, vector<255x1xi32> -> vector<256x1xi32>
    %sub3A = arith.subi %max3A_74, %concatenate3A_78 : vector<256x1xi32>
    %convert_element_type3A = arith.sitofp %sub3A : vector<256x1xi32> to vector<256x1xf32>
    %get3A_79 = arith.constant 0 : index
    %get3A_80 = arith.constant 0 : index
    %get3A_81 = arith.constant 0 : index
    %get3A_82 = vector.load %arg5[%get3A_79, %get3A_80, %get3A_81] : memref<32x256x16xi32, #tpu.memory_space<vmem>>, vector<32x256x16xi32>
    %reduce_max3A_83 = arith.constant dense<-2147483648> : vector<256xi32>
    %reduce_max3A_84 = vector.multi_reduction <maxsi>, %get3A_82, %reduce_max3A_83 [0, 2] : vector<32x256x16xi32> to vector<256xi32>
    %broadcast_in_dim3A_85 = vector.shape_cast %reduce_max3A_84 : vector<256xi32> to vector<256x1xi32>
    %broadcast_in_dim3A_86 = arith.constant 0 : i32
    %broadcast_in_dim3A_87 = vector.broadcast %broadcast_in_dim3A_86 : i32 to vector<1x1xi32>
    %slice3A_88 = vector.extract_strided_slice %broadcast_in_dim3A_85 {offsets = [0, 0], sizes = [255, 1], strides = [1, 1]} : vector<256x1xi32> to vector<255x1xi32>
    %concatenate3A_89 = tpu.concatenate %broadcast_in_dim3A_87, %slice3A_88 in 0 : vector<1x1xi32>, vector<255x1xi32> -> vector<256x1xi32>
    %max3A_90 = arith.maxsi %broadcast_in_dim3A_85, %concatenate3A_89 : vector<256x1xi32>
    %broadcast_in_dim3A_91 = arith.constant 0 : i32
    %broadcast_in_dim3A_92 = vector.broadcast %broadcast_in_dim3A_91 : i32 to vector<2x1xi32>
    %slice3A_93 = vector.extract_strided_slice %max3A_90 {offsets = [0, 0], sizes = [254, 1], strides = [1, 1]} : vector<256x1xi32> to vector<254x1xi32>
    %concatenate3A_94 = tpu.concatenate %broadcast_in_dim3A_92, %slice3A_93 in 0 : vector<2x1xi32>, vector<254x1xi32> -> vector<256x1xi32>
    %max3A_95 = arith.maxsi %max3A_90, %concatenate3A_94 : vector<256x1xi32>
    %broadcast_in_dim3A_96 = arith.constant 0 : i32
    %broadcast_in_dim3A_97 = vector.broadcast %broadcast_in_dim3A_96 : i32 to vector<4x1xi32>
    %slice3A_98 = vector.extract_strided_slice %max3A_95 {offsets = [0, 0], sizes = [252, 1], strides = [1, 1]} : vector<256x1xi32> to vector<252x1xi32>
    %concatenate3A_99 = tpu.concatenate %broadcast_in_dim3A_97, %slice3A_98 in 0 : vector<4x1xi32>, vector<252x1xi32> -> vector<256x1xi32>
    %max3A_100 = arith.maxsi %max3A_95, %concatenate3A_99 : vector<256x1xi32>
    %broadcast_in_dim3A_101 = arith.constant 0 : i32
    %broadcast_in_dim3A_102 = vector.broadcast %broadcast_in_dim3A_101 : i32 to vector<8x1xi32>
    %slice3A_103 = vector.extract_strided_slice %max3A_100 {offsets = [0, 0], sizes = [248, 1], strides = [1, 1]} : vector<256x1xi32> to vector<248x1xi32>
    %concatenate3A_104 = tpu.concatenate %broadcast_in_dim3A_102, %slice3A_103 in 0 : vector<8x1xi32>, vector<248x1xi32> -> vector<256x1xi32>
    %max3A_105 = arith.maxsi %max3A_100, %concatenate3A_104 : vector<256x1xi32>
    %broadcast_in_dim3A_106 = arith.constant 0 : i32
    %broadcast_in_dim3A_107 = vector.broadcast %broadcast_in_dim3A_106 : i32 to vector<16x1xi32>
    %slice3A_108 = vector.extract_strided_slice %max3A_105 {offsets = [0, 0], sizes = [240, 1], strides = [1, 1]} : vector<256x1xi32> to vector<240x1xi32>
    %concatenate3A_109 = tpu.concatenate %broadcast_in_dim3A_107, %slice3A_108 in 0 : vector<16x1xi32>, vector<240x1xi32> -> vector<256x1xi32>
    %max3A_110 = arith.maxsi %max3A_105, %concatenate3A_109 : vector<256x1xi32>
    %broadcast_in_dim3A_111 = arith.constant 0 : i32
    %broadcast_in_dim3A_112 = vector.broadcast %broadcast_in_dim3A_111 : i32 to vector<32x1xi32>
    %slice3A_113 = vector.extract_strided_slice %max3A_110 {offsets = [0, 0], sizes = [224, 1], strides = [1, 1]} : vector<256x1xi32> to vector<224x1xi32>
    %concatenate3A_114 = tpu.concatenate %broadcast_in_dim3A_112, %slice3A_113 in 0 : vector<32x1xi32>, vector<224x1xi32> -> vector<256x1xi32>
    %max3A_115 = arith.maxsi %max3A_110, %concatenate3A_114 : vector<256x1xi32>
    %broadcast_in_dim3A_116 = arith.constant 0 : i32
    %broadcast_in_dim3A_117 = vector.broadcast %broadcast_in_dim3A_116 : i32 to vector<64x1xi32>
    %slice3A_118 = vector.extract_strided_slice %max3A_115 {offsets = [0, 0], sizes = [192, 1], strides = [1, 1]} : vector<256x1xi32> to vector<192x1xi32>
    %concatenate3A_119 = tpu.concatenate %broadcast_in_dim3A_117, %slice3A_118 in 0 : vector<64x1xi32>, vector<192x1xi32> -> vector<256x1xi32>
    %max3A_120 = arith.maxsi %max3A_115, %concatenate3A_119 : vector<256x1xi32>
    %broadcast_in_dim3A_121 = arith.constant 0 : i32
    %broadcast_in_dim3A_122 = vector.broadcast %broadcast_in_dim3A_121 : i32 to vector<128x1xi32>
    %slice3A_123 = vector.extract_strided_slice %max3A_120 {offsets = [0, 0], sizes = [128, 1], strides = [1, 1]} : vector<256x1xi32> to vector<128x1xi32>
    %concatenate3A_124 = tpu.concatenate %broadcast_in_dim3A_122, %slice3A_123 in 0 : vector<128x1xi32>, vector<128x1xi32> -> vector<256x1xi32>
    %max3A_125 = arith.maxsi %max3A_120, %concatenate3A_124 : vector<256x1xi32>
    %broadcast_in_dim3A_126 = arith.constant 0 : i32
    %broadcast_in_dim3A_127 = vector.broadcast %broadcast_in_dim3A_126 : i32 to vector<1x1xi32>
    %slice3A_128 = vector.extract_strided_slice %max3A_125 {offsets = [0, 0], sizes = [255, 1], strides = [1, 1]} : vector<256x1xi32> to vector<255x1xi32>
    %concatenate3A_129 = tpu.concatenate %broadcast_in_dim3A_127, %slice3A_128 in 0 : vector<1x1xi32>, vector<255x1xi32> -> vector<256x1xi32>
    %sub3A_130 = arith.subi %max3A_125, %concatenate3A_129 : vector<256x1xi32>
    %convert_element_type3A_131 = arith.sitofp %sub3A_130 : vector<256x1xi32> to vector<256x1xf32>
    %max3A_132 = arith.constant 1.000000e+00 : f32
    %max3A_133 = vector.broadcast %max3A_132 : f32 to vector<256x1xf32>
    %max3A_134 = arith.maximumf %convert_element_type3A, %max3A_133 : vector<256x1xf32>
    %div3A = vector.broadcast %max3A_134 : vector<256x1xf32> to vector<256x128xf32>
    %div3A_135 = arith.divf %add3A_14, %div3A : vector<256x128xf32>
    %max3A_136 = arith.constant 1.000000e+00 : f32
    %max3A_137 = vector.broadcast %max3A_136 : f32 to vector<256x1xf32>
    %max3A_138 = arith.maximumf %convert_element_type3A_131, %max3A_137 : vector<256x1xf32>
    %div3A_139 = vector.broadcast %max3A_138 : vector<256x1xf32> to vector<256x128xf32>
    %div3A_140 = arith.divf %add3A_32, %div3A_139 : vector<256x128xf32>
    %concatenate3A_141 = tpu.concatenate %div3A_135, %div3A_140 in 1 : vector<256x128xf32>, vector<256x128xf32> -> vector<256x256xf32>
    %get3A_142 = arith.constant 0 : index
    %get3A_143 = arith.constant 0 : index
    %get3A_144 = vector.load %arg6[%get3A_142, %get3A_143] : memref<256x2xf32, #tpu.memory_space<vmem>>, vector<256x2xf32>
    %dot_general3A = arith.constant dense<0.000000e+00> : vector<256x2xf32>
    %dot_general3A_145 = tpu.matmul %concatenate3A_141, %get3A_144, %dot_general3A {dimension_numbers = #tpu.dot_dimension_numbers<[1], [0], [0], [1], [0, 0, 1, 1], [], []>, transpose_lhs_hint = false} : vector<256x256xf32>, vector<256x2xf32>, vector<256x2xf32> -> vector<256x2xf32>
    %get3A_146 = arith.constant 0 : index
    %get3A_147 = arith.constant 0 : index
    %get3A_148 = vector.load %arg7[%get3A_146, %get3A_147] : memref<1x2xf32, #tpu.memory_space<vmem>>, vector<1x2xf32>
    %add3A_149 = vector.broadcast %get3A_148 : vector<1x2xf32> to vector<256x2xf32>
    %add3A_150 = arith.addf %dot_general3A_145, %add3A_149 : vector<256x2xf32>
    %swap3A = arith.constant 0 : index
    %swap3A_151 = arith.constant 0 : index
    %swap3A_152 = vector.load %arg8[%swap3A, %swap3A_151] : memref<256x2xf32, #tpu.memory_space<vmem>>, vector<256x2xf32>
    tpu.vector_store %arg8[%swap3A, %swap3A_151], %add3A_150 {strides = array<i32>} : memref<256x2xf32, #tpu.memory_space<vmem>>, vector<256x2xf32>,
    return
  }
}

</mosaic_0001>

<sc_bundles>
// kernel: kernel.4.cloned.1.call-start
scs
__scs_entry_jumppad:
0x0: {  	(pc) =	sbr.rel $0x88, $3  }
0x1: {  	(tag) =	ssettag $0x0;
	lr =	simm.s32 $0x1  }
0x2: {  	[smem:$0x3F9B] =	sst lr;
	_ =	strace $0xD0000000  }
0x3: {  	_ = 	snop  }
0x4: {  	_ = 	snop  }
0x5: {  	_ = 	snop  }
0x6: {  	_ = 	snop  }
0x7: {  	_ = 	snop  }
__scs_overlays_trampoline_lowered:
0x8: {  	[smem:$0x3FAA] =	sst s0  }
0x9: {  	[smem:$0x3FAB] =	sst s1  }
0xa: {  	[smem:$0x3FAC] =	sst s2  }
0xb: {  	[smem:$0x3FAD] =	sst s3  }
0xc: {  	[smem:$0x3FAE] =	sst s4  }
0xd: {  	[smem:$0x3FAF] =	sst s5  }
0xe: {  	[smem:$0x3FB0] =	sst s6  }
0xf: {  	[smem:$0x3FB1] =	sst s7  }
0x10: {  	[smem:$0x3FB2] =	sst s8  }
0x11: {  	[smem:$0x3FB3] =	sst s9;
	s0 =	simm.s32 @!p0 $0x0  }
0x12: {  	s1 =	sld [smem:$0x3F99];
	s0 =	simm.s32 @p0 $0x1  }
0x13: {  	[smem:$0x3FB4] =	sst s0;
	s0 =	simm.s32 @!p1 $0x0  }
0x14: {  	s2 =	sld [smem:$0x3F98];
	s0 =	simm.s32 @p1 $0x1  }
0x15: {  	[smem:$0x3FB5] =	sst s0;
	s0 =	simm.s32 @!p2 $0x0  }
0x16: {  	s3 =	sld [smem:$0x3FDB];
	s0 =	simm.s32 @p2 $0x1  }
0x17: {  	s4 =	simm.s32 $0x1BF5;
	[smem:$0x3FB7] =	sst s0  }
0x18: {  	s0 =	sld [smem:$0x3F9A];
	_ =	swait.ge [sflag:s4], $0x0  }
0x19: {  	s7 =	sld [smem:$0x3F9B]  }
0x1a: {  	s8 =	sadd.s32 $0xFFFFE003, lr  }
0x1b: {  	s9 =	sadd.s32 $0xFFFFFEF7, lr;
	s5 =	simm.s32 $0xFFFFFFFF;
	p2 =	slt.u32 s8, $0xFFFFF086  }
0x1c: {  	p1 =	slt.u32 s9, $0xF7A;
	s5 =	simm.s32 @!p2 $0x0  }
0x1d: {  	s5 =	simm.s32 @p1 $0x1;
	p0 =	seq.s32 s7, s2  }
0x1e: {  	s7 =	smul.u32 @!p0 $0xF7A, s2;
	p2 =	seq.s32 @!p0 s5, $0x0  }
0x1f: {  	s9 =	smul.u32 $0xF7A, s1;
	s8 =	simm.s32 @!p0 $0x1BF5;
	p2 =	por !p2, p0  }
0x20: {  	[sflag:s8] =	ssyncset.s32 @!p0 $0xFFFFF086;
	s6 =	sadd.s32 @!p0 s3, s7;
	s7 =	simm.s32 @!p0 $0x108  }
0x21: {  	s3 =	sadd.s32 s3, s9;
	s6 =	sadd.s32 @!p0 $0x88, s6;
	s7 =	simm.s32 @p2 $0x1082  }
0x22: {  	[simem:s7], [sflag:s8] =	dma.local @!p0 [hbm:s6], $0xF7A  }
0x23: {  	s9 =	sor.u32 $0xD0000000, s2;
	s6 =	simm.s32 $0x108;
	_ =	swait.ge @!p0 [sflag:s8], $0x0  }
0x24: {  	s3 =	sadd.s32 $0x88, s3;
	s6 =	simm.s32 @!p1 $0x1082;
	[sflag:s4] =	ssyncset.s32 $0xFFFFF086  }
0x25: {  	[simem:s6], [sflag:s4] =	dma.local [hbm:s3], $0xF7A  }
0x26: {  	[smem:$0x3F9B] =	sst s1;
	(tag) =	ssettag s2;
	_ =	strace s9  }
0x27: {  	s1 =	sld [smem:$0x3FAB]  }
0x28: {  	s2 =	sld [smem:$0x3FAC]  }
0x29: {  	s4 =	sld [smem:$0x3FAE]  }
0x2a: {  	p0 =	seq.s32 s5, $0x0;
	s5 =	sld [smem:$0x3FAF]  }
0x2b: {  	s6 =	sld [smem:$0x3FB0]  }
0x2c: {  	s7 =	sld [smem:$0x3FB1]  }
0x2d: {  	s3 =	simm.s32 $0x108;
	s8 =	sld [smem:$0x3FB2]  }
0x2e: {  	s3 =	simm.s32 @!p0 $0x1082;
	s9 =	sld [smem:$0x3FB3]  }
0x2f: {  	lr =	sadd.s32 s0, s3;
	s0 =	sld [smem:$0x3FAA]  }
0x30: {  	s3 =	sld [smem:$0x3FAD]  }
0x31: {  	[smem:$0x3FB6] =	sst s10  }
0x32: {  	s10 =	sld [smem:$0x3FB4];
	_ =	sdelay $0x3  }
0x33: {  	p0 =	seq.s32 s10, $0x1;
	s10 =	sld [smem:$0x3FB6];
	_ =	sdelay $0x3  }
0x34: {  	[smem:$0x3FB6] =	sst s10  }
0x35: {  	s10 =	sld [smem:$0x3FB5];
	_ =	sdelay $0x3  }
0x36: {  	p1 =	seq.s32 s10, $0x1;
	s10 =	sld [smem:$0x3FB6];
	_ =	sdelay $0x3  }
0x37: {  	[smem:$0x3FB6] =	sst s10  }
0x38: {  	s10 =	sld [smem:$0x3FB7]  }
0x39: {  	_ = 	snop;
	(pc) =	sbr.ind lr, $3  }
0x3a: {  	_ = 	snop  }
0x3b: {  	_ = 	snop  }
0x3c: {  	p2 =	seq.s32 s10, $0x1;
	s10 =	sld [smem:$0x3FB6]  }
0x3d: {  	_ =	shalt  }
0x3e: {  	_ =	shalt  }
0x3f: {  	_ =	shalt  }
0x40: {  	_ =	shalt  }
0x41: {  	_ =	shalt  }
0x42: {  	_ =	shalt  }
0x43: {  	_ =	shalt  }
0x44: {  	_ =	shalt  }
0x45: {  	_ =	shalt  }
0x46: {  	_ =	shalt  }
0x47: {  	_ =	shalt  }
0x48: {  	_ =	shalt  }
0x49: {  	_ =	shalt  }
0x4a: {  	_ =	shalt  }
0x4b: {  	_ =	shalt  }
0x4c: {  	_ =	shalt  }
0x4d: {  	_ =	shalt  }
0x4e: {  	_ =	shalt  }
0x4f: {  	_ =	shalt  }
0x50: {  	_ =	shalt  }
0x51: {  	_ =	shalt  }
0x52: {  	_ =	shalt  }
0x53: {  	_ =	shalt  }
0x54: {  	_ =	shalt  }
0x55: {  	_ =	shalt  }
0x56: {  	_ =	shalt  }
0x57: {  	_ =	shalt  }
0x58: {  	_ =	shalt  }
0x59: {  	_ =	shalt  }
0x5a: {  	_ =	shalt  }
0x5b: {  	_ =	shalt  }
0x5c: {  	_ =	shalt  }
0x5d: {  	_ =	shalt  }
0x5e: {  	_ =	shalt  }
0x5f: {  	_ =	shalt  }
0x60: {  	_ =	shalt  }
0x61: {  	_ =	shalt  }
0x62: {  	_ =	shalt  }
0x63: {  	_ =	shalt  }
0x64: {  	_ =	shalt  }
0x65: {  	_ =	shalt  }
0x66: {  	_ =	shalt  }
0x67: {  	_ =	shalt  }
0x68: {  	_ =	shalt  }
0x69: {  	_ =	shalt  }
0x6a: {  	_ =	shalt  }
0x6b: {  	_ =	shalt  }
0x6c: {  	_ =	shalt  }
0x6d: {  	_ =	shalt  }
0x6e: {  	_ =	shalt  }
0x6f: {  	_ =	shalt  }
0x70: {  	_ =	shalt  }
0x71: {  	_ =	shalt  }
0x72: {  	_ =	shalt  }
0x73: {  	_ =	shalt  }
0x74: {  	_ =	shalt  }
0x75: {  	_ =	shalt  }
0x76: {  	_ =	shalt  }
0x77: {  	_ =	shalt  }
0x78: {  	_ =	shalt  }
0x79: {  	_ =	shalt  }
0x7a: {  	_ =	shalt  }
0x7b: {  	_ =	shalt  }
0x7c: {  	_ =	shalt  }
0x7d: {  	_ =	shalt  }
0x7e: {  	_ =	shalt  }
0x7f: {  	_ =	shalt  }
0x80: {  	_ =	shalt  }
0x81: {  	_ =	shalt  }
0x82: {  	_ =	shalt  }
0x83: {  	_ =	shalt  }
0x84: {  	_ =	shalt  }
0x85: {  	_ =	shalt  }
0x86: {  	_ =	shalt  }
0x87: {  	_ =	shalt  }
.Lfunc_end0:
.L_simem_size_0:
called_computation_lowered:
.L_overlay_start_0:
0x88: {  	s2 =	sld [smem:$0x3FD9]  }
0x89: {  	s3 =	sld [smem:$0x3FFE];
	_ =	sdelay $0x1  }
0x8a: {  	s1 =	srdreg.scid  }
0x8b: {  	s0 =	sand.u32 $0x1, s1  }
0x8c: {  	s17 =	sshll.u32 s0, $0xA;
	s2 =	sadd.s32 s3, s2  }
0x8d: {  	s2 =	sadd.s32 s2, s17  }
0x8e: {  	[smem:$0x3FC2] =	sst s2  }
0x8f: {  	_ = 	snop  }
0x90: {  	s2 =	sld [smem:$0x3FC9]  }
0x91: {  	s18 =	sld [smem:$0x3FC8];
	(tm) =	ssettm $0x1  }
0x92: {  	s4 =	sld [smem:$0x3FFB];
	_ =	sdelay $0x3  }
0x93: {  	_ =	strace s4  }
0x94: {  	s4 =	sld [smem:$0x3FFC];
	_ =	sdelay $0x3  }
0x95: {  	_ =	strace s4  }
0x96: {  	s4 =	sld [smem:$0x3FFD];
	_ =	sdelay $0x3  }
0x97: {  	_ =	strace s4  }
0x98: {  	_ =	strace $0x8FFFFFFF  }
0x99: {  	s19 =	sld [smem:$0x3FDB];
	_ =	sdelay $0x1  }
0x9a: {  	s5 =	simm.s32 $_scs_section_size  }
0x9b: {  	s6 =	simm.s32 $_size__tile_overlayer_lowered;
	s7 =	simm.s32 $_tile_overlayer_lowered  }
0x9c: {  	s22 =	simm.s32 $0x1BFF;
	s21 =	sshll.u32 s7, $0x1;
	s4 =	sadd.s32 s5, s19  }
0x9d: {  	s8 =	simm.s32 $0x0;
	s20 =	sshll.u32 s6, $0x1;
	s6 =	sadd.s32 s21, s4  }
0x9e: {  	[timem:s8], [sflag:s22] =	dma.local [hbm:s6], s20  }
0x9f: {  	_ =	swait.ge [sflag:s22], s20  }
0xa0: {  	s5 =	ssub.s32 $0x0, s20;
	[sflag:s22] =	ssyncset.done $0x0  }
0xa1: {  	[sflag:s22] =	ssyncadd.s32 s5;
	_ =	sdelay $0x1  }
0xa2: {  	s23 =	simm.s32 $0x1B8B  }
0xa3: {  	_ =	swait.ge [sflag:s23], $0x1  }
0xa4: {  	[sflag:s23] =	ssyncset.done $0x0  }
0xa5: {  	s25 =	simm.s32 $0x1B8E;
	s24 =	sld [smem:$0x3FFE];
	[sflag:s23] =	ssyncadd.s32 $0xFFFFFFFF  }
0xa6: {  	s26 =	simm.s32 $execute0_lowered;
	[smem:$0x3FD2] =	sst s25  }
0xa7: {  	s6 =	sshll.u32 s26, $0x1;
	_ =	strace $0x80000046;
	[dreg:$0x1] =	wrdreg $0xFFFFFFFF  }
0xa8: {  	s28 =	simm.s32 $_size_execute0_lowered;
	s4 =	sadd.s32 s4, s6;
	[dreg:$0x0] =	wrdreg $0x0  }
0xa9: {  	s6 =	sshll.u32 s28, $0x1;
	[dreg:$0x2] =	wrdreg s4  }
0xaa: {  	[dreg:$0x3] =	wrdreg s6  }
0xab: {  	[dreg:$0x4] =	wrdreg $0xC0  }
0xac: {  	_ =	task [dreg:s8], $0x5FFFF  }
0xad: {  	[dreg:$0x1] =	wrdreg $0xFFFFFFFF  }
0xae: {  	[dreg:$0x0] =	wrdreg $0x60  }
0xaf: {  	[dreg:$0x2] =	wrdreg s2  }
0xb0: {  	[dreg:$0x3] =	wrdreg s24  }
0xb1: {  	[dreg:$0x4] =	wrdreg s18  }
0xb2: {  	[dreg:$0x5] =	wrdreg $0x1E8000  }
0xb3: {  	[dreg:$0x6] =	wrdreg $0x9  }
0xb4: {  	_ =	task.clear_ibuf [dreg:s8], $0x7FFFF;
	_ =	strace $0x90000046  }
0xb5: {  	s29 =	simm.s32 $0x9;
	_ =	strace $0x80000048  }
0xb6: {  	_ =	swait.ge [sflag:s29], $0x1  }
0xb7: {  	[sflag:s29] =	ssyncadd.s32 $0xFFFFFFFF  }
0xb8: {  	_ =	strace $0x90000048  }
0xb9: {  	_ =	sfence  }
0xba: {  	s30 =	sld [smem:$0x0];
	_ =	sdelay $0x2  }
0xbb: {  	s31 =	sshll.u32 s1, $0xD;
	s1 =	sshrl.u32 s1, $0x2  }
0xbc: {  	s3 =	sand.u32 $0x4000, s31;
	s1 =	sadd.s32 s1, s30  }
0xbd: {  	s0 =	sor.u32 s3, s0;
	s1 =	sshll.u32 s1, $0x11  }
0xbe: {  	s0 =	sor.u32 s1, s0  }
0xbf: {  	s0 =	sadd.s32 $0x8F2B, s0  }
0xc0: {  	[sflag:s0] =	ssyncadd.remote.s32 $0x1  }
0xc1: {  	_ =	sfence.sel $0xFFFF  }
0xc2: {  	[dreg:$0x0] =	wrdreg $0xFFFFFFFF;
	(pc) =	sbr.abs _section_cstart, $3  }
0xc3: {  	[dreg:$0x1] =	wrdreg $0xFFFFFFFF  }
0xc4: {  	_ =	task.clear_ibuf [dreg:s8], $0x2FFFF;
	_ =	strace $0x9FFFFFFF  }
0xc5: {  	(tm) =	ssettm $0x7FFFFFFF  }
tec
execute0_lowered:
.L_overlay_start_1:
0x0: {  	(tag) =	ssettag $0x1  }
0x1: {  	s1 =	rddreg [dreg:$0x0]  }
0x2: {  	s0 =	srdreg.scid;
	s2 =	rddreg [dreg:$0x1]  }
0x3: {  	s12 =	stileid.u32;
	s3 =	rddreg [dreg:$0x2];
	s5 =	simm.s32 $0x0  }
0x4: {  	s30 =	simm.s32 $0x5;
	s31 =	simm.s32 $0x4000;
	s0 =	sand.u32 $0x1, s0  }
0x5: {  	s4 =	sshll.u32 s12, $0x1;
	[smem:$0x7FF] =	sst s5;
	p1 =	slt.u32 s12, $0xC  }
0x6: {  	p0 =	slt.u32 s12, $0xE;
	s12 =	sshll.u32 s12, $0xB;
	s9 =	sor.u32 s0, s4  }
0x7: {  	s4 =	rddreg [dreg:$0x3];
	_ =	strace $0x80000047;
	s6 =	smul.u32 $0x48, s9  }
0x8: {  	s17 =	sshll.u32 s0, $0xF;
	s0 =	ssub.s32 $0x2, s0;
	s7 =	smul.u32 $0x50, s9  }
0x9: {  	s8 =	smul.u32 $0x28, s9;
	s10 =	sshll.u32 s9, $0x5;
	s18 =	sor.u32 s12, s17  }
0xa: {  	p2 =	seq.s32 s9, $0x1F;
	s19 =	sshll.u32 s9, $0xC;
	s16 =	sshrl.u32 s0, $0x1  }
0xb: {  	s9 =	simm.s32 $0x22;
	s0 =	ssub.s32 s0, s16;
	s6 =	sadd.s32 $0xC0, s6  }
0xc: {  	s9 =	simm.s32 @!p2 $0x20;
	s0 =	smax.u32 s0, $0x1;
	s6 =	smov.u32 @p1 s7  }
0xd: {  	s9 =	simm.s32 @p0 $0x28;
	[dreg:$0x11] =	wrdreg s0;
	s7 =	sshll.u32 s6, $0x4  }
0xe: {  	s29 =	sadd.s32 $0xFFFFFFFE, s9;
	s20 =	sshll.u32 s6, $0xB;
	s11 =	sadd.s32 s7, s2  }
0xf: {  	s7 =	sadd.s32 $0xE0, s10;
	s10 =	sshrl.u32 s18, $0x3;
	s22 =	sand.u32 $0x1FFFC000, s20  }
0x10: {  	s18 =	sadd.s32 $0xFFFFFFFF, s9;
	s7 =	smov.u32 @p0 s8;
	s8 =	simm.s32 $0x4C  }
0x11: {  	s14 =	sadd.s32 s10, s2;
	s10 =	sadd.s32 s12, s4;
	s12 =	sadd.s32 $0xE800, s12  }
0x12: {  	s23 =	smul.u32 $0x56, s18;
	s11 =	sadd.s32 $0x1800, s11;
	[dreg:$0x6] =	wrdreg s12  }
0x13: {  	s13 =	sshll.u32 s7, $0x4;
	s8 =	simm.s32 @!p2 $0x48;
	[dreg:$0x7] =	wrdreg s11  }
0x14: {  	s13 =	sadd.s32 s13, s2;
	s2 =	sadd.s32 s19, s2;
	s19 =	sadd.s32 s1, s22  }
0x15: {  	s8 =	simm.s32 @p1 $0x50;
	s22 =	sadd.s32 $0x92600, s14;
	[dreg:$0x5] =	wrdreg s19  }
0x16: {  	s28 =	sshrl.u32 s23, $0x8;
	s24 =	sadd.s32 $0x800, s19;
	[dreg:$0x10] =	wrdreg s22  }
0x17: {  	s15 =	sadd.s32 $0xFFFFFFFF, s8;
	s26 =	sadd.s32 $0x10600, s2;
	[dreg:$0x8] =	wrdreg s24  }
0x18: {  	s12 =	smul.u32 $0x3, s28;
	s19 =	sadd.s32 $0x90600, s14;
	[dreg:$0x9] =	wrdreg s26  }
0x19: {  	s13 =	sadd.s32 $0xB600, s13;
	s14 =	simm.s32 $0xE800;
	[dreg:$0xb] =	wrdreg s19  }
0x1a: {  	s17 =	smul.u32 $0x56, s15;
	[dreg:$0xc] =	wrdreg s13;
	s26 =	sshll.u32 s7, $0x7  }
0x1b: {  	s12 =	ssub.s32 s18, s12;
	s0 =	sor.u32 $0x1, s26;
	s26 =	sadd.s32 $0xFFFFFFFE, s8  }
0x1c: {  	s18 =	simm.s32 $0x0;
	s21 =	sshrl.u32 s17, $0x8;
	s17 =	sshll.u32 s7, $0xB  }
0x1d: {  	s24 =	sand.u32 $0xFF, s12;
	[dreg:$0x13] =	wrdreg s0;
	s0 =	simm.s32 $0x3  }
0x1e: {  	s16 =	smul.u32 $0x3, s21;
	s20 =	sand.u32 $0x1FFFC000, s17;
	s21 =	sadd.s32 $0x30600, s2  }
0x1f: {  	p1 =	sgt.u32 s24, $0x1;
	s17 =	simm.s32 $0x1;
	s13 =	sadd.s32 s3, s20  }
0x20: {  	[dreg:$0xe] =	wrdreg s21;
	s25 =	ssub.s32 s15, s16;
	s16 =	sadd.s32 $0x50600, s2  }
0x21: {  	s2 =	sadd.s32 $0x70600, s2;
	[dreg:$0xd] =	wrdreg s13;
	s28 =	sadd.s32 $0x800, s13  }
0x22: {  	v0 =	vlaneseq.u32;
	s13 =	simm.s32 $0x16800;
	s15 =	simm.s32 $0x2;
	[dreg:$0xa] =	wrdreg s16  }
0x23: {  	v1 =	vimm.f32 $0.0e+00;
	v15 =	vimm.s32 $0x0;
	v3 =	vor.u32 $0x10, v0;
	[dreg:$0xf] =	wrdreg s2;
	s23 =	sand.u32 $0xFF, s25;
	s25 =	sshll.u32 s6, $0x7  }
0x24: {  	v4 =	vor.u32 $0x20, v0;
	v5 =	vor.u32 $0x30, v0;
	v6 =	vor.u32 $0x40, v0;
	[dreg:$0x14] =	wrdreg s28;
	s16 =	simm.s32 $0x80;
	s2 =	sor.u32 $0x1, s25  }
0x25: {  	v7 =	vor.u32 $0x50, v0;
	v8 =	vor.u32 $0x60, v0;
	v9 =	vor.u32 $0x70, v0;
	p0 =	sgt.u32 s23, $0x1;
	[dreg:$0x12] =	wrdreg s2;
	s2 =	simm.s32 $0x4  }
.LBB2_1:
0x26: {  	s11 =	simm.s32 $0x0;
	s12 =	simm.s32 $0x200  }
.LBB2_2:
0x27: {  	p2 =	sne.s32 s12, $0x1FE00;
	[tilespmem:s11+$0x16800] =	vst v15  }
0x28: {  	[tilespmem:s11+$0xE800] =	vst v1  }
0x29: {  	[tilespmem:s11+$0xE810] =	vst v1  }
0x2a: {  	[tilespmem:s11+$0xE820] =	vst v1  }
.Ltmp0:
0x2b: {  	[tilespmem:s11+$0xE830] =	vst v1;
	(pc) =	sbr.rel @p2 .LBB2_2-.Ltmp0, $4  }
0x2c: {  	[tilespmem:s11+$0xE840] =	vst v1  }
0x2d: {  	[tilespmem:s11+$0xE850] =	vst v1  }
0x2e: {  	[tilespmem:s11+$0xE860] =	vst v1  }
0x2f: {  	[tilespmem:s11+$0xE870] =	vst v1;
	s11 =	sshra.s32 s12, $0x2;
	s12 =	sadd.s32 $0x200, s12  }
0x30: {  	[tilespmem:s11+$0x16800] =	vst v15  }
0x31: {  	[tilespmem:s11+$0xE800] =	vst v1  }
0x32: {  	[tilespmem:s11+$0xE810] =	vst v1  }
0x33: {  	[tilespmem:s11+$0xE820] =	vst v1  }
0x34: {  	[tilespmem:s11+$0xE830] =	vst v1  }
0x35: {  	[tilespmem:s11+$0xE840] =	vst v1  }
0x36: {  	[tilespmem:s11+$0xE850] =	vst v1  }
0x37: {  	[tilespmem:s11+$0xE860] =	vst v1  }
0x38: {  	[tilespmem:s11+$0xE870] =	vst v1;
	s23 =	rddreg [dreg:$0x6]  }
0x39: {  	[spmem:s10] =	stream.linear.scatter [tilespmem:s23], [sflag:$0x5], $0x800, $0x38;
	[tilespmem:$0x1F000] =	vst v63  }
0x3a: {  	_ =	swait.ge [sflag:s30], $0x800  }
0x3b: {  	[sflag:s30] =	ssyncset.done $0x0  }
0x3c: {  	[sflag:s30] =	ssyncadd.s32 $0xFFFFF800  }
0x3d: {  	[bflag:$0x0] =	sbarrier.arrive $0xFFFF  }
0x3e: {  	s20 =	simm.s32 $0x0;
	s21 =	simm.s32 $0xC000;
	s24 =	rddreg [dreg:$0x7]  }
0x3f: {  	[tilespmem:s21], [sflag:$0x5] =	stream.linear.gather [hbm4b:s24+s20], $0x2800, $0x38;
	[tilespmem:$0x1F000] =	vst v63  }
0x40: {  	_ =	swait.ge [sflag:s30], $0x2800  }
.Ltmp1:
0x41: {  	[sflag:s30] =	ssyncset.done $0x0;
	s25 =	rddreg [dreg:$0x5];
	(pc) =	sbr.rel .LBB2_4-.Ltmp1, $4  }
0x42: {  	s28 =	rddreg [dreg:$0x8];
	[sflag:s30] =	ssyncadd.s32 $0xFFFFD800  }
0x43: {  	[tilespmem:s20], [sflag:$0x1] =	stream.linear.gather [hbm4b:s25+s20], $0x4000, $0x38;
	[tilespmem:$0x1F000] =	vst v63  }
0x44: {  	s22 =	rddreg [dreg:$0x12]  }
0x45: {  	[tilespmem:s31], [sflag:$0x2] =	stream.linear.gather [hbm4b:s28+s20], $0x4000, $0x38;
	[tilespmem:$0x1F000] =	vst v63  }
.LBB2_24:
0x46: {  	s20 =	sadd.s32 $0x1, s20  }
0x47: {  	p2 =	sne.s32 s20, s8  }
.Ltmp2:
0x48: {  	_ = 	snop;
	(pc) =	sbr.rel @!p2 .LBB2_25-.Ltmp2, $2  }
0x49: {  	_ =	sdelay $0x2  }
0x4a: {  	s22 =	sadd.s32 $0x80, s22;
	s21 =	sadd.s32 $0x80, s21  }
.LBB2_4:
0x4b: {  	s11 =	smulhi.u32 $0xAAAAAAAB, s20;
	_ =	sdelay $0x1  }
0x4c: {  	s11 =	sshrl.u32 s11, $0x1  }
0x4d: {  	s11 =	smul.u32 $0x3, s11;
	_ =	sdelay $0x1  }
0x4e: {  	s12 =	ssub.s32 s20, s11  }
0x4f: {  	p3 =	seq.s32 s12, $0x2  }
.Ltmp3:
0x50: {  	_ = 	snop;
	(pc) =	sbr.rel @p3 .LBB2_12-.Ltmp3, $2  }
0x51: {  	_ =	sdelay $0x2  }
0x52: {  	p2 =	sge.u32 s20, s26;
	s11 =	sadd.s32 s6, s20  }
0x53: {  	p3 =	seq.s32 s12, $0x1  }
.Ltmp4:
0x54: {  	_ = 	snop;
	(pc) =	sbr.rel @!p3 .LBB2_6-.Ltmp4, $1  }
0x55: {  	_ =	sdelay $0x3  }
0x56: {  	s11 =	sshll.u32 @!p2 s11, $0xB  }
0x57: {  	_ =	swait.ge [sflag:s2], $0x4000;
	s11 =	sand.u32 @!p2 $0x1FFFF800, s11  }
0x58: {  	[sflag:s2] =	ssyncset.done $0x0;
	s11 =	sadd.s32 @!p2 s1, s11  }
0x59: {  	s12 =	simm.s32 @!p2 $0x0;
	v10 =	vmov s21;
	[sflag:s2] =	ssyncadd.s32 $0xFFFFC000;
	s11 =	sadd.s32 @!p2 $0x1000, s11  }
0x5a: {  	[tilespmem:s12], [sflag:$0x1] =	stream.linear.gather @!p2 [hbm4b:s11+s12], $0x4000, $0x38;
	[tilespmem:$0x1F000] =	vst v63  }
0x5b: {  	_ =	swait.ge [sflag:s15], $0x4000  }
0x5c: {  	[sflag:s15] =	ssyncset.done $0x0  }
0x5d: {  	s25 =	simm.s32 $0x0;
	[sflag:s15] =	ssyncadd.s32 $0xFFFFC000  }
0x5e: {  	v11 =	vld.idx.msk [tilespmem:v10+s25+$0x0 ss:$0x1], $0xffff;
	_ =	sdelay $0x4  }
0x5f: {  	v11 =	vshll.u32 v11, $0x7  }
0x60: {  	v11 =	vor.u32 v0, v11;
	_ =	sdelay $0x2  }
0x61: {  	s28 =	sshll.u32 s20, $0x9  }
0x62: {  	v12 =	vadd.s32 s22, v0;
	s23 =	simm.s32 $0x10;
	s11 =	sshra.s32 s28, $0x2  }
0x63: {  	s19 =	simm.s32 $0x80;
	s12 =	smov.u32 s22;
	s11 =	sadd.s32 $0xC000, s11;
	[tilespmem:v11+s13+$0x0] =	vst.idx.msk $0xffff, v12  }
.LBB2_10:
0x64: {  	p2 =	sne.s32 s19, $0x1C0;
	v11 =	vld.idx.msk [tilespmem:v10+s23+$0x0 ss:$0x1], $0xffff;
	_ =	sdelay $0x5  }
0x65: {  	v11 =	vshll.u32 v11, $0x7  }
0x66: {  	v11 =	vor.u32 v0, v11  }
.Ltmp5:
0x67: {  	(pc) =	sbr.rel @p2 .LBB2_10-.Ltmp5, $4  }
0x68: {  	_ = 	snop  }
0x69: {  	s12 =	sadd.s32 $0x10, s12  }
0x6a: {  	v12 =	vadd.s32 s12, v0  }
0x6b: {  	s23 =	sshra.s32 s19, $0x2;
	s19 =	sadd.s32 $0x40, s19;
	[tilespmem:v11+s13+$0x0] =	vst.idx.msk $0xffff, v12  }
0x6c: {  	_ =	sdelay $0x3  }
0x6d: {  	v10 =	vld.idx.msk [tilespmem:v10+s23+$0x0 ss:$0x1], $0xffff;
	_ =	sdelay $0x4  }
0x6e: {  	v10 =	vshll.u32 v10, $0x7  }
0x6f: {  	v10 =	vor.u32 v0, v10;
	_ =	sdelay $0x1  }
.Ltmp6:
0x70: {  	_ = 	snop;
	(pc) =	sbr.rel .LBB2_24-.Ltmp6, $4  }
0x71: {  	s12 =	sadd.s32 $0x10, s12  }
0x72: {  	v11 =	vadd.s32 s12, v0  }
0x73: {  	[tilespmem:v10+s13+$0x0] =	vst.idx.msk $0xffff, v11  }
0x74: {  	[spmem:s4] =	stream.indirect.scatter.add.f32 [tilespmem:s31], [sflag:$0x4], $0x80, s11, s16, $0xb8;
	[tilespmem:$0x1F000] =	vst v63  }
.LBB2_12:
0x75: {  	s11 =	sshll.u32 @!p2 s11, $0xB  }
0x76: {  	_ =	swait.ge [sflag:s2], $0x4000;
	s11 =	sand.u32 @!p2 $0x1FFFF800, s11  }
0x77: {  	s12 =	simm.s32 @!p2 $0x0;
	[sflag:s2] =	ssyncset.done $0x0;
	s11 =	sadd.s32 @!p2 s1, s11  }
0x78: {  	s19 =	simm.s32 @!p2 $0x4000;
	[sflag:s2] =	ssyncadd.s32 $0xFFFFC000;
	s11 =	sadd.s32 @!p2 $0x1000, s11  }
0x79: {  	v10 =	vmov s21;
	[tilespmem:s19], [sflag:$0x2] =	stream.linear.gather @!p2 [hbm4b:s11+s12], $0x4000, $0x38;
	[tilespmem:$0x1F000] =	vst v63  }
0x7a: {  	s28 =	sshll.u32 s20, $0x9;
	s23 =	simm.s32 $0x0;
	_ =	swait.ge [sflag:s0], $0x4000  }
0x7b: {  	s11 =	sshra.s32 s28, $0x2;
	s12 =	smov.u32 s22;
	[sflag:s0] =	ssyncset.done $0x0  }
0x7c: {  	s19 =	simm.s32 $0x0;
	s11 =	sadd.s32 $0xC000, s11;
	[sflag:s0] =	ssyncadd.s32 $0xFFFFC000  }
.LBB2_13:
0x7d: {  	s24 =	sshra.s32 s19, $0x2  }
0x7e: {  	v11 =	vld.idx.msk [tilespmem:v10+s24+$0x0 ss:$0x1], $0xffff;
	_ =	sdelay $0x4  }
0x7f: {  	v11 =	vshll.u32 v11, $0x7  }
0x80: {  	p2 =	sne.s32 s19, $0x1C0;
	v11 =	vor.u32 v0, v11  }
.Ltmp7:
0x81: {  	_ = 	snop;
	(pc) =	sbr.rel @p2 .LBB2_13-.Ltmp7, $3  }
0x82: {  	_ =	sdelay $0x1  }
0x83: {  	v12 =	vadd.s32 s12, v0  }
0x84: {  	s12 =	sadd.s32 $0x10, s12;
	s19 =	sadd.s32 $0x40, s19;
	[tilespmem:v11+s13+$0x0] =	vst.idx.msk $0xffff, v12  }
.Ltmp8:
0x85: {  	(pc) =	sbr.rel .LBB2_15-.Ltmp8, $3  }
0x86: {  	_ =	sdelay $0x1  }
0x87: {  	v16 =	vmov s11  }
0x88: {  	s24 =	simm.s32 $0x80000000;
	[tilespmem:$0x1FFF0] =	vst v16  }
.LBB2_53:
0x89: {  	s11 =	sshll.u32 s23, $0xB  }
0x8a: {  	s25 =	sand.u32 $0x3FFFF800, s11  }
0x8b: {  	v2 =	vld [tilespmem:s25+$0x8350];
	_ =	sdelay $0x2  }
0x8c: {  	v12 =	vld [tilespmem:s25+$0x8000]  }
0x8d: {  	v13 =	vld [tilespmem:s25+$0x8010]  }
0x8e: {  	[tilespmem:$0x1FE60] =	vst v2;
	v2 =	vld [tilespmem:s25+$0x8360]  }
0x8f: {  	v14 =	vld [tilespmem:s25+$0x8020]  }
0x90: {  	v15 =	vld [tilespmem:s25+$0x8030]  }
0x91: {  	v16 =	vld [tilespmem:s25+$0x8040]  }
0x92: {  	v17 =	vld [tilespmem:s25+$0x8050]  }
0x93: {  	[tilespmem:$0x1FE70] =	vst v2;
	v2 =	vld [tilespmem:s25+$0x8370]  }
0x94: {  	v18 =	vld [tilespmem:s25+$0x8060]  }
0x95: {  	v19 =	vld [tilespmem:s25+$0x8070]  }
0x96: {  	v20 =	vld [tilespmem:s25+$0x8080]  }
0x97: {  	v21 =	vld [tilespmem:s25+$0x8090]  }
0x98: {  	[tilespmem:$0x1FE80] =	vst v2;
	v2 =	vld [tilespmem:s25+$0x8380]  }
0x99: {  	v22 =	vld [tilespmem:s25+$0x80A0]  }
0x9a: {  	v23 =	vld [tilespmem:s25+$0x80B0]  }
0x9b: {  	v24 =	vld [tilespmem:s25+$0x80C0]  }
0x9c: {  	v25 =	vld [tilespmem:s25+$0x80D0]  }
0x9d: {  	[tilespmem:$0x1FE90] =	vst v2;
	v2 =	vld [tilespmem:s25+$0x8390]  }
0x9e: {  	v26 =	vld [tilespmem:s25+$0x80E0]  }
0x9f: {  	v27 =	vld [tilespmem:s25+$0x80F0]  }
0xa0: {  	v28 =	vld [tilespmem:s25+$0x8100]  }
0xa1: {  	v29 =	vld [tilespmem:s25+$0x8110]  }
0xa2: {  	[tilespmem:$0x1FEA0] =	vst v2;
	v2 =	vld [tilespmem:s25+$0x83A0]  }
0xa3: {  	v30 =	vld [tilespmem:s25+$0x8120]  }
0xa4: {  	v31 =	vld [tilespmem:s25+$0x8130]  }
0xa5: {  	v32 =	vld [tilespmem:s25+$0x8140]  }
0xa6: {  	v33 =	vld [tilespmem:s25+$0x8150]  }
0xa7: {  	[tilespmem:$0x1FEB0] =	vst v2;
	v2 =	vld [tilespmem:s25+$0x83B0]  }
0xa8: {  	v34 =	vld [tilespmem:s25+$0x8160]  }
0xa9: {  	v35 =	vld [tilespmem:s25+$0x8170]  }
0xaa: {  	v36 =	vld [tilespmem:s25+$0x8180]  }
0xab: {  	v37 =	vld [tilespmem:s25+$0x8190]  }
0xac: {  	[tilespmem:$0x1FEC0] =	vst v2;
	v2 =	vld [tilespmem:s25+$0x83C0]  }
0xad: {  	v38 =	vld [tilespmem:s25+$0x81A0]  }
0xae: {  	v39 =	vld [tilespmem:s25+$0x81B0]  }
0xaf: {  	v40 =	vld [tilespmem:s25+$0x81C0]  }
0xb0: {  	v41 =	vld [tilespmem:s25+$0x81D0]  }
0xb1: {  	[tilespmem:$0x1FED0] =	vst v2;
	v2 =	vld [tilespmem:s25+$0x83D0]  }
0xb2: {  	v42 =	vld [tilespmem:s25+$0x81E0]  }
0xb3: {  	v43 =	vld [tilespmem:s25+$0x81F0]  }
0xb4: {  	v44 =	vld [tilespmem:s25+$0x8200]  }
0xb5: {  	v45 =	vld [tilespmem:s25+$0x8210]  }
0xb6: {  	[tilespmem:$0x1FEE0] =	vst v2;
	v2 =	vld [tilespmem:s25+$0x83E0]  }
0xb7: {  	v46 =	vld [tilespmem:s25+$0x8220]  }
0xb8: {  	v47 =	vld [tilespmem:s25+$0x8230]  }
0xb9: {  	v48 =	vld [tilespmem:s25+$0x8240]  }
0xba: {  	v49 =	vld [tilespmem:s25+$0x8250]  }
0xbb: {  	[tilespmem:$0x1FEF0] =	vst v2;
	v2 =	vld [tilespmem:s25+$0x83F0]  }
0xbc: {  	v50 =	vld [tilespmem:s25+$0x8260]  }
0xbd: {  	v51 =	vld [tilespmem:s25+$0x8270]  }
0xbe: {  	v52 =	vld [tilespmem:s25+$0x8280]  }
0xbf: {  	v53 =	vld [tilespmem:s25+$0x8290]  }
0xc0: {  	[tilespmem:$0x1FF00] =	vst v2;
	v2 =	vld [tilespmem:s25+$0x8400]  }
0xc1: {  	v54 =	vld [tilespmem:s25+$0x82A0]  }
0xc2: {  	v55 =	vld [tilespmem:s25+$0x82B0]  }
0xc3: {  	v56 =	vld [tilespmem:s25+$0x82C0]  }
0xc4: {  	v57 =	vld [tilespmem:s25+$0x82D0]  }
0xc5: {  	[tilespmem:$0x1FF10] =	vst v2;
	v2 =	vld [tilespmem:s25+$0x8410]  }
0xc6: {  	v58 =	vld [tilespmem:s25+$0x82E0]  }
0xc7: {  	v59 =	vld [tilespmem:s25+$0x82F0]  }
0xc8: {  	v60 =	vld [tilespmem:s25+$0x8300]  }
0xc9: {  	v61 =	vld [tilespmem:s25+$0x8310]  }
0xca: {  	[tilespmem:$0x1FF20] =	vst v2;
	v2 =	vld [tilespmem:s25+$0x8420]  }
0xcb: {  	v62 =	vld [tilespmem:s25+$0x8320]  }
0xcc: {  	v63 =	vld [tilespmem:s25+$0x8330]  }
0xcd: {  	v10 =	vld [tilespmem:s25+$0x8340]  }
0xce: {  	v12 =	vadd.f32 v20, v12;
	v20 =	vld [tilespmem:s25+$0x84E0]  }
0xcf: {  	[tilespmem:$0x1FF30] =	vst v2;
	v2 =	vld [tilespmem:s25+$0x8430]  }
0xd0: {  	v13 =	vadd.f32 v21, v13;
	v21 =	vld [tilespmem:s25+$0x84F0]  }
0xd1: {  	v14 =	vadd.f32 v22, v14;
	v22 =	vld [tilespmem:s25+$0x8500]  }
0xd2: {  	v15 =	vadd.f32 v23, v15;
	v23 =	vld [tilespmem:s25+$0x8510]  }
0xd3: {  	v16 =	vadd.f32 v24, v16;
	v24 =	vld [tilespmem:s25+$0x8520]  }
0xd4: {  	[tilespmem:$0x1FF40] =	vst v2;
	v2 =	vld [tilespmem:s25+$0x8440]  }
0xd5: {  	v17 =	vadd.f32 v25, v17;
	v25 =	vld [tilespmem:s25+$0x8530]  }
0xd6: {  	v18 =	vadd.f32 v26, v18;
	v26 =	vld [tilespmem:s25+$0x8540]  }
0xd7: {  	v19 =	vadd.f32 v27, v19;
	v27 =	vld [tilespmem:s25+$0x8550]  }
0xd8: {  	v12 =	vadd.f32 v28, v12;
	v28 =	vld [tilespmem:s25+$0x8560]  }
0xd9: {  	[tilespmem:$0x1FF50] =	vst v2;
	v2 =	vld [tilespmem:s25+$0x8450]  }
0xda: {  	v13 =	vadd.f32 v29, v13;
	v29 =	vld [tilespmem:s25+$0x8570]  }
0xdb: {  	v14 =	vadd.f32 v30, v14;
	v30 =	vld [tilespmem:s25+$0x8580]  }
0xdc: {  	v15 =	vadd.f32 v31, v15;
	v31 =	vld [tilespmem:s25+$0x8590]  }
0xdd: {  	v16 =	vadd.f32 v32, v16;
	v32 =	vld [tilespmem:s25+$0x85A0]  }
0xde: {  	[tilespmem:$0x1FF60] =	vst v2;
	v2 =	vld [tilespmem:s25+$0x8460]  }
0xdf: {  	v17 =	vadd.f32 v33, v17;
	v33 =	vld [tilespmem:s25+$0x85B0]  }
0xe0: {  	v18 =	vadd.f32 v34, v18;
	v34 =	vld [tilespmem:s25+$0x85C0]  }
0xe1: {  	v19 =	vadd.f32 v35, v19;
	v35 =	vld [tilespmem:s25+$0x85D0]  }
0xe2: {  	v12 =	vadd.f32 v36, v12;
	v36 =	vld [tilespmem:s25+$0x85E0]  }
0xe3: {  	[tilespmem:$0x1FF70] =	vst v2;
	v2 =	vld [tilespmem:s25+$0x8470]  }
0xe4: {  	v13 =	vadd.f32 v37, v13;
	v37 =	vld [tilespmem:s25+$0x85F0]  }
0xe5: {  	v14 =	vadd.f32 v38, v14;
	v38 =	vld [tilespmem:s25+$0x8600]  }
0xe6: {  	v15 =	vadd.f32 v39, v15;
	v39 =	vld [tilespmem:s25+$0x8610]  }
0xe7: {  	v16 =	vadd.f32 v40, v16;
	v40 =	vld [tilespmem:s25+$0x8620]  }
0xe8: {  	[tilespmem:$0x1FF80] =	vst v2;
	v2 =	vld [tilespmem:s25+$0x8480]  }
0xe9: {  	v17 =	vadd.f32 v41, v17;
	v41 =	vld [tilespmem:s25+$0x8630]  }
0xea: {  	v18 =	vadd.f32 v42, v18;
	v42 =	vld [tilespmem:s25+$0x8660]  }
0xeb: {  	v19 =	vadd.f32 v43, v19;
	v43 =	vld [tilespmem:s25+$0x8670]  }
0xec: {  	v12 =	vadd.f32 v44, v12;
	v44 =	vld [tilespmem:s25+$0x8680]  }
0xed: {  	[tilespmem:$0x1FF90] =	vst v2;
	v2 =	vld [tilespmem:s25+$0x8490]  }
0xee: {  	v13 =	vadd.f32 v45, v13;
	v45 =	vld [tilespmem:s25+$0x8690]  }
0xef: {  	v14 =	vadd.f32 v46, v14;
	v46 =	vld [tilespmem:s25+$0x86A0]  }
0xf0: {  	v15 =	vadd.f32 v47, v15;
	v47 =	vld [tilespmem:s25+$0x86B0]  }
0xf1: {  	v16 =	vadd.f32 v48, v16;
	v48 =	vld [tilespmem:s25+$0x86C0]  }
0xf2: {  	[tilespmem:$0x1FFA0] =	vst v2;
	v2 =	vld [tilespmem:s25+$0x84A0]  }
0xf3: {  	v17 =	vadd.f32 v49, v17;
	v49 =	vld [tilespmem:s25+$0x86D0]  }
0xf4: {  	v19 =	vadd.f32 v51, v19;
	v16 =	vadd.f32 v56, v16;
	v51 =	vld [tilespmem:$0x1FE90]  }
0xf5: {  	v18 =	vadd.f32 v50, v18;
	v50 =	vld [tilespmem:s25+$0x86E0];
	v12 =	vadd.f32 v52, v12  }
0xf6: {  	v10 =	vadd.f32 v10, v16;
	v16 =	vld [tilespmem:s25+$0x8640]  }
0xf7: {  	v12 =	vadd.f32 v60, v12;
	[tilespmem:$0x1FFB0] =	vst v2;
	v2 =	vld [tilespmem:s25+$0x84B0]  }
0xf8: {  	v52 =	vld [tilespmem:$0x1FEA0]  }
0xf9: {  	v12 =	vadd.f32 v51, v12;
	v51 =	vld [tilespmem:s25+$0x86F0]  }
0xfa: {  	v13 =	vadd.f32 v53, v13;
	v53 =	vld [tilespmem:$0x1FEB0]  }
0xfb: {  	v14 =	vadd.f32 v54, v14;
	v54 =	vld [tilespmem:$0x1FEC0]  }
0xfc: {  	[tilespmem:$0x1FFC0] =	vst v2;
	v2 =	vld [tilespmem:s25+$0x84C0]  }
0xfd: {  	v15 =	vadd.f32 v55, v15;
	v55 =	vld [tilespmem:$0x1FED0]  }
0xfe: {  	v56 =	vld [tilespmem:$0x1FEE0]  }
0xff: {  	v17 =	vadd.f32 v57, v17;
	v57 =	vld [tilespmem:$0x1FEF0]  }
0x100: {  	v19 =	vadd.f32 v59, v19;
	v59 =	vld [tilespmem:$0x1FF10]  }
0x101: {  	[tilespmem:$0x1FFD0] =	vst v2;
	v2 =	vld [tilespmem:s25+$0x84D0]  }
0x102: {  	v13 =	vadd.f32 v61, v13;
	v61 =	vld [tilespmem:$0x1FF30]  }
0x103: {  	v10 =	vadd.f32 v55, v10;
	v55 =	vld [tilespmem:$0x1FF90]  }
0x104: {  	v15 =	vadd.f32 v63, v15;
	v63 =	vld [tilespmem:$0x1FF50]  }
0x105: {  	v12 =	vadd.f32 v59, v12;
	v59 =	vld [tilespmem:$0x1FFD0]  }
0x106: {  	v14 =	vadd.f32 v62, v14;
	[tilespmem:$0x1FFE0] =	vst v2;
	v2 =	vld [tilespmem:$0x1FE60]  }
0x107: {  	v18 =	vadd.f32 v58, v18;
	v58 =	vld [tilespmem:$0x1FF00]  }
0x108: {  	v14 =	vadd.f32 v53, v14;
	v60 =	vld [tilespmem:$0x1FF20];
	v12 =	vadd.f32 v55, v12  }
0x109: {  	v62 =	vld [tilespmem:$0x1FF40];
	v10 =	vadd.f32 v63, v10  }
0x10a: {  	v14 =	vadd.f32 v61, v14;
	v61 =	vld [tilespmem:s25+$0x8700];
	v12 =	vadd.f32 v22, v12  }
0x10b: {  	v10 =	vadd.f32 v59, v10;
	v2 =	vadd.f32 v2, v17;
	v17 =	vld [tilespmem:$0x1FE70]  }
0x10c: {  	v13 =	vadd.f32 v52, v13;
	v52 =	vld [tilespmem:$0x1FF60];
	v12 =	vadd.f32 v30, v12  }
0x10d: {  	v15 =	vadd.f32 v54, v15;
	v53 =	vld [tilespmem:$0x1FF70];
	v10 =	vadd.f32 v26, v10  }
0x10e: {  	v13 =	vadd.f32 v60, v13;
	v12 =	vadd.f32 v38, v12;
	v60 =	vld [tilespmem:$0x1FFE0]  }
0x10f: {  	v10 =	vadd.f32 v34, v10;
	v2 =	vadd.f32 v56, v2;
	v56 =	vld [tilespmem:$0x1FFA0]  }
0x110: {  	v12 =	vadd.f32 v44, v12;
	v17 =	vadd.f32 v17, v18;
	v18 =	vld [tilespmem:$0x1FE80]  }
0x111: {  	v15 =	vadd.f32 v62, v15;
	v62 =	vld [tilespmem:s25+$0x8710];
	v10 =	vadd.f32 v16, v10  }
0x112: {  	v63 =	vld [tilespmem:s25+$0x8720];
	v12 =	vadd.f32 v61, v12;
	v2 =	vadd.f32 v52, v2  }
0x113: {  	v10 =	vadd.f32 v48, v10;
	v17 =	vadd.f32 v57, v17;
	v57 =	vld [tilespmem:$0x1FFB0]  }
0x114: {  	v54 =	vld [tilespmem:$0x1FF80];
	v2 =	vadd.f32 v60, v2;
	v13 =	vadd.f32 v56, v13  }
0x115: {  	v55 =	vld [tilespmem:s25+$0x87A0];
	v17 =	vadd.f32 v53, v17;
	v18 =	vadd.f32 v18, v19  }
0x116: {  	v2 =	vadd.f32 v27, v2;
	v13 =	vadd.f32 v23, v13;
	v53 =	vld [tilespmem:s25+$0x8780]  }
0x117: {  	v17 =	vadd.f32 v20, v17;
	v18 =	vadd.f32 v58, v18;
	v58 =	vld [tilespmem:$0x1FFC0]  }
0x118: {  	v23 =	vld [tilespmem:s25+$0x8740];
	v13 =	vadd.f32 v31, v13;
	v14 =	vadd.f32 v57, v14  }
0x119: {  	v22 =	vld [tilespmem:s25+$0x8730];
	v2 =	vadd.f32 v35, v2;
	v17 =	vadd.f32 v28, v17  }
0x11a: {  	v19 =	vld [tilespmem:s25+$0x8650];
	v13 =	vadd.f32 v39, v13;
	v14 =	vadd.f32 v24, v14  }
0x11b: {  	v26 =	vld [tilespmem:s25+$0x8770];
	v18 =	vadd.f32 v54, v18;
	v12 =	vadd.f32 v53, v12  }
0x11c: {  	v60 =	vld [tilespmem:s25+$0x87D0];
	v14 =	vadd.f32 v32, v14;
	v15 =	vadd.f32 v58, v15  }
0x11d: {  	v56 =	vld [tilespmem:s25+$0x87B0];
	v10 =	vadd.f32 v23, v10;
	v17 =	vadd.f32 v36, v17  }
0x11e: {  	v11 =	vshll.u32 v11, $0x7;
	v54 =	vld [tilespmem:s25+$0x8790];
	v14 =	vadd.f32 v40, v14;
	v15 =	vadd.f32 v25, v15  }
0x11f: {  	v57 =	vor.u32 v0, v11;
	v24 =	vld [tilespmem:s25+$0x8750];
	v13 =	vadd.f32 v45, v13;
	v2 =	vadd.f32 v19, v2  }
0x120: {  	v58 =	vld [tilespmem:s25+$0x87C0];
	v14 =	vadd.f32 v46, v14;
	v15 =	vadd.f32 v33, v15  }
0x121: {  	v59 =	vor.u32 v3, v11;
	v18 =	vadd.f32 v21, v18;
	v13 =	vadd.f32 v62, v13;
	v62 =	vld [tilespmem:s25+$0x87E0]  }
0x122: {  	v61 =	vor.u32 v4, v11;
	v25 =	vld [tilespmem:s25+$0x8760];
	v14 =	vadd.f32 v63, v14;
	v15 =	vadd.f32 v41, v15  }
0x123: {  	v16 =	vor.u32 v6, v11;
	v18 =	vadd.f32 v29, v18;
	v13 =	vadd.f32 v54, v13;
	v63 =	vld [tilespmem:s25+$0x87F0]  }
0x124: {  	[tilespmem:v57+s14+$0x0] =	vst.idx.add.f32.msk $0xffff, v12;
	v12 =	vadd.f32 v55, v14;
	v14 =	vadd.f32 v47, v15  }
0x125: {  	v2 =	vadd.f32 v49, v2;
	v18 =	vadd.f32 v37, v18;
	v15 =	vor.u32 v5, v11  }
0x126: {  	[tilespmem:v59+s14+$0x0] =	vst.idx.add.f32.msk $0xffff, v13;
	v13 =	vadd.f32 v42, v17;
	v14 =	vadd.f32 v22, v14  }
0x127: {  	v2 =	vadd.f32 v24, v2;
	[tilespmem:v61+s14+$0x0] =	vst.idx.add.f32.msk $0xffff, v12;
	v12 =	vadd.f32 v43, v18  }
0x128: {  	v17 =	vor.u32 v7, v11;
	v13 =	vadd.f32 v50, v13;
	v14 =	vadd.f32 v56, v14  }
0x129: {  	v10 =	vadd.f32 v58, v10;
	v18 =	vor.u32 v8, v11;
	v12 =	vadd.f32 v51, v12  }
0x12a: {  	v11 =	vor.u32 v9, v11;
	v13 =	vadd.f32 v25, v13;
	[tilespmem:v15+s14+$0x0] =	vst.idx.add.f32.msk $0xffff, v14  }
0x12b: {  	v2 =	vadd.f32 v60, v2;
	v12 =	vadd.f32 v26, v12;
	[tilespmem:v16+s14+$0x0] =	vst.idx.add.f32.msk $0xffff, v10  }
0x12c: {  	v13 =	vadd.f32 v62, v13;
	v16 =	vld [tilespmem:$0x1FFF0]  }
0x12d: {  	v10 =	vadd.f32 v63, v12;
	[tilespmem:v17+s14+$0x0] =	vst.idx.add.f32.msk $0xffff, v2  }
0x12e: {  	[tilespmem:v18+s14+$0x0] =	vst.idx.add.f32.msk $0xffff, v13  }
0x12f: {  	v15 =	vimm.s32 $0x0;
	[tilespmem:v11+s14+$0x0] =	vst.idx.add.f32.msk $0xffff, v10  }
.LBB2_23:
0x130: {  	s23 =	sadd.s32 $0x1, s23  }
0x131: {  	p2 =	seq.s32 s23, $0x8  }
.Ltmp9:
0x132: {  	_ = 	snop;
	(pc) =	sbr.rel @p2 .LBB2_24-.Ltmp9, $2  }
0x133: {  	_ =	sdelay $0x2  }
0x134: {  	s24 =	sadd.s32 $0x10, s24  }
.LBB2_15:
0x135: {  	_ =	sdelay $0x2  }
0x136: {  	s11 =	sshll.u32 s23, $0x4  }
0x137: {  	v12 =	vld.idx.msk [tilespmem:v16+s11+$0x0 ss:$0x1], $0xffff;
	_ =	sdelay $0x4  }
0x138: {  	v11 =	vperm.xlane v12, v15;
	_ =	sdelay $0x1  }
0x139: {  	vm0 =	veq.s32 v12, v11  }
0x13a: {  	v13 =	vsel vm0, $0x1, v15  }
0x13b: {  	v13 =	vor.u32 $0x80000000, v13  }
0x13c: {  	(xrf0) =	vmin.scan.msk.u32 $0xffff, v13;
	_ =	sdelay $0x5  }
0x13d: {  	v13, _, _ =	vpop (xrf0)  }
0x13e: {  	(v2sf) =	vpush v13, $0xF;
	_ =	sdelay $0xe  }
0x13f: {  	s11 =	spop (v2sf)  }
0x140: {  	s12 =	sxor.u32 $0x80000000, s11  }
0x141: {  	p2 =	seq.s32 s12, $0x1  }
.Ltmp10:
0x142: {  	_ = 	snop;
	(pc) =	sbr.rel @p2 .LBB2_53-.Ltmp10, $1  }
0x143: {  	_ =	sdelay $0x3  }
0x144: {  	p2 =	sne.s32 s12, $0x0  }
.Ltmp11:
0x145: {  	_ = 	snop;
	(pc) =	sbr.rel @p2 .LBB2_23-.Ltmp11, $1  }
0x146: {  	_ =	sdelay $0x3  }
0x147: {  	p3 =	sne.s32 s12, $0xF  }
.Ltmp12:
0x148: {  	_ = 	snop;
	(pc) =	sbr.rel @!p3 .LBB2_18-.Ltmp12, $4  }
0x149: {  	s11 =	sadd.s32 s24, s11  }
0x14a: {  	s11 =	sshll.u32 s11, $0x9  }
0x14b: {  	s11 =	sshra.s32 s11, $0x2  }
0x14c: {  	v14 =	vmov s12;
	s12 =	sadd.s32 $0x1, s12;
	p2 =	por $0x0, $0x0;
	s11 =	sadd.s32 $0x8040, s11  }
0x14d: {  	v2 =	vperm.xlane v12, v14;
	_ =	sdelay $0x1  }
0x14e: {  	v2 =	vshll.u32 v2, $0x7  }
0x14f: {  	v10 =	vld [tilespmem:s11+$0xFFFFFFC0];
	v11 =	vor.u32 v0, v2;
	_ =	sdelay $0x4  }
0x150: {  	[tilespmem:v11+s14+$0x0] =	vst.idx.add.f32.msk $0xffff, v10  }
0x151: {  	v11 =	vor.u32 v3, v2;
	v10 =	vld [tilespmem:s11+$0xFFFFFFD0];
	_ =	sdelay $0x4  }
0x152: {  	[tilespmem:v11+s14+$0x0] =	vst.idx.add.f32.msk $0xffff, v10  }
0x153: {  	v11 =	vor.u32 v4, v2;
	v10 =	vld [tilespmem:s11+$0xFFFFFFE0];
	_ =	sdelay $0x4  }
0x154: {  	[tilespmem:v11+s14+$0x0] =	vst.idx.add.f32.msk $0xffff, v10  }
0x155: {  	v11 =	vor.u32 v5, v2;
	v10 =	vld [tilespmem:s11+$0xFFFFFFF0];
	_ =	sdelay $0x4  }
0x156: {  	[tilespmem:v11+s14+$0x0] =	vst.idx.add.f32.msk $0xffff, v10  }
0x157: {  	v11 =	vor.u32 v6, v2;
	v10 =	vld [tilespmem:s11+$0x0];
	_ =	sdelay $0x4  }
0x158: {  	[tilespmem:v11+s14+$0x0] =	vst.idx.add.f32.msk $0xffff, v10  }
0x159: {  	v11 =	vor.u32 v7, v2;
	v10 =	vld [tilespmem:s11+$0x10];
	_ =	sdelay $0x4  }
0x15a: {  	[tilespmem:v11+s14+$0x0] =	vst.idx.add.f32.msk $0xffff, v10  }
0x15b: {  	v11 =	vor.u32 v8, v2;
	v10 =	vld [tilespmem:s11+$0x20];
	_ =	sdelay $0x2  }
0x15c: {  	p3 =	sne.s32 s12, $0xF  }
.Ltmp13:
0x15d: {  	_ = 	snop;
	(pc) =	sbr.rel @!p3 .LBB2_20-.Ltmp13, $3  }
0x15e: {  	[tilespmem:v11+s14+$0x0] =	vst.idx.add.f32.msk $0xffff, v10  }
0x15f: {  	v13 =	vor.u32 v9, v2;
	v11 =	vld [tilespmem:s11+$0x30];
	_ =	sdelay $0x1  }
0x160: {  	v14 =	vmov s12;
	s19 =	sadd.s32 $0x1, s12;
	p2 =	por $0x1, $0x1;
	s25 =	smov.u32 s11  }
.LBB2_21:
0x161: {  	p3 =	sne.s32 s19, $0xF;
	v2 =	vperm.xlane v12, v14;
	_ =	sdelay $0x1  }
0x162: {  	s25 =	sadd.s32 $0x80, s25;
	v2 =	vshll.u32 v2, $0x7;
	[tilespmem:v13+s14+$0x0] =	vst.idx.add.f32.msk $0xffff, v11  }
0x163: {  	v10 =	vld [tilespmem:s25+$0xFFFFFFC0];
	v11 =	vor.u32 v0, v2;
	_ =	sdelay $0x4  }
0x164: {  	[tilespmem:v11+s14+$0x0] =	vst.idx.add.f32.msk $0xffff, v10  }
0x165: {  	v11 =	vor.u32 v3, v2;
	v10 =	vld [tilespmem:s25+$0xFFFFFFD0];
	_ =	sdelay $0x4  }
0x166: {  	[tilespmem:v11+s14+$0x0] =	vst.idx.add.f32.msk $0xffff, v10  }
0x167: {  	v11 =	vor.u32 v4, v2;
	v10 =	vld [tilespmem:s25+$0xFFFFFFE0];
	_ =	sdelay $0x4  }
0x168: {  	[tilespmem:v11+s14+$0x0] =	vst.idx.add.f32.msk $0xffff, v10  }
0x169: {  	v11 =	vor.u32 v5, v2;
	v10 =	vld [tilespmem:s25+$0xFFFFFFF0];
	_ =	sdelay $0x4  }
0x16a: {  	[tilespmem:v11+s14+$0x0] =	vst.idx.add.f32.msk $0xffff, v10  }
0x16b: {  	v11 =	vor.u32 v6, v2;
	v10 =	vld [tilespmem:s25+$0x0];
	_ =	sdelay $0x4  }
0x16c: {  	[tilespmem:v11+s14+$0x0] =	vst.idx.add.f32.msk $0xffff, v10  }
0x16d: {  	v11 =	vor.u32 v7, v2;
	v10 =	vld [tilespmem:s25+$0x10];
	_ =	sdelay $0x4  }
0x16e: {  	[tilespmem:v11+s14+$0x0] =	vst.idx.add.f32.msk $0xffff, v10  }
0x16f: {  	v11 =	vor.u32 v8, v2;
	v10 =	vld [tilespmem:s25+$0x20];
	_ =	sdelay $0x3  }
.Ltmp14:
0x170: {  	(pc) =	sbr.rel @p3 .LBB2_21-.Ltmp14, $3  }
0x171: {  	[tilespmem:v11+s14+$0x0] =	vst.idx.add.f32.msk $0xffff, v10  }
0x172: {  	v13 =	vor.u32 v9, v2;
	v11 =	vld [tilespmem:s25+$0x30];
	_ =	sdelay $0x1  }
0x173: {  	v14 =	vmov s19;
	s19 =	sadd.s32 $0x1, s19  }
.LBB2_22:
0x174: {  	_ =	sdelay $0x1  }
0x175: {  	v2 =	vperm.xlane v12, v14  }
0x176: {  	s12 =	sadd.s32 @p2 $0x80, s25  }
0x177: {  	s11 =	smov.u32 @p2 s12;
	v2 =	vshll.u32 v2, $0x7;
	[tilespmem:v13+s14+$0x0] =	vst.idx.add.f32.msk @p2 $0xffff, v11  }
0x178: {  	v10 =	vld [tilespmem:s11+$0xFFFFFFC0];
	v11 =	vor.u32 v0, v2;
	_ =	sdelay $0x4  }
0x179: {  	[tilespmem:v11+s14+$0x0] =	vst.idx.add.f32.msk $0xffff, v10  }
0x17a: {  	v11 =	vor.u32 v3, v2;
	v10 =	vld [tilespmem:s11+$0xFFFFFFD0];
	_ =	sdelay $0x4  }
0x17b: {  	[tilespmem:v11+s14+$0x0] =	vst.idx.add.f32.msk $0xffff, v10  }
0x17c: {  	v11 =	vor.u32 v4, v2;
	v10 =	vld [tilespmem:s11+$0xFFFFFFE0];
	_ =	sdelay $0x4  }
0x17d: {  	[tilespmem:v11+s14+$0x0] =	vst.idx.add.f32.msk $0xffff, v10  }
0x17e: {  	v11 =	vor.u32 v5, v2;
	v10 =	vld [tilespmem:s11+$0xFFFFFFF0];
	_ =	sdelay $0x4  }
0x17f: {  	[tilespmem:v11+s14+$0x0] =	vst.idx.add.f32.msk $0xffff, v10  }
0x180: {  	v11 =	vor.u32 v6, v2;
	v10 =	vld [tilespmem:s11+$0x0];
	_ =	sdelay $0x4  }
0x181: {  	[tilespmem:v11+s14+$0x0] =	vst.idx.add.f32.msk $0xffff, v10  }
0x182: {  	v11 =	vor.u32 v7, v2;
	v10 =	vld [tilespmem:s11+$0x10];
	_ =	sdelay $0x4  }
0x183: {  	[tilespmem:v11+s14+$0x0] =	vst.idx.add.f32.msk $0xffff, v10  }
0x184: {  	v11 =	vor.u32 v8, v2;
	v10 =	vld [tilespmem:s11+$0x20];
	_ =	sdelay $0x4  }
0x185: {  	[tilespmem:v11+s14+$0x0] =	vst.idx.add.f32.msk $0xffff, v10  }
0x186: {  	v2 =	vor.u32 v9, v2;
	v10 =	vld [tilespmem:s11+$0x30]  }
.Ltmp15:
0x187: {  	_ = 	snop;
	(pc) =	sbr.rel .LBB2_23-.Ltmp15, $2  }
0x188: {  	_ =	sdelay $0x2  }
0x189: {  	[tilespmem:v2+s14+$0x0] =	vst.idx.add.f32.msk $0xffff, v10  }
.LBB2_18:
.Ltmp16:
0x18a: {  	(pc) =	sbr.rel .LBB2_22-.Ltmp16, $2  }
0x18b: {  	_ =	sdelay $0x2  }
0x18c: {  	s25 =	smov.u32 s11  }
.LBB2_20:
.Ltmp17:
0x18d: {  	(pc) =	sbr.rel .LBB2_22-.Ltmp17, $2  }
0x18e: {  	_ =	sdelay $0x2  }
0x18f: {  	s25 =	smov.u32 s11  }
.LBB2_6:
0x190: {  	s11 =	sshll.u32 @!p2 s11, $0xB  }
0x191: {  	s11 =	sand.u32 @!p2 $0x1FFFF800, s11  }
0x192: {  	s11 =	sadd.s32 @!p2 s1, s11  }
0x193: {  	s12 =	simm.s32 @!p2 $0x0;
	s19 =	simm.s32 @!p2 $0x8000;
	v10 =	vmov s21;
	s11 =	sadd.s32 @!p2 $0x1000, s11  }
0x194: {  	[tilespmem:s19], [sflag:$0x3] =	stream.linear.gather @!p2 [hbm4b:s11+s12], $0x4000, $0x38;
	[tilespmem:$0x1F000] =	vst v63  }
0x195: {  	_ =	swait.ge [sflag:s17], $0x4000  }
0x196: {  	[sflag:s17] =	ssyncset.done $0x0  }
0x197: {  	s25 =	simm.s32 $0x0;
	[sflag:s17] =	ssyncadd.s32 $0xFFFFC000  }
0x198: {  	v11 =	vld.idx.msk [tilespmem:v10+s25+$0x0 ss:$0x1], $0xffff;
	_ =	sdelay $0x4  }
0x199: {  	v11 =	vshll.u32 v11, $0x7  }
0x19a: {  	v11 =	vor.u32 v0, v11;
	_ =	sdelay $0x2  }
0x19b: {  	s28 =	sshll.u32 s20, $0x9  }
0x19c: {  	v12 =	vadd.s32 s22, v0;
	s23 =	simm.s32 $0x10;
	s11 =	sshra.s32 s28, $0x2  }
0x19d: {  	s19 =	simm.s32 $0x80;
	s12 =	smov.u32 s22;
	s11 =	sadd.s32 $0xC000, s11;
	[tilespmem:v11+s13+$0x0] =	vst.idx.msk $0xffff, v12  }
.LBB2_7:
0x19e: {  	p2 =	sne.s32 s19, $0x1C0;
	v11 =	vld.idx.msk [tilespmem:v10+s23+$0x0 ss:$0x1], $0xffff;
	_ =	sdelay $0x5  }
0x19f: {  	v11 =	vshll.u32 v11, $0x7  }
0x1a0: {  	v11 =	vor.u32 v0, v11  }
.Ltmp18:
0x1a1: {  	(pc) =	sbr.rel @p2 .LBB2_7-.Ltmp18, $4  }
0x1a2: {  	_ = 	snop  }
0x1a3: {  	s12 =	sadd.s32 $0x10, s12  }
0x1a4: {  	v12 =	vadd.s32 s12, v0  }
0x1a5: {  	s23 =	sshra.s32 s19, $0x2;
	s19 =	sadd.s32 $0x40, s19;
	[tilespmem:v11+s13+$0x0] =	vst.idx.msk $0xffff, v12  }
0x1a6: {  	_ =	sdelay $0x3  }
0x1a7: {  	v10 =	vld.idx.msk [tilespmem:v10+s23+$0x0 ss:$0x1], $0xffff;
	_ =	sdelay $0x4  }
0x1a8: {  	v10 =	vshll.u32 v10, $0x7  }
0x1a9: {  	v10 =	vor.u32 v0, v10;
	_ =	sdelay $0x1  }
.Ltmp19:
0x1aa: {  	_ = 	snop;
	(pc) =	sbr.rel .LBB2_24-.Ltmp19, $4  }
0x1ab: {  	s12 =	sadd.s32 $0x10, s12  }
0x1ac: {  	v11 =	vadd.s32 s12, v0  }
0x1ad: {  	[tilespmem:v10+s13+$0x0] =	vst.idx.msk $0xffff, v11  }
0x1ae: {  	[spmem:s4] =	stream.indirect.scatter.add.f32 [tilespmem:s5], [sflag:$0x4], $0x80, s11, s16, $0xb8;
	[tilespmem:$0x1F000] =	vst v63  }
.LBB2_25:
0x1af: {  	s11 =	simm.s32 @!p0 $0x4  }
0x1b0: {  	_ =	swait.ge @!p0 [sflag:s11], $0x4000  }
0x1b1: {  	[sflag:s11] =	ssyncset.done @!p0 $0x0  }
0x1b2: {  	[sflag:s11] =	ssyncadd.s32 @!p0 $0xFFFFC000  }
0x1b3: {  	[bflag:$0x0] =	sbarrier.arrive $0xFFFF  }
0x1b4: {  	s23 =	simm.s32 $0x0;
	s12 =	rddreg [dreg:$0x9]  }
0x1b5: {  	[hbm4b:s12+s23] =	stream.linear.scatter [tilespmem:s14], [sflag:$0x5], $0x8000, $0x38;
	[tilespmem:$0x1F000] =	vst v63  }
0x1b6: {  	_ =	swait.ge [sflag:s30], $0x8000  }
0x1b7: {  	[sflag:s30] =	ssyncset.done $0x0  }
0x1b8: {  	s24 =	rddreg [dreg:$0xa];
	[sflag:s30] =	ssyncadd.s32 $0xFFFF8000  }
0x1b9: {  	[hbm4b:s24+s23] =	stream.linear.scatter [tilespmem:s13], [sflag:$0x5], $0x8000, $0x38;
	[tilespmem:$0x1F000] =	vst v63  }
0x1ba: {  	s25 =	stileid.u32;
	_ =	swait.ge [sflag:s30], $0x8000  }
0x1bb: {  	s21 =	sshrl.u32 s10, $0x3;
	s11 =	sshll.u32 s25, $0x6;
	[sflag:s30] =	ssyncset.done $0x0  }
0x1bc: {  	s20 =	sor.u32 $0x1C05, s11;
	s28 =	rddreg [dreg:$0xb];
	[sflag:s30] =	ssyncadd.s32 $0xFFFF8000  }
0x1bd: {  	[hbm:s28], [sflag:s20] =	dma.local [spmem:s21], $0x100  }
0x1be: {  	_ =	swait.ge [sflag:s30], $0x100  }
0x1bf: {  	[sflag:s30] =	ssyncset.done $0x0  }
0x1c0: {  	[sflag:s30] =	ssyncadd.s32 $0xFFFFFF00  }
0x1c1: {  	s11 =	simm.s32 $0x0;
	s12 =	simm.s32 $0x200;
	[bflag:$0x0] =	sbarrier.arrive $0xFFFF  }
.LBB2_26:
0x1c2: {  	p2 =	sne.s32 s12, $0x1FE00;
	[tilespmem:s11+$0x16800] =	vst v15  }
0x1c3: {  	[tilespmem:s11+$0xE800] =	vst v1  }
0x1c4: {  	[tilespmem:s11+$0xE810] =	vst v1  }
0x1c5: {  	[tilespmem:s11+$0xE820] =	vst v1  }
.Ltmp20:
0x1c6: {  	[tilespmem:s11+$0xE830] =	vst v1;
	(pc) =	sbr.rel @p2 .LBB2_26-.Ltmp20, $4  }
0x1c7: {  	[tilespmem:s11+$0xE840] =	vst v1  }
0x1c8: {  	[tilespmem:s11+$0xE850] =	vst v1  }
0x1c9: {  	[tilespmem:s11+$0xE860] =	vst v1  }
0x1ca: {  	[tilespmem:s11+$0xE870] =	vst v1;
	s11 =	sshra.s32 s12, $0x2;
	s12 =	sadd.s32 $0x200, s12  }
0x1cb: {  	[tilespmem:s11+$0x16800] =	vst v15  }
0x1cc: {  	[tilespmem:s11+$0xE800] =	vst v1  }
0x1cd: {  	[tilespmem:s11+$0xE810] =	vst v1  }
0x1ce: {  	[tilespmem:s11+$0xE820] =	vst v1  }
0x1cf: {  	[tilespmem:s11+$0xE830] =	vst v1  }
0x1d0: {  	[tilespmem:s11+$0xE840] =	vst v1  }
0x1d1: {  	[tilespmem:s11+$0xE850] =	vst v1  }
0x1d2: {  	[tilespmem:s11+$0xE860] =	vst v1  }
0x1d3: {  	[tilespmem:s11+$0xE870] =	vst v1;
	s23 =	rddreg [dreg:$0x6]  }
0x1d4: {  	[spmem:s10] =	stream.linear.scatter [tilespmem:s23], [sflag:$0x5], $0x800, $0x38;
	[tilespmem:$0x1F000] =	vst v63  }
0x1d5: {  	_ =	swait.ge [sflag:s30], $0x800  }
0x1d6: {  	[sflag:s30] =	ssyncset.done $0x0  }
0x1d7: {  	[sflag:s30] =	ssyncadd.s32 $0xFFFFF800  }
0x1d8: {  	[bflag:$0x0] =	sbarrier.arrive $0xFFFF  }
0x1d9: {  	s22 =	simm.s32 $0x0;
	s23 =	simm.s32 $0xC000;
	s24 =	rddreg [dreg:$0xc]  }
0x1da: {  	[tilespmem:s23], [sflag:$0x5] =	stream.linear.gather [hbm4b:s24+s22], $0x1400, $0x38;
	[tilespmem:$0x1F000] =	vst v63  }
0x1db: {  	_ =	swait.ge [sflag:s30], $0x1400  }
.Ltmp21:
0x1dc: {  	[sflag:s30] =	ssyncset.done $0x0;
	s25 =	rddreg [dreg:$0xd];
	(pc) =	sbr.rel .LBB2_28-.Ltmp21, $4  }
0x1dd: {  	s28 =	rddreg [dreg:$0x14];
	[sflag:s30] =	ssyncadd.s32 $0xFFFFEC00  }
0x1de: {  	[tilespmem:s22], [sflag:$0x1] =	stream.linear.gather [hbm4b:s25+s22], $0x4000, $0x38;
	[tilespmem:$0x1F000] =	vst v63  }
0x1df: {  	s25 =	rddreg [dreg:$0x13]  }
0x1e0: {  	[tilespmem:s31], [sflag:$0x2] =	stream.linear.gather [hbm4b:s28+s22], $0x4000, $0x38;
	[tilespmem:$0x1F000] =	vst v63  }
.LBB2_48:
0x1e1: {  	s22 =	sadd.s32 $0x1, s22  }
0x1e2: {  	p2 =	sne.s32 s22, s9  }
.Ltmp22:
0x1e3: {  	_ = 	snop;
	(pc) =	sbr.rel @!p2 .LBB2_49-.Ltmp22, $2  }
0x1e4: {  	_ =	sdelay $0x2  }
0x1e5: {  	s25 =	sadd.s32 $0x80, s25;
	s23 =	sadd.s32 $0x80, s23  }
.LBB2_28:
0x1e6: {  	s11 =	smulhi.u32 $0xAAAAAAAB, s22;
	_ =	sdelay $0x1  }
0x1e7: {  	s11 =	sshrl.u32 s11, $0x1  }
0x1e8: {  	s11 =	smul.u32 $0x3, s11;
	_ =	sdelay $0x1  }
0x1e9: {  	s12 =	ssub.s32 s22, s11  }
0x1ea: {  	p3 =	seq.s32 s12, $0x2  }
.Ltmp23:
0x1eb: {  	_ = 	snop;
	(pc) =	sbr.rel @p3 .LBB2_36-.Ltmp23, $2  }
0x1ec: {  	_ =	sdelay $0x2  }
0x1ed: {  	p2 =	sge.u32 s22, s29;
	s11 =	sadd.s32 s7, s22  }
0x1ee: {  	p3 =	seq.s32 s12, $0x1  }
.Ltmp24:
0x1ef: {  	_ = 	snop;
	(pc) =	sbr.rel @!p3 .LBB2_30-.Ltmp24, $1  }
0x1f0: {  	_ =	sdelay $0x3  }
0x1f1: {  	s11 =	sshll.u32 @!p2 s11, $0xB  }
0x1f2: {  	_ =	swait.ge [sflag:s2], $0x4000;
	s11 =	sand.u32 @!p2 $0x1FFFF800, s11  }
0x1f3: {  	[sflag:s2] =	ssyncset.done $0x0;
	s11 =	sadd.s32 @!p2 s3, s11  }
0x1f4: {  	s12 =	simm.s32 @!p2 $0x0;
	v10 =	vmov s23;
	[sflag:s2] =	ssyncadd.s32 $0xFFFFC000;
	s11 =	sadd.s32 @!p2 $0x1000, s11  }
0x1f5: {  	[tilespmem:s12], [sflag:$0x1] =	stream.linear.gather @!p2 [hbm4b:s11+s12], $0x4000, $0x38;
	[tilespmem:$0x1F000] =	vst v63  }
0x1f6: {  	_ =	swait.ge [sflag:s15], $0x4000  }
0x1f7: {  	[sflag:s15] =	ssyncset.done $0x0  }
0x1f8: {  	s24 =	simm.s32 $0x0;
	[sflag:s15] =	ssyncadd.s32 $0xFFFFC000  }
0x1f9: {  	v2 =	vld.idx.msk [tilespmem:v10+s24+$0x0 ss:$0x1], $0xffff;
	_ =	sdelay $0x4  }
0x1fa: {  	v2 =	vshll.u32 v2, $0x7  }
0x1fb: {  	v2 =	vor.u32 v0, v2;
	_ =	sdelay $0x2  }
0x1fc: {  	s28 =	sshll.u32 s22, $0x9  }
0x1fd: {  	v11 =	vadd.s32 s25, v0;
	s19 =	simm.s32 $0x80;
	s11 =	sshra.s32 s28, $0x2  }
0x1fe: {  	s12 =	smov.u32 s25;
	s11 =	sadd.s32 $0xC000, s11;
	s24 =	simm.s32 $0x10;
	[tilespmem:v2+s13+$0x0] =	vst.idx.msk $0xffff, v11  }
.LBB2_34:
0x1ff: {  	p2 =	sne.s32 s19, $0x1C0;
	v2 =	vld.idx.msk [tilespmem:v10+s24+$0x0 ss:$0x1], $0xffff;
	_ =	sdelay $0x5  }
0x200: {  	v2 =	vshll.u32 v2, $0x7  }
0x201: {  	v2 =	vor.u32 v0, v2  }
.Ltmp25:
0x202: {  	(pc) =	sbr.rel @p2 .LBB2_34-.Ltmp25, $4  }
0x203: {  	_ = 	snop  }
0x204: {  	s12 =	sadd.s32 $0x10, s12  }
0x205: {  	v11 =	vadd.s32 s12, v0  }
0x206: {  	s24 =	sshra.s32 s19, $0x2;
	s19 =	sadd.s32 $0x40, s19;
	[tilespmem:v2+s13+$0x0] =	vst.idx.msk $0xffff, v11  }
0x207: {  	_ =	sdelay $0x3  }
0x208: {  	v2 =	vld.idx.msk [tilespmem:v10+s24+$0x0 ss:$0x1], $0xffff;
	_ =	sdelay $0x4  }
0x209: {  	v2 =	vshll.u32 v2, $0x7  }
0x20a: {  	v2 =	vor.u32 v0, v2;
	_ =	sdelay $0x1  }
.Ltmp26:
0x20b: {  	_ = 	snop;
	(pc) =	sbr.rel .LBB2_48-.Ltmp26, $4  }
0x20c: {  	s12 =	sadd.s32 $0x10, s12  }
0x20d: {  	v10 =	vadd.s32 s12, v0  }
0x20e: {  	[tilespmem:v2+s13+$0x0] =	vst.idx.msk $0xffff, v10  }
0x20f: {  	[spmem:s4] =	stream.indirect.scatter.add.f32 [tilespmem:s31], [sflag:$0x4], $0x80, s11, s16, $0xb8;
	[tilespmem:$0x1F000] =	vst v63  }
.LBB2_36:
0x210: {  	s11 =	sshll.u32 @!p2 s11, $0xB  }
0x211: {  	_ =	swait.ge [sflag:s2], $0x4000;
	s11 =	sand.u32 @!p2 $0x1FFFF800, s11  }
0x212: {  	s12 =	simm.s32 @!p2 $0x0;
	[sflag:s2] =	ssyncset.done $0x0;
	s11 =	sadd.s32 @!p2 s3, s11  }
0x213: {  	s19 =	simm.s32 @!p2 $0x4000;
	[sflag:s2] =	ssyncadd.s32 $0xFFFFC000;
	s11 =	sadd.s32 @!p2 $0x1000, s11  }
0x214: {  	v10 =	vmov s23;
	[tilespmem:s19], [sflag:$0x2] =	stream.linear.gather @!p2 [hbm4b:s11+s12], $0x4000, $0x38;
	[tilespmem:$0x1F000] =	vst v63  }
0x215: {  	s28 =	sshll.u32 s22, $0x9;
	s24 =	simm.s32 $0x0;
	_ =	swait.ge [sflag:s0], $0x4000  }
0x216: {  	s11 =	sshra.s32 s28, $0x2;
	s12 =	smov.u32 s25;
	[sflag:s0] =	ssyncset.done $0x0  }
0x217: {  	s19 =	simm.s32 $0x0;
	s11 =	sadd.s32 $0xC000, s11;
	[sflag:s0] =	ssyncadd.s32 $0xFFFFC000  }
.LBB2_37:
0x218: {  	s28 =	sshra.s32 s19, $0x2  }
0x219: {  	v2 =	vld.idx.msk [tilespmem:v10+s28+$0x0 ss:$0x1], $0xffff;
	_ =	sdelay $0x4  }
0x21a: {  	v2 =	vshll.u32 v2, $0x7  }
0x21b: {  	p2 =	sne.s32 s19, $0x1C0;
	v2 =	vor.u32 v0, v2  }
.Ltmp27:
0x21c: {  	_ = 	snop;
	(pc) =	sbr.rel @p2 .LBB2_37-.Ltmp27, $3  }
0x21d: {  	_ =	sdelay $0x1  }
0x21e: {  	v11 =	vadd.s32 s12, v0  }
0x21f: {  	s12 =	sadd.s32 $0x10, s12;
	s19 =	sadd.s32 $0x40, s19;
	[tilespmem:v2+s13+$0x0] =	vst.idx.msk $0xffff, v11  }
.Ltmp28:
0x220: {  	(pc) =	sbr.rel .LBB2_39-.Ltmp28, $3  }
0x221: {  	_ =	sdelay $0x1  }
0x222: {  	v16 =	vmov s11  }
0x223: {  	s28 =	simm.s32 $0x80000000;
	[tilespmem:$0x1FE50] =	vst v16  }
.LBB2_54:
0x224: {  	s11 =	sshll.u32 s24, $0xB  }
0x225: {  	s11 =	sand.u32 $0x3FFFF800, s11  }
0x226: {  	v2 =	vld [tilespmem:s11+$0x8000]  }
0x227: {  	v12 =	vld [tilespmem:s11+$0x8010]  }
0x228: {  	v13 =	vld [tilespmem:s11+$0x8020]  }
0x229: {  	v14 =	vld [tilespmem:s11+$0x8030]  }
0x22a: {  	v15 =	vld [tilespmem:s11+$0x8040]  }
0x22b: {  	v16 =	vld [tilespmem:s11+$0x8050]  }
0x22c: {  	v17 =	vld [tilespmem:s11+$0x8060]  }
0x22d: {  	v18 =	vld [tilespmem:s11+$0x8070]  }
0x22e: {  	v19 =	vld [tilespmem:s11+$0x8080]  }
0x22f: {  	v20 =	vld [tilespmem:s11+$0x8090]  }
0x230: {  	v21 =	vld [tilespmem:s11+$0x80A0]  }
0x231: {  	v22 =	vld [tilespmem:s11+$0x80B0]  }
0x232: {  	v23 =	vld [tilespmem:s11+$0x80C0]  }
0x233: {  	v10 =	vld [tilespmem:s11+$0x8350]  }
0x234: {  	v24 =	vld [tilespmem:s11+$0x80D0]  }
0x235: {  	v25 =	vld [tilespmem:s11+$0x80E0]  }
0x236: {  	v26 =	vld [tilespmem:s11+$0x80F0]  }
0x237: {  	v27 =	vld [tilespmem:s11+$0x8100]  }
0x238: {  	[tilespmem:$0x1FCC0] =	vst v10;
	v10 =	vld [tilespmem:s11+$0x8360]  }
0x239: {  	v28 =	vld [tilespmem:s11+$0x8110]  }
0x23a: {  	v29 =	vld [tilespmem:s11+$0x8120]  }
0x23b: {  	v30 =	vld [tilespmem:s11+$0x8130]  }
0x23c: {  	v31 =	vld [tilespmem:s11+$0x8140]  }
0x23d: {  	[tilespmem:$0x1FCD0] =	vst v10;
	v10 =	vld [tilespmem:s11+$0x8370]  }
0x23e: {  	v32 =	vld [tilespmem:s11+$0x8150]  }
0x23f: {  	v33 =	vld [tilespmem:s11+$0x8160]  }
0x240: {  	v34 =	vld [tilespmem:s11+$0x8170]  }
0x241: {  	v35 =	vld [tilespmem:s11+$0x8180]  }
0x242: {  	[tilespmem:$0x1FCE0] =	vst v10;
	v10 =	vld [tilespmem:s11+$0x8380]  }
0x243: {  	v36 =	vld [tilespmem:s11+$0x8190]  }
0x244: {  	v37 =	vld [tilespmem:s11+$0x81A0]  }
0x245: {  	v38 =	vld [tilespmem:s11+$0x81B0]  }
0x246: {  	v39 =	vld [tilespmem:s11+$0x81C0]  }
0x247: {  	[tilespmem:$0x1FCF0] =	vst v10;
	v10 =	vld [tilespmem:s11+$0x8390]  }
0x248: {  	v40 =	vld [tilespmem:s11+$0x81D0]  }
0x249: {  	v41 =	vld [tilespmem:s11+$0x81E0]  }
0x24a: {  	v42 =	vld [tilespmem:s11+$0x81F0]  }
0x24b: {  	v43 =	vld [tilespmem:s11+$0x8200]  }
0x24c: {  	[tilespmem:$0x1FD00] =	vst v10;
	v10 =	vld [tilespmem:s11+$0x83A0]  }
0x24d: {  	v44 =	vld [tilespmem:s11+$0x8210]  }
0x24e: {  	v45 =	vld [tilespmem:s11+$0x8220]  }
0x24f: {  	v46 =	vld [tilespmem:s11+$0x8230]  }
0x250: {  	v47 =	vld [tilespmem:s11+$0x8240]  }
0x251: {  	[tilespmem:$0x1FD10] =	vst v10;
	v10 =	vld [tilespmem:s11+$0x83B0]  }
0x252: {  	v48 =	vld [tilespmem:s11+$0x8250]  }
0x253: {  	v49 =	vld [tilespmem:s11+$0x8260]  }
0x254: {  	v50 =	vld [tilespmem:s11+$0x8270]  }
0x255: {  	v51 =	vld [tilespmem:s11+$0x8280]  }
0x256: {  	[tilespmem:$0x1FD20] =	vst v10;
	v10 =	vld [tilespmem:s11+$0x83C0]  }
0x257: {  	v52 =	vld [tilespmem:s11+$0x8290]  }
0x258: {  	v53 =	vld [tilespmem:s11+$0x82A0]  }
0x259: {  	v54 =	vld [tilespmem:s11+$0x82B0]  }
0x25a: {  	v55 =	vld [tilespmem:s11+$0x82C0]  }
0x25b: {  	[tilespmem:$0x1FD30] =	vst v10;
	v10 =	vld [tilespmem:s11+$0x83D0]  }
0x25c: {  	v56 =	vld [tilespmem:s11+$0x82D0]  }
0x25d: {  	v57 =	vld [tilespmem:s11+$0x82E0]  }
0x25e: {  	v58 =	vld [tilespmem:s11+$0x82F0]  }
0x25f: {  	v59 =	vld [tilespmem:s11+$0x8300]  }
0x260: {  	[tilespmem:$0x1FD40] =	vst v10;
	v10 =	vld [tilespmem:s11+$0x83E0]  }
0x261: {  	v60 =	vld [tilespmem:s11+$0x8310]  }
0x262: {  	v61 =	vld [tilespmem:s11+$0x8320]  }
0x263: {  	v62 =	vld [tilespmem:s11+$0x8330]  }
0x264: {  	v63 =	vld [tilespmem:s11+$0x8340]  }
0x265: {  	[tilespmem:$0x1FD50] =	vst v10;
	v10 =	vld [tilespmem:s11+$0x83F0]  }
0x266: {  	v2 =	vadd.f32 v19, v2;
	v19 =	vld [tilespmem:s11+$0x84E0]  }
0x267: {  	v12 =	vadd.f32 v20, v12;
	v20 =	vld [tilespmem:s11+$0x84F0]  }
0x268: {  	v13 =	vadd.f32 v21, v13;
	v21 =	vld [tilespmem:s11+$0x8500]  }
0x269: {  	v14 =	vadd.f32 v22, v14;
	v22 =	vld [tilespmem:s11+$0x8510]  }
0x26a: {  	[tilespmem:$0x1FD60] =	vst v10;
	v10 =	vld [tilespmem:s11+$0x8400]  }
0x26b: {  	v15 =	vadd.f32 v23, v15;
	v23 =	vld [tilespmem:s11+$0x8520]  }
0x26c: {  	v16 =	vadd.f32 v24, v16;
	v24 =	vld [tilespmem:s11+$0x8530]  }
0x26d: {  	v17 =	vadd.f32 v25, v17;
	v25 =	vld [tilespmem:s11+$0x8540]  }
0x26e: {  	v18 =	vadd.f32 v26, v18;
	v26 =	vld [tilespmem:s11+$0x8550]  }
0x26f: {  	[tilespmem:$0x1FD70] =	vst v10;
	v10 =	vld [tilespmem:s11+$0x8410]  }
0x270: {  	v2 =	vadd.f32 v27, v2;
	v27 =	vld [tilespmem:s11+$0x8560]  }
0x271: {  	v12 =	vadd.f32 v28, v12;
	v28 =	vld [tilespmem:s11+$0x8570]  }
0x272: {  	v13 =	vadd.f32 v29, v13;
	v29 =	vld [tilespmem:s11+$0x8580]  }
0x273: {  	v14 =	vadd.f32 v30, v14;
	v30 =	vld [tilespmem:s11+$0x8590]  }
0x274: {  	[tilespmem:$0x1FD80] =	vst v10;
	v10 =	vld [tilespmem:s11+$0x8420]  }
0x275: {  	v15 =	vadd.f32 v31, v15;
	v31 =	vld [tilespmem:s11+$0x85A0]  }
0x276: {  	v16 =	vadd.f32 v32, v16;
	v32 =	vld [tilespmem:s11+$0x85B0]  }
0x277: {  	v17 =	vadd.f32 v33, v17;
	v33 =	vld [tilespmem:s11+$0x85C0]  }
0x278: {  	v18 =	vadd.f32 v34, v18;
	v34 =	vld [tilespmem:s11+$0x85D0]  }
0x279: {  	[tilespmem:$0x1FD90] =	vst v10;
	v10 =	vld [tilespmem:s11+$0x8430]  }
0x27a: {  	v2 =	vadd.f32 v35, v2;
	v35 =	vld [tilespmem:s11+$0x85E0]  }
0x27b: {  	v12 =	vadd.f32 v36, v12;
	v36 =	vld [tilespmem:s11+$0x85F0]  }
0x27c: {  	v13 =	vadd.f32 v37, v13;
	v37 =	vld [tilespmem:s11+$0x8600]  }
0x27d: {  	v14 =	vadd.f32 v38, v14;
	v38 =	vld [tilespmem:s11+$0x8610]  }
0x27e: {  	[tilespmem:$0x1FDA0] =	vst v10;
	v10 =	vld [tilespmem:s11+$0x8440]  }
0x27f: {  	v15 =	vadd.f32 v39, v15;
	v39 =	vld [tilespmem:s11+$0x8620]  }
0x280: {  	v16 =	vadd.f32 v40, v16;
	v40 =	vld [tilespmem:s11+$0x8630]  }
0x281: {  	v17 =	vadd.f32 v41, v17;
	v41 =	vld [tilespmem:s11+$0x8650]  }
0x282: {  	v18 =	vadd.f32 v42, v18;
	v42 =	vld [tilespmem:s11+$0x8660]  }
0x283: {  	[tilespmem:$0x1FDB0] =	vst v10;
	v10 =	vld [tilespmem:s11+$0x8450]  }
0x284: {  	v2 =	vadd.f32 v43, v2;
	v43 =	vld [tilespmem:s11+$0x8670]  }
0x285: {  	v12 =	vadd.f32 v44, v12;
	v44 =	vld [tilespmem:s11+$0x8680]  }
0x286: {  	v13 =	vadd.f32 v45, v13;
	v45 =	vld [tilespmem:s11+$0x8690]  }
0x287: {  	v14 =	vadd.f32 v46, v14;
	v46 =	vld [tilespmem:s11+$0x86A0]  }
0x288: {  	[tilespmem:$0x1FDC0] =	vst v10;
	v10 =	vld [tilespmem:s11+$0x8460]  }
0x289: {  	v15 =	vadd.f32 v47, v15;
	v47 =	vld [tilespmem:s11+$0x86B0]  }
0x28a: {  	v16 =	vadd.f32 v48, v16;
	v14 =	vadd.f32 v54, v14;
	v54 =	vld [tilespmem:$0x1FCD0]  }
0x28b: {  	v15 =	vadd.f32 v55, v15;
	v55 =	vld [tilespmem:$0x1FCE0]  }
0x28c: {  	v17 =	vadd.f32 v49, v17;
	v16 =	vadd.f32 v56, v16;
	v56 =	vld [tilespmem:$0x1FCF0]  }
0x28d: {  	v18 =	vadd.f32 v50, v18;
	[tilespmem:$0x1FDD0] =	vst v10;
	v10 =	vld [tilespmem:s11+$0x8470]  }
0x28e: {  	v2 =	vadd.f32 v51, v2;
	v17 =	vadd.f32 v57, v17;
	v57 =	vld [tilespmem:$0x1FD00]  }
0x28f: {  	v18 =	vadd.f32 v58, v18;
	v58 =	vld [tilespmem:$0x1FD10]  }
0x290: {  	v2 =	vadd.f32 v59, v2;
	v59 =	vld [tilespmem:$0x1FD20]  }
0x291: {  	v12 =	vadd.f32 v52, v12;
	v14 =	vadd.f32 v62, v14;
	v62 =	vld [tilespmem:$0x1FD50]  }
0x292: {  	v13 =	vadd.f32 v53, v13;
	[tilespmem:$0x1FDE0] =	vst v10;
	v10 =	vld [tilespmem:s11+$0x8480]  }
0x293: {  	v12 =	vadd.f32 v60, v12;
	v60 =	vld [tilespmem:$0x1FD30]  }
0x294: {  	v13 =	vadd.f32 v61, v13;
	v17 =	vadd.f32 v54, v17;
	v61 =	vld [tilespmem:$0x1FD40]  }
0x295: {  	v15 =	vadd.f32 v63, v15;
	v63 =	vld [tilespmem:$0x1FD60]  }
0x296: {  	v17 =	vadd.f32 v62, v17;
	v62 =	vld [tilespmem:s11+$0x8700]  }
0x297: {  	[tilespmem:$0x1FDF0] =	vst v10;
	v10 =	vld [tilespmem:s11+$0x8490]  }
0x298: {  	v18 =	vadd.f32 v55, v18;
	v48 =	vld [tilespmem:$0x1FD70]  }
0x299: {  	v49 =	vld [tilespmem:$0x1FD80]  }
0x29a: {  	v18 =	vadd.f32 v63, v18;
	v63 =	vld [tilespmem:s11+$0x8720]  }
0x29b: {  	v2 =	vadd.f32 v56, v2;
	v50 =	vld [tilespmem:$0x1FD90]  }
0x29c: {  	v12 =	vadd.f32 v57, v12;
	[tilespmem:$0x1FE00] =	vst v10;
	v10 =	vld [tilespmem:s11+$0x84A0]  }
0x29d: {  	v2 =	vadd.f32 v48, v2;
	v48 =	vld [tilespmem:s11+$0x86C0]  }
0x29e: {  	v13 =	vadd.f32 v58, v13;
	v12 =	vadd.f32 v49, v12;
	v49 =	vld [tilespmem:s11+$0x86D0]  }
0x29f: {  	v51 =	vld [tilespmem:$0x1FDA0]  }
0x2a0: {  	v13 =	vadd.f32 v50, v13;
	v50 =	vld [tilespmem:s11+$0x86E0]  }
0x2a1: {  	[tilespmem:$0x1FE10] =	vst v10;
	v10 =	vld [tilespmem:s11+$0x84B0]  }
0x2a2: {  	v52 =	vld [tilespmem:$0x1FDB0]  }
0x2a3: {  	v14 =	vadd.f32 v59, v14;
	v56 =	vld [tilespmem:$0x1FDF0]  }
0x2a4: {  	v54 =	vld [tilespmem:$0x1FDD0]  }
0x2a5: {  	v14 =	vadd.f32 v51, v14;
	v51 =	vld [tilespmem:s11+$0x86F0]  }
0x2a6: {  	[tilespmem:$0x1FE20] =	vst v10;
	v10 =	vld [tilespmem:s11+$0x84C0]  }
0x2a7: {  	v55 =	vld [tilespmem:$0x1FDE0]  }
0x2a8: {  	v2 =	vadd.f32 v56, v2;
	v57 =	vld [tilespmem:$0x1FE00]  }
0x2a9: {  	v15 =	vadd.f32 v60, v15;
	v53 =	vld [tilespmem:$0x1FDC0];
	v17 =	vadd.f32 v54, v17  }
0x2aa: {  	v54 =	vld [tilespmem:s11+$0x8780];
	v2 =	vadd.f32 v21, v2  }
0x2ab: {  	v15 =	vadd.f32 v52, v15;
	v17 =	vadd.f32 v19, v17;
	[tilespmem:$0x1FE30] =	vst v10;
	v10 =	vld [tilespmem:s11+$0x84D0]  }
0x2ac: {  	v18 =	vadd.f32 v55, v18;
	v2 =	vadd.f32 v29, v2;
	v58 =	vld [tilespmem:$0x1FE10]  }
0x2ad: {  	v19 =	vld [tilespmem:s11+$0x8710];
	v17 =	vadd.f32 v27, v17;
	v12 =	vadd.f32 v57, v12  }
0x2ae: {  	v55 =	vld [tilespmem:s11+$0x8790];
	v18 =	vadd.f32 v20, v18;
	v2 =	vadd.f32 v37, v2  }
0x2af: {  	v17 =	vadd.f32 v35, v17;
	v12 =	vadd.f32 v22, v12;
	v59 =	vld [tilespmem:$0x1FE20]  }
0x2b0: {  	v18 =	vadd.f32 v28, v18;
	v2 =	vadd.f32 v44, v2;
	[tilespmem:$0x1FE40] =	vst v10;
	v10 =	vld [tilespmem:$0x1FCC0]  }
0x2b1: {  	v56 =	vld [tilespmem:s11+$0x87A0];
	v12 =	vadd.f32 v30, v12;
	v13 =	vadd.f32 v58, v13  }
0x2b2: {  	v18 =	vadd.f32 v36, v18;
	v21 =	vld [tilespmem:s11+$0x8730];
	v2 =	vadd.f32 v62, v2  }
0x2b3: {  	v57 =	vld [tilespmem:s11+$0x87B0];
	v12 =	vadd.f32 v38, v12;
	v13 =	vadd.f32 v23, v13  }
0x2b4: {  	v2 =	vadd.f32 v54, v2;
	v14 =	vadd.f32 v59, v14;
	v60 =	vld [tilespmem:$0x1FE30]  }
0x2b5: {  	v22 =	vld [tilespmem:s11+$0x8740];
	v12 =	vadd.f32 v45, v12;
	v10 =	vadd.f32 v10, v16  }
0x2b6: {  	v62 =	vld [tilespmem:s11+$0x87E0];
	v13 =	vadd.f32 v31, v13;
	v14 =	vadd.f32 v24, v14  }
0x2b7: {  	v12 =	vadd.f32 v19, v12;
	v10 =	vadd.f32 v61, v10;
	v61 =	vld [tilespmem:$0x1FE40]  }
0x2b8: {  	v23 =	vld [tilespmem:s11+$0x8750];
	v13 =	vadd.f32 v39, v13;
	v14 =	vadd.f32 v32, v14  }
0x2b9: {  	v11 =	vshll.u32 v11, $0x7;
	v59 =	vld [tilespmem:s11+$0x87C0];
	v12 =	vadd.f32 v55, v12;
	v15 =	vadd.f32 v60, v15  }
0x2ba: {  	v58 =	vor.u32 v0, v11;
	v14 =	vadd.f32 v40, v14;
	v16 =	vld [tilespmem:s11+$0x8640];
	v10 =	vadd.f32 v53, v10  }
0x2bb: {  	v19 =	vld [tilespmem:s11+$0x87D0];
	v13 =	vadd.f32 v46, v13;
	v15 =	vadd.f32 v25, v15  }
0x2bc: {  	v24 =	vld [tilespmem:s11+$0x8760];
	v14 =	vadd.f32 v47, v14;
	v10 =	vadd.f32 v61, v10  }
0x2bd: {  	v60 =	vor.u32 v3, v11;
	v13 =	vadd.f32 v63, v13;
	v63 =	vld [tilespmem:s11+$0x87F0];
	v15 =	vadd.f32 v33, v15  }
0x2be: {  	v14 =	vadd.f32 v21, v14;
	v53 =	vld [tilespmem:s11+$0x8770];
	v10 =	vadd.f32 v26, v10  }
0x2bf: {  	[tilespmem:v58+s14+$0x0] =	vst.idx.add.f32.msk $0xffff, v2;
	v2 =	vadd.f32 v16, v15;
	v61 =	vor.u32 v4, v11  }
0x2c0: {  	v13 =	vadd.f32 v56, v13;
	v10 =	vadd.f32 v34, v10  }
0x2c1: {  	v14 =	vadd.f32 v57, v14;
	v2 =	vadd.f32 v48, v2  }
0x2c2: {  	[tilespmem:v60+s14+$0x0] =	vst.idx.add.f32.msk $0xffff, v12;
	v15 =	vor.u32 v5, v11;
	v10 =	vadd.f32 v41, v10  }
0x2c3: {  	v12 =	vadd.f32 v42, v17;
	v16 =	vor.u32 v6, v11;
	v2 =	vadd.f32 v22, v2  }
0x2c4: {  	[tilespmem:v61+s14+$0x0] =	vst.idx.add.f32.msk $0xffff, v13;
	v13 =	vadd.f32 v43, v18;
	v10 =	vadd.f32 v49, v10  }
0x2c5: {  	v17 =	vor.u32 v7, v11;
	v12 =	vadd.f32 v50, v12;
	v2 =	vadd.f32 v59, v2  }
0x2c6: {  	v18 =	vor.u32 v8, v11;
	v13 =	vadd.f32 v51, v13;
	v10 =	vadd.f32 v23, v10  }
0x2c7: {  	v12 =	vadd.f32 v24, v12;
	v11 =	vor.u32 v9, v11;
	[tilespmem:v15+s14+$0x0] =	vst.idx.add.f32.msk $0xffff, v14  }
0x2c8: {  	[tilespmem:v16+s14+$0x0] =	vst.idx.add.f32.msk $0xffff, v2;
	v13 =	vadd.f32 v53, v13;
	v10 =	vadd.f32 v19, v10  }
0x2c9: {  	v12 =	vadd.f32 v62, v12;
	v16 =	vld [tilespmem:$0x1FE50]  }
0x2ca: {  	v2 =	vadd.f32 v63, v13;
	[tilespmem:v17+s14+$0x0] =	vst.idx.add.f32.msk $0xffff, v10  }
0x2cb: {  	[tilespmem:v18+s14+$0x0] =	vst.idx.add.f32.msk $0xffff, v12  }
0x2cc: {  	v15 =	vimm.s32 $0x0;
	[tilespmem:v11+s14+$0x0] =	vst.idx.add.f32.msk $0xffff, v2  }
.LBB2_47:
0x2cd: {  	s24 =	sadd.s32 $0x1, s24  }
0x2ce: {  	p2 =	sne.s32 s24, $0x8  }
.Ltmp29:
0x2cf: {  	_ = 	snop;
	(pc) =	sbr.rel @!p2 .LBB2_48-.Ltmp29, $2  }
0x2d0: {  	_ =	sdelay $0x2  }
0x2d1: {  	s28 =	sadd.s32 $0x10, s28  }
.LBB2_39:
0x2d2: {  	_ =	sdelay $0x2  }
0x2d3: {  	s11 =	sshll.u32 s24, $0x4  }
0x2d4: {  	v12 =	vld.idx.msk [tilespmem:v16+s11+$0x0 ss:$0x1], $0xffff;
	_ =	sdelay $0x4  }
0x2d5: {  	v11 =	vperm.xlane v12, v15;
	_ =	sdelay $0x1  }
0x2d6: {  	vm0 =	veq.s32 v12, v11  }
0x2d7: {  	v2 =	vsel vm0, $0x1, v15  }
0x2d8: {  	v2 =	vor.u32 $0x80000000, v2  }
0x2d9: {  	(xrf0) =	vmin.scan.msk.u32 $0xffff, v2;
	_ =	sdelay $0x5  }
0x2da: {  	v2, _, _ =	vpop (xrf0)  }
0x2db: {  	(v2sf) =	vpush v2, $0xF;
	_ =	sdelay $0xe  }
0x2dc: {  	s12 =	spop (v2sf)  }
0x2dd: {  	s11 =	sxor.u32 $0x80000000, s12  }
0x2de: {  	p2 =	seq.s32 s11, $0x1  }
.Ltmp30:
0x2df: {  	_ = 	snop;
	(pc) =	sbr.rel @p2 .LBB2_54-.Ltmp30, $1  }
0x2e0: {  	_ =	sdelay $0x3  }
0x2e1: {  	p2 =	sne.s32 s11, $0x0  }
.Ltmp31:
0x2e2: {  	_ = 	snop;
	(pc) =	sbr.rel @p2 .LBB2_47-.Ltmp31, $1  }
0x2e3: {  	_ =	sdelay $0x3  }
0x2e4: {  	p3 =	sne.s32 s11, $0xF  }
.Ltmp32:
0x2e5: {  	_ = 	snop;
	(pc) =	sbr.rel @!p3 .LBB2_42-.Ltmp32, $4  }
0x2e6: {  	s12 =	sadd.s32 s28, s12  }
0x2e7: {  	s12 =	sshll.u32 s12, $0x9  }
0x2e8: {  	s12 =	sshra.s32 s12, $0x2  }
0x2e9: {  	v14 =	vmov s11;
	s11 =	sadd.s32 $0x1, s11;
	p2 =	por $0x0, $0x0;
	s19 =	sadd.s32 $0x8040, s12  }
0x2ea: {  	v2 =	vperm.xlane v12, v14;
	_ =	sdelay $0x1  }
0x2eb: {  	v2 =	vshll.u32 v2, $0x7  }
0x2ec: {  	v10 =	vld [tilespmem:s19+$0xFFFFFFC0];
	v11 =	vor.u32 v0, v2;
	_ =	sdelay $0x4  }
0x2ed: {  	[tilespmem:v11+s14+$0x0] =	vst.idx.add.f32.msk $0xffff, v10  }
0x2ee: {  	v11 =	vor.u32 v3, v2;
	v10 =	vld [tilespmem:s19+$0xFFFFFFD0];
	_ =	sdelay $0x4  }
0x2ef: {  	[tilespmem:v11+s14+$0x0] =	vst.idx.add.f32.msk $0xffff, v10  }
0x2f0: {  	v11 =	vor.u32 v4, v2;
	v10 =	vld [tilespmem:s19+$0xFFFFFFE0];
	_ =	sdelay $0x4  }
0x2f1: {  	[tilespmem:v11+s14+$0x0] =	vst.idx.add.f32.msk $0xffff, v10  }
0x2f2: {  	v11 =	vor.u32 v5, v2;
	v10 =	vld [tilespmem:s19+$0xFFFFFFF0];
	_ =	sdelay $0x4  }
0x2f3: {  	[tilespmem:v11+s14+$0x0] =	vst.idx.add.f32.msk $0xffff, v10  }
0x2f4: {  	v11 =	vor.u32 v6, v2;
	v10 =	vld [tilespmem:s19+$0x0];
	_ =	sdelay $0x4  }
0x2f5: {  	[tilespmem:v11+s14+$0x0] =	vst.idx.add.f32.msk $0xffff, v10  }
0x2f6: {  	v11 =	vor.u32 v7, v2;
	v10 =	vld [tilespmem:s19+$0x10];
	_ =	sdelay $0x4  }
0x2f7: {  	[tilespmem:v11+s14+$0x0] =	vst.idx.add.f32.msk $0xffff, v10  }
0x2f8: {  	v11 =	vor.u32 v8, v2;
	v10 =	vld [tilespmem:s19+$0x20];
	_ =	sdelay $0x2  }
0x2f9: {  	p3 =	sne.s32 s11, $0xF  }
.Ltmp33:
0x2fa: {  	_ = 	snop;
	(pc) =	sbr.rel @!p3 .LBB2_44-.Ltmp33, $3  }
0x2fb: {  	[tilespmem:v11+s14+$0x0] =	vst.idx.add.f32.msk $0xffff, v10  }
0x2fc: {  	v13 =	vor.u32 v9, v2;
	v11 =	vld [tilespmem:s19+$0x30];
	_ =	sdelay $0x1  }
0x2fd: {  	v14 =	vmov s11;
	s12 =	sadd.s32 $0x1, s11;
	p2 =	por $0x1, $0x1;
	s11 =	smov.u32 s19  }
.LBB2_45:
0x2fe: {  	p3 =	sne.s32 s12, $0xF;
	v2 =	vperm.xlane v12, v14;
	_ =	sdelay $0x1  }
0x2ff: {  	s11 =	sadd.s32 $0x80, s11;
	v2 =	vshll.u32 v2, $0x7;
	[tilespmem:v13+s14+$0x0] =	vst.idx.add.f32.msk $0xffff, v11  }
0x300: {  	v10 =	vld [tilespmem:s11+$0xFFFFFFC0];
	v11 =	vor.u32 v0, v2;
	_ =	sdelay $0x4  }
0x301: {  	[tilespmem:v11+s14+$0x0] =	vst.idx.add.f32.msk $0xffff, v10  }
0x302: {  	v11 =	vor.u32 v3, v2;
	v10 =	vld [tilespmem:s11+$0xFFFFFFD0];
	_ =	sdelay $0x4  }
0x303: {  	[tilespmem:v11+s14+$0x0] =	vst.idx.add.f32.msk $0xffff, v10  }
0x304: {  	v11 =	vor.u32 v4, v2;
	v10 =	vld [tilespmem:s11+$0xFFFFFFE0];
	_ =	sdelay $0x4  }
0x305: {  	[tilespmem:v11+s14+$0x0] =	vst.idx.add.f32.msk $0xffff, v10  }
0x306: {  	v11 =	vor.u32 v5, v2;
	v10 =	vld [tilespmem:s11+$0xFFFFFFF0];
	_ =	sdelay $0x4  }
0x307: {  	[tilespmem:v11+s14+$0x0] =	vst.idx.add.f32.msk $0xffff, v10  }
0x308: {  	v11 =	vor.u32 v6, v2;
	v10 =	vld [tilespmem:s11+$0x0];
	_ =	sdelay $0x4  }
0x309: {  	[tilespmem:v11+s14+$0x0] =	vst.idx.add.f32.msk $0xffff, v10  }
0x30a: {  	v11 =	vor.u32 v7, v2;
	v10 =	vld [tilespmem:s11+$0x10];
	_ =	sdelay $0x4  }
0x30b: {  	[tilespmem:v11+s14+$0x0] =	vst.idx.add.f32.msk $0xffff, v10  }
0x30c: {  	v11 =	vor.u32 v8, v2;
	v10 =	vld [tilespmem:s11+$0x20];
	_ =	sdelay $0x3  }
.Ltmp34:
0x30d: {  	(pc) =	sbr.rel @p3 .LBB2_45-.Ltmp34, $3  }
0x30e: {  	[tilespmem:v11+s14+$0x0] =	vst.idx.add.f32.msk $0xffff, v10  }
0x30f: {  	v13 =	vor.u32 v9, v2;
	v11 =	vld [tilespmem:s11+$0x30];
	_ =	sdelay $0x1  }
0x310: {  	v14 =	vmov s12;
	s12 =	sadd.s32 $0x1, s12  }
.LBB2_46:
0x311: {  	_ =	sdelay $0x1  }
0x312: {  	v2 =	vperm.xlane v12, v14  }
0x313: {  	s11 =	sadd.s32 @p2 $0x80, s11  }
0x314: {  	s19 =	smov.u32 @p2 s11;
	v2 =	vshll.u32 v2, $0x7;
	[tilespmem:v13+s14+$0x0] =	vst.idx.add.f32.msk @p2 $0xffff, v11  }
0x315: {  	v10 =	vld [tilespmem:s19+$0xFFFFFFC0];
	v11 =	vor.u32 v0, v2;
	_ =	sdelay $0x4  }
0x316: {  	[tilespmem:v11+s14+$0x0] =	vst.idx.add.f32.msk $0xffff, v10  }
0x317: {  	v11 =	vor.u32 v3, v2;
	v10 =	vld [tilespmem:s19+$0xFFFFFFD0];
	_ =	sdelay $0x4  }
0x318: {  	[tilespmem:v11+s14+$0x0] =	vst.idx.add.f32.msk $0xffff, v10  }
0x319: {  	v11 =	vor.u32 v4, v2;
	v10 =	vld [tilespmem:s19+$0xFFFFFFE0];
	_ =	sdelay $0x4  }
0x31a: {  	[tilespmem:v11+s14+$0x0] =	vst.idx.add.f32.msk $0xffff, v10  }
0x31b: {  	v11 =	vor.u32 v5, v2;
	v10 =	vld [tilespmem:s19+$0xFFFFFFF0];
	_ =	sdelay $0x4  }
0x31c: {  	[tilespmem:v11+s14+$0x0] =	vst.idx.add.f32.msk $0xffff, v10  }
0x31d: {  	v11 =	vor.u32 v6, v2;
	v10 =	vld [tilespmem:s19+$0x0];
	_ =	sdelay $0x4  }
0x31e: {  	[tilespmem:v11+s14+$0x0] =	vst.idx.add.f32.msk $0xffff, v10  }
0x31f: {  	v11 =	vor.u32 v7, v2;
	v10 =	vld [tilespmem:s19+$0x10];
	_ =	sdelay $0x4  }
0x320: {  	[tilespmem:v11+s14+$0x0] =	vst.idx.add.f32.msk $0xffff, v10  }
0x321: {  	v11 =	vor.u32 v8, v2;
	v10 =	vld [tilespmem:s19+$0x20];
	_ =	sdelay $0x4  }
0x322: {  	[tilespmem:v11+s14+$0x0] =	vst.idx.add.f32.msk $0xffff, v10  }
0x323: {  	v2 =	vor.u32 v9, v2;
	v10 =	vld [tilespmem:s19+$0x30]  }
.Ltmp35:
0x324: {  	_ = 	snop;
	(pc) =	sbr.rel .LBB2_47-.Ltmp35, $2  }
0x325: {  	_ =	sdelay $0x2  }
0x326: {  	[tilespmem:v2+s14+$0x0] =	vst.idx.add.f32.msk $0xffff, v10  }
.LBB2_42:
.Ltmp36:
0x327: {  	(pc) =	sbr.rel .LBB2_46-.Ltmp36, $2  }
0x328: {  	_ =	sdelay $0x2  }
0x329: {  	s11 =	smov.u32 s19  }
.LBB2_44:
.Ltmp37:
0x32a: {  	(pc) =	sbr.rel .LBB2_46-.Ltmp37, $2  }
0x32b: {  	_ =	sdelay $0x2  }
0x32c: {  	s11 =	smov.u32 s19  }
.LBB2_30:
0x32d: {  	s11 =	sshll.u32 @!p2 s11, $0xB  }
0x32e: {  	s11 =	sand.u32 @!p2 $0x1FFFF800, s11  }
0x32f: {  	s11 =	sadd.s32 @!p2 s3, s11  }
0x330: {  	s12 =	simm.s32 @!p2 $0x0;
	s19 =	simm.s32 @!p2 $0x8000;
	v10 =	vmov s23;
	s11 =	sadd.s32 @!p2 $0x1000, s11  }
0x331: {  	[tilespmem:s19], [sflag:$0x3] =	stream.linear.gather @!p2 [hbm4b:s11+s12], $0x4000, $0x38;
	[tilespmem:$0x1F000] =	vst v63  }
0x332: {  	_ =	swait.ge [sflag:s17], $0x4000  }
0x333: {  	[sflag:s17] =	ssyncset.done $0x0  }
0x334: {  	s24 =	simm.s32 $0x0;
	[sflag:s17] =	ssyncadd.s32 $0xFFFFC000  }
0x335: {  	v2 =	vld.idx.msk [tilespmem:v10+s24+$0x0 ss:$0x1], $0xffff;
	_ =	sdelay $0x4  }
0x336: {  	v2 =	vshll.u32 v2, $0x7  }
0x337: {  	v2 =	vor.u32 v0, v2;
	_ =	sdelay $0x2  }
0x338: {  	s28 =	sshll.u32 s22, $0x9  }
0x339: {  	v11 =	vadd.s32 s25, v0;
	s11 =	sshra.s32 s28, $0x2;
	s19 =	simm.s32 $0x80  }
0x33a: {  	s12 =	smov.u32 s25;
	s11 =	sadd.s32 $0xC000, s11;
	s24 =	simm.s32 $0x10;
	[tilespmem:v2+s13+$0x0] =	vst.idx.msk $0xffff, v11  }
.LBB2_31:
0x33b: {  	p2 =	sne.s32 s19, $0x1C0;
	v2 =	vld.idx.msk [tilespmem:v10+s24+$0x0 ss:$0x1], $0xffff;
	_ =	sdelay $0x5  }
0x33c: {  	v2 =	vshll.u32 v2, $0x7  }
0x33d: {  	v2 =	vor.u32 v0, v2  }
.Ltmp38:
0x33e: {  	(pc) =	sbr.rel @p2 .LBB2_31-.Ltmp38, $4  }
0x33f: {  	_ = 	snop  }
0x340: {  	s12 =	sadd.s32 $0x10, s12  }
0x341: {  	v11 =	vadd.s32 s12, v0  }
0x342: {  	s24 =	sshra.s32 s19, $0x2;
	s19 =	sadd.s32 $0x40, s19;
	[tilespmem:v2+s13+$0x0] =	vst.idx.msk $0xffff, v11  }
0x343: {  	_ =	sdelay $0x3  }
0x344: {  	v2 =	vld.idx.msk [tilespmem:v10+s24+$0x0 ss:$0x1], $0xffff;
	_ =	sdelay $0x4  }
0x345: {  	v2 =	vshll.u32 v2, $0x7  }
0x346: {  	v2 =	vor.u32 v0, v2;
	_ =	sdelay $0x1  }
.Ltmp39:
0x347: {  	_ = 	snop;
	(pc) =	sbr.rel .LBB2_48-.Ltmp39, $4  }
0x348: {  	s12 =	sadd.s32 $0x10, s12  }
0x349: {  	v10 =	vadd.s32 s12, v0  }
0x34a: {  	[tilespmem:v2+s13+$0x0] =	vst.idx.msk $0xffff, v10  }
0x34b: {  	[spmem:s4] =	stream.indirect.scatter.add.f32 [tilespmem:s5], [sflag:$0x4], $0x80, s11, s16, $0xb8;
	[tilespmem:$0x1F000] =	vst v63  }
.LBB2_49:
0x34c: {  	s11 =	simm.s32 @!p1 $0x4  }
0x34d: {  	_ =	swait.ge @!p1 [sflag:s11], $0x4000  }
0x34e: {  	[sflag:s11] =	ssyncset.done @!p1 $0x0  }
0x34f: {  	[sflag:s11] =	ssyncadd.s32 @!p1 $0xFFFFC000  }
0x350: {  	[bflag:$0x0] =	sbarrier.arrive $0xFFFF  }
0x351: {  	s24 =	simm.s32 $0x0;
	s12 =	rddreg [dreg:$0xe]  }
0x352: {  	[hbm4b:s12+s24] =	stream.linear.scatter [tilespmem:s14], [sflag:$0x5], $0x8000, $0x38;
	[tilespmem:$0x1F000] =	vst v63  }
0x353: {  	_ =	swait.ge [sflag:s30], $0x8000  }
0x354: {  	[sflag:s30] =	ssyncset.done $0x0  }
0x355: {  	s25 =	rddreg [dreg:$0xf];
	[sflag:s30] =	ssyncadd.s32 $0xFFFF8000  }
0x356: {  	[hbm4b:s25+s24] =	stream.linear.scatter [tilespmem:s13], [sflag:$0x5], $0x8000, $0x38;
	[tilespmem:$0x1F000] =	vst v63  }
0x357: {  	_ =	swait.ge [sflag:s30], $0x8000  }
0x358: {  	[sflag:s30] =	ssyncset.done $0x0  }
0x359: {  	s28 =	rddreg [dreg:$0x10];
	[sflag:s30] =	ssyncadd.s32 $0xFFFF8000  }
0x35a: {  	[hbm:s28], [sflag:s20] =	dma.local [spmem:s21], $0x100  }
0x35b: {  	_ =	swait.ge [sflag:s30], $0x100  }
0x35c: {  	[sflag:s30] =	ssyncset.done $0x0  }
0x35d: {  	[sflag:s30] =	ssyncadd.s32 $0xFFFFFF00  }
0x35e: {  	s11 =	simm.s32 $0x0;
	s12 =	simm.s32 $0x200;
	[bflag:$0x0] =	sbarrier.arrive $0xFFFF  }
.LBB2_50:
0x35f: {  	p2 =	sne.s32 s12, $0x1FE00;
	[tilespmem:s11+$0x16800] =	vst v15  }
0x360: {  	[tilespmem:s11+$0xE800] =	vst v1  }
0x361: {  	[tilespmem:s11+$0xE810] =	vst v1  }
0x362: {  	[tilespmem:s11+$0xE820] =	vst v1  }
.Ltmp40:
0x363: {  	[tilespmem:s11+$0xE830] =	vst v1;
	(pc) =	sbr.rel @p2 .LBB2_50-.Ltmp40, $4  }
0x364: {  	[tilespmem:s11+$0xE840] =	vst v1  }
0x365: {  	[tilespmem:s11+$0xE850] =	vst v1  }
0x366: {  	[tilespmem:s11+$0xE860] =	vst v1  }
0x367: {  	[tilespmem:s11+$0xE870] =	vst v1;
	s11 =	sshra.s32 s12, $0x2;
	s12 =	sadd.s32 $0x200, s12  }
0x368: {  	[tilespmem:s11+$0x16800] =	vst v15  }
0x369: {  	[tilespmem:s11+$0xE800] =	vst v1  }
0x36a: {  	[tilespmem:s11+$0xE810] =	vst v1;
	s18 =	sadd.s32 $0x1, s18;
	s12 =	rddreg [dreg:$0x11]  }
0x36b: {  	[tilespmem:s11+$0xE820] =	vst v1;
	p2 =	sne.s32 s18, s12  }
.Ltmp41:
0x36c: {  	[tilespmem:s11+$0xE830] =	vst v1;
	(pc) =	sbr.rel @p2 .LBB2_1-.Ltmp41, $4  }
0x36d: {  	[tilespmem:s11+$0xE840] =	vst v1  }
0x36e: {  	[tilespmem:s11+$0xE850] =	vst v1  }
0x36f: {  	[tilespmem:s11+$0xE860] =	vst v1  }
0x370: {  	[tilespmem:s11+$0xE870] =	vst v1  }
0x371: {  	_ =	sfence.sel $0x180000  }
0x372: {  	[bflag:$0x0] =	sbarrier.arrive $0xFFFF  }
0x373: {  	_ =	strace $0x90000047  }
0x374: {  	s0 =	stileid.u32;
	[bflag:$0x2] =	sbarrier.arrive $0xFFFF  }
0x375: {  	p0 =	sne.s32 s0, $0x0;
	s0 =	rddreg [dreg:$0x4]  }
0x376: {  	s0 =	sadd.s32 @!p0 $0x100000, s0  }
0x377: {  	[sflag:s0] =	ssyncadd.tile.s32 @!p0 $0x1;
	_ =	shalt  }
.Lfunc_end2:
_tile_overlayer_lowered:
.L_overlay_start_2:
0x378: {  	(tag) =	ssettag $0x2  }
0x379: {  	s0 =	rddreg [dreg:$0x0];
	s2 =	stileid.u32  }
0x37a: {  	s1 =	rddreg [dreg:$0x1];
	p0 =	sne.s32 s2, $0x0  }
0x37b: {  	s3 =	rddreg [dreg:$0x2];
	[bflag:$0x3] =	sbarrier.arrive $0xFFFF;
	s2 =	simm.s32 @!p0 $0x1C05  }
0x37c: {  	[timem:s3], [sflag:s2] =	dma.local @!p0 [hbm:s0], s1  }
0x37d: {  	s0 =	simm.s32 @!p0 $0x5  }
0x37e: {  	_ =	swait.ge @!p0 [sflag:s0], s1  }
0x37f: {  	s1 =	ssub.s32 @!p0 $0x0, s1;
	[sflag:s0] =	ssyncset.done @!p0 $0x0  }
0x380: {  	[sflag:s0] =	ssyncadd.s32 @!p0 s1  }
0x381: {  	[bflag:$0x3] =	sbarrier.arrive $0xFFFF  }
0x382: {  	_ =	shalt  }

</sc_bundles>
